<compile_context>
chip_gen: v7x
topology: tpu7x:2x2x1
jax: 0.10.2.dev20260603
libtpu: 0.0.44.dev20260713+nightly
codegen_flags: <defaults>
</compile_context>

<pallas_src>
import functools
import math

import numpy as _np

import jax
import jax.numpy as jnp
from jax import lax
from jax.experimental import pallas as pl
from jax.experimental.pallas import tpu as pltpu
from jax.experimental.pallas import tpu_sc as plsc

VOCAB = 1000000
EMB = 32
SCALE = math.sqrt(EMB)

NC = 2
NS = 16
NW = NC * NS
LANES = 16

SEQ = 200
BATCH = 4096
B_TOTAL = BATCH * SEQ
N_ITEMS = SEQ * 4
ITEMS_PER_W = N_ITEMS // NW
B_PER_W = B_TOTAL // NW
HALF = 512
N_HALVES = B_PER_W // HALF
N_STEPS = N_HALVES // 2


N_UNITS = 3906


@functools.partial(
    pl.kernel,
    out_type=jax.ShapeDtypeStruct((VOCAB // 4, 128), jnp.float32),
    mesh=plsc.VectorSubcoreMesh(core_axis_name="c", subcore_axis_name="s"),
    scratch_types=[
        pltpu.VMEM((EMB, 257), jnp.float32),
        pltpu.VMEM((EMB, 257), jnp.float32),
        pltpu.VMEM((64, 128), jnp.float32),
        pltpu.VMEM((64, 128), jnp.float32),
        pltpu.SemaphoreType.DMA,
        pltpu.SemaphoreType.DMA,
        pltpu.SemaphoreType.DMA,
        pltpu.SemaphoreType.DMA,
    ],
    compiler_params=pltpu.CompilerParams(
        use_tc_tiling_on_sc=True, needs_layout_passes=False
    ),
)
def _transpose_table(tableT_hbm, tail_hbm, t4_hbm, vbuf0, vbuf1, tbuf0, tbuf1,
                     isem0, isem1, osem0, osem1):
    wid = lax.axis_index("s") * NC + lax.axis_index("c")
    lane = lax.iota(jnp.int32, 16)

    def unit(h):
        return wid + 32 * h

    def valid(h):
        return unit(h) < N_UNITS

    def load(h, vbuf, isem):
        pltpu.async_copy(
            tableT_hbm.at[:, pl.ds(unit(h) * 256, 256)],
            vbuf.at[:, pl.ds(0, 256)], isem,
        )

    def load_wait(h, vbuf, isem):
        pltpu.make_async_copy(
            tableT_hbm.at[:, pl.ds(unit(h) * 256, 256)],
            vbuf.at[:, pl.ds(0, 256)], isem,
        ).wait()

    def transform(vbuf, tbuf, n_p):
        rows = [16 * j + lane for j in range(2)]

        @plsc.parallel_loop(0, n_p, unroll=8)
        def _(p):
            for d in range(4):
                col = lax.broadcast(4 * p + d, (16,))
                for j in range(2):
                    val = plsc.load_gather(vbuf, [rows[j], col])
                    tbuf[p, pl.ds(16 * (2 * d + j), 16)] = val

    def store(h, tbuf, osem):
        pltpu.async_copy(tbuf, t4_hbm.at[pl.ds(unit(h) * 64, 64)], osem)

    def store_wait(h, tbuf, osem):
        pltpu.make_async_copy(
            tbuf, t4_hbm.at[pl.ds(unit(h) * 64, 64)], osem
        ).wait()

    @pl.when(valid(0))
    def _():
        load(0, vbuf0, isem0)

    def step(t, carry):
        h0 = t * 2
        h1 = h0 + 1

        @pl.when(jnp.logical_and(t > 0, valid(h0 - 1)))
        def _():
            store_wait(h0 - 1, tbuf1, osem1)

        @pl.when(jnp.logical_and(t > 0, valid(h0 - 2)))
        def _():
            store_wait(h0 - 2, tbuf0, osem0)

        @pl.when(valid(h1))
        def _():
            load(h1, vbuf1, isem1)

        @pl.when(valid(h0))
        def _():
            load_wait(h0, vbuf0, isem0)
            transform(vbuf0, tbuf0, 64)
            store(h0, tbuf0, osem0)

        @pl.when(valid(h0 + 2))
        def _():
            load(h0 + 2, vbuf0, isem0)

        @pl.when(valid(h1))
        def _():
            load_wait(h1, vbuf1, isem1)
            transform(vbuf1, tbuf1, 64)
            store(h1, tbuf1, osem1)

        return carry

    lax.fori_loop(0, 62, step, 0)

    @pl.when(valid(122))
    def _():
        store_wait(122, tbuf0, osem0)

    @pl.when(wid == 4)
    def _():
        pltpu.sync_copy(tail_hbm, tbuf0.at[pl.ds(0, 16)])
        pltpu.sync_copy(tbuf0.at[pl.ds(0, 16)], t4_hbm.at[pl.ds(N_UNITS * 64, 16)])


@functools.partial(
    pl.kernel,
    out_type=jax.ShapeDtypeStruct((SEQ, 4, 32, 8, 128), jnp.float32),
    mesh=plsc.VectorSubcoreMesh(core_axis_name="c", subcore_axis_name="s"),
    scratch_types=[
        pltpu.VMEM((B_PER_W,), jnp.int32),
        pltpu.VMEM((HALF, EMB), jnp.float32),
        pltpu.VMEM((HALF, EMB), jnp.float32),
        pltpu.VMEM((160, 129), jnp.float32),
        pltpu.VMEM((160, 129), jnp.float32),
        pltpu.SemaphoreType.DMA,
        pltpu.SemaphoreType.DMA,
        pltpu.SemaphoreType.DMA,
        pltpu.SemaphoreType.DMA,
    ],
    compiler_params=pltpu.CompilerParams(
        use_tc_tiling_on_sc=False, needs_layout_passes=False
    ),
)
def _emb_lookup(table_hbm, idx_hbm, out_hbm, idx_v, gbuf0, gbuf1,
                sbuf0, sbuf1, gsem0, gsem1, osem0, osem1):
    wid = lax.axis_index("s") * NC + lax.axis_index("c")
    base = wid * B_PER_W
    pltpu.sync_copy(idx_hbm.at[pl.ds(base, B_PER_W)], idx_v)

    def gather(h, gbuf, gsem):
        return pltpu.async_copy(
            table_hbm.at[idx_v.at[pl.ds(h * HALF, HALF)]], gbuf, gsem
        )

    def gather_wait(h, gbuf, gsem):
        pltpu.make_async_copy(
            table_hbm.at[idx_v.at[pl.ds(h * HALF, HALF)]], gbuf, gsem
        ).wait()

    lane = lax.iota(jnp.int32, 16)
    rows_j = [(2 * j + (lane >> 3)) * 40 + (lane & 7) for j in range(2)]

    def transform(gbuf, sbuf):
        @plsc.parallel_loop(0, HALF, unroll=4)
        def _(r):
            rb = lax.broadcast((r >> 7) * 8, (16,))
            cb = lax.broadcast(r & 127, (16,))
            for j in range(2):
                val = gbuf[r, pl.ds(16 * j, 16)] * SCALE
                plsc.store_scatter(sbuf, [rows_j[j] + rb, cb], val)

    def store_parts(h, sbuf, osem, make):
        n = wid * ITEMS_PER_W + (h >> 1)
        s = n >> 2
        bh0 = ((n & 3) << 3) + ((h & 1) << 2)
        for eh in range(4):
            for bh in range(4):
                yield make(
                    sbuf.at[pl.ds(eh * 40 + bh * 8, 8), pl.ds(0, 128)],
                    out_hbm.at[s, eh, bh0 + bh], osem,
                )

    def store(h, sbuf, osem):
        for _ in store_parts(h, sbuf, osem, pltpu.async_copy):
            pass

    def store_wait(h, sbuf, osem):
        for d in store_parts(h, sbuf, osem, pltpu.make_async_copy):
            d.wait()

    gather(0, gbuf0, gsem0)

    def step(t, carry):
        h0 = t * 2
        h1 = h0 + 1

        @pl.when(t > 0)
        def _():
            store_wait(h0 - 1, sbuf1, osem1)
            store_wait(h0 - 2, sbuf0, osem0)

        gather(h1, gbuf1, gsem1)
        gather_wait(h0, gbuf0, gsem0)
        transform(gbuf0, sbuf0)
        store(h0, sbuf0, osem0)

        @pl.when(t < N_STEPS - 1)
        def _():
            gather(h0 + 2, gbuf0, gsem0)

        gather_wait(h1, gbuf1, gsem1)
        transform(gbuf1, sbuf1)
        store(h1, sbuf1, osem1)
        return carry

    lax.fori_loop(0, N_STEPS, step, 0)
    store_wait(N_HALVES - 2, sbuf0, osem0)
    store_wait(N_HALVES - 1, sbuf1, osem1)


def kernel(tokens, table):
    idx = tokens.T.reshape(-1).astype(jnp.int32)
    tail_packed = table[N_UNITS * 256:, :].reshape(16, 128)
    t4 = _transpose_table(table.T, tail_packed)
    tlin = t4.reshape(VOCAB, EMB)
    out5 = _emb_lookup(tlin, idx)
    return out5.transpose(2, 4, 0, 1, 3).reshape(BATCH, SEQ, EMB)

# --- scband reference (transcript-rebuilt; emitter-appended) ---
"""Pipeline reference for scband-token-embedding-19344532701647 (READ-ONLY COPY).

The authoritative reference and input builder live on the scoring server;
editing this copy changes nothing except your own understanding.
"""

import jax, jax.numpy as jnp
import numpy as np
import math

VOCAB = 1000000
EMB = 32

def setup_inputs(seed: int = 0) -> dict:
    key = jax.random.key(seed)
    k1, k2 = jax.random.split(key)
    tokens = jax.random.randint(k1, (4096, 200), 0, VOCAB, dtype=jnp.int64 if jax.config.jax_enable_x64 else jnp.int32)
    table = jax.random.normal(k2, (VOCAB, EMB), dtype=jnp.float32)
    return {"tokens": tokens, "table": table}

def reference(tokens, table):
    # nn.Embedding lookup followed by scale by sqrt(emb_size)
    emb = jnp.take(table, tokens, axis=0)
    return emb * math.sqrt(EMB)

if __name__ == "__main__":
    import jax
    _d = setup_inputs()
    print(jax.jit(kernel)(*tuple(_d.values())))

</pallas_src>

<mosaic_0001>
#map = affine_map<(d0, d1) -> (0, 0)>
module attributes {stable_mosaic.version = 14 : i64} {
  func.func @_transpose_table(%arg0: i32, %arg1: i32, %arg2: memref<32x1000000xf32, #tpu.memory_space<hbm>>, %arg3: memref<16x128xf32, #tpu.memory_space<hbm>>, %arg4: memref<250000x128xf32, #tpu.memory_space<hbm>>, %arg5: memref<32x257xf32, #tpu.memory_space<vmem>>, %arg6: memref<32x257xf32, #tpu.memory_space<vmem>>, %arg7: memref<64x128xf32, #tpu.memory_space<vmem>>, %arg8: memref<64x128xf32, #tpu.memory_space<vmem>>, %arg9: memref<!tpu.dma_semaphore, #tpu.memory_space<semaphore_mem>>, %arg10: memref<!tpu.dma_semaphore, #tpu.memory_space<semaphore_mem>>, %arg11: memref<!tpu.dma_semaphore, #tpu.memory_space<semaphore_mem>>, %arg12: memref<!tpu.dma_semaphore, #tpu.memory_space<semaphore_mem>>) attributes {dimension_semantics = [#tpu.dimension_semantics<core_parallel>, #tpu.dimension_semantics<subcore_parallel>], iteration_bounds = array<i64: 2, 16>, scalar_prefetch = 0 : i64, scratch_operands = 8 : i64, tpu.core_type = #tpu.core_type<sc_vector_subcore>, window_params = [{transform_indices = #map}, {transform_indices = #map}, {transform_indices = #map}]} {
    %mul3A = arith.constant 2 : i32
    %mul3A_0 = arith.muli %arg1, %mul3A : i32
    %add3A = arith.addi %mul3A_0, %arg0 : i32
    %iota3A = tpu.iota {dimensions = array<i32: 0>} : vector<16xi32>
    %add3A_1 = arith.constant 0 : i32
    %add3A_2 = arith.addi %add3A, %add3A_1 : i32
    %lt3A = arith.constant 3906 : i32
    %lt3A_3 = arith.cmpi slt, %add3A_2, %lt3A : i32
    %convert_element_type3A = arith.extui %lt3A_3 : i1 to i32
    %cond3A = arith.constant 0 : i32
    %cond3A_4 = arith.cmpi ne, %convert_element_type3A, %cond3A : i32
    scf.if %cond3A_4 {
      %add3A_21 = arith.constant 0 : i32
      %add3A_22 = arith.addi %add3A, %add3A_21 : i32
      %mul3A_23 = arith.constant 256 : i32
      %mul3A_24 = arith.muli %add3A_22, %mul3A_23 : i32
      %dma_start3A = arith.constant 0 : i32
      %dma_start3A_25 = arith.constant 0 : i32
      %dma_start3A_26 = tpu.memref_slice %arg5[%dma_start3A, %dma_start3A_25] : memref<32x257xf32, #tpu.memory_space<vmem>> -> memref<32x256xf32, #tpu.memory_space<vmem>>
      %dma_start3A_27 = arith.constant 0 : i32
      %dma_start3A_28 = tpu.memref_slice %arg2[%dma_start3A_27, %mul3A_24] : memref<32x1000000xf32, #tpu.memory_space<hbm>> -> memref<32x256xf32, #tpu.memory_space<hbm>>
      %dma_start3A_29 = arith.constant 0 : i32
      %dma_start3A_30 = arith.constant 0 : i32
      %dma_start3A_31 = tpu.memref_slice %arg5[%dma_start3A_29, %dma_start3A_30] : memref<32x257xf32, #tpu.memory_space<vmem>> -> memref<32x256xf32, #tpu.memory_space<vmem>>
      %dma_start3A_32 = arith.constant 0 : i32
      %dma_start3A_33 = tpu.memref_slice %arg2[%dma_start3A_32, %mul3A_24] : memref<32x1000000xf32, #tpu.memory_space<hbm>> -> memref<32x256xf32, #tpu.memory_space<hbm>>
      tpu.enqueue_dma source(%dma_start3A_33 : memref<32x256xf32, #tpu.memory_space<hbm>>) target(%dma_start3A_31 : memref<32x256xf32, #tpu.memory_space<vmem>>) target_semaphore(%arg9 : memref<!tpu.dma_semaphore, #tpu.memory_space<semaphore_mem>>)
    } else {
    }
    %scan3A = arith.constant 0 : i32
    %scan3A_5 = arith.constant 0 : i32
    %scan3A_6 = arith.constant 62 : i32
    %scan3A_7 = arith.addi %scan3A_5, %scan3A_6 : i32
    %scan3A_8 = arith.constant 1 : i32
    scf.for %scan3A_21 = %scan3A_5 to %scan3A_7 step %scan3A_8  : i32 {
      %mul3A_22 = arith.constant 2 : i32
      %mul3A_23 = arith.muli %scan3A_21, %mul3A_22 : i32
      %add3A_24 = arith.constant 1 : i32
      %add3A_25 = arith.addi %mul3A_23, %add3A_24 : i32
      %gt3A = arith.constant 0 : i32
      %gt3A_26 = arith.cmpi sgt, %scan3A_21, %gt3A : i32
      %sub3A = arith.constant 1 : i32
      %sub3A_27 = arith.subi %mul3A_23, %sub3A : i32
      %mul3A_28 = arith.constant 32 : i32
      %mul3A_29 = arith.muli %mul3A_28, %sub3A_27 : i32
      %add3A_30 = arith.addi %add3A, %mul3A_29 : i32
      %lt3A_31 = arith.constant 3906 : i32
      %lt3A_32 = arith.cmpi slt, %add3A_30, %lt3A_31 : i32
      %and3A = arith.andi %gt3A_26, %lt3A_32 : i1
      %convert_element_type3A_33 = arith.extui %and3A : i1 to i32
      %cond3A_34 = arith.constant 0 : i32
      %cond3A_35 = arith.cmpi ne, %convert_element_type3A_33, %cond3A_34 : i32
      scf.if %cond3A_35 {
        %sub3A_83 = arith.constant 1 : i32
        %sub3A_84 = arith.subi %mul3A_23, %sub3A_83 : i32
        %mul3A_85 = arith.constant 32 : i32
        %mul3A_86 = arith.muli %mul3A_85, %sub3A_84 : i32
        %add3A_87 = arith.addi %add3A, %mul3A_86 : i32
        %mul3A_88 = arith.constant 64 : i32
        %mul3A_89 = arith.muli %add3A_87, %mul3A_88 : i32
        %dma_wait3A = arith.constant 0 : i32
        %dma_wait3A_90 = tpu.memref_slice %arg4[%mul3A_89, %dma_wait3A] : memref<250000x128xf32, #tpu.memory_space<hbm>> -> memref<64x128xf32, #tpu.memory_space<hbm>>
        %dma_wait3A_91 = arith.constant 0 : i32
        %dma_wait3A_92 = tpu.memref_slice %arg4[%mul3A_89, %dma_wait3A_91] : memref<250000x128xf32, #tpu.memory_space<hbm>> -> memref<64x128xf32, #tpu.memory_space<hbm>>
        tpu.wait_dma2 semaphore(%arg12 : memref<!tpu.dma_semaphore, #tpu.memory_space<semaphore_mem>>) src(%arg8 : memref<64x128xf32, #tpu.memory_space<vmem>>) dst(%dma_wait3A_92 : memref<64x128xf32, #tpu.memory_space<hbm>>)
      } else {
      }
      %gt3A_36 = arith.constant 0 : i32
      %gt3A_37 = arith.cmpi sgt, %scan3A_21, %gt3A_36 : i32
      %sub3A_38 = arith.constant 2 : i32
      %sub3A_39 = arith.subi %mul3A_23, %sub3A_38 : i32
      %mul3A_40 = arith.constant 32 : i32
      %mul3A_41 = arith.muli %mul3A_40, %sub3A_39 : i32
      %add3A_42 = arith.addi %add3A, %mul3A_41 : i32
      %lt3A_43 = arith.constant 3906 : i32
      %lt3A_44 = arith.cmpi slt, %add3A_42, %lt3A_43 : i32
      %and3A_45 = arith.andi %gt3A_37, %lt3A_44 : i1
      %convert_element_type3A_46 = arith.extui %and3A_45 : i1 to i32
      %cond3A_47 = arith.constant 0 : i32
      %cond3A_48 = arith.cmpi ne, %convert_element_type3A_46, %cond3A_47 : i32
      scf.if %cond3A_48 {
        %sub3A_83 = arith.constant 2 : i32
        %sub3A_84 = arith.subi %mul3A_23, %sub3A_83 : i32
        %mul3A_85 = arith.constant 32 : i32
        %mul3A_86 = arith.muli %mul3A_85, %sub3A_84 : i32
        %add3A_87 = arith.addi %add3A, %mul3A_86 : i32
        %mul3A_88 = arith.constant 64 : i32
        %mul3A_89 = arith.muli %add3A_87, %mul3A_88 : i32
        %dma_wait3A = arith.constant 0 : i32
        %dma_wait3A_90 = tpu.memref_slice %arg4[%mul3A_89, %dma_wait3A] : memref<250000x128xf32, #tpu.memory_space<hbm>> -> memref<64x128xf32, #tpu.memory_space<hbm>>
        %dma_wait3A_91 = arith.constant 0 : i32
        %dma_wait3A_92 = tpu.memref_slice %arg4[%mul3A_89, %dma_wait3A_91] : memref<250000x128xf32, #tpu.memory_space<hbm>> -> memref<64x128xf32, #tpu.memory_space<hbm>>
        tpu.wait_dma2 semaphore(%arg11 : memref<!tpu.dma_semaphore, #tpu.memory_space<semaphore_mem>>) src(%arg7 : memref<64x128xf32, #tpu.memory_space<vmem>>) dst(%dma_wait3A_92 : memref<64x128xf32, #tpu.memory_space<hbm>>)
      } else {
      }
      %mul3A_49 = arith.constant 32 : i32
      %mul3A_50 = arith.muli %mul3A_49, %add3A_25 : i32
      %add3A_51 = arith.addi %add3A, %mul3A_50 : i32
      %lt3A_52 = arith.constant 3906 : i32
      %lt3A_53 = arith.cmpi slt, %add3A_51, %lt3A_52 : i32
      %convert_element_type3A_54 = arith.extui %lt3A_53 : i1 to i32
      %cond3A_55 = arith.constant 0 : i32
      %cond3A_56 = arith.cmpi ne, %convert_element_type3A_54, %cond3A_55 : i32
      scf.if %cond3A_56 {
        %mul3A_83 = arith.constant 32 : i32
        %mul3A_84 = arith.muli %mul3A_83, %add3A_25 : i32
        %add3A_85 = arith.addi %add3A, %mul3A_84 : i32
        %mul3A_86 = arith.constant 256 : i32
        %mul3A_87 = arith.muli %add3A_85, %mul3A_86 : i32
        %dma_start3A = arith.constant 0 : i32
        %dma_start3A_88 = arith.constant 0 : i32
        %dma_start3A_89 = tpu.memref_slice %arg6[%dma_start3A, %dma_start3A_88] : memref<32x257xf32, #tpu.memory_space<vmem>> -> memref<32x256xf32, #tpu.memory_space<vmem>>
        %dma_start3A_90 = arith.constant 0 : i32
        %dma_start3A_91 = tpu.memref_slice %arg2[%dma_start3A_90, %mul3A_87] : memref<32x1000000xf32, #tpu.memory_space<hbm>> -> memref<32x256xf32, #tpu.memory_space<hbm>>
        %dma_start3A_92 = arith.constant 0 : i32
        %dma_start3A_93 = arith.constant 0 : i32
        %dma_start3A_94 = tpu.memref_slice %arg6[%dma_start3A_92, %dma_start3A_93] : memref<32x257xf32, #tpu.memory_space<vmem>> -> memref<32x256xf32, #tpu.memory_space<vmem>>
        %dma_start3A_95 = arith.constant 0 : i32
        %dma_start3A_96 = tpu.memref_slice %arg2[%dma_start3A_95, %mul3A_87] : memref<32x1000000xf32, #tpu.memory_space<hbm>> -> memref<32x256xf32, #tpu.memory_space<hbm>>
        tpu.enqueue_dma source(%dma_start3A_96 : memref<32x256xf32, #tpu.memory_space<hbm>>) target(%dma_start3A_94 : memref<32x256xf32, #tpu.memory_space<vmem>>) target_semaphore(%arg10 : memref<!tpu.dma_semaphore, #tpu.memory_space<semaphore_mem>>)
      } else {
      }
      %mul3A_57 = arith.constant 32 : i32
      %mul3A_58 = arith.muli %mul3A_57, %mul3A_23 : i32
      %add3A_59 = arith.addi %add3A, %mul3A_58 : i32
      %lt3A_60 = arith.constant 3906 : i32
      %lt3A_61 = arith.cmpi slt, %add3A_59, %lt3A_60 : i32
      %convert_element_type3A_62 = arith.extui %lt3A_61 : i1 to i32
      %cond3A_63 = arith.constant 0 : i32
      %cond3A_64 = arith.cmpi ne, %convert_element_type3A_62, %cond3A_63 : i32
      scf.if %cond3A_64 {
        %mul3A_83 = arith.constant 32 : i32
        %mul3A_84 = arith.muli %mul3A_83, %mul3A_23 : i32
        %add3A_85 = arith.addi %add3A, %mul3A_84 : i32
        %mul3A_86 = arith.constant 256 : i32
        %mul3A_87 = arith.muli %add3A_85, %mul3A_86 : i32
        %dma_wait3A = arith.constant 0 : i32
        %dma_wait3A_88 = arith.constant 0 : i32
        %dma_wait3A_89 = tpu.memref_slice %arg5[%dma_wait3A, %dma_wait3A_88] : memref<32x257xf32, #tpu.memory_space<vmem>> -> memref<32x256xf32, #tpu.memory_space<vmem>>
        %dma_wait3A_90 = arith.constant 0 : i32
        %dma_wait3A_91 = tpu.memref_slice %arg2[%dma_wait3A_90, %mul3A_87] : memref<32x1000000xf32, #tpu.memory_space<hbm>> -> memref<32x256xf32, #tpu.memory_space<hbm>>
        %dma_wait3A_92 = arith.constant 0 : i32
        %dma_wait3A_93 = arith.constant 0 : i32
        %dma_wait3A_94 = tpu.memref_slice %arg5[%dma_wait3A_92, %dma_wait3A_93] : memref<32x257xf32, #tpu.memory_space<vmem>> -> memref<32x256xf32, #tpu.memory_space<vmem>>
        %dma_wait3A_95 = arith.constant 0 : i32
        %dma_wait3A_96 = tpu.memref_slice %arg2[%dma_wait3A_95, %mul3A_87] : memref<32x1000000xf32, #tpu.memory_space<hbm>> -> memref<32x256xf32, #tpu.memory_space<hbm>>
        tpu.wait_dma2 semaphore(%arg9 : memref<!tpu.dma_semaphore, #tpu.memory_space<semaphore_mem>>) src(%dma_wait3A_96 : memref<32x256xf32, #tpu.memory_space<hbm>>) dst(%dma_wait3A_94 : memref<32x256xf32, #tpu.memory_space<vmem>>)
        %add3A_97 = arith.constant 0 : i32
        %add3A_98 = vector.broadcast %add3A_97 : i32 to vector<16xi32>
        %add3A_99 = arith.addi %add3A_98, %iota3A : vector<16xi32>
        %add3A_100 = arith.constant 16 : i32
        %add3A_101 = vector.broadcast %add3A_100 : i32 to vector<16xi32>
        %add3A_102 = arith.addi %add3A_101, %iota3A : vector<16xi32>
        %parallel_loop3A = arith.constant 0 : i32
        %parallel_loop3A_103 = arith.constant 64 : i32
        %parallel_loop3A_104 = arith.constant 1 : i32
        scf.for %parallel_loop3A_113 = %parallel_loop3A to %parallel_loop3A_103 step %parallel_loop3A_104  : i32 {
          %parallel_loop3A_114 = arith.constant 4 : i32
          %parallel_loop3A_115 = arith.muli %parallel_loop3A_114, %parallel_loop3A_113 : i32
          %parallel_loop3A_116 = arith.constant 0 : i32
          %parallel_loop3A_117 = arith.addi %parallel_loop3A_115, %parallel_loop3A_116 : i32
          %parallel_loop3A_118 = vector.broadcast %parallel_loop3A_117 : i32 to vector<16xi32>
          %parallel_loop3A_119 = tpu.vector_load_idx %arg5[%add3A_99, %parallel_loop3A_118] : memref<32x257xf32, #tpu.memory_space<vmem>>[vector<16xi32>, vector<16xi32>], vector<16xf32>,
          %parallel_loop3A_120 = arith.index_cast %parallel_loop3A_113 : i32 to index
          %parallel_loop3A_121 = arith.constant 0 : index
          %parallel_loop3A_122 = tpu.vector_load %arg7[%parallel_loop3A_120, %parallel_loop3A_121] {strides = array<i32>} : memref<64x128xf32, #tpu.memory_space<vmem>>, vector<16xf32>,
          tpu.vector_store %arg7[%parallel_loop3A_120, %parallel_loop3A_121], %parallel_loop3A_119 {strides = array<i32>} : memref<64x128xf32, #tpu.memory_space<vmem>>, vector<16xf32>,
          %parallel_loop3A_123 = tpu.vector_load_idx %arg5[%add3A_102, %parallel_loop3A_118] : memref<32x257xf32, #tpu.memory_space<vmem>>[vector<16xi32>, vector<16xi32>], vector<16xf32>,
          %parallel_loop3A_124 = arith.index_cast %parallel_loop3A_113 : i32 to index
          %parallel_loop3A_125 = arith.constant 16 : index
          %parallel_loop3A_126 = tpu.vector_load %arg7[%parallel_loop3A_124, %parallel_loop3A_125] {strides = array<i32>} : memref<64x128xf32, #tpu.memory_space<vmem>>, vector<16xf32>,
          tpu.vector_store %arg7[%parallel_loop3A_124, %parallel_loop3A_125], %parallel_loop3A_123 {strides = array<i32>} : memref<64x128xf32, #tpu.memory_space<vmem>>, vector<16xf32>,
          %parallel_loop3A_127 = arith.constant 4 : i32
          %parallel_loop3A_128 = arith.muli %parallel_loop3A_127, %parallel_loop3A_113 : i32
          %parallel_loop3A_129 = arith.constant 1 : i32
          %parallel_loop3A_130 = arith.addi %parallel_loop3A_128, %parallel_loop3A_129 : i32
          %parallel_loop3A_131 = vector.broadcast %parallel_loop3A_130 : i32 to vector<16xi32>
          %parallel_loop3A_132 = tpu.vector_load_idx %arg5[%add3A_99, %parallel_loop3A_131] : memref<32x257xf32, #tpu.memory_space<vmem>>[vector<16xi32>, vector<16xi32>], vector<16xf32>,
          %parallel_loop3A_133 = arith.index_cast %parallel_loop3A_113 : i32 to index
          %parallel_loop3A_134 = arith.constant 32 : index
          %parallel_loop3A_135 = tpu.vector_load %arg7[%parallel_loop3A_133, %parallel_loop3A_134] {strides = array<i32>} : memref<64x128xf32, #tpu.memory_space<vmem>>, vector<16xf32>,
          tpu.vector_store %arg7[%parallel_loop3A_133, %parallel_loop3A_134], %parallel_loop3A_132 {strides = array<i32>} : memref<64x128xf32, #tpu.memory_space<vmem>>, vector<16xf32>,
          %parallel_loop3A_136 = tpu.vector_load_idx %arg5[%add3A_102, %parallel_loop3A_131] : memref<32x257xf32, #tpu.memory_space<vmem>>[vector<16xi32>, vector<16xi32>], vector<16xf32>,
          %parallel_loop3A_137 = arith.index_cast %parallel_loop3A_113 : i32 to index
          %parallel_loop3A_138 = arith.constant 48 : index
          %parallel_loop3A_139 = tpu.vector_load %arg7[%parallel_loop3A_137, %parallel_loop3A_138] {strides = array<i32>} : memref<64x128xf32, #tpu.memory_space<vmem>>, vector<16xf32>,
          tpu.vector_store %arg7[%parallel_loop3A_137, %parallel_loop3A_138], %parallel_loop3A_136 {strides = array<i32>} : memref<64x128xf32, #tpu.memory_space<vmem>>, vector<16xf32>,
          %parallel_loop3A_140 = arith.constant 4 : i32
          %parallel_loop3A_141 = arith.muli %parallel_loop3A_140, %parallel_loop3A_113 : i32
          %parallel_loop3A_142 = arith.constant 2 : i32
          %parallel_loop3A_143 = arith.addi %parallel_loop3A_141, %parallel_loop3A_142 : i32
          %parallel_loop3A_144 = vector.broadcast %parallel_loop3A_143 : i32 to vector<16xi32>
          %parallel_loop3A_145 = tpu.vector_load_idx %arg5[%add3A_99, %parallel_loop3A_144] : memref<32x257xf32, #tpu.memory_space<vmem>>[vector<16xi32>, vector<16xi32>], vector<16xf32>,
          %parallel_loop3A_146 = arith.index_cast %parallel_loop3A_113 : i32 to index
          %parallel_loop3A_147 = arith.constant 64 : index
          %parallel_loop3A_148 = tpu.vector_load %arg7[%parallel_loop3A_146, %parallel_loop3A_147] {strides = array<i32>} : memref<64x128xf32, #tpu.memory_space<vmem>>, vector<16xf32>,
          tpu.vector_store %arg7[%parallel_loop3A_146, %parallel_loop3A_147], %parallel_loop3A_145 {strides = array<i32>} : memref<64x128xf32, #tpu.memory_space<vmem>>, vector<16xf32>,
          %parallel_loop3A_149 = tpu.vector_load_idx %arg5[%add3A_102, %parallel_loop3A_144] : memref<32x257xf32, #tpu.memory_space<vmem>>[vector<16xi32>, vector<16xi32>], vector<16xf32>,
          %parallel_loop3A_150 = arith.index_cast %parallel_loop3A_113 : i32 to index
          %parallel_loop3A_151 = arith.constant 80 : index
          %parallel_loop3A_152 = tpu.vector_load %arg7[%parallel_loop3A_150, %parallel_loop3A_151] {strides = array<i32>} : memref<64x128xf32, #tpu.memory_space<vmem>>, vector<16xf32>,
          tpu.vector_store %arg7[%parallel_loop3A_150, %parallel_loop3A_151], %parallel_loop3A_149 {strides = array<i32>} : memref<64x128xf32, #tpu.memory_space<vmem>>, vector<16xf32>,
          %parallel_loop3A_153 = arith.constant 4 : i32
          %parallel_loop3A_154 = arith.muli %parallel_loop3A_153, %parallel_loop3A_113 : i32
          %parallel_loop3A_155 = arith.constant 3 : i32
          %parallel_loop3A_156 = arith.addi %parallel_loop3A_154, %parallel_loop3A_155 : i32
          %parallel_loop3A_157 = vector.broadcast %parallel_loop3A_156 : i32 to vector<16xi32>
          %parallel_loop3A_158 = tpu.vector_load_idx %arg5[%add3A_99, %parallel_loop3A_157] : memref<32x257xf32, #tpu.memory_space<vmem>>[vector<16xi32>, vector<16xi32>], vector<16xf32>,
          %parallel_loop3A_159 = arith.index_cast %parallel_loop3A_113 : i32 to index
          %parallel_loop3A_160 = arith.constant 96 : index
          %parallel_loop3A_161 = tpu.vector_load %arg7[%parallel_loop3A_159, %parallel_loop3A_160] {strides = array<i32>} : memref<64x128xf32, #tpu.memory_space<vmem>>, vector<16xf32>,
          tpu.vector_store %arg7[%parallel_loop3A_159, %parallel_loop3A_160], %parallel_loop3A_158 {strides = array<i32>} : memref<64x128xf32, #tpu.memory_space<vmem>>, vector<16xf32>,
          %parallel_loop3A_162 = tpu.vector_load_idx %arg5[%add3A_102, %parallel_loop3A_157] : memref<32x257xf32, #tpu.memory_space<vmem>>[vector<16xi32>, vector<16xi32>], vector<16xf32>,
          %parallel_loop3A_163 = arith.index_cast %parallel_loop3A_113 : i32 to index
          %parallel_loop3A_164 = arith.constant 112 : index
          %parallel_loop3A_165 = tpu.vector_load %arg7[%parallel_loop3A_163, %parallel_loop3A_164] {strides = array<i32>} : memref<64x128xf32, #tpu.memory_space<vmem>>, vector<16xf32>,
          tpu.vector_store %arg7[%parallel_loop3A_163, %parallel_loop3A_164], %parallel_loop3A_162 {strides = array<i32>} : memref<64x128xf32, #tpu.memory_space<vmem>>, vector<16xf32>,
        } {sc.loop_unroll_factor = 8 : i64, sc.parallel_access}
        %mul3A_105 = arith.constant 32 : i32
        %mul3A_106 = arith.muli %mul3A_105, %mul3A_23 : i32
        %add3A_107 = arith.addi %add3A, %mul3A_106 : i32
        %mul3A_108 = arith.constant 64 : i32
        %mul3A_109 = arith.muli %add3A_107, %mul3A_108 : i32
        %dma_start3A = arith.constant 0 : i32
        %dma_start3A_110 = tpu.memref_slice %arg4[%mul3A_109, %dma_start3A] : memref<250000x128xf32, #tpu.memory_space<hbm>> -> memref<64x128xf32, #tpu.memory_space<hbm>>
        %dma_start3A_111 = arith.constant 0 : i32
        %dma_start3A_112 = tpu.memref_slice %arg4[%mul3A_109, %dma_start3A_111] : memref<250000x128xf32, #tpu.memory_space<hbm>> -> memref<64x128xf32, #tpu.memory_space<hbm>>
        tpu.enqueue_dma source(%arg7 : memref<64x128xf32, #tpu.memory_space<vmem>>) target(%dma_start3A_112 : memref<64x128xf32, #tpu.memory_space<hbm>>) target_semaphore(%arg11 : memref<!tpu.dma_semaphore, #tpu.memory_space<semaphore_mem>>)
      } else {
      }
      %add3A_65 = arith.constant 2 : i32
      %add3A_66 = arith.addi %mul3A_23, %add3A_65 : i32
      %mul3A_67 = arith.constant 32 : i32
      %mul3A_68 = arith.muli %mul3A_67, %add3A_66 : i32
      %add3A_69 = arith.addi %add3A, %mul3A_68 : i32
      %lt3A_70 = arith.constant 3906 : i32
      %lt3A_71 = arith.cmpi slt, %add3A_69, %lt3A_70 : i32
      %convert_element_type3A_72 = arith.extui %lt3A_71 : i1 to i32
      %cond3A_73 = arith.constant 0 : i32
      %cond3A_74 = arith.cmpi ne, %convert_element_type3A_72, %cond3A_73 : i32
      scf.if %cond3A_74 {
        %add3A_83 = arith.constant 2 : i32
        %add3A_84 = arith.addi %mul3A_23, %add3A_83 : i32
        %mul3A_85 = arith.constant 32 : i32
        %mul3A_86 = arith.muli %mul3A_85, %add3A_84 : i32
        %add3A_87 = arith.addi %add3A, %mul3A_86 : i32
        %mul3A_88 = arith.constant 256 : i32
        %mul3A_89 = arith.muli %add3A_87, %mul3A_88 : i32
        %dma_start3A = arith.constant 0 : i32
        %dma_start3A_90 = arith.constant 0 : i32
        %dma_start3A_91 = tpu.memref_slice %arg5[%dma_start3A, %dma_start3A_90] : memref<32x257xf32, #tpu.memory_space<vmem>> -> memref<32x256xf32, #tpu.memory_space<vmem>>
        %dma_start3A_92 = arith.constant 0 : i32
        %dma_start3A_93 = tpu.memref_slice %arg2[%dma_start3A_92, %mul3A_89] : memref<32x1000000xf32, #tpu.memory_space<hbm>> -> memref<32x256xf32, #tpu.memory_space<hbm>>
        %dma_start3A_94 = arith.constant 0 : i32
        %dma_start3A_95 = arith.constant 0 : i32
        %dma_start3A_96 = tpu.memref_slice %arg5[%dma_start3A_94, %dma_start3A_95] : memref<32x257xf32, #tpu.memory_space<vmem>> -> memref<32x256xf32, #tpu.memory_space<vmem>>
        %dma_start3A_97 = arith.constant 0 : i32
        %dma_start3A_98 = tpu.memref_slice %arg2[%dma_start3A_97, %mul3A_89] : memref<32x1000000xf32, #tpu.memory_space<hbm>> -> memref<32x256xf32, #tpu.memory_space<hbm>>
        tpu.enqueue_dma source(%dma_start3A_98 : memref<32x256xf32, #tpu.memory_space<hbm>>) target(%dma_start3A_96 : memref<32x256xf32, #tpu.memory_space<vmem>>) target_semaphore(%arg9 : memref<!tpu.dma_semaphore, #tpu.memory_space<semaphore_mem>>)
      } else {
      }
      %mul3A_75 = arith.constant 32 : i32
      %mul3A_76 = arith.muli %mul3A_75, %add3A_25 : i32
      %add3A_77 = arith.addi %add3A, %mul3A_76 : i32
      %lt3A_78 = arith.constant 3906 : i32
      %lt3A_79 = arith.cmpi slt, %add3A_77, %lt3A_78 : i32
      %convert_element_type3A_80 = arith.extui %lt3A_79 : i1 to i32
      %cond3A_81 = arith.constant 0 : i32
      %cond3A_82 = arith.cmpi ne, %convert_element_type3A_80, %cond3A_81 : i32
      scf.if %cond3A_82 {
        %mul3A_83 = arith.constant 32 : i32
        %mul3A_84 = arith.muli %mul3A_83, %add3A_25 : i32
        %add3A_85 = arith.addi %add3A, %mul3A_84 : i32
        %mul3A_86 = arith.constant 256 : i32
        %mul3A_87 = arith.muli %add3A_85, %mul3A_86 : i32
        %dma_wait3A = arith.constant 0 : i32
        %dma_wait3A_88 = arith.constant 0 : i32
        %dma_wait3A_89 = tpu.memref_slice %arg6[%dma_wait3A, %dma_wait3A_88] : memref<32x257xf32, #tpu.memory_space<vmem>> -> memref<32x256xf32, #tpu.memory_space<vmem>>
        %dma_wait3A_90 = arith.constant 0 : i32
        %dma_wait3A_91 = tpu.memref_slice %arg2[%dma_wait3A_90, %mul3A_87] : memref<32x1000000xf32, #tpu.memory_space<hbm>> -> memref<32x256xf32, #tpu.memory_space<hbm>>
        %dma_wait3A_92 = arith.constant 0 : i32
        %dma_wait3A_93 = arith.constant 0 : i32
        %dma_wait3A_94 = tpu.memref_slice %arg6[%dma_wait3A_92, %dma_wait3A_93] : memref<32x257xf32, #tpu.memory_space<vmem>> -> memref<32x256xf32, #tpu.memory_space<vmem>>
        %dma_wait3A_95 = arith.constant 0 : i32
        %dma_wait3A_96 = tpu.memref_slice %arg2[%dma_wait3A_95, %mul3A_87] : memref<32x1000000xf32, #tpu.memory_space<hbm>> -> memref<32x256xf32, #tpu.memory_space<hbm>>
        tpu.wait_dma2 semaphore(%arg10 : memref<!tpu.dma_semaphore, #tpu.memory_space<semaphore_mem>>) src(%dma_wait3A_96 : memref<32x256xf32, #tpu.memory_space<hbm>>) dst(%dma_wait3A_94 : memref<32x256xf32, #tpu.memory_space<vmem>>)
        %add3A_97 = arith.constant 0 : i32
        %add3A_98 = vector.broadcast %add3A_97 : i32 to vector<16xi32>
        %add3A_99 = arith.addi %add3A_98, %iota3A : vector<16xi32>
        %add3A_100 = arith.constant 16 : i32
        %add3A_101 = vector.broadcast %add3A_100 : i32 to vector<16xi32>
        %add3A_102 = arith.addi %add3A_101, %iota3A : vector<16xi32>
        %parallel_loop3A = arith.constant 0 : i32
        %parallel_loop3A_103 = arith.constant 64 : i32
        %parallel_loop3A_104 = arith.constant 1 : i32
        scf.for %parallel_loop3A_113 = %parallel_loop3A to %parallel_loop3A_103 step %parallel_loop3A_104  : i32 {
          %parallel_loop3A_114 = arith.constant 4 : i32
          %parallel_loop3A_115 = arith.muli %parallel_loop3A_114, %parallel_loop3A_113 : i32
          %parallel_loop3A_116 = arith.constant 0 : i32
          %parallel_loop3A_117 = arith.addi %parallel_loop3A_115, %parallel_loop3A_116 : i32
          %parallel_loop3A_118 = vector.broadcast %parallel_loop3A_117 : i32 to vector<16xi32>
          %parallel_loop3A_119 = tpu.vector_load_idx %arg6[%add3A_99, %parallel_loop3A_118] : memref<32x257xf32, #tpu.memory_space<vmem>>[vector<16xi32>, vector<16xi32>], vector<16xf32>,
          %parallel_loop3A_120 = arith.index_cast %parallel_loop3A_113 : i32 to index
          %parallel_loop3A_121 = arith.constant 0 : index
          %parallel_loop3A_122 = tpu.vector_load %arg8[%parallel_loop3A_120, %parallel_loop3A_121] {strides = array<i32>} : memref<64x128xf32, #tpu.memory_space<vmem>>, vector<16xf32>,
          tpu.vector_store %arg8[%parallel_loop3A_120, %parallel_loop3A_121], %parallel_loop3A_119 {strides = array<i32>} : memref<64x128xf32, #tpu.memory_space<vmem>>, vector<16xf32>,
          %parallel_loop3A_123 = tpu.vector_load_idx %arg6[%add3A_102, %parallel_loop3A_118] : memref<32x257xf32, #tpu.memory_space<vmem>>[vector<16xi32>, vector<16xi32>], vector<16xf32>,
          %parallel_loop3A_124 = arith.index_cast %parallel_loop3A_113 : i32 to index
          %parallel_loop3A_125 = arith.constant 16 : index
          %parallel_loop3A_126 = tpu.vector_load %arg8[%parallel_loop3A_124, %parallel_loop3A_125] {strides = array<i32>} : memref<64x128xf32, #tpu.memory_space<vmem>>, vector<16xf32>,
          tpu.vector_store %arg8[%parallel_loop3A_124, %parallel_loop3A_125], %parallel_loop3A_123 {strides = array<i32>} : memref<64x128xf32, #tpu.memory_space<vmem>>, vector<16xf32>,
          %parallel_loop3A_127 = arith.constant 4 : i32
          %parallel_loop3A_128 = arith.muli %parallel_loop3A_127, %parallel_loop3A_113 : i32
          %parallel_loop3A_129 = arith.constant 1 : i32
          %parallel_loop3A_130 = arith.addi %parallel_loop3A_128, %parallel_loop3A_129 : i32
          %parallel_loop3A_131 = vector.broadcast %parallel_loop3A_130 : i32 to vector<16xi32>
          %parallel_loop3A_132 = tpu.vector_load_idx %arg6[%add3A_99, %parallel_loop3A_131] : memref<32x257xf32, #tpu.memory_space<vmem>>[vector<16xi32>, vector<16xi32>], vector<16xf32>,
          %parallel_loop3A_133 = arith.index_cast %parallel_loop3A_113 : i32 to index
          %parallel_loop3A_134 = arith.constant 32 : index
          %parallel_loop3A_135 = tpu.vector_load %arg8[%parallel_loop3A_133, %parallel_loop3A_134] {strides = array<i32>} : memref<64x128xf32, #tpu.memory_space<vmem>>, vector<16xf32>,
          tpu.vector_store %arg8[%parallel_loop3A_133, %parallel_loop3A_134], %parallel_loop3A_132 {strides = array<i32>} : memref<64x128xf32, #tpu.memory_space<vmem>>, vector<16xf32>,
          %parallel_loop3A_136 = tpu.vector_load_idx %arg6[%add3A_102, %parallel_loop3A_131] : memref<32x257xf32, #tpu.memory_space<vmem>>[vector<16xi32>, vector<16xi32>], vector<16xf32>,
          %parallel_loop3A_137 = arith.index_cast %parallel_loop3A_113 : i32 to index
          %parallel_loop3A_138 = arith.constant 48 : index
          %parallel_loop3A_139 = tpu.vector_load %arg8[%parallel_loop3A_137, %parallel_loop3A_138] {strides = array<i32>} : memref<64x128xf32, #tpu.memory_space<vmem>>, vector<16xf32>,
          tpu.vector_store %arg8[%parallel_loop3A_137, %parallel_loop3A_138], %parallel_loop3A_136 {strides = array<i32>} : memref<64x128xf32, #tpu.memory_space<vmem>>, vector<16xf32>,
          %parallel_loop3A_140 = arith.constant 4 : i32
          %parallel_loop3A_141 = arith.muli %parallel_loop3A_140, %parallel_loop3A_113 : i32
          %parallel_loop3A_142 = arith.constant 2 : i32
          %parallel_loop3A_143 = arith.addi %parallel_loop3A_141, %parallel_loop3A_142 : i32
          %parallel_loop3A_144 = vector.broadcast %parallel_loop3A_143 : i32 to vector<16xi32>
          %parallel_loop3A_145 = tpu.vector_load_idx %arg6[%add3A_99, %parallel_loop3A_144] : memref<32x257xf32, #tpu.memory_space<vmem>>[vector<16xi32>, vector<16xi32>], vector<16xf32>,
          %parallel_loop3A_146 = arith.index_cast %parallel_loop3A_113 : i32 to index
          %parallel_loop3A_147 = arith.constant 64 : index
          %parallel_loop3A_148 = tpu.vector_load %arg8[%parallel_loop3A_146, %parallel_loop3A_147] {strides = array<i32>} : memref<64x128xf32, #tpu.memory_space<vmem>>, vector<16xf32>,
          tpu.vector_store %arg8[%parallel_loop3A_146, %parallel_loop3A_147], %parallel_loop3A_145 {strides = array<i32>} : memref<64x128xf32, #tpu.memory_space<vmem>>, vector<16xf32>,
          %parallel_loop3A_149 = tpu.vector_load_idx %arg6[%add3A_102, %parallel_loop3A_144] : memref<32x257xf32, #tpu.memory_space<vmem>>[vector<16xi32>, vector<16xi32>], vector<16xf32>,
          %parallel_loop3A_150 = arith.index_cast %parallel_loop3A_113 : i32 to index
          %parallel_loop3A_151 = arith.constant 80 : index
          %parallel_loop3A_152 = tpu.vector_load %arg8[%parallel_loop3A_150, %parallel_loop3A_151] {strides = array<i32>} : memref<64x128xf32, #tpu.memory_space<vmem>>, vector<16xf32>,
          tpu.vector_store %arg8[%parallel_loop3A_150, %parallel_loop3A_151], %parallel_loop3A_149 {strides = array<i32>} : memref<64x128xf32, #tpu.memory_space<vmem>>, vector<16xf32>,
          %parallel_loop3A_153 = arith.constant 4 : i32
          %parallel_loop3A_154 = arith.muli %parallel_loop3A_153, %parallel_loop3A_113 : i32
          %parallel_loop3A_155 = arith.constant 3 : i32
          %parallel_loop3A_156 = arith.addi %parallel_loop3A_154, %parallel_loop3A_155 : i32
          %parallel_loop3A_157 = vector.broadcast %parallel_loop3A_156 : i32 to vector<16xi32>
          %parallel_loop3A_158 = tpu.vector_load_idx %arg6[%add3A_99, %parallel_loop3A_157] : memref<32x257xf32, #tpu.memory_space<vmem>>[vector<16xi32>, vector<16xi32>], vector<16xf32>,
          %parallel_loop3A_159 = arith.index_cast %parallel_loop3A_113 : i32 to index
          %parallel_loop3A_160 = arith.constant 96 : index
          %parallel_loop3A_161 = tpu.vector_load %arg8[%parallel_loop3A_159, %parallel_loop3A_160] {strides = array<i32>} : memref<64x128xf32, #tpu.memory_space<vmem>>, vector<16xf32>,
          tpu.vector_store %arg8[%parallel_loop3A_159, %parallel_loop3A_160], %parallel_loop3A_158 {strides = array<i32>} : memref<64x128xf32, #tpu.memory_space<vmem>>, vector<16xf32>,
          %parallel_loop3A_162 = tpu.vector_load_idx %arg6[%add3A_102, %parallel_loop3A_157] : memref<32x257xf32, #tpu.memory_space<vmem>>[vector<16xi32>, vector<16xi32>], vector<16xf32>,
          %parallel_loop3A_163 = arith.index_cast %parallel_loop3A_113 : i32 to index
          %parallel_loop3A_164 = arith.constant 112 : index
          %parallel_loop3A_165 = tpu.vector_load %arg8[%parallel_loop3A_163, %parallel_loop3A_164] {strides = array<i32>} : memref<64x128xf32, #tpu.memory_space<vmem>>, vector<16xf32>,
          tpu.vector_store %arg8[%parallel_loop3A_163, %parallel_loop3A_164], %parallel_loop3A_162 {strides = array<i32>} : memref<64x128xf32, #tpu.memory_space<vmem>>, vector<16xf32>,
        } {sc.loop_unroll_factor = 8 : i64, sc.parallel_access}
        %mul3A_105 = arith.constant 32 : i32
        %mul3A_106 = arith.muli %mul3A_105, %add3A_25 : i32
        %add3A_107 = arith.addi %add3A, %mul3A_106 : i32
        %mul3A_108 = arith.constant 64 : i32
        %mul3A_109 = arith.muli %add3A_107, %mul3A_108 : i32
        %dma_start3A = arith.constant 0 : i32
        %dma_start3A_110 = tpu.memref_slice %arg4[%mul3A_109, %dma_start3A] : memref<250000x128xf32, #tpu.memory_space<hbm>> -> memref<64x128xf32, #tpu.memory_space<hbm>>
        %dma_start3A_111 = arith.constant 0 : i32
        %dma_start3A_112 = tpu.memref_slice %arg4[%mul3A_109, %dma_start3A_111] : memref<250000x128xf32, #tpu.memory_space<hbm>> -> memref<64x128xf32, #tpu.memory_space<hbm>>
        tpu.enqueue_dma source(%arg8 : memref<64x128xf32, #tpu.memory_space<vmem>>) target(%dma_start3A_112 : memref<64x128xf32, #tpu.memory_space<hbm>>) target_semaphore(%arg12 : memref<!tpu.dma_semaphore, #tpu.memory_space<semaphore_mem>>)
      } else {
      }
    }
    %scan3A_9 = arith.constant 62 : i32
    %add3A_10 = arith.constant 3904 : i32
    %add3A_11 = arith.addi %add3A, %add3A_10 : i32
    %lt3A_12 = arith.constant 3906 : i32
    %lt3A_13 = arith.cmpi slt, %add3A_11, %lt3A_12 : i32
    %convert_element_type3A_14 = arith.extui %lt3A_13 : i1 to i32
    %cond3A_15 = arith.constant 0 : i32
    %cond3A_16 = arith.cmpi ne, %convert_element_type3A_14, %cond3A_15 : i32
    scf.if %cond3A_16 {
      %add3A_21 = arith.constant 3904 : i32
      %add3A_22 = arith.addi %add3A, %add3A_21 : i32
      %mul3A_23 = arith.constant 64 : i32
      %mul3A_24 = arith.muli %add3A_22, %mul3A_23 : i32
      %dma_wait3A = arith.constant 0 : i32
      %dma_wait3A_25 = tpu.memref_slice %arg4[%mul3A_24, %dma_wait3A] : memref<250000x128xf32, #tpu.memory_space<hbm>> -> memref<64x128xf32, #tpu.memory_space<hbm>>
      %dma_wait3A_26 = arith.constant 0 : i32
      %dma_wait3A_27 = tpu.memref_slice %arg4[%mul3A_24, %dma_wait3A_26] : memref<250000x128xf32, #tpu.memory_space<hbm>> -> memref<64x128xf32, #tpu.memory_space<hbm>>
      tpu.wait_dma2 semaphore(%arg11 : memref<!tpu.dma_semaphore, #tpu.memory_space<semaphore_mem>>) src(%arg7 : memref<64x128xf32, #tpu.memory_space<vmem>>) dst(%dma_wait3A_27 : memref<64x128xf32, #tpu.memory_space<hbm>>)
    } else {
    }
    %eq3A = arith.constant 4 : i32
    %eq3A_17 = arith.cmpi eq, %add3A, %eq3A : i32
    %convert_element_type3A_18 = arith.extui %eq3A_17 : i1 to i32
    %cond3A_19 = arith.constant 0 : i32
    %cond3A_20 = arith.cmpi ne, %convert_element_type3A_18, %cond3A_19 : i32
    scf.if %cond3A_20 {
      "tpu.region"() ({
        %run_scoped3A = tpu.sem_alloc : memref<!tpu.dma_semaphore, #tpu.memory_space<semaphore_mem>>
        %dma_start3A = arith.constant 0 : i32
        %dma_start3A_21 = arith.constant 0 : i32
        %dma_start3A_22 = tpu.memref_slice %arg7[%dma_start3A, %dma_start3A_21] : memref<64x128xf32, #tpu.memory_space<vmem>> -> memref<16x128xf32, #tpu.memory_space<vmem>>
        %dma_start3A_23 = arith.constant 0 : i32
        %dma_start3A_24 = arith.constant 0 : i32
        %dma_start3A_25 = tpu.memref_slice %arg7[%dma_start3A_23, %dma_start3A_24] : memref<64x128xf32, #tpu.memory_space<vmem>> -> memref<16x128xf32, #tpu.memory_space<vmem>>
        tpu.enqueue_dma source(%arg3 : memref<16x128xf32, #tpu.memory_space<hbm>>) target(%dma_start3A_25 : memref<16x128xf32, #tpu.memory_space<vmem>>) target_semaphore(%run_scoped3A : memref<!tpu.dma_semaphore, #tpu.memory_space<semaphore_mem>>)
        %dma_wait3A = arith.constant 0 : i32
        %dma_wait3A_26 = arith.constant 0 : i32
        %dma_wait3A_27 = tpu.memref_slice %arg7[%dma_wait3A, %dma_wait3A_26] : memref<64x128xf32, #tpu.memory_space<vmem>> -> memref<16x128xf32, #tpu.memory_space<vmem>>
        %dma_wait3A_28 = arith.constant 0 : i32
        %dma_wait3A_29 = arith.constant 0 : i32
        %dma_wait3A_30 = tpu.memref_slice %arg7[%dma_wait3A_28, %dma_wait3A_29] : memref<64x128xf32, #tpu.memory_space<vmem>> -> memref<16x128xf32, #tpu.memory_space<vmem>>
        tpu.wait_dma2 semaphore(%run_scoped3A : memref<!tpu.dma_semaphore, #tpu.memory_space<semaphore_mem>>) src(%arg3 : memref<16x128xf32, #tpu.memory_space<hbm>>) dst(%dma_wait3A_30 : memref<16x128xf32, #tpu.memory_space<vmem>>)
        tpu.yield
      }) : () -> ()
      "tpu.region"() ({
        %run_scoped3A = tpu.sem_alloc : memref<!tpu.dma_semaphore, #tpu.memory_space<semaphore_mem>>
        %dma_start3A = arith.constant 0 : i32
        %dma_start3A_21 = arith.constant 0 : i32
        %dma_start3A_22 = tpu.memref_slice %arg7[%dma_start3A, %dma_start3A_21] : memref<64x128xf32, #tpu.memory_space<vmem>> -> memref<16x128xf32, #tpu.memory_space<vmem>>
        %dma_start3A_23 = arith.constant 249984 : i32
        %dma_start3A_24 = arith.constant 0 : i32
        %dma_start3A_25 = tpu.memref_slice %arg4[%dma_start3A_23, %dma_start3A_24] : memref<250000x128xf32, #tpu.memory_space<hbm>> -> memref<16x128xf32, #tpu.memory_space<hbm>>
        %dma_start3A_26 = arith.constant 249984 : i32
        %dma_start3A_27 = arith.constant 0 : i32
        %dma_start3A_28 = tpu.memref_slice %arg4[%dma_start3A_26, %dma_start3A_27] : memref<250000x128xf32, #tpu.memory_space<hbm>> -> memref<16x128xf32, #tpu.memory_space<hbm>>
        %dma_start3A_29 = arith.constant 0 : i32
        %dma_start3A_30 = arith.constant 0 : i32
        %dma_start3A_31 = tpu.memref_slice %arg7[%dma_start3A_29, %dma_start3A_30] : memref<64x128xf32, #tpu.memory_space<vmem>> -> memref<16x128xf32, #tpu.memory_space<vmem>>
        tpu.enqueue_dma source(%dma_start3A_31 : memref<16x128xf32, #tpu.memory_space<vmem>>) target(%dma_start3A_28 : memref<16x128xf32, #tpu.memory_space<hbm>>) target_semaphore(%run_scoped3A : memref<!tpu.dma_semaphore, #tpu.memory_space<semaphore_mem>>)
        %dma_wait3A = arith.constant 0 : i32
        %dma_wait3A_32 = arith.constant 0 : i32
        %dma_wait3A_33 = tpu.memref_slice %arg7[%dma_wait3A, %dma_wait3A_32] : memref<64x128xf32, #tpu.memory_space<vmem>> -> memref<16x128xf32, #tpu.memory_space<vmem>>
        %dma_wait3A_34 = arith.constant 249984 : i32
        %dma_wait3A_35 = arith.constant 0 : i32
        %dma_wait3A_36 = tpu.memref_slice %arg4[%dma_wait3A_34, %dma_wait3A_35] : memref<250000x128xf32, #tpu.memory_space<hbm>> -> memref<16x128xf32, #tpu.memory_space<hbm>>
        %dma_wait3A_37 = arith.constant 249984 : i32
        %dma_wait3A_38 = arith.constant 0 : i32
        %dma_wait3A_39 = tpu.memref_slice %arg4[%dma_wait3A_37, %dma_wait3A_38] : memref<250000x128xf32, #tpu.memory_space<hbm>> -> memref<16x128xf32, #tpu.memory_space<hbm>>
        %dma_wait3A_40 = arith.constant 0 : i32
        %dma_wait3A_41 = arith.constant 0 : i32
        %dma_wait3A_42 = tpu.memref_slice %arg7[%dma_wait3A_40, %dma_wait3A_41] : memref<64x128xf32, #tpu.memory_space<vmem>> -> memref<16x128xf32, #tpu.memory_space<vmem>>
        tpu.wait_dma2 semaphore(%run_scoped3A : memref<!tpu.dma_semaphore, #tpu.memory_space<semaphore_mem>>) src(%dma_wait3A_42 : memref<16x128xf32, #tpu.memory_space<vmem>>) dst(%dma_wait3A_39 : memref<16x128xf32, #tpu.memory_space<hbm>>)
        tpu.yield
      }) : () -> ()
    } else {
    }
    return
  }
}

#map = affine_map<(d0, d1) -> (0, 0)>
#map1 = affine_map<(d0, d1) -> (0)>
#map2 = affine_map<(d0, d1) -> (0, 0, 0, 0, 0)>
module attributes {stable_mosaic.version = 14 : i64} {
  func.func @_emb_lookup(%arg0: i32, %arg1: i32, %arg2: memref<1000000x32xf32, #tpu.memory_space<hbm>>, %arg3: memref<819200xi32, #tpu.memory_space<hbm>>, %arg4: memref<200x4x32x8x128xf32, #tpu.memory_space<hbm>>, %arg5: memref<25600xi32, #tpu.memory_space<vmem>>, %arg6: memref<512x32xf32, #tpu.memory_space<vmem>>, %arg7: memref<512x32xf32, #tpu.memory_space<vmem>>, %arg8: memref<160x129xf32, #tpu.memory_space<vmem>>, %arg9: memref<160x129xf32, #tpu.memory_space<vmem>>, %arg10: memref<!tpu.dma_semaphore, #tpu.memory_space<semaphore_mem>>, %arg11: memref<!tpu.dma_semaphore, #tpu.memory_space<semaphore_mem>>, %arg12: memref<!tpu.dma_semaphore, #tpu.memory_space<semaphore_mem>>, %arg13: memref<!tpu.dma_semaphore, #tpu.memory_space<semaphore_mem>>) attributes {dimension_semantics = [#tpu.dimension_semantics<core_parallel>, #tpu.dimension_semantics<subcore_parallel>], iteration_bounds = array<i64: 2, 16>, scalar_prefetch = 0 : i64, scratch_operands = 9 : i64, tpu.core_type = #tpu.core_type<sc_vector_subcore>, window_params = [{transform_indices = #map}, {transform_indices = #map1}, {transform_indices = #map2}]} {
    %mul3A = arith.constant 2 : i32
    %mul3A_0 = arith.muli %arg1, %mul3A : i32
    %add3A = arith.addi %mul3A_0, %arg0 : i32
    %mul3A_1 = arith.constant 25600 : i32
    %mul3A_2 = arith.muli %add3A, %mul3A_1 : i32
    "tpu.region"() ({
      %run_scoped3A = tpu.sem_alloc : memref<!tpu.dma_semaphore, #tpu.memory_space<semaphore_mem>>
      %dma_start3A_602 = tpu.memref_slice %arg3[%mul3A_2] : memref<819200xi32, #tpu.memory_space<hbm>> -> memref<25600xi32, #tpu.memory_space<hbm>>
      %dma_start3A_603 = tpu.memref_slice %arg3[%mul3A_2] : memref<819200xi32, #tpu.memory_space<hbm>> -> memref<25600xi32, #tpu.memory_space<hbm>>
      tpu.enqueue_dma source(%dma_start3A_603 : memref<25600xi32, #tpu.memory_space<hbm>>) target(%arg5 : memref<25600xi32, #tpu.memory_space<vmem>>) target_semaphore(%run_scoped3A : memref<!tpu.dma_semaphore, #tpu.memory_space<semaphore_mem>>)
      %dma_wait3A_604 = tpu.memref_slice %arg3[%mul3A_2] : memref<819200xi32, #tpu.memory_space<hbm>> -> memref<25600xi32, #tpu.memory_space<hbm>>
      %dma_wait3A_605 = tpu.memref_slice %arg3[%mul3A_2] : memref<819200xi32, #tpu.memory_space<hbm>> -> memref<25600xi32, #tpu.memory_space<hbm>>
      tpu.wait_dma2 semaphore(%run_scoped3A : memref<!tpu.dma_semaphore, #tpu.memory_space<semaphore_mem>>) src(%dma_wait3A_605 : memref<25600xi32, #tpu.memory_space<hbm>>) dst(%arg5 : memref<25600xi32, #tpu.memory_space<vmem>>)
      tpu.yield
    }) : () -> ()
    %iota3A = tpu.iota {dimensions = array<i32: 0>} : vector<16xi32>
    %shift_right_arithmetic3A = arith.constant 3 : i32
    %shift_right_arithmetic3A_3 = vector.broadcast %shift_right_arithmetic3A : i32 to vector<16xi32>
    %shift_right_arithmetic3A_4 = arith.shrsi %iota3A, %shift_right_arithmetic3A_3 : vector<16xi32>
    %add3A_5 = arith.constant 0 : i32
    %add3A_6 = vector.broadcast %add3A_5 : i32 to vector<16xi32>
    %add3A_7 = arith.addi %add3A_6, %shift_right_arithmetic3A_4 : vector<16xi32>
    %mul3A_8 = arith.constant 40 : i32
    %mul3A_9 = vector.broadcast %mul3A_8 : i32 to vector<16xi32>
    %mul3A_10 = arith.muli %add3A_7, %mul3A_9 : vector<16xi32>
    %and3A = arith.constant 7 : i32
    %and3A_11 = vector.broadcast %and3A : i32 to vector<16xi32>
    %and3A_12 = arith.andi %iota3A, %and3A_11 : vector<16xi32>
    %add3A_13 = arith.addi %mul3A_10, %and3A_12 : vector<16xi32>
    %shift_right_arithmetic3A_14 = arith.constant 3 : i32
    %shift_right_arithmetic3A_15 = vector.broadcast %shift_right_arithmetic3A_14 : i32 to vector<16xi32>
    %shift_right_arithmetic3A_16 = arith.shrsi %iota3A, %shift_right_arithmetic3A_15 : vector<16xi32>
    %add3A_17 = arith.constant 2 : i32
    %add3A_18 = vector.broadcast %add3A_17 : i32 to vector<16xi32>
    %add3A_19 = arith.addi %add3A_18, %shift_right_arithmetic3A_16 : vector<16xi32>
    %mul3A_20 = arith.constant 40 : i32
    %mul3A_21 = vector.broadcast %mul3A_20 : i32 to vector<16xi32>
    %mul3A_22 = arith.muli %add3A_19, %mul3A_21 : vector<16xi32>
    %and3A_23 = arith.constant 7 : i32
    %and3A_24 = vector.broadcast %and3A_23 : i32 to vector<16xi32>
    %and3A_25 = arith.andi %iota3A, %and3A_24 : vector<16xi32>
    %add3A_26 = arith.addi %mul3A_22, %and3A_25 : vector<16xi32>
    %dma_start3A = arith.constant 0 : i32
    %dma_start3A_27 = tpu.memref_slice %arg5[%dma_start3A] : memref<25600xi32, #tpu.memory_space<vmem>> -> memref<512xi32, #tpu.memory_space<vmem>>
    %dma_start3A_28 = arith.constant 0 : i32
    %dma_start3A_29 = arith.constant 0 : i32
    %dma_start3A_30 = tpu.memref_slice %arg2[%dma_start3A_28, %dma_start3A_29] : memref<1000000x32xf32, #tpu.memory_space<hbm>> -> memref<1000000x32xf32, #tpu.memory_space<hbm>>
    tpu.enqueue_indirect_dma source(%dma_start3A_30 : memref<1000000x32xf32, #tpu.memory_space<hbm>>) target(%arg6 : memref<512x32xf32, #tpu.memory_space<vmem>>) offsets(%dma_start3A_27 : memref<512xi32, #tpu.memory_space<vmem>>) semaphore(%arg10 : memref<!tpu.dma_semaphore, #tpu.memory_space<semaphore_mem>>)
    %scan3A = arith.constant 0 : i32
    %scan3A_31 = arith.constant 0 : i32
    %scan3A_32 = arith.constant 25 : i32
    %scan3A_33 = arith.addi %scan3A_31, %scan3A_32 : i32
    %scan3A_34 = arith.constant 1 : i32
    scf.for %scan3A_602 = %scan3A_31 to %scan3A_33 step %scan3A_34  : i32 {
      %mul3A_603 = arith.constant 2 : i32
      %mul3A_604 = arith.muli %scan3A_602, %mul3A_603 : i32
      %add3A_605 = arith.constant 1 : i32
      %add3A_606 = arith.addi %mul3A_604, %add3A_605 : i32
      %gt3A = arith.constant 0 : i32
      %gt3A_607 = arith.cmpi sgt, %scan3A_602, %gt3A : i32
      %convert_element_type3A = arith.extui %gt3A_607 : i1 to i32
      %cond3A = arith.constant 0 : i32
      %cond3A_608 = arith.cmpi ne, %convert_element_type3A, %cond3A : i32
      scf.if %cond3A_608 {
        %sub3A = arith.constant 1 : i32
        %sub3A_1212 = arith.subi %mul3A_604, %sub3A : i32
        %mul3A_1213 = arith.constant 25 : i32
        %mul3A_1214 = arith.muli %add3A, %mul3A_1213 : i32
        %shift_right_arithmetic3A_1215 = arith.constant 1 : i32
        %shift_right_arithmetic3A_1216 = arith.shrsi %sub3A_1212, %shift_right_arithmetic3A_1215 : i32
        %add3A_1217 = arith.addi %mul3A_1214, %shift_right_arithmetic3A_1216 : i32
        %shift_right_arithmetic3A_1218 = arith.constant 2 : i32
        %shift_right_arithmetic3A_1219 = arith.shrsi %add3A_1217, %shift_right_arithmetic3A_1218 : i32
        %and3A_1220 = arith.constant 3 : i32
        %and3A_1221 = arith.andi %add3A_1217, %and3A_1220 : i32
        %shift_left3A_1222 = arith.constant 3 : i32
        %shift_left3A_1223 = arith.shli %and3A_1221, %shift_left3A_1222 : i32
        %and3A_1224 = arith.constant 1 : i32
        %and3A_1225 = arith.andi %sub3A_1212, %and3A_1224 : i32
        %shift_left3A_1226 = arith.constant 2 : i32
        %shift_left3A_1227 = arith.shli %and3A_1225, %shift_left3A_1226 : i32
        %add3A_1228 = arith.addi %shift_left3A_1223, %shift_left3A_1227 : i32
        %add3A_1229 = arith.constant 0 : i32
        %add3A_1230 = arith.addi %add3A_1228, %add3A_1229 : i32
        %dma_wait3A_1231 = arith.constant 0 : i32
        %dma_wait3A_1232 = arith.constant 0 : i32
        %dma_wait3A_1233 = arith.constant 0 : i32
        %dma_wait3A_1234 = tpu.memref_slice %arg9[%dma_wait3A_1232, %dma_wait3A_1233] : memref<160x129xf32, #tpu.memory_space<vmem>> -> memref<8x128xf32, #tpu.memory_space<vmem>>
        %dma_wait3A_1235 = arith.constant 0 : i32
        %dma_wait3A_1236 = arith.constant 0 : i32
        %dma_wait3A_1237 = tpu.memref_slice %arg4[%shift_right_arithmetic3A_1219, %dma_wait3A_1231, %add3A_1230, %dma_wait3A_1235, %dma_wait3A_1236] : memref<200x4x32x8x128xf32, #tpu.memory_space<hbm>> -> memref<1x1x1x8x128xf32, #tpu.memory_space<hbm>>
        %dma_wait3A_1238 = tpu.memref_squeeze %dma_wait3A_1237 : memref<1x1x1x8x128xf32, #tpu.memory_space<hbm>> -> memref<8x128xf32, #tpu.memory_space<hbm>>
        %dma_wait3A_1239 = arith.constant 0 : i32
        %dma_wait3A_1240 = arith.constant 0 : i32
        %dma_wait3A_1241 = tpu.memref_slice %arg4[%shift_right_arithmetic3A_1219, %dma_wait3A_1231, %add3A_1230, %dma_wait3A_1239, %dma_wait3A_1240] : memref<200x4x32x8x128xf32, #tpu.memory_space<hbm>> -> memref<1x1x1x8x128xf32, #tpu.memory_space<hbm>>
        %dma_wait3A_1242 = tpu.memref_squeeze %dma_wait3A_1241 : memref<1x1x1x8x128xf32, #tpu.memory_space<hbm>> -> memref<8x128xf32, #tpu.memory_space<hbm>>
        %dma_wait3A_1243 = arith.constant 0 : i32
        %dma_wait3A_1244 = arith.constant 0 : i32
        %dma_wait3A_1245 = tpu.memref_slice %arg9[%dma_wait3A_1243, %dma_wait3A_1244] : memref<160x129xf32, #tpu.memory_space<vmem>> -> memref<8x128xf32, #tpu.memory_space<vmem>>
        tpu.wait_dma2 semaphore(%arg13 : memref<!tpu.dma_semaphore, #tpu.memory_space<semaphore_mem>>) src(%dma_wait3A_1245 : memref<8x128xf32, #tpu.memory_space<vmem>>) dst(%dma_wait3A_1242 : memref<8x128xf32, #tpu.memory_space<hbm>>)
        %add3A_1246 = arith.constant 1 : i32
        %add3A_1247 = arith.addi %add3A_1228, %add3A_1246 : i32
        %dma_wait3A_1248 = arith.constant 0 : i32
        %dma_wait3A_1249 = arith.constant 8 : i32
        %dma_wait3A_1250 = arith.constant 0 : i32
        %dma_wait3A_1251 = tpu.memref_slice %arg9[%dma_wait3A_1249, %dma_wait3A_1250] : memref<160x129xf32, #tpu.memory_space<vmem>> -> memref<8x128xf32, #tpu.memory_space<vmem>>
        %dma_wait3A_1252 = arith.constant 0 : i32
        %dma_wait3A_1253 = arith.constant 0 : i32
        %dma_wait3A_1254 = tpu.memref_slice %arg4[%shift_right_arithmetic3A_1219, %dma_wait3A_1248, %add3A_1247, %dma_wait3A_1252, %dma_wait3A_1253] : memref<200x4x32x8x128xf32, #tpu.memory_space<hbm>> -> memref<1x1x1x8x128xf32, #tpu.memory_space<hbm>>
        %dma_wait3A_1255 = tpu.memref_squeeze %dma_wait3A_1254 : memref<1x1x1x8x128xf32, #tpu.memory_space<hbm>> -> memref<8x128xf32, #tpu.memory_space<hbm>>
        %dma_wait3A_1256 = arith.constant 0 : i32
        %dma_wait3A_1257 = arith.constant 0 : i32
        %dma_wait3A_1258 = tpu.memref_slice %arg4[%shift_right_arithmetic3A_1219, %dma_wait3A_1248, %add3A_1247, %dma_wait3A_1256, %dma_wait3A_1257] : memref<200x4x32x8x128xf32, #tpu.memory_space<hbm>> -> memref<1x1x1x8x128xf32, #tpu.memory_space<hbm>>
        %dma_wait3A_1259 = tpu.memref_squeeze %dma_wait3A_1258 : memref<1x1x1x8x128xf32, #tpu.memory_space<hbm>> -> memref<8x128xf32, #tpu.memory_space<hbm>>
        %dma_wait3A_1260 = arith.constant 8 : i32
        %dma_wait3A_1261 = arith.constant 0 : i32
        %dma_wait3A_1262 = tpu.memref_slice %arg9[%dma_wait3A_1260, %dma_wait3A_1261] : memref<160x129xf32, #tpu.memory_space<vmem>> -> memref<8x128xf32, #tpu.memory_space<vmem>>
        tpu.wait_dma2 semaphore(%arg13 : memref<!tpu.dma_semaphore, #tpu.memory_space<semaphore_mem>>) src(%dma_wait3A_1262 : memref<8x128xf32, #tpu.memory_space<vmem>>) dst(%dma_wait3A_1259 : memref<8x128xf32, #tpu.memory_space<hbm>>)
        %add3A_1263 = arith.constant 2 : i32
        %add3A_1264 = arith.addi %add3A_1228, %add3A_1263 : i32
        %dma_wait3A_1265 = arith.constant 0 : i32
        %dma_wait3A_1266 = arith.constant 16 : i32
        %dma_wait3A_1267 = arith.constant 0 : i32
        %dma_wait3A_1268 = tpu.memref_slice %arg9[%dma_wait3A_1266, %dma_wait3A_1267] : memref<160x129xf32, #tpu.memory_space<vmem>> -> memref<8x128xf32, #tpu.memory_space<vmem>>
        %dma_wait3A_1269 = arith.constant 0 : i32
        %dma_wait3A_1270 = arith.constant 0 : i32
        %dma_wait3A_1271 = tpu.memref_slice %arg4[%shift_right_arithmetic3A_1219, %dma_wait3A_1265, %add3A_1264, %dma_wait3A_1269, %dma_wait3A_1270] : memref<200x4x32x8x128xf32, #tpu.memory_space<hbm>> -> memref<1x1x1x8x128xf32, #tpu.memory_space<hbm>>
        %dma_wait3A_1272 = tpu.memref_squeeze %dma_wait3A_1271 : memref<1x1x1x8x128xf32, #tpu.memory_space<hbm>> -> memref<8x128xf32, #tpu.memory_space<hbm>>
        %dma_wait3A_1273 = arith.constant 0 : i32
        %dma_wait3A_1274 = arith.constant 0 : i32
        %dma_wait3A_1275 = tpu.memref_slice %arg4[%shift_right_arithmetic3A_1219, %dma_wait3A_1265, %add3A_1264, %dma_wait3A_1273, %dma_wait3A_1274] : memref<200x4x32x8x128xf32, #tpu.memory_space<hbm>> -> memref<1x1x1x8x128xf32, #tpu.memory_space<hbm>>
        %dma_wait3A_1276 = tpu.memref_squeeze %dma_wait3A_1275 : memref<1x1x1x8x128xf32, #tpu.memory_space<hbm>> -> memref<8x128xf32, #tpu.memory_space<hbm>>
        %dma_wait3A_1277 = arith.constant 16 : i32
        %dma_wait3A_1278 = arith.constant 0 : i32
        %dma_wait3A_1279 = tpu.memref_slice %arg9[%dma_wait3A_1277, %dma_wait3A_1278] : memref<160x129xf32, #tpu.memory_space<vmem>> -> memref<8x128xf32, #tpu.memory_space<vmem>>
        tpu.wait_dma2 semaphore(%arg13 : memref<!tpu.dma_semaphore, #tpu.memory_space<semaphore_mem>>) src(%dma_wait3A_1279 : memref<8x128xf32, #tpu.memory_space<vmem>>) dst(%dma_wait3A_1276 : memref<8x128xf32, #tpu.memory_space<hbm>>)
        %add3A_1280 = arith.constant 3 : i32
        %add3A_1281 = arith.addi %add3A_1228, %add3A_1280 : i32
        %dma_wait3A_1282 = arith.constant 0 : i32
        %dma_wait3A_1283 = arith.constant 24 : i32
        %dma_wait3A_1284 = arith.constant 0 : i32
        %dma_wait3A_1285 = tpu.memref_slice %arg9[%dma_wait3A_1283, %dma_wait3A_1284] : memref<160x129xf32, #tpu.memory_space<vmem>> -> memref<8x128xf32, #tpu.memory_space<vmem>>
        %dma_wait3A_1286 = arith.constant 0 : i32
        %dma_wait3A_1287 = arith.constant 0 : i32
        %dma_wait3A_1288 = tpu.memref_slice %arg4[%shift_right_arithmetic3A_1219, %dma_wait3A_1282, %add3A_1281, %dma_wait3A_1286, %dma_wait3A_1287] : memref<200x4x32x8x128xf32, #tpu.memory_space<hbm>> -> memref<1x1x1x8x128xf32, #tpu.memory_space<hbm>>
        %dma_wait3A_1289 = tpu.memref_squeeze %dma_wait3A_1288 : memref<1x1x1x8x128xf32, #tpu.memory_space<hbm>> -> memref<8x128xf32, #tpu.memory_space<hbm>>
        %dma_wait3A_1290 = arith.constant 0 : i32
        %dma_wait3A_1291 = arith.constant 0 : i32
        %dma_wait3A_1292 = tpu.memref_slice %arg4[%shift_right_arithmetic3A_1219, %dma_wait3A_1282, %add3A_1281, %dma_wait3A_1290, %dma_wait3A_1291] : memref<200x4x32x8x128xf32, #tpu.memory_space<hbm>> -> memref<1x1x1x8x128xf32, #tpu.memory_space<hbm>>
        %dma_wait3A_1293 = tpu.memref_squeeze %dma_wait3A_1292 : memref<1x1x1x8x128xf32, #tpu.memory_space<hbm>> -> memref<8x128xf32, #tpu.memory_space<hbm>>
        %dma_wait3A_1294 = arith.constant 24 : i32
        %dma_wait3A_1295 = arith.constant 0 : i32
        %dma_wait3A_1296 = tpu.memref_slice %arg9[%dma_wait3A_1294, %dma_wait3A_1295] : memref<160x129xf32, #tpu.memory_space<vmem>> -> memref<8x128xf32, #tpu.memory_space<vmem>>
        tpu.wait_dma2 semaphore(%arg13 : memref<!tpu.dma_semaphore, #tpu.memory_space<semaphore_mem>>) src(%dma_wait3A_1296 : memref<8x128xf32, #tpu.memory_space<vmem>>) dst(%dma_wait3A_1293 : memref<8x128xf32, #tpu.memory_space<hbm>>)
        %add3A_1297 = arith.constant 0 : i32
        %add3A_1298 = arith.addi %add3A_1228, %add3A_1297 : i32
        %dma_wait3A_1299 = arith.constant 1 : i32
        %dma_wait3A_1300 = arith.constant 40 : i32
        %dma_wait3A_1301 = arith.constant 0 : i32
        %dma_wait3A_1302 = tpu.memref_slice %arg9[%dma_wait3A_1300, %dma_wait3A_1301] : memref<160x129xf32, #tpu.memory_space<vmem>> -> memref<8x128xf32, #tpu.memory_space<vmem>>
        %dma_wait3A_1303 = arith.constant 0 : i32
        %dma_wait3A_1304 = arith.constant 0 : i32
        %dma_wait3A_1305 = tpu.memref_slice %arg4[%shift_right_arithmetic3A_1219, %dma_wait3A_1299, %add3A_1298, %dma_wait3A_1303, %dma_wait3A_1304] : memref<200x4x32x8x128xf32, #tpu.memory_space<hbm>> -> memref<1x1x1x8x128xf32, #tpu.memory_space<hbm>>
        %dma_wait3A_1306 = tpu.memref_squeeze %dma_wait3A_1305 : memref<1x1x1x8x128xf32, #tpu.memory_space<hbm>> -> memref<8x128xf32, #tpu.memory_space<hbm>>
        %dma_wait3A_1307 = arith.constant 0 : i32
        %dma_wait3A_1308 = arith.constant 0 : i32
        %dma_wait3A_1309 = tpu.memref_slice %arg4[%shift_right_arithmetic3A_1219, %dma_wait3A_1299, %add3A_1298, %dma_wait3A_1307, %dma_wait3A_1308] : memref<200x4x32x8x128xf32, #tpu.memory_space<hbm>> -> memref<1x1x1x8x128xf32, #tpu.memory_space<hbm>>
        %dma_wait3A_1310 = tpu.memref_squeeze %dma_wait3A_1309 : memref<1x1x1x8x128xf32, #tpu.memory_space<hbm>> -> memref<8x128xf32, #tpu.memory_space<hbm>>
        %dma_wait3A_1311 = arith.constant 40 : i32
        %dma_wait3A_1312 = arith.constant 0 : i32
        %dma_wait3A_1313 = tpu.memref_slice %arg9[%dma_wait3A_1311, %dma_wait3A_1312] : memref<160x129xf32, #tpu.memory_space<vmem>> -> memref<8x128xf32, #tpu.memory_space<vmem>>
        tpu.wait_dma2 semaphore(%arg13 : memref<!tpu.dma_semaphore, #tpu.memory_space<semaphore_mem>>) src(%dma_wait3A_1313 : memref<8x128xf32, #tpu.memory_space<vmem>>) dst(%dma_wait3A_1310 : memref<8x128xf32, #tpu.memory_space<hbm>>)
        %add3A_1314 = arith.constant 1 : i32
        %add3A_1315 = arith.addi %add3A_1228, %add3A_1314 : i32
        %dma_wait3A_1316 = arith.constant 1 : i32
        %dma_wait3A_1317 = arith.constant 48 : i32
        %dma_wait3A_1318 = arith.constant 0 : i32
        %dma_wait3A_1319 = tpu.memref_slice %arg9[%dma_wait3A_1317, %dma_wait3A_1318] : memref<160x129xf32, #tpu.memory_space<vmem>> -> memref<8x128xf32, #tpu.memory_space<vmem>>
        %dma_wait3A_1320 = arith.constant 0 : i32
        %dma_wait3A_1321 = arith.constant 0 : i32
        %dma_wait3A_1322 = tpu.memref_slice %arg4[%shift_right_arithmetic3A_1219, %dma_wait3A_1316, %add3A_1315, %dma_wait3A_1320, %dma_wait3A_1321] : memref<200x4x32x8x128xf32, #tpu.memory_space<hbm>> -> memref<1x1x1x8x128xf32, #tpu.memory_space<hbm>>
        %dma_wait3A_1323 = tpu.memref_squeeze %dma_wait3A_1322 : memref<1x1x1x8x128xf32, #tpu.memory_space<hbm>> -> memref<8x128xf32, #tpu.memory_space<hbm>>
        %dma_wait3A_1324 = arith.constant 0 : i32
        %dma_wait3A_1325 = arith.constant 0 : i32
        %dma_wait3A_1326 = tpu.memref_slice %arg4[%shift_right_arithmetic3A_1219, %dma_wait3A_1316, %add3A_1315, %dma_wait3A_1324, %dma_wait3A_1325] : memref<200x4x32x8x128xf32, #tpu.memory_space<hbm>> -> memref<1x1x1x8x128xf32, #tpu.memory_space<hbm>>
        %dma_wait3A_1327 = tpu.memref_squeeze %dma_wait3A_1326 : memref<1x1x1x8x128xf32, #tpu.memory_space<hbm>> -> memref<8x128xf32, #tpu.memory_space<hbm>>
        %dma_wait3A_1328 = arith.constant 48 : i32
        %dma_wait3A_1329 = arith.constant 0 : i32
        %dma_wait3A_1330 = tpu.memref_slice %arg9[%dma_wait3A_1328, %dma_wait3A_1329] : memref<160x129xf32, #tpu.memory_space<vmem>> -> memref<8x128xf32, #tpu.memory_space<vmem>>
        tpu.wait_dma2 semaphore(%arg13 : memref<!tpu.dma_semaphore, #tpu.memory_space<semaphore_mem>>) src(%dma_wait3A_1330 : memref<8x128xf32, #tpu.memory_space<vmem>>) dst(%dma_wait3A_1327 : memref<8x128xf32, #tpu.memory_space<hbm>>)
        %add3A_1331 = arith.constant 2 : i32
        %add3A_1332 = arith.addi %add3A_1228, %add3A_1331 : i32
        %dma_wait3A_1333 = arith.constant 1 : i32
        %dma_wait3A_1334 = arith.constant 56 : i32
        %dma_wait3A_1335 = arith.constant 0 : i32
        %dma_wait3A_1336 = tpu.memref_slice %arg9[%dma_wait3A_1334, %dma_wait3A_1335] : memref<160x129xf32, #tpu.memory_space<vmem>> -> memref<8x128xf32, #tpu.memory_space<vmem>>
        %dma_wait3A_1337 = arith.constant 0 : i32
        %dma_wait3A_1338 = arith.constant 0 : i32
        %dma_wait3A_1339 = tpu.memref_slice %arg4[%shift_right_arithmetic3A_1219, %dma_wait3A_1333, %add3A_1332, %dma_wait3A_1337, %dma_wait3A_1338] : memref<200x4x32x8x128xf32, #tpu.memory_space<hbm>> -> memref<1x1x1x8x128xf32, #tpu.memory_space<hbm>>
        %dma_wait3A_1340 = tpu.memref_squeeze %dma_wait3A_1339 : memref<1x1x1x8x128xf32, #tpu.memory_space<hbm>> -> memref<8x128xf32, #tpu.memory_space<hbm>>
        %dma_wait3A_1341 = arith.constant 0 : i32
        %dma_wait3A_1342 = arith.constant 0 : i32
        %dma_wait3A_1343 = tpu.memref_slice %arg4[%shift_right_arithmetic3A_1219, %dma_wait3A_1333, %add3A_1332, %dma_wait3A_1341, %dma_wait3A_1342] : memref<200x4x32x8x128xf32, #tpu.memory_space<hbm>> -> memref<1x1x1x8x128xf32, #tpu.memory_space<hbm>>
        %dma_wait3A_1344 = tpu.memref_squeeze %dma_wait3A_1343 : memref<1x1x1x8x128xf32, #tpu.memory_space<hbm>> -> memref<8x128xf32, #tpu.memory_space<hbm>>
        %dma_wait3A_1345 = arith.constant 56 : i32
        %dma_wait3A_1346 = arith.constant 0 : i32
        %dma_wait3A_1347 = tpu.memref_slice %arg9[%dma_wait3A_1345, %dma_wait3A_1346] : memref<160x129xf32, #tpu.memory_space<vmem>> -> memref<8x128xf32, #tpu.memory_space<vmem>>
        tpu.wait_dma2 semaphore(%arg13 : memref<!tpu.dma_semaphore, #tpu.memory_space<semaphore_mem>>) src(%dma_wait3A_1347 : memref<8x128xf32, #tpu.memory_space<vmem>>) dst(%dma_wait3A_1344 : memref<8x128xf32, #tpu.memory_space<hbm>>)
        %add3A_1348 = arith.constant 3 : i32
        %add3A_1349 = arith.addi %add3A_1228, %add3A_1348 : i32
        %dma_wait3A_1350 = arith.constant 1 : i32
        %dma_wait3A_1351 = arith.constant 64 : i32
        %dma_wait3A_1352 = arith.constant 0 : i32
        %dma_wait3A_1353 = tpu.memref_slice %arg9[%dma_wait3A_1351, %dma_wait3A_1352] : memref<160x129xf32, #tpu.memory_space<vmem>> -> memref<8x128xf32, #tpu.memory_space<vmem>>
        %dma_wait3A_1354 = arith.constant 0 : i32
        %dma_wait3A_1355 = arith.constant 0 : i32
        %dma_wait3A_1356 = tpu.memref_slice %arg4[%shift_right_arithmetic3A_1219, %dma_wait3A_1350, %add3A_1349, %dma_wait3A_1354, %dma_wait3A_1355] : memref<200x4x32x8x128xf32, #tpu.memory_space<hbm>> -> memref<1x1x1x8x128xf32, #tpu.memory_space<hbm>>
        %dma_wait3A_1357 = tpu.memref_squeeze %dma_wait3A_1356 : memref<1x1x1x8x128xf32, #tpu.memory_space<hbm>> -> memref<8x128xf32, #tpu.memory_space<hbm>>
        %dma_wait3A_1358 = arith.constant 0 : i32
        %dma_wait3A_1359 = arith.constant 0 : i32
        %dma_wait3A_1360 = tpu.memref_slice %arg4[%shift_right_arithmetic3A_1219, %dma_wait3A_1350, %add3A_1349, %dma_wait3A_1358, %dma_wait3A_1359] : memref<200x4x32x8x128xf32, #tpu.memory_space<hbm>> -> memref<1x1x1x8x128xf32, #tpu.memory_space<hbm>>
        %dma_wait3A_1361 = tpu.memref_squeeze %dma_wait3A_1360 : memref<1x1x1x8x128xf32, #tpu.memory_space<hbm>> -> memref<8x128xf32, #tpu.memory_space<hbm>>
        %dma_wait3A_1362 = arith.constant 64 : i32
        %dma_wait3A_1363 = arith.constant 0 : i32
        %dma_wait3A_1364 = tpu.memref_slice %arg9[%dma_wait3A_1362, %dma_wait3A_1363] : memref<160x129xf32, #tpu.memory_space<vmem>> -> memref<8x128xf32, #tpu.memory_space<vmem>>
        tpu.wait_dma2 semaphore(%arg13 : memref<!tpu.dma_semaphore, #tpu.memory_space<semaphore_mem>>) src(%dma_wait3A_1364 : memref<8x128xf32, #tpu.memory_space<vmem>>) dst(%dma_wait3A_1361 : memref<8x128xf32, #tpu.memory_space<hbm>>)
        %add3A_1365 = arith.constant 0 : i32
        %add3A_1366 = arith.addi %add3A_1228, %add3A_1365 : i32
        %dma_wait3A_1367 = arith.constant 2 : i32
        %dma_wait3A_1368 = arith.constant 80 : i32
        %dma_wait3A_1369 = arith.constant 0 : i32
        %dma_wait3A_1370 = tpu.memref_slice %arg9[%dma_wait3A_1368, %dma_wait3A_1369] : memref<160x129xf32, #tpu.memory_space<vmem>> -> memref<8x128xf32, #tpu.memory_space<vmem>>
        %dma_wait3A_1371 = arith.constant 0 : i32
        %dma_wait3A_1372 = arith.constant 0 : i32
        %dma_wait3A_1373 = tpu.memref_slice %arg4[%shift_right_arithmetic3A_1219, %dma_wait3A_1367, %add3A_1366, %dma_wait3A_1371, %dma_wait3A_1372] : memref<200x4x32x8x128xf32, #tpu.memory_space<hbm>> -> memref<1x1x1x8x128xf32, #tpu.memory_space<hbm>>
        %dma_wait3A_1374 = tpu.memref_squeeze %dma_wait3A_1373 : memref<1x1x1x8x128xf32, #tpu.memory_space<hbm>> -> memref<8x128xf32, #tpu.memory_space<hbm>>
        %dma_wait3A_1375 = arith.constant 0 : i32
        %dma_wait3A_1376 = arith.constant 0 : i32
        %dma_wait3A_1377 = tpu.memref_slice %arg4[%shift_right_arithmetic3A_1219, %dma_wait3A_1367, %add3A_1366, %dma_wait3A_1375, %dma_wait3A_1376] : memref<200x4x32x8x128xf32, #tpu.memory_space<hbm>> -> memref<1x1x1x8x128xf32, #tpu.memory_space<hbm>>
        %dma_wait3A_1378 = tpu.memref_squeeze %dma_wait3A_1377 : memref<1x1x1x8x128xf32, #tpu.memory_space<hbm>> -> memref<8x128xf32, #tpu.memory_space<hbm>>
        %dma_wait3A_1379 = arith.constant 80 : i32
        %dma_wait3A_1380 = arith.constant 0 : i32
        %dma_wait3A_1381 = tpu.memref_slice %arg9[%dma_wait3A_1379, %dma_wait3A_1380] : memref<160x129xf32, #tpu.memory_space<vmem>> -> memref<8x128xf32, #tpu.memory_space<vmem>>
        tpu.wait_dma2 semaphore(%arg13 : memref<!tpu.dma_semaphore, #tpu.memory_space<semaphore_mem>>) src(%dma_wait3A_1381 : memref<8x128xf32, #tpu.memory_space<vmem>>) dst(%dma_wait3A_1378 : memref<8x128xf32, #tpu.memory_space<hbm>>)
        %add3A_1382 = arith.constant 1 : i32
        %add3A_1383 = arith.addi %add3A_1228, %add3A_1382 : i32
        %dma_wait3A_1384 = arith.constant 2 : i32
        %dma_wait3A_1385 = arith.constant 88 : i32
        %dma_wait3A_1386 = arith.constant 0 : i32
        %dma_wait3A_1387 = tpu.memref_slice %arg9[%dma_wait3A_1385, %dma_wait3A_1386] : memref<160x129xf32, #tpu.memory_space<vmem>> -> memref<8x128xf32, #tpu.memory_space<vmem>>
        %dma_wait3A_1388 = arith.constant 0 : i32
        %dma_wait3A_1389 = arith.constant 0 : i32
        %dma_wait3A_1390 = tpu.memref_slice %arg4[%shift_right_arithmetic3A_1219, %dma_wait3A_1384, %add3A_1383, %dma_wait3A_1388, %dma_wait3A_1389] : memref<200x4x32x8x128xf32, #tpu.memory_space<hbm>> -> memref<1x1x1x8x128xf32, #tpu.memory_space<hbm>>
        %dma_wait3A_1391 = tpu.memref_squeeze %dma_wait3A_1390 : memref<1x1x1x8x128xf32, #tpu.memory_space<hbm>> -> memref<8x128xf32, #tpu.memory_space<hbm>>
        %dma_wait3A_1392 = arith.constant 0 : i32
        %dma_wait3A_1393 = arith.constant 0 : i32
        %dma_wait3A_1394 = tpu.memref_slice %arg4[%shift_right_arithmetic3A_1219, %dma_wait3A_1384, %add3A_1383, %dma_wait3A_1392, %dma_wait3A_1393] : memref<200x4x32x8x128xf32, #tpu.memory_space<hbm>> -> memref<1x1x1x8x128xf32, #tpu.memory_space<hbm>>
        %dma_wait3A_1395 = tpu.memref_squeeze %dma_wait3A_1394 : memref<1x1x1x8x128xf32, #tpu.memory_space<hbm>> -> memref<8x128xf32, #tpu.memory_space<hbm>>
        %dma_wait3A_1396 = arith.constant 88 : i32
        %dma_wait3A_1397 = arith.constant 0 : i32
        %dma_wait3A_1398 = tpu.memref_slice %arg9[%dma_wait3A_1396, %dma_wait3A_1397] : memref<160x129xf32, #tpu.memory_space<vmem>> -> memref<8x128xf32, #tpu.memory_space<vmem>>
        tpu.wait_dma2 semaphore(%arg13 : memref<!tpu.dma_semaphore, #tpu.memory_space<semaphore_mem>>) src(%dma_wait3A_1398 : memref<8x128xf32, #tpu.memory_space<vmem>>) dst(%dma_wait3A_1395 : memref<8x128xf32, #tpu.memory_space<hbm>>)
        %add3A_1399 = arith.constant 2 : i32
        %add3A_1400 = arith.addi %add3A_1228, %add3A_1399 : i32
        %dma_wait3A_1401 = arith.constant 2 : i32
        %dma_wait3A_1402 = arith.constant 96 : i32
        %dma_wait3A_1403 = arith.constant 0 : i32
        %dma_wait3A_1404 = tpu.memref_slice %arg9[%dma_wait3A_1402, %dma_wait3A_1403] : memref<160x129xf32, #tpu.memory_space<vmem>> -> memref<8x128xf32, #tpu.memory_space<vmem>>
        %dma_wait3A_1405 = arith.constant 0 : i32
        %dma_wait3A_1406 = arith.constant 0 : i32
        %dma_wait3A_1407 = tpu.memref_slice %arg4[%shift_right_arithmetic3A_1219, %dma_wait3A_1401, %add3A_1400, %dma_wait3A_1405, %dma_wait3A_1406] : memref<200x4x32x8x128xf32, #tpu.memory_space<hbm>> -> memref<1x1x1x8x128xf32, #tpu.memory_space<hbm>>
        %dma_wait3A_1408 = tpu.memref_squeeze %dma_wait3A_1407 : memref<1x1x1x8x128xf32, #tpu.memory_space<hbm>> -> memref<8x128xf32, #tpu.memory_space<hbm>>
        %dma_wait3A_1409 = arith.constant 0 : i32
        %dma_wait3A_1410 = arith.constant 0 : i32
        %dma_wait3A_1411 = tpu.memref_slice %arg4[%shift_right_arithmetic3A_1219, %dma_wait3A_1401, %add3A_1400, %dma_wait3A_1409, %dma_wait3A_1410] : memref<200x4x32x8x128xf32, #tpu.memory_space<hbm>> -> memref<1x1x1x8x128xf32, #tpu.memory_space<hbm>>
        %dma_wait3A_1412 = tpu.memref_squeeze %dma_wait3A_1411 : memref<1x1x1x8x128xf32, #tpu.memory_space<hbm>> -> memref<8x128xf32, #tpu.memory_space<hbm>>
        %dma_wait3A_1413 = arith.constant 96 : i32
        %dma_wait3A_1414 = arith.constant 0 : i32
        %dma_wait3A_1415 = tpu.memref_slice %arg9[%dma_wait3A_1413, %dma_wait3A_1414] : memref<160x129xf32, #tpu.memory_space<vmem>> -> memref<8x128xf32, #tpu.memory_space<vmem>>
        tpu.wait_dma2 semaphore(%arg13 : memref<!tpu.dma_semaphore, #tpu.memory_space<semaphore_mem>>) src(%dma_wait3A_1415 : memref<8x128xf32, #tpu.memory_space<vmem>>) dst(%dma_wait3A_1412 : memref<8x128xf32, #tpu.memory_space<hbm>>)
        %add3A_1416 = arith.constant 3 : i32
        %add3A_1417 = arith.addi %add3A_1228, %add3A_1416 : i32
        %dma_wait3A_1418 = arith.constant 2 : i32
        %dma_wait3A_1419 = arith.constant 104 : i32
        %dma_wait3A_1420 = arith.constant 0 : i32
        %dma_wait3A_1421 = tpu.memref_slice %arg9[%dma_wait3A_1419, %dma_wait3A_1420] : memref<160x129xf32, #tpu.memory_space<vmem>> -> memref<8x128xf32, #tpu.memory_space<vmem>>
        %dma_wait3A_1422 = arith.constant 0 : i32
        %dma_wait3A_1423 = arith.constant 0 : i32
        %dma_wait3A_1424 = tpu.memref_slice %arg4[%shift_right_arithmetic3A_1219, %dma_wait3A_1418, %add3A_1417, %dma_wait3A_1422, %dma_wait3A_1423] : memref<200x4x32x8x128xf32, #tpu.memory_space<hbm>> -> memref<1x1x1x8x128xf32, #tpu.memory_space<hbm>>
        %dma_wait3A_1425 = tpu.memref_squeeze %dma_wait3A_1424 : memref<1x1x1x8x128xf32, #tpu.memory_space<hbm>> -> memref<8x128xf32, #tpu.memory_space<hbm>>
        %dma_wait3A_1426 = arith.constant 0 : i32
        %dma_wait3A_1427 = arith.constant 0 : i32
        %dma_wait3A_1428 = tpu.memref_slice %arg4[%shift_right_arithmetic3A_1219, %dma_wait3A_1418, %add3A_1417, %dma_wait3A_1426, %dma_wait3A_1427] : memref<200x4x32x8x128xf32, #tpu.memory_space<hbm>> -> memref<1x1x1x8x128xf32, #tpu.memory_space<hbm>>
        %dma_wait3A_1429 = tpu.memref_squeeze %dma_wait3A_1428 : memref<1x1x1x8x128xf32, #tpu.memory_space<hbm>> -> memref<8x128xf32, #tpu.memory_space<hbm>>
        %dma_wait3A_1430 = arith.constant 104 : i32
        %dma_wait3A_1431 = arith.constant 0 : i32
        %dma_wait3A_1432 = tpu.memref_slice %arg9[%dma_wait3A_1430, %dma_wait3A_1431] : memref<160x129xf32, #tpu.memory_space<vmem>> -> memref<8x128xf32, #tpu.memory_space<vmem>>
        tpu.wait_dma2 semaphore(%arg13 : memref<!tpu.dma_semaphore, #tpu.memory_space<semaphore_mem>>) src(%dma_wait3A_1432 : memref<8x128xf32, #tpu.memory_space<vmem>>) dst(%dma_wait3A_1429 : memref<8x128xf32, #tpu.memory_space<hbm>>)
        %add3A_1433 = arith.constant 0 : i32
        %add3A_1434 = arith.addi %add3A_1228, %add3A_1433 : i32
        %dma_wait3A_1435 = arith.constant 3 : i32
        %dma_wait3A_1436 = arith.constant 120 : i32
        %dma_wait3A_1437 = arith.constant 0 : i32
        %dma_wait3A_1438 = tpu.memref_slice %arg9[%dma_wait3A_1436, %dma_wait3A_1437] : memref<160x129xf32, #tpu.memory_space<vmem>> -> memref<8x128xf32, #tpu.memory_space<vmem>>
        %dma_wait3A_1439 = arith.constant 0 : i32
        %dma_wait3A_1440 = arith.constant 0 : i32
        %dma_wait3A_1441 = tpu.memref_slice %arg4[%shift_right_arithmetic3A_1219, %dma_wait3A_1435, %add3A_1434, %dma_wait3A_1439, %dma_wait3A_1440] : memref<200x4x32x8x128xf32, #tpu.memory_space<hbm>> -> memref<1x1x1x8x128xf32, #tpu.memory_space<hbm>>
        %dma_wait3A_1442 = tpu.memref_squeeze %dma_wait3A_1441 : memref<1x1x1x8x128xf32, #tpu.memory_space<hbm>> -> memref<8x128xf32, #tpu.memory_space<hbm>>
        %dma_wait3A_1443 = arith.constant 0 : i32
        %dma_wait3A_1444 = arith.constant 0 : i32
        %dma_wait3A_1445 = tpu.memref_slice %arg4[%shift_right_arithmetic3A_1219, %dma_wait3A_1435, %add3A_1434, %dma_wait3A_1443, %dma_wait3A_1444] : memref<200x4x32x8x128xf32, #tpu.memory_space<hbm>> -> memref<1x1x1x8x128xf32, #tpu.memory_space<hbm>>
        %dma_wait3A_1446 = tpu.memref_squeeze %dma_wait3A_1445 : memref<1x1x1x8x128xf32, #tpu.memory_space<hbm>> -> memref<8x128xf32, #tpu.memory_space<hbm>>
        %dma_wait3A_1447 = arith.constant 120 : i32
        %dma_wait3A_1448 = arith.constant 0 : i32
        %dma_wait3A_1449 = tpu.memref_slice %arg9[%dma_wait3A_1447, %dma_wait3A_1448] : memref<160x129xf32, #tpu.memory_space<vmem>> -> memref<8x128xf32, #tpu.memory_space<vmem>>
        tpu.wait_dma2 semaphore(%arg13 : memref<!tpu.dma_semaphore, #tpu.memory_space<semaphore_mem>>) src(%dma_wait3A_1449 : memref<8x128xf32, #tpu.memory_space<vmem>>) dst(%dma_wait3A_1446 : memref<8x128xf32, #tpu.memory_space<hbm>>)
        %add3A_1450 = arith.constant 1 : i32
        %add3A_1451 = arith.addi %add3A_1228, %add3A_1450 : i32
        %dma_wait3A_1452 = arith.constant 3 : i32
        %dma_wait3A_1453 = arith.constant 128 : i32
        %dma_wait3A_1454 = arith.constant 0 : i32
        %dma_wait3A_1455 = tpu.memref_slice %arg9[%dma_wait3A_1453, %dma_wait3A_1454] : memref<160x129xf32, #tpu.memory_space<vmem>> -> memref<8x128xf32, #tpu.memory_space<vmem>>
        %dma_wait3A_1456 = arith.constant 0 : i32
        %dma_wait3A_1457 = arith.constant 0 : i32
        %dma_wait3A_1458 = tpu.memref_slice %arg4[%shift_right_arithmetic3A_1219, %dma_wait3A_1452, %add3A_1451, %dma_wait3A_1456, %dma_wait3A_1457] : memref<200x4x32x8x128xf32, #tpu.memory_space<hbm>> -> memref<1x1x1x8x128xf32, #tpu.memory_space<hbm>>
        %dma_wait3A_1459 = tpu.memref_squeeze %dma_wait3A_1458 : memref<1x1x1x8x128xf32, #tpu.memory_space<hbm>> -> memref<8x128xf32, #tpu.memory_space<hbm>>
        %dma_wait3A_1460 = arith.constant 0 : i32
        %dma_wait3A_1461 = arith.constant 0 : i32
        %dma_wait3A_1462 = tpu.memref_slice %arg4[%shift_right_arithmetic3A_1219, %dma_wait3A_1452, %add3A_1451, %dma_wait3A_1460, %dma_wait3A_1461] : memref<200x4x32x8x128xf32, #tpu.memory_space<hbm>> -> memref<1x1x1x8x128xf32, #tpu.memory_space<hbm>>
        %dma_wait3A_1463 = tpu.memref_squeeze %dma_wait3A_1462 : memref<1x1x1x8x128xf32, #tpu.memory_space<hbm>> -> memref<8x128xf32, #tpu.memory_space<hbm>>
        %dma_wait3A_1464 = arith.constant 128 : i32
        %dma_wait3A_1465 = arith.constant 0 : i32
        %dma_wait3A_1466 = tpu.memref_slice %arg9[%dma_wait3A_1464, %dma_wait3A_1465] : memref<160x129xf32, #tpu.memory_space<vmem>> -> memref<8x128xf32, #tpu.memory_space<vmem>>
        tpu.wait_dma2 semaphore(%arg13 : memref<!tpu.dma_semaphore, #tpu.memory_space<semaphore_mem>>) src(%dma_wait3A_1466 : memref<8x128xf32, #tpu.memory_space<vmem>>) dst(%dma_wait3A_1463 : memref<8x128xf32, #tpu.memory_space<hbm>>)
        %add3A_1467 = arith.constant 2 : i32
        %add3A_1468 = arith.addi %add3A_1228, %add3A_1467 : i32
        %dma_wait3A_1469 = arith.constant 3 : i32
        %dma_wait3A_1470 = arith.constant 136 : i32
        %dma_wait3A_1471 = arith.constant 0 : i32
        %dma_wait3A_1472 = tpu.memref_slice %arg9[%dma_wait3A_1470, %dma_wait3A_1471] : memref<160x129xf32, #tpu.memory_space<vmem>> -> memref<8x128xf32, #tpu.memory_space<vmem>>
        %dma_wait3A_1473 = arith.constant 0 : i32
        %dma_wait3A_1474 = arith.constant 0 : i32
        %dma_wait3A_1475 = tpu.memref_slice %arg4[%shift_right_arithmetic3A_1219, %dma_wait3A_1469, %add3A_1468, %dma_wait3A_1473, %dma_wait3A_1474] : memref<200x4x32x8x128xf32, #tpu.memory_space<hbm>> -> memref<1x1x1x8x128xf32, #tpu.memory_space<hbm>>
        %dma_wait3A_1476 = tpu.memref_squeeze %dma_wait3A_1475 : memref<1x1x1x8x128xf32, #tpu.memory_space<hbm>> -> memref<8x128xf32, #tpu.memory_space<hbm>>
        %dma_wait3A_1477 = arith.constant 0 : i32
        %dma_wait3A_1478 = arith.constant 0 : i32
        %dma_wait3A_1479 = tpu.memref_slice %arg4[%shift_right_arithmetic3A_1219, %dma_wait3A_1469, %add3A_1468, %dma_wait3A_1477, %dma_wait3A_1478] : memref<200x4x32x8x128xf32, #tpu.memory_space<hbm>> -> memref<1x1x1x8x128xf32, #tpu.memory_space<hbm>>
        %dma_wait3A_1480 = tpu.memref_squeeze %dma_wait3A_1479 : memref<1x1x1x8x128xf32, #tpu.memory_space<hbm>> -> memref<8x128xf32, #tpu.memory_space<hbm>>
        %dma_wait3A_1481 = arith.constant 136 : i32
        %dma_wait3A_1482 = arith.constant 0 : i32
        %dma_wait3A_1483 = tpu.memref_slice %arg9[%dma_wait3A_1481, %dma_wait3A_1482] : memref<160x129xf32, #tpu.memory_space<vmem>> -> memref<8x128xf32, #tpu.memory_space<vmem>>
        tpu.wait_dma2 semaphore(%arg13 : memref<!tpu.dma_semaphore, #tpu.memory_space<semaphore_mem>>) src(%dma_wait3A_1483 : memref<8x128xf32, #tpu.memory_space<vmem>>) dst(%dma_wait3A_1480 : memref<8x128xf32, #tpu.memory_space<hbm>>)
        %add3A_1484 = arith.constant 3 : i32
        %add3A_1485 = arith.addi %add3A_1228, %add3A_1484 : i32
        %dma_wait3A_1486 = arith.constant 3 : i32
        %dma_wait3A_1487 = arith.constant 144 : i32
        %dma_wait3A_1488 = arith.constant 0 : i32
        %dma_wait3A_1489 = tpu.memref_slice %arg9[%dma_wait3A_1487, %dma_wait3A_1488] : memref<160x129xf32, #tpu.memory_space<vmem>> -> memref<8x128xf32, #tpu.memory_space<vmem>>
        %dma_wait3A_1490 = arith.constant 0 : i32
        %dma_wait3A_1491 = arith.constant 0 : i32
        %dma_wait3A_1492 = tpu.memref_slice %arg4[%shift_right_arithmetic3A_1219, %dma_wait3A_1486, %add3A_1485, %dma_wait3A_1490, %dma_wait3A_1491] : memref<200x4x32x8x128xf32, #tpu.memory_space<hbm>> -> memref<1x1x1x8x128xf32, #tpu.memory_space<hbm>>
        %dma_wait3A_1493 = tpu.memref_squeeze %dma_wait3A_1492 : memref<1x1x1x8x128xf32, #tpu.memory_space<hbm>> -> memref<8x128xf32, #tpu.memory_space<hbm>>
        %dma_wait3A_1494 = arith.constant 0 : i32
        %dma_wait3A_1495 = arith.constant 0 : i32
        %dma_wait3A_1496 = tpu.memref_slice %arg4[%shift_right_arithmetic3A_1219, %dma_wait3A_1486, %add3A_1485, %dma_wait3A_1494, %dma_wait3A_1495] : memref<200x4x32x8x128xf32, #tpu.memory_space<hbm>> -> memref<1x1x1x8x128xf32, #tpu.memory_space<hbm>>
        %dma_wait3A_1497 = tpu.memref_squeeze %dma_wait3A_1496 : memref<1x1x1x8x128xf32, #tpu.memory_space<hbm>> -> memref<8x128xf32, #tpu.memory_space<hbm>>
        %dma_wait3A_1498 = arith.constant 144 : i32
        %dma_wait3A_1499 = arith.constant 0 : i32
        %dma_wait3A_1500 = tpu.memref_slice %arg9[%dma_wait3A_1498, %dma_wait3A_1499] : memref<160x129xf32, #tpu.memory_space<vmem>> -> memref<8x128xf32, #tpu.memory_space<vmem>>
        tpu.wait_dma2 semaphore(%arg13 : memref<!tpu.dma_semaphore, #tpu.memory_space<semaphore_mem>>) src(%dma_wait3A_1500 : memref<8x128xf32, #tpu.memory_space<vmem>>) dst(%dma_wait3A_1497 : memref<8x128xf32, #tpu.memory_space<hbm>>)
        %sub3A_1501 = arith.constant 2 : i32
        %sub3A_1502 = arith.subi %mul3A_604, %sub3A_1501 : i32
        %mul3A_1503 = arith.constant 25 : i32
        %mul3A_1504 = arith.muli %add3A, %mul3A_1503 : i32
        %shift_right_arithmetic3A_1505 = arith.constant 1 : i32
        %shift_right_arithmetic3A_1506 = arith.shrsi %sub3A_1502, %shift_right_arithmetic3A_1505 : i32
        %add3A_1507 = arith.addi %mul3A_1504, %shift_right_arithmetic3A_1506 : i32
        %shift_right_arithmetic3A_1508 = arith.constant 2 : i32
        %shift_right_arithmetic3A_1509 = arith.shrsi %add3A_1507, %shift_right_arithmetic3A_1508 : i32
        %and3A_1510 = arith.constant 3 : i32
        %and3A_1511 = arith.andi %add3A_1507, %and3A_1510 : i32
        %shift_left3A_1512 = arith.constant 3 : i32
        %shift_left3A_1513 = arith.shli %and3A_1511, %shift_left3A_1512 : i32
        %and3A_1514 = arith.constant 1 : i32
        %and3A_1515 = arith.andi %sub3A_1502, %and3A_1514 : i32
        %shift_left3A_1516 = arith.constant 2 : i32
        %shift_left3A_1517 = arith.shli %and3A_1515, %shift_left3A_1516 : i32
        %add3A_1518 = arith.addi %shift_left3A_1513, %shift_left3A_1517 : i32
        %add3A_1519 = arith.constant 0 : i32
        %add3A_1520 = arith.addi %add3A_1518, %add3A_1519 : i32
        %dma_wait3A_1521 = arith.constant 0 : i32
        %dma_wait3A_1522 = arith.constant 0 : i32
        %dma_wait3A_1523 = arith.constant 0 : i32
        %dma_wait3A_1524 = tpu.memref_slice %arg8[%dma_wait3A_1522, %dma_wait3A_1523] : memref<160x129xf32, #tpu.memory_space<vmem>> -> memref<8x128xf32, #tpu.memory_space<vmem>>
        %dma_wait3A_1525 = arith.constant 0 : i32
        %dma_wait3A_1526 = arith.constant 0 : i32
        %dma_wait3A_1527 = tpu.memref_slice %arg4[%shift_right_arithmetic3A_1509, %dma_wait3A_1521, %add3A_1520, %dma_wait3A_1525, %dma_wait3A_1526] : memref<200x4x32x8x128xf32, #tpu.memory_space<hbm>> -> memref<1x1x1x8x128xf32, #tpu.memory_space<hbm>>
        %dma_wait3A_1528 = tpu.memref_squeeze %dma_wait3A_1527 : memref<1x1x1x8x128xf32, #tpu.memory_space<hbm>> -> memref<8x128xf32, #tpu.memory_space<hbm>>
        %dma_wait3A_1529 = arith.constant 0 : i32
        %dma_wait3A_1530 = arith.constant 0 : i32
        %dma_wait3A_1531 = tpu.memref_slice %arg4[%shift_right_arithmetic3A_1509, %dma_wait3A_1521, %add3A_1520, %dma_wait3A_1529, %dma_wait3A_1530] : memref<200x4x32x8x128xf32, #tpu.memory_space<hbm>> -> memref<1x1x1x8x128xf32, #tpu.memory_space<hbm>>
        %dma_wait3A_1532 = tpu.memref_squeeze %dma_wait3A_1531 : memref<1x1x1x8x128xf32, #tpu.memory_space<hbm>> -> memref<8x128xf32, #tpu.memory_space<hbm>>
        %dma_wait3A_1533 = arith.constant 0 : i32
        %dma_wait3A_1534 = arith.constant 0 : i32
        %dma_wait3A_1535 = tpu.memref_slice %arg8[%dma_wait3A_1533, %dma_wait3A_1534] : memref<160x129xf32, #tpu.memory_space<vmem>> -> memref<8x128xf32, #tpu.memory_space<vmem>>
        tpu.wait_dma2 semaphore(%arg12 : memref<!tpu.dma_semaphore, #tpu.memory_space<semaphore_mem>>) src(%dma_wait3A_1535 : memref<8x128xf32, #tpu.memory_space<vmem>>) dst(%dma_wait3A_1532 : memref<8x128xf32, #tpu.memory_space<hbm>>)
        %add3A_1536 = arith.constant 1 : i32
        %add3A_1537 = arith.addi %add3A_1518, %add3A_1536 : i32
        %dma_wait3A_1538 = arith.constant 0 : i32
        %dma_wait3A_1539 = arith.constant 8 : i32
        %dma_wait3A_1540 = arith.constant 0 : i32
        %dma_wait3A_1541 = tpu.memref_slice %arg8[%dma_wait3A_1539, %dma_wait3A_1540] : memref<160x129xf32, #tpu.memory_space<vmem>> -> memref<8x128xf32, #tpu.memory_space<vmem>>
        %dma_wait3A_1542 = arith.constant 0 : i32
        %dma_wait3A_1543 = arith.constant 0 : i32
        %dma_wait3A_1544 = tpu.memref_slice %arg4[%shift_right_arithmetic3A_1509, %dma_wait3A_1538, %add3A_1537, %dma_wait3A_1542, %dma_wait3A_1543] : memref<200x4x32x8x128xf32, #tpu.memory_space<hbm>> -> memref<1x1x1x8x128xf32, #tpu.memory_space<hbm>>
        %dma_wait3A_1545 = tpu.memref_squeeze %dma_wait3A_1544 : memref<1x1x1x8x128xf32, #tpu.memory_space<hbm>> -> memref<8x128xf32, #tpu.memory_space<hbm>>
        %dma_wait3A_1546 = arith.constant 0 : i32
        %dma_wait3A_1547 = arith.constant 0 : i32
        %dma_wait3A_1548 = tpu.memref_slice %arg4[%shift_right_arithmetic3A_1509, %dma_wait3A_1538, %add3A_1537, %dma_wait3A_1546, %dma_wait3A_1547] : memref<200x4x32x8x128xf32, #tpu.memory_space<hbm>> -> memref<1x1x1x8x128xf32, #tpu.memory_space<hbm>>
        %dma_wait3A_1549 = tpu.memref_squeeze %dma_wait3A_1548 : memref<1x1x1x8x128xf32, #tpu.memory_space<hbm>> -> memref<8x128xf32, #tpu.memory_space<hbm>>
        %dma_wait3A_1550 = arith.constant 8 : i32
        %dma_wait3A_1551 = arith.constant 0 : i32
        %dma_wait3A_1552 = tpu.memref_slice %arg8[%dma_wait3A_1550, %dma_wait3A_1551] : memref<160x129xf32, #tpu.memory_space<vmem>> -> memref<8x128xf32, #tpu.memory_space<vmem>>
        tpu.wait_dma2 semaphore(%arg12 : memref<!tpu.dma_semaphore, #tpu.memory_space<semaphore_mem>>) src(%dma_wait3A_1552 : memref<8x128xf32, #tpu.memory_space<vmem>>) dst(%dma_wait3A_1549 : memref<8x128xf32, #tpu.memory_space<hbm>>)
        %add3A_1553 = arith.constant 2 : i32
        %add3A_1554 = arith.addi %add3A_1518, %add3A_1553 : i32
        %dma_wait3A_1555 = arith.constant 0 : i32
        %dma_wait3A_1556 = arith.constant 16 : i32
        %dma_wait3A_1557 = arith.constant 0 : i32
        %dma_wait3A_1558 = tpu.memref_slice %arg8[%dma_wait3A_1556, %dma_wait3A_1557] : memref<160x129xf32, #tpu.memory_space<vmem>> -> memref<8x128xf32, #tpu.memory_space<vmem>>
        %dma_wait3A_1559 = arith.constant 0 : i32
        %dma_wait3A_1560 = arith.constant 0 : i32
        %dma_wait3A_1561 = tpu.memref_slice %arg4[%shift_right_arithmetic3A_1509, %dma_wait3A_1555, %add3A_1554, %dma_wait3A_1559, %dma_wait3A_1560] : memref<200x4x32x8x128xf32, #tpu.memory_space<hbm>> -> memref<1x1x1x8x128xf32, #tpu.memory_space<hbm>>
        %dma_wait3A_1562 = tpu.memref_squeeze %dma_wait3A_1561 : memref<1x1x1x8x128xf32, #tpu.memory_space<hbm>> -> memref<8x128xf32, #tpu.memory_space<hbm>>
        %dma_wait3A_1563 = arith.constant 0 : i32
        %dma_wait3A_1564 = arith.constant 0 : i32
        %dma_wait3A_1565 = tpu.memref_slice %arg4[%shift_right_arithmetic3A_1509, %dma_wait3A_1555, %add3A_1554, %dma_wait3A_1563, %dma_wait3A_1564] : memref<200x4x32x8x128xf32, #tpu.memory_space<hbm>> -> memref<1x1x1x8x128xf32, #tpu.memory_space<hbm>>
        %dma_wait3A_1566 = tpu.memref_squeeze %dma_wait3A_1565 : memref<1x1x1x8x128xf32, #tpu.memory_space<hbm>> -> memref<8x128xf32, #tpu.memory_space<hbm>>
        %dma_wait3A_1567 = arith.constant 16 : i32
        %dma_wait3A_1568 = arith.constant 0 : i32
        %dma_wait3A_1569 = tpu.memref_slice %arg8[%dma_wait3A_1567, %dma_wait3A_1568] : memref<160x129xf32, #tpu.memory_space<vmem>> -> memref<8x128xf32, #tpu.memory_space<vmem>>
        tpu.wait_dma2 semaphore(%arg12 : memref<!tpu.dma_semaphore, #tpu.memory_space<semaphore_mem>>) src(%dma_wait3A_1569 : memref<8x128xf32, #tpu.memory_space<vmem>>) dst(%dma_wait3A_1566 : memref<8x128xf32, #tpu.memory_space<hbm>>)
        %add3A_1570 = arith.constant 3 : i32
        %add3A_1571 = arith.addi %add3A_1518, %add3A_1570 : i32
        %dma_wait3A_1572 = arith.constant 0 : i32
        %dma_wait3A_1573 = arith.constant 24 : i32
        %dma_wait3A_1574 = arith.constant 0 : i32
        %dma_wait3A_1575 = tpu.memref_slice %arg8[%dma_wait3A_1573, %dma_wait3A_1574] : memref<160x129xf32, #tpu.memory_space<vmem>> -> memref<8x128xf32, #tpu.memory_space<vmem>>
        %dma_wait3A_1576 = arith.constant 0 : i32
        %dma_wait3A_1577 = arith.constant 0 : i32
        %dma_wait3A_1578 = tpu.memref_slice %arg4[%shift_right_arithmetic3A_1509, %dma_wait3A_1572, %add3A_1571, %dma_wait3A_1576, %dma_wait3A_1577] : memref<200x4x32x8x128xf32, #tpu.memory_space<hbm>> -> memref<1x1x1x8x128xf32, #tpu.memory_space<hbm>>
        %dma_wait3A_1579 = tpu.memref_squeeze %dma_wait3A_1578 : memref<1x1x1x8x128xf32, #tpu.memory_space<hbm>> -> memref<8x128xf32, #tpu.memory_space<hbm>>
        %dma_wait3A_1580 = arith.constant 0 : i32
        %dma_wait3A_1581 = arith.constant 0 : i32
        %dma_wait3A_1582 = tpu.memref_slice %arg4[%shift_right_arithmetic3A_1509, %dma_wait3A_1572, %add3A_1571, %dma_wait3A_1580, %dma_wait3A_1581] : memref<200x4x32x8x128xf32, #tpu.memory_space<hbm>> -> memref<1x1x1x8x128xf32, #tpu.memory_space<hbm>>
        %dma_wait3A_1583 = tpu.memref_squeeze %dma_wait3A_1582 : memref<1x1x1x8x128xf32, #tpu.memory_space<hbm>> -> memref<8x128xf32, #tpu.memory_space<hbm>>
        %dma_wait3A_1584 = arith.constant 24 : i32
        %dma_wait3A_1585 = arith.constant 0 : i32
        %dma_wait3A_1586 = tpu.memref_slice %arg8[%dma_wait3A_1584, %dma_wait3A_1585] : memref<160x129xf32, #tpu.memory_space<vmem>> -> memref<8x128xf32, #tpu.memory_space<vmem>>
        tpu.wait_dma2 semaphore(%arg12 : memref<!tpu.dma_semaphore, #tpu.memory_space<semaphore_mem>>) src(%dma_wait3A_1586 : memref<8x128xf32, #tpu.memory_space<vmem>>) dst(%dma_wait3A_1583 : memref<8x128xf32, #tpu.memory_space<hbm>>)
        %add3A_1587 = arith.constant 0 : i32
        %add3A_1588 = arith.addi %add3A_1518, %add3A_1587 : i32
        %dma_wait3A_1589 = arith.constant 1 : i32
        %dma_wait3A_1590 = arith.constant 40 : i32
        %dma_wait3A_1591 = arith.constant 0 : i32
        %dma_wait3A_1592 = tpu.memref_slice %arg8[%dma_wait3A_1590, %dma_wait3A_1591] : memref<160x129xf32, #tpu.memory_space<vmem>> -> memref<8x128xf32, #tpu.memory_space<vmem>>
        %dma_wait3A_1593 = arith.constant 0 : i32
        %dma_wait3A_1594 = arith.constant 0 : i32
        %dma_wait3A_1595 = tpu.memref_slice %arg4[%shift_right_arithmetic3A_1509, %dma_wait3A_1589, %add3A_1588, %dma_wait3A_1593, %dma_wait3A_1594] : memref<200x4x32x8x128xf32, #tpu.memory_space<hbm>> -> memref<1x1x1x8x128xf32, #tpu.memory_space<hbm>>
        %dma_wait3A_1596 = tpu.memref_squeeze %dma_wait3A_1595 : memref<1x1x1x8x128xf32, #tpu.memory_space<hbm>> -> memref<8x128xf32, #tpu.memory_space<hbm>>
        %dma_wait3A_1597 = arith.constant 0 : i32
        %dma_wait3A_1598 = arith.constant 0 : i32
        %dma_wait3A_1599 = tpu.memref_slice %arg4[%shift_right_arithmetic3A_1509, %dma_wait3A_1589, %add3A_1588, %dma_wait3A_1597, %dma_wait3A_1598] : memref<200x4x32x8x128xf32, #tpu.memory_space<hbm>> -> memref<1x1x1x8x128xf32, #tpu.memory_space<hbm>>
        %dma_wait3A_1600 = tpu.memref_squeeze %dma_wait3A_1599 : memref<1x1x1x8x128xf32, #tpu.memory_space<hbm>> -> memref<8x128xf32, #tpu.memory_space<hbm>>
        %dma_wait3A_1601 = arith.constant 40 : i32
        %dma_wait3A_1602 = arith.constant 0 : i32
        %dma_wait3A_1603 = tpu.memref_slice %arg8[%dma_wait3A_1601, %dma_wait3A_1602] : memref<160x129xf32, #tpu.memory_space<vmem>> -> memref<8x128xf32, #tpu.memory_space<vmem>>
        tpu.wait_dma2 semaphore(%arg12 : memref<!tpu.dma_semaphore, #tpu.memory_space<semaphore_mem>>) src(%dma_wait3A_1603 : memref<8x128xf32, #tpu.memory_space<vmem>>) dst(%dma_wait3A_1600 : memref<8x128xf32, #tpu.memory_space<hbm>>)
        %add3A_1604 = arith.constant 1 : i32
        %add3A_1605 = arith.addi %add3A_1518, %add3A_1604 : i32
        %dma_wait3A_1606 = arith.constant 1 : i32
        %dma_wait3A_1607 = arith.constant 48 : i32
        %dma_wait3A_1608 = arith.constant 0 : i32
        %dma_wait3A_1609 = tpu.memref_slice %arg8[%dma_wait3A_1607, %dma_wait3A_1608] : memref<160x129xf32, #tpu.memory_space<vmem>> -> memref<8x128xf32, #tpu.memory_space<vmem>>
        %dma_wait3A_1610 = arith.constant 0 : i32
        %dma_wait3A_1611 = arith.constant 0 : i32
        %dma_wait3A_1612 = tpu.memref_slice %arg4[%shift_right_arithmetic3A_1509, %dma_wait3A_1606, %add3A_1605, %dma_wait3A_1610, %dma_wait3A_1611] : memref<200x4x32x8x128xf32, #tpu.memory_space<hbm>> -> memref<1x1x1x8x128xf32, #tpu.memory_space<hbm>>
        %dma_wait3A_1613 = tpu.memref_squeeze %dma_wait3A_1612 : memref<1x1x1x8x128xf32, #tpu.memory_space<hbm>> -> memref<8x128xf32, #tpu.memory_space<hbm>>
        %dma_wait3A_1614 = arith.constant 0 : i32
        %dma_wait3A_1615 = arith.constant 0 : i32
        %dma_wait3A_1616 = tpu.memref_slice %arg4[%shift_right_arithmetic3A_1509, %dma_wait3A_1606, %add3A_1605, %dma_wait3A_1614, %dma_wait3A_1615] : memref<200x4x32x8x128xf32, #tpu.memory_space<hbm>> -> memref<1x1x1x8x128xf32, #tpu.memory_space<hbm>>
        %dma_wait3A_1617 = tpu.memref_squeeze %dma_wait3A_1616 : memref<1x1x1x8x128xf32, #tpu.memory_space<hbm>> -> memref<8x128xf32, #tpu.memory_space<hbm>>
        %dma_wait3A_1618 = arith.constant 48 : i32
        %dma_wait3A_1619 = arith.constant 0 : i32
        %dma_wait3A_1620 = tpu.memref_slice %arg8[%dma_wait3A_1618, %dma_wait3A_1619] : memref<160x129xf32, #tpu.memory_space<vmem>> -> memref<8x128xf32, #tpu.memory_space<vmem>>
        tpu.wait_dma2 semaphore(%arg12 : memref<!tpu.dma_semaphore, #tpu.memory_space<semaphore_mem>>) src(%dma_wait3A_1620 : memref<8x128xf32, #tpu.memory_space<vmem>>) dst(%dma_wait3A_1617 : memref<8x128xf32, #tpu.memory_space<hbm>>)
        %add3A_1621 = arith.constant 2 : i32
        %add3A_1622 = arith.addi %add3A_1518, %add3A_1621 : i32
        %dma_wait3A_1623 = arith.constant 1 : i32
        %dma_wait3A_1624 = arith.constant 56 : i32
        %dma_wait3A_1625 = arith.constant 0 : i32
        %dma_wait3A_1626 = tpu.memref_slice %arg8[%dma_wait3A_1624, %dma_wait3A_1625] : memref<160x129xf32, #tpu.memory_space<vmem>> -> memref<8x128xf32, #tpu.memory_space<vmem>>
        %dma_wait3A_1627 = arith.constant 0 : i32
        %dma_wait3A_1628 = arith.constant 0 : i32
        %dma_wait3A_1629 = tpu.memref_slice %arg4[%shift_right_arithmetic3A_1509, %dma_wait3A_1623, %add3A_1622, %dma_wait3A_1627, %dma_wait3A_1628] : memref<200x4x32x8x128xf32, #tpu.memory_space<hbm>> -> memref<1x1x1x8x128xf32, #tpu.memory_space<hbm>>
        %dma_wait3A_1630 = tpu.memref_squeeze %dma_wait3A_1629 : memref<1x1x1x8x128xf32, #tpu.memory_space<hbm>> -> memref<8x128xf32, #tpu.memory_space<hbm>>
        %dma_wait3A_1631 = arith.constant 0 : i32
        %dma_wait3A_1632 = arith.constant 0 : i32
        %dma_wait3A_1633 = tpu.memref_slice %arg4[%shift_right_arithmetic3A_1509, %dma_wait3A_1623, %add3A_1622, %dma_wait3A_1631, %dma_wait3A_1632] : memref<200x4x32x8x128xf32, #tpu.memory_space<hbm>> -> memref<1x1x1x8x128xf32, #tpu.memory_space<hbm>>
        %dma_wait3A_1634 = tpu.memref_squeeze %dma_wait3A_1633 : memref<1x1x1x8x128xf32, #tpu.memory_space<hbm>> -> memref<8x128xf32, #tpu.memory_space<hbm>>
        %dma_wait3A_1635 = arith.constant 56 : i32
        %dma_wait3A_1636 = arith.constant 0 : i32
        %dma_wait3A_1637 = tpu.memref_slice %arg8[%dma_wait3A_1635, %dma_wait3A_1636] : memref<160x129xf32, #tpu.memory_space<vmem>> -> memref<8x128xf32, #tpu.memory_space<vmem>>
        tpu.wait_dma2 semaphore(%arg12 : memref<!tpu.dma_semaphore, #tpu.memory_space<semaphore_mem>>) src(%dma_wait3A_1637 : memref<8x128xf32, #tpu.memory_space<vmem>>) dst(%dma_wait3A_1634 : memref<8x128xf32, #tpu.memory_space<hbm>>)
        %add3A_1638 = arith.constant 3 : i32
        %add3A_1639 = arith.addi %add3A_1518, %add3A_1638 : i32
        %dma_wait3A_1640 = arith.constant 1 : i32
        %dma_wait3A_1641 = arith.constant 64 : i32
        %dma_wait3A_1642 = arith.constant 0 : i32
        %dma_wait3A_1643 = tpu.memref_slice %arg8[%dma_wait3A_1641, %dma_wait3A_1642] : memref<160x129xf32, #tpu.memory_space<vmem>> -> memref<8x128xf32, #tpu.memory_space<vmem>>
        %dma_wait3A_1644 = arith.constant 0 : i32
        %dma_wait3A_1645 = arith.constant 0 : i32
        %dma_wait3A_1646 = tpu.memref_slice %arg4[%shift_right_arithmetic3A_1509, %dma_wait3A_1640, %add3A_1639, %dma_wait3A_1644, %dma_wait3A_1645] : memref<200x4x32x8x128xf32, #tpu.memory_space<hbm>> -> memref<1x1x1x8x128xf32, #tpu.memory_space<hbm>>
        %dma_wait3A_1647 = tpu.memref_squeeze %dma_wait3A_1646 : memref<1x1x1x8x128xf32, #tpu.memory_space<hbm>> -> memref<8x128xf32, #tpu.memory_space<hbm>>
        %dma_wait3A_1648 = arith.constant 0 : i32
        %dma_wait3A_1649 = arith.constant 0 : i32
        %dma_wait3A_1650 = tpu.memref_slice %arg4[%shift_right_arithmetic3A_1509, %dma_wait3A_1640, %add3A_1639, %dma_wait3A_1648, %dma_wait3A_1649] : memref<200x4x32x8x128xf32, #tpu.memory_space<hbm>> -> memref<1x1x1x8x128xf32, #tpu.memory_space<hbm>>
        %dma_wait3A_1651 = tpu.memref_squeeze %dma_wait3A_1650 : memref<1x1x1x8x128xf32, #tpu.memory_space<hbm>> -> memref<8x128xf32, #tpu.memory_space<hbm>>
        %dma_wait3A_1652 = arith.constant 64 : i32
        %dma_wait3A_1653 = arith.constant 0 : i32
        %dma_wait3A_1654 = tpu.memref_slice %arg8[%dma_wait3A_1652, %dma_wait3A_1653] : memref<160x129xf32, #tpu.memory_space<vmem>> -> memref<8x128xf32, #tpu.memory_space<vmem>>
        tpu.wait_dma2 semaphore(%arg12 : memref<!tpu.dma_semaphore, #tpu.memory_space<semaphore_mem>>) src(%dma_wait3A_1654 : memref<8x128xf32, #tpu.memory_space<vmem>>) dst(%dma_wait3A_1651 : memref<8x128xf32, #tpu.memory_space<hbm>>)
        %add3A_1655 = arith.constant 0 : i32
        %add3A_1656 = arith.addi %add3A_1518, %add3A_1655 : i32
        %dma_wait3A_1657 = arith.constant 2 : i32
        %dma_wait3A_1658 = arith.constant 80 : i32
        %dma_wait3A_1659 = arith.constant 0 : i32
        %dma_wait3A_1660 = tpu.memref_slice %arg8[%dma_wait3A_1658, %dma_wait3A_1659] : memref<160x129xf32, #tpu.memory_space<vmem>> -> memref<8x128xf32, #tpu.memory_space<vmem>>
        %dma_wait3A_1661 = arith.constant 0 : i32
        %dma_wait3A_1662 = arith.constant 0 : i32
        %dma_wait3A_1663 = tpu.memref_slice %arg4[%shift_right_arithmetic3A_1509, %dma_wait3A_1657, %add3A_1656, %dma_wait3A_1661, %dma_wait3A_1662] : memref<200x4x32x8x128xf32, #tpu.memory_space<hbm>> -> memref<1x1x1x8x128xf32, #tpu.memory_space<hbm>>
        %dma_wait3A_1664 = tpu.memref_squeeze %dma_wait3A_1663 : memref<1x1x1x8x128xf32, #tpu.memory_space<hbm>> -> memref<8x128xf32, #tpu.memory_space<hbm>>
        %dma_wait3A_1665 = arith.constant 0 : i32
        %dma_wait3A_1666 = arith.constant 0 : i32
        %dma_wait3A_1667 = tpu.memref_slice %arg4[%shift_right_arithmetic3A_1509, %dma_wait3A_1657, %add3A_1656, %dma_wait3A_1665, %dma_wait3A_1666] : memref<200x4x32x8x128xf32, #tpu.memory_space<hbm>> -> memref<1x1x1x8x128xf32, #tpu.memory_space<hbm>>
        %dma_wait3A_1668 = tpu.memref_squeeze %dma_wait3A_1667 : memref<1x1x1x8x128xf32, #tpu.memory_space<hbm>> -> memref<8x128xf32, #tpu.memory_space<hbm>>
        %dma_wait3A_1669 = arith.constant 80 : i32
        %dma_wait3A_1670 = arith.constant 0 : i32
        %dma_wait3A_1671 = tpu.memref_slice %arg8[%dma_wait3A_1669, %dma_wait3A_1670] : memref<160x129xf32, #tpu.memory_space<vmem>> -> memref<8x128xf32, #tpu.memory_space<vmem>>
        tpu.wait_dma2 semaphore(%arg12 : memref<!tpu.dma_semaphore, #tpu.memory_space<semaphore_mem>>) src(%dma_wait3A_1671 : memref<8x128xf32, #tpu.memory_space<vmem>>) dst(%dma_wait3A_1668 : memref<8x128xf32, #tpu.memory_space<hbm>>)
        %add3A_1672 = arith.constant 1 : i32
        %add3A_1673 = arith.addi %add3A_1518, %add3A_1672 : i32
        %dma_wait3A_1674 = arith.constant 2 : i32
        %dma_wait3A_1675 = arith.constant 88 : i32
        %dma_wait3A_1676 = arith.constant 0 : i32
        %dma_wait3A_1677 = tpu.memref_slice %arg8[%dma_wait3A_1675, %dma_wait3A_1676] : memref<160x129xf32, #tpu.memory_space<vmem>> -> memref<8x128xf32, #tpu.memory_space<vmem>>
        %dma_wait3A_1678 = arith.constant 0 : i32
        %dma_wait3A_1679 = arith.constant 0 : i32
        %dma_wait3A_1680 = tpu.memref_slice %arg4[%shift_right_arithmetic3A_1509, %dma_wait3A_1674, %add3A_1673, %dma_wait3A_1678, %dma_wait3A_1679] : memref<200x4x32x8x128xf32, #tpu.memory_space<hbm>> -> memref<1x1x1x8x128xf32, #tpu.memory_space<hbm>>
        %dma_wait3A_1681 = tpu.memref_squeeze %dma_wait3A_1680 : memref<1x1x1x8x128xf32, #tpu.memory_space<hbm>> -> memref<8x128xf32, #tpu.memory_space<hbm>>
        %dma_wait3A_1682 = arith.constant 0 : i32
        %dma_wait3A_1683 = arith.constant 0 : i32
        %dma_wait3A_1684 = tpu.memref_slice %arg4[%shift_right_arithmetic3A_1509, %dma_wait3A_1674, %add3A_1673, %dma_wait3A_1682, %dma_wait3A_1683] : memref<200x4x32x8x128xf32, #tpu.memory_space<hbm>> -> memref<1x1x1x8x128xf32, #tpu.memory_space<hbm>>
        %dma_wait3A_1685 = tpu.memref_squeeze %dma_wait3A_1684 : memref<1x1x1x8x128xf32, #tpu.memory_space<hbm>> -> memref<8x128xf32, #tpu.memory_space<hbm>>
        %dma_wait3A_1686 = arith.constant 88 : i32
        %dma_wait3A_1687 = arith.constant 0 : i32
        %dma_wait3A_1688 = tpu.memref_slice %arg8[%dma_wait3A_1686, %dma_wait3A_1687] : memref<160x129xf32, #tpu.memory_space<vmem>> -> memref<8x128xf32, #tpu.memory_space<vmem>>
        tpu.wait_dma2 semaphore(%arg12 : memref<!tpu.dma_semaphore, #tpu.memory_space<semaphore_mem>>) src(%dma_wait3A_1688 : memref<8x128xf32, #tpu.memory_space<vmem>>) dst(%dma_wait3A_1685 : memref<8x128xf32, #tpu.memory_space<hbm>>)
        %add3A_1689 = arith.constant 2 : i32
        %add3A_1690 = arith.addi %add3A_1518, %add3A_1689 : i32
        %dma_wait3A_1691 = arith.constant 2 : i32
        %dma_wait3A_1692 = arith.constant 96 : i32
        %dma_wait3A_1693 = arith.constant 0 : i32
        %dma_wait3A_1694 = tpu.memref_slice %arg8[%dma_wait3A_1692, %dma_wait3A_1693] : memref<160x129xf32, #tpu.memory_space<vmem>> -> memref<8x128xf32, #tpu.memory_space<vmem>>
        %dma_wait3A_1695 = arith.constant 0 : i32
        %dma_wait3A_1696 = arith.constant 0 : i32
        %dma_wait3A_1697 = tpu.memref_slice %arg4[%shift_right_arithmetic3A_1509, %dma_wait3A_1691, %add3A_1690, %dma_wait3A_1695, %dma_wait3A_1696] : memref<200x4x32x8x128xf32, #tpu.memory_space<hbm>> -> memref<1x1x1x8x128xf32, #tpu.memory_space<hbm>>
        %dma_wait3A_1698 = tpu.memref_squeeze %dma_wait3A_1697 : memref<1x1x1x8x128xf32, #tpu.memory_space<hbm>> -> memref<8x128xf32, #tpu.memory_space<hbm>>
        %dma_wait3A_1699 = arith.constant 0 : i32
        %dma_wait3A_1700 = arith.constant 0 : i32
        %dma_wait3A_1701 = tpu.memref_slice %arg4[%shift_right_arithmetic3A_1509, %dma_wait3A_1691, %add3A_1690, %dma_wait3A_1699, %dma_wait3A_1700] : memref<200x4x32x8x128xf32, #tpu.memory_space<hbm>> -> memref<1x1x1x8x128xf32, #tpu.memory_space<hbm>>
        %dma_wait3A_1702 = tpu.memref_squeeze %dma_wait3A_1701 : memref<1x1x1x8x128xf32, #tpu.memory_space<hbm>> -> memref<8x128xf32, #tpu.memory_space<hbm>>
        %dma_wait3A_1703 = arith.constant 96 : i32
        %dma_wait3A_1704 = arith.constant 0 : i32
        %dma_wait3A_1705 = tpu.memref_slice %arg8[%dma_wait3A_1703, %dma_wait3A_1704] : memref<160x129xf32, #tpu.memory_space<vmem>> -> memref<8x128xf32, #tpu.memory_space<vmem>>
        tpu.wait_dma2 semaphore(%arg12 : memref<!tpu.dma_semaphore, #tpu.memory_space<semaphore_mem>>) src(%dma_wait3A_1705 : memref<8x128xf32, #tpu.memory_space<vmem>>) dst(%dma_wait3A_1702 : memref<8x128xf32, #tpu.memory_space<hbm>>)
        %add3A_1706 = arith.constant 3 : i32
        %add3A_1707 = arith.addi %add3A_1518, %add3A_1706 : i32
        %dma_wait3A_1708 = arith.constant 2 : i32
        %dma_wait3A_1709 = arith.constant 104 : i32
        %dma_wait3A_1710 = arith.constant 0 : i32
        %dma_wait3A_1711 = tpu.memref_slice %arg8[%dma_wait3A_1709, %dma_wait3A_1710] : memref<160x129xf32, #tpu.memory_space<vmem>> -> memref<8x128xf32, #tpu.memory_space<vmem>>
        %dma_wait3A_1712 = arith.constant 0 : i32
        %dma_wait3A_1713 = arith.constant 0 : i32
        %dma_wait3A_1714 = tpu.memref_slice %arg4[%shift_right_arithmetic3A_1509, %dma_wait3A_1708, %add3A_1707, %dma_wait3A_1712, %dma_wait3A_1713] : memref<200x4x32x8x128xf32, #tpu.memory_space<hbm>> -> memref<1x1x1x8x128xf32, #tpu.memory_space<hbm>>
        %dma_wait3A_1715 = tpu.memref_squeeze %dma_wait3A_1714 : memref<1x1x1x8x128xf32, #tpu.memory_space<hbm>> -> memref<8x128xf32, #tpu.memory_space<hbm>>
        %dma_wait3A_1716 = arith.constant 0 : i32
        %dma_wait3A_1717 = arith.constant 0 : i32
        %dma_wait3A_1718 = tpu.memref_slice %arg4[%shift_right_arithmetic3A_1509, %dma_wait3A_1708, %add3A_1707, %dma_wait3A_1716, %dma_wait3A_1717] : memref<200x4x32x8x128xf32, #tpu.memory_space<hbm>> -> memref<1x1x1x8x128xf32, #tpu.memory_space<hbm>>
        %dma_wait3A_1719 = tpu.memref_squeeze %dma_wait3A_1718 : memref<1x1x1x8x128xf32, #tpu.memory_space<hbm>> -> memref<8x128xf32, #tpu.memory_space<hbm>>
        %dma_wait3A_1720 = arith.constant 104 : i32
        %dma_wait3A_1721 = arith.constant 0 : i32
        %dma_wait3A_1722 = tpu.memref_slice %arg8[%dma_wait3A_1720, %dma_wait3A_1721] : memref<160x129xf32, #tpu.memory_space<vmem>> -> memref<8x128xf32, #tpu.memory_space<vmem>>
        tpu.wait_dma2 semaphore(%arg12 : memref<!tpu.dma_semaphore, #tpu.memory_space<semaphore_mem>>) src(%dma_wait3A_1722 : memref<8x128xf32, #tpu.memory_space<vmem>>) dst(%dma_wait3A_1719 : memref<8x128xf32, #tpu.memory_space<hbm>>)
        %add3A_1723 = arith.constant 0 : i32
        %add3A_1724 = arith.addi %add3A_1518, %add3A_1723 : i32
        %dma_wait3A_1725 = arith.constant 3 : i32
        %dma_wait3A_1726 = arith.constant 120 : i32
        %dma_wait3A_1727 = arith.constant 0 : i32
        %dma_wait3A_1728 = tpu.memref_slice %arg8[%dma_wait3A_1726, %dma_wait3A_1727] : memref<160x129xf32, #tpu.memory_space<vmem>> -> memref<8x128xf32, #tpu.memory_space<vmem>>
        %dma_wait3A_1729 = arith.constant 0 : i32
        %dma_wait3A_1730 = arith.constant 0 : i32
        %dma_wait3A_1731 = tpu.memref_slice %arg4[%shift_right_arithmetic3A_1509, %dma_wait3A_1725, %add3A_1724, %dma_wait3A_1729, %dma_wait3A_1730] : memref<200x4x32x8x128xf32, #tpu.memory_space<hbm>> -> memref<1x1x1x8x128xf32, #tpu.memory_space<hbm>>
        %dma_wait3A_1732 = tpu.memref_squeeze %dma_wait3A_1731 : memref<1x1x1x8x128xf32, #tpu.memory_space<hbm>> -> memref<8x128xf32, #tpu.memory_space<hbm>>
        %dma_wait3A_1733 = arith.constant 0 : i32
        %dma_wait3A_1734 = arith.constant 0 : i32
        %dma_wait3A_1735 = tpu.memref_slice %arg4[%shift_right_arithmetic3A_1509, %dma_wait3A_1725, %add3A_1724, %dma_wait3A_1733, %dma_wait3A_1734] : memref<200x4x32x8x128xf32, #tpu.memory_space<hbm>> -> memref<1x1x1x8x128xf32, #tpu.memory_space<hbm>>
        %dma_wait3A_1736 = tpu.memref_squeeze %dma_wait3A_1735 : memref<1x1x1x8x128xf32, #tpu.memory_space<hbm>> -> memref<8x128xf32, #tpu.memory_space<hbm>>
        %dma_wait3A_1737 = arith.constant 120 : i32
        %dma_wait3A_1738 = arith.constant 0 : i32
        %dma_wait3A_1739 = tpu.memref_slice %arg8[%dma_wait3A_1737, %dma_wait3A_1738] : memref<160x129xf32, #tpu.memory_space<vmem>> -> memref<8x128xf32, #tpu.memory_space<vmem>>
        tpu.wait_dma2 semaphore(%arg12 : memref<!tpu.dma_semaphore, #tpu.memory_space<semaphore_mem>>) src(%dma_wait3A_1739 : memref<8x128xf32, #tpu.memory_space<vmem>>) dst(%dma_wait3A_1736 : memref<8x128xf32, #tpu.memory_space<hbm>>)
        %add3A_1740 = arith.constant 1 : i32
        %add3A_1741 = arith.addi %add3A_1518, %add3A_1740 : i32
        %dma_wait3A_1742 = arith.constant 3 : i32
        %dma_wait3A_1743 = arith.constant 128 : i32
        %dma_wait3A_1744 = arith.constant 0 : i32
        %dma_wait3A_1745 = tpu.memref_slice %arg8[%dma_wait3A_1743, %dma_wait3A_1744] : memref<160x129xf32, #tpu.memory_space<vmem>> -> memref<8x128xf32, #tpu.memory_space<vmem>>
        %dma_wait3A_1746 = arith.constant 0 : i32
        %dma_wait3A_1747 = arith.constant 0 : i32
        %dma_wait3A_1748 = tpu.memref_slice %arg4[%shift_right_arithmetic3A_1509, %dma_wait3A_1742, %add3A_1741, %dma_wait3A_1746, %dma_wait3A_1747] : memref<200x4x32x8x128xf32, #tpu.memory_space<hbm>> -> memref<1x1x1x8x128xf32, #tpu.memory_space<hbm>>
        %dma_wait3A_1749 = tpu.memref_squeeze %dma_wait3A_1748 : memref<1x1x1x8x128xf32, #tpu.memory_space<hbm>> -> memref<8x128xf32, #tpu.memory_space<hbm>>
        %dma_wait3A_1750 = arith.constant 0 : i32
        %dma_wait3A_1751 = arith.constant 0 : i32
        %dma_wait3A_1752 = tpu.memref_slice %arg4[%shift_right_arithmetic3A_1509, %dma_wait3A_1742, %add3A_1741, %dma_wait3A_1750, %dma_wait3A_1751] : memref<200x4x32x8x128xf32, #tpu.memory_space<hbm>> -> memref<1x1x1x8x128xf32, #tpu.memory_space<hbm>>
        %dma_wait3A_1753 = tpu.memref_squeeze %dma_wait3A_1752 : memref<1x1x1x8x128xf32, #tpu.memory_space<hbm>> -> memref<8x128xf32, #tpu.memory_space<hbm>>
        %dma_wait3A_1754 = arith.constant 128 : i32
        %dma_wait3A_1755 = arith.constant 0 : i32
        %dma_wait3A_1756 = tpu.memref_slice %arg8[%dma_wait3A_1754, %dma_wait3A_1755] : memref<160x129xf32, #tpu.memory_space<vmem>> -> memref<8x128xf32, #tpu.memory_space<vmem>>
        tpu.wait_dma2 semaphore(%arg12 : memref<!tpu.dma_semaphore, #tpu.memory_space<semaphore_mem>>) src(%dma_wait3A_1756 : memref<8x128xf32, #tpu.memory_space<vmem>>) dst(%dma_wait3A_1753 : memref<8x128xf32, #tpu.memory_space<hbm>>)
        %add3A_1757 = arith.constant 2 : i32
        %add3A_1758 = arith.addi %add3A_1518, %add3A_1757 : i32
        %dma_wait3A_1759 = arith.constant 3 : i32
        %dma_wait3A_1760 = arith.constant 136 : i32
        %dma_wait3A_1761 = arith.constant 0 : i32
        %dma_wait3A_1762 = tpu.memref_slice %arg8[%dma_wait3A_1760, %dma_wait3A_1761] : memref<160x129xf32, #tpu.memory_space<vmem>> -> memref<8x128xf32, #tpu.memory_space<vmem>>
        %dma_wait3A_1763 = arith.constant 0 : i32
        %dma_wait3A_1764 = arith.constant 0 : i32
        %dma_wait3A_1765 = tpu.memref_slice %arg4[%shift_right_arithmetic3A_1509, %dma_wait3A_1759, %add3A_1758, %dma_wait3A_1763, %dma_wait3A_1764] : memref<200x4x32x8x128xf32, #tpu.memory_space<hbm>> -> memref<1x1x1x8x128xf32, #tpu.memory_space<hbm>>
        %dma_wait3A_1766 = tpu.memref_squeeze %dma_wait3A_1765 : memref<1x1x1x8x128xf32, #tpu.memory_space<hbm>> -> memref<8x128xf32, #tpu.memory_space<hbm>>
        %dma_wait3A_1767 = arith.constant 0 : i32
        %dma_wait3A_1768 = arith.constant 0 : i32
        %dma_wait3A_1769 = tpu.memref_slice %arg4[%shift_right_arithmetic3A_1509, %dma_wait3A_1759, %add3A_1758, %dma_wait3A_1767, %dma_wait3A_1768] : memref<200x4x32x8x128xf32, #tpu.memory_space<hbm>> -> memref<1x1x1x8x128xf32, #tpu.memory_space<hbm>>
        %dma_wait3A_1770 = tpu.memref_squeeze %dma_wait3A_1769 : memref<1x1x1x8x128xf32, #tpu.memory_space<hbm>> -> memref<8x128xf32, #tpu.memory_space<hbm>>
        %dma_wait3A_1771 = arith.constant 136 : i32
        %dma_wait3A_1772 = arith.constant 0 : i32
        %dma_wait3A_1773 = tpu.memref_slice %arg8[%dma_wait3A_1771, %dma_wait3A_1772] : memref<160x129xf32, #tpu.memory_space<vmem>> -> memref<8x128xf32, #tpu.memory_space<vmem>>
        tpu.wait_dma2 semaphore(%arg12 : memref<!tpu.dma_semaphore, #tpu.memory_space<semaphore_mem>>) src(%dma_wait3A_1773 : memref<8x128xf32, #tpu.memory_space<vmem>>) dst(%dma_wait3A_1770 : memref<8x128xf32, #tpu.memory_space<hbm>>)
        %add3A_1774 = arith.constant 3 : i32
        %add3A_1775 = arith.addi %add3A_1518, %add3A_1774 : i32
        %dma_wait3A_1776 = arith.constant 3 : i32
        %dma_wait3A_1777 = arith.constant 144 : i32
        %dma_wait3A_1778 = arith.constant 0 : i32
        %dma_wait3A_1779 = tpu.memref_slice %arg8[%dma_wait3A_1777, %dma_wait3A_1778] : memref<160x129xf32, #tpu.memory_space<vmem>> -> memref<8x128xf32, #tpu.memory_space<vmem>>
        %dma_wait3A_1780 = arith.constant 0 : i32
        %dma_wait3A_1781 = arith.constant 0 : i32
        %dma_wait3A_1782 = tpu.memref_slice %arg4[%shift_right_arithmetic3A_1509, %dma_wait3A_1776, %add3A_1775, %dma_wait3A_1780, %dma_wait3A_1781] : memref<200x4x32x8x128xf32, #tpu.memory_space<hbm>> -> memref<1x1x1x8x128xf32, #tpu.memory_space<hbm>>
        %dma_wait3A_1783 = tpu.memref_squeeze %dma_wait3A_1782 : memref<1x1x1x8x128xf32, #tpu.memory_space<hbm>> -> memref<8x128xf32, #tpu.memory_space<hbm>>
        %dma_wait3A_1784 = arith.constant 0 : i32
        %dma_wait3A_1785 = arith.constant 0 : i32
        %dma_wait3A_1786 = tpu.memref_slice %arg4[%shift_right_arithmetic3A_1509, %dma_wait3A_1776, %add3A_1775, %dma_wait3A_1784, %dma_wait3A_1785] : memref<200x4x32x8x128xf32, #tpu.memory_space<hbm>> -> memref<1x1x1x8x128xf32, #tpu.memory_space<hbm>>
        %dma_wait3A_1787 = tpu.memref_squeeze %dma_wait3A_1786 : memref<1x1x1x8x128xf32, #tpu.memory_space<hbm>> -> memref<8x128xf32, #tpu.memory_space<hbm>>
        %dma_wait3A_1788 = arith.constant 144 : i32
        %dma_wait3A_1789 = arith.constant 0 : i32
        %dma_wait3A_1790 = tpu.memref_slice %arg8[%dma_wait3A_1788, %dma_wait3A_1789] : memref<160x129xf32, #tpu.memory_space<vmem>> -> memref<8x128xf32, #tpu.memory_space<vmem>>
        tpu.wait_dma2 semaphore(%arg12 : memref<!tpu.dma_semaphore, #tpu.memory_space<semaphore_mem>>) src(%dma_wait3A_1790 : memref<8x128xf32, #tpu.memory_space<vmem>>) dst(%dma_wait3A_1787 : memref<8x128xf32, #tpu.memory_space<hbm>>)
      } else {
      }
      %mul3A_609 = arith.constant 512 : i32
      %mul3A_610 = arith.muli %add3A_606, %mul3A_609 : i32
      %dma_start3A_611 = tpu.memref_slice %arg5[%mul3A_610] : memref<25600xi32, #tpu.memory_space<vmem>> -> memref<512xi32, #tpu.memory_space<vmem>>
      %dma_start3A_612 = arith.constant 0 : i32
      %dma_start3A_613 = arith.constant 0 : i32
      %dma_start3A_614 = tpu.memref_slice %arg2[%dma_start3A_612, %dma_start3A_613] : memref<1000000x32xf32, #tpu.memory_space<hbm>> -> memref<1000000x32xf32, #tpu.memory_space<hbm>>
      tpu.enqueue_indirect_dma source(%dma_start3A_614 : memref<1000000x32xf32, #tpu.memory_space<hbm>>) target(%arg7 : memref<512x32xf32, #tpu.memory_space<vmem>>) offsets(%dma_start3A_611 : memref<512xi32, #tpu.memory_space<vmem>>) semaphore(%arg11 : memref<!tpu.dma_semaphore, #tpu.memory_space<semaphore_mem>>)
      %mul3A_615 = arith.constant 512 : i32
      %mul3A_616 = arith.muli %mul3A_604, %mul3A_615 : i32
      %dma_wait3A_617 = tpu.memref_slice %arg5[%mul3A_616] : memref<25600xi32, #tpu.memory_space<vmem>> -> memref<512xi32, #tpu.memory_space<vmem>>
      %dma_wait3A_618 = arith.constant 0 : i32
      %dma_wait3A_619 = arith.constant 0 : i32
      %dma_wait3A_620 = tpu.memref_slice %arg2[%dma_wait3A_618, %dma_wait3A_619] : memref<1000000x32xf32, #tpu.memory_space<hbm>> -> memref<1000000x32xf32, #tpu.memory_space<hbm>>
      tpu.wait_indirect_dma semaphore(%arg10 : memref<!tpu.dma_semaphore, #tpu.memory_space<semaphore_mem>>) src(%dma_wait3A_620 : memref<1000000x32xf32, #tpu.memory_space<hbm>>) dst(%arg6 : memref<512x32xf32, #tpu.memory_space<vmem>>)
      %parallel_loop3A = arith.constant 0 : i32
      %parallel_loop3A_621 = arith.constant 512 : i32
      %parallel_loop3A_622 = arith.constant 1 : i32
      scf.for %parallel_loop3A_1212 = %parallel_loop3A to %parallel_loop3A_621 step %parallel_loop3A_622  : i32 {
        %parallel_loop3A_1213 = arith.constant 7 : i32
        %parallel_loop3A_1214 = arith.shrsi %parallel_loop3A_1212, %parallel_loop3A_1213 : i32
        %parallel_loop3A_1215 = arith.constant 8 : i32
        %parallel_loop3A_1216 = arith.muli %parallel_loop3A_1214, %parallel_loop3A_1215 : i32
        %parallel_loop3A_1217 = vector.broadcast %parallel_loop3A_1216 : i32 to vector<16xi32>
        %parallel_loop3A_1218 = arith.constant 127 : i32
        %parallel_loop3A_1219 = arith.andi %parallel_loop3A_1212, %parallel_loop3A_1218 : i32
        %parallel_loop3A_1220 = vector.broadcast %parallel_loop3A_1219 : i32 to vector<16xi32>
        %parallel_loop3A_1221 = arith.index_cast %parallel_loop3A_1212 : i32 to index
        %parallel_loop3A_1222 = arith.constant 0 : index
        %parallel_loop3A_1223 = tpu.vector_load %arg6[%parallel_loop3A_1221, %parallel_loop3A_1222] {strides = array<i32>} : memref<512x32xf32, #tpu.memory_space<vmem>>, vector<16xf32>,
        %parallel_loop3A_1224 = arith.constant 5.65685415 : f32
        %parallel_loop3A_1225 = vector.broadcast %parallel_loop3A_1224 : f32 to vector<16xf32>
        %parallel_loop3A_1226 = arith.mulf %parallel_loop3A_1223, %parallel_loop3A_1225 : vector<16xf32>
        %parallel_loop3A_1227 = arith.addi %add3A_13, %parallel_loop3A_1217 : vector<16xi32>
        tpu.vector_store_idx %arg8[%parallel_loop3A_1227, %parallel_loop3A_1220], %parallel_loop3A_1226 : memref<160x129xf32, #tpu.memory_space<vmem>>[vector<16xi32>, vector<16xi32>], vector<16xf32>,
        %parallel_loop3A_1228 = arith.index_cast %parallel_loop3A_1212 : i32 to index
        %parallel_loop3A_1229 = arith.constant 16 : index
        %parallel_loop3A_1230 = tpu.vector_load %arg6[%parallel_loop3A_1228, %parallel_loop3A_1229] {strides = array<i32>} : memref<512x32xf32, #tpu.memory_space<vmem>>, vector<16xf32>,
        %parallel_loop3A_1231 = arith.constant 5.65685415 : f32
        %parallel_loop3A_1232 = vector.broadcast %parallel_loop3A_1231 : f32 to vector<16xf32>
        %parallel_loop3A_1233 = arith.mulf %parallel_loop3A_1230, %parallel_loop3A_1232 : vector<16xf32>
        %parallel_loop3A_1234 = arith.addi %add3A_26, %parallel_loop3A_1217 : vector<16xi32>
        tpu.vector_store_idx %arg8[%parallel_loop3A_1234, %parallel_loop3A_1220], %parallel_loop3A_1233 : memref<160x129xf32, #tpu.memory_space<vmem>>[vector<16xi32>, vector<16xi32>], vector<16xf32>,
      } {sc.loop_unroll_factor = 4 : i64, sc.parallel_access}
      %mul3A_623 = arith.constant 25 : i32
      %mul3A_624 = arith.muli %add3A, %mul3A_623 : i32
      %shift_right_arithmetic3A_625 = arith.constant 1 : i32
      %shift_right_arithmetic3A_626 = arith.shrsi %mul3A_604, %shift_right_arithmetic3A_625 : i32
      %add3A_627 = arith.addi %mul3A_624, %shift_right_arithmetic3A_626 : i32
      %shift_right_arithmetic3A_628 = arith.constant 2 : i32
      %shift_right_arithmetic3A_629 = arith.shrsi %add3A_627, %shift_right_arithmetic3A_628 : i32
      %and3A_630 = arith.constant 3 : i32
      %and3A_631 = arith.andi %add3A_627, %and3A_630 : i32
      %shift_left3A_632 = arith.constant 3 : i32
      %shift_left3A_633 = arith.shli %and3A_631, %shift_left3A_632 : i32
      %and3A_634 = arith.constant 1 : i32
      %and3A_635 = arith.andi %mul3A_604, %and3A_634 : i32
      %shift_left3A_636 = arith.constant 2 : i32
      %shift_left3A_637 = arith.shli %and3A_635, %shift_left3A_636 : i32
      %add3A_638 = arith.addi %shift_left3A_633, %shift_left3A_637 : i32
      %add3A_639 = arith.constant 0 : i32
      %add3A_640 = arith.addi %add3A_638, %add3A_639 : i32
      %dma_start3A_641 = arith.constant 0 : i32
      %dma_start3A_642 = arith.constant 0 : i32
      %dma_start3A_643 = arith.constant 0 : i32
      %dma_start3A_644 = tpu.memref_slice %arg8[%dma_start3A_642, %dma_start3A_643] : memref<160x129xf32, #tpu.memory_space<vmem>> -> memref<8x128xf32, #tpu.memory_space<vmem>>
      %dma_start3A_645 = arith.constant 0 : i32
      %dma_start3A_646 = arith.constant 0 : i32
      %dma_start3A_647 = tpu.memref_slice %arg4[%shift_right_arithmetic3A_629, %dma_start3A_641, %add3A_640, %dma_start3A_645, %dma_start3A_646] : memref<200x4x32x8x128xf32, #tpu.memory_space<hbm>> -> memref<1x1x1x8x128xf32, #tpu.memory_space<hbm>>
      %dma_start3A_648 = tpu.memref_squeeze %dma_start3A_647 : memref<1x1x1x8x128xf32, #tpu.memory_space<hbm>> -> memref<8x128xf32, #tpu.memory_space<hbm>>
      %dma_start3A_649 = arith.constant 0 : i32
      %dma_start3A_650 = arith.constant 0 : i32
      %dma_start3A_651 = tpu.memref_slice %arg4[%shift_right_arithmetic3A_629, %dma_start3A_641, %add3A_640, %dma_start3A_649, %dma_start3A_650] : memref<200x4x32x8x128xf32, #tpu.memory_space<hbm>> -> memref<1x1x1x8x128xf32, #tpu.memory_space<hbm>>
      %dma_start3A_652 = tpu.memref_squeeze %dma_start3A_651 : memref<1x1x1x8x128xf32, #tpu.memory_space<hbm>> -> memref<8x128xf32, #tpu.memory_space<hbm>>
      %dma_start3A_653 = arith.constant 0 : i32
      %dma_start3A_654 = arith.constant 0 : i32
      %dma_start3A_655 = tpu.memref_slice %arg8[%dma_start3A_653, %dma_start3A_654] : memref<160x129xf32, #tpu.memory_space<vmem>> -> memref<8x128xf32, #tpu.memory_space<vmem>>
      tpu.enqueue_dma source(%dma_start3A_655 : memref<8x128xf32, #tpu.memory_space<vmem>>) target(%dma_start3A_652 : memref<8x128xf32, #tpu.memory_space<hbm>>) target_semaphore(%arg12 : memref<!tpu.dma_semaphore, #tpu.memory_space<semaphore_mem>>)
      %add3A_656 = arith.constant 1 : i32
      %add3A_657 = arith.addi %add3A_638, %add3A_656 : i32
      %dma_start3A_658 = arith.constant 0 : i32
      %dma_start3A_659 = arith.constant 8 : i32
      %dma_start3A_660 = arith.constant 0 : i32
      %dma_start3A_661 = tpu.memref_slice %arg8[%dma_start3A_659, %dma_start3A_660] : memref<160x129xf32, #tpu.memory_space<vmem>> -> memref<8x128xf32, #tpu.memory_space<vmem>>
      %dma_start3A_662 = arith.constant 0 : i32
      %dma_start3A_663 = arith.constant 0 : i32
      %dma_start3A_664 = tpu.memref_slice %arg4[%shift_right_arithmetic3A_629, %dma_start3A_658, %add3A_657, %dma_start3A_662, %dma_start3A_663] : memref<200x4x32x8x128xf32, #tpu.memory_space<hbm>> -> memref<1x1x1x8x128xf32, #tpu.memory_space<hbm>>
      %dma_start3A_665 = tpu.memref_squeeze %dma_start3A_664 : memref<1x1x1x8x128xf32, #tpu.memory_space<hbm>> -> memref<8x128xf32, #tpu.memory_space<hbm>>
      %dma_start3A_666 = arith.constant 0 : i32
      %dma_start3A_667 = arith.constant 0 : i32
      %dma_start3A_668 = tpu.memref_slice %arg4[%shift_right_arithmetic3A_629, %dma_start3A_658, %add3A_657, %dma_start3A_666, %dma_start3A_667] : memref<200x4x32x8x128xf32, #tpu.memory_space<hbm>> -> memref<1x1x1x8x128xf32, #tpu.memory_space<hbm>>
      %dma_start3A_669 = tpu.memref_squeeze %dma_start3A_668 : memref<1x1x1x8x128xf32, #tpu.memory_space<hbm>> -> memref<8x128xf32, #tpu.memory_space<hbm>>
      %dma_start3A_670 = arith.constant 8 : i32
      %dma_start3A_671 = arith.constant 0 : i32
      %dma_start3A_672 = tpu.memref_slice %arg8[%dma_start3A_670, %dma_start3A_671] : memref<160x129xf32, #tpu.memory_space<vmem>> -> memref<8x128xf32, #tpu.memory_space<vmem>>
      tpu.enqueue_dma source(%dma_start3A_672 : memref<8x128xf32, #tpu.memory_space<vmem>>) target(%dma_start3A_669 : memref<8x128xf32, #tpu.memory_space<hbm>>) target_semaphore(%arg12 : memref<!tpu.dma_semaphore, #tpu.memory_space<semaphore_mem>>)
      %add3A_673 = arith.constant 2 : i32
      %add3A_674 = arith.addi %add3A_638, %add3A_673 : i32
      %dma_start3A_675 = arith.constant 0 : i32
      %dma_start3A_676 = arith.constant 16 : i32
      %dma_start3A_677 = arith.constant 0 : i32
      %dma_start3A_678 = tpu.memref_slice %arg8[%dma_start3A_676, %dma_start3A_677] : memref<160x129xf32, #tpu.memory_space<vmem>> -> memref<8x128xf32, #tpu.memory_space<vmem>>
      %dma_start3A_679 = arith.constant 0 : i32
      %dma_start3A_680 = arith.constant 0 : i32
      %dma_start3A_681 = tpu.memref_slice %arg4[%shift_right_arithmetic3A_629, %dma_start3A_675, %add3A_674, %dma_start3A_679, %dma_start3A_680] : memref<200x4x32x8x128xf32, #tpu.memory_space<hbm>> -> memref<1x1x1x8x128xf32, #tpu.memory_space<hbm>>
      %dma_start3A_682 = tpu.memref_squeeze %dma_start3A_681 : memref<1x1x1x8x128xf32, #tpu.memory_space<hbm>> -> memref<8x128xf32, #tpu.memory_space<hbm>>
      %dma_start3A_683 = arith.constant 0 : i32
      %dma_start3A_684 = arith.constant 0 : i32
      %dma_start3A_685 = tpu.memref_slice %arg4[%shift_right_arithmetic3A_629, %dma_start3A_675, %add3A_674, %dma_start3A_683, %dma_start3A_684] : memref<200x4x32x8x128xf32, #tpu.memory_space<hbm>> -> memref<1x1x1x8x128xf32, #tpu.memory_space<hbm>>
      %dma_start3A_686 = tpu.memref_squeeze %dma_start3A_685 : memref<1x1x1x8x128xf32, #tpu.memory_space<hbm>> -> memref<8x128xf32, #tpu.memory_space<hbm>>
      %dma_start3A_687 = arith.constant 16 : i32
      %dma_start3A_688 = arith.constant 0 : i32
      %dma_start3A_689 = tpu.memref_slice %arg8[%dma_start3A_687, %dma_start3A_688] : memref<160x129xf32, #tpu.memory_space<vmem>> -> memref<8x128xf32, #tpu.memory_space<vmem>>
      tpu.enqueue_dma source(%dma_start3A_689 : memref<8x128xf32, #tpu.memory_space<vmem>>) target(%dma_start3A_686 : memref<8x128xf32, #tpu.memory_space<hbm>>) target_semaphore(%arg12 : memref<!tpu.dma_semaphore, #tpu.memory_space<semaphore_mem>>)
      %add3A_690 = arith.constant 3 : i32
      %add3A_691 = arith.addi %add3A_638, %add3A_690 : i32
      %dma_start3A_692 = arith.constant 0 : i32
      %dma_start3A_693 = arith.constant 24 : i32
      %dma_start3A_694 = arith.constant 0 : i32
      %dma_start3A_695 = tpu.memref_slice %arg8[%dma_start3A_693, %dma_start3A_694] : memref<160x129xf32, #tpu.memory_space<vmem>> -> memref<8x128xf32, #tpu.memory_space<vmem>>
      %dma_start3A_696 = arith.constant 0 : i32
      %dma_start3A_697 = arith.constant 0 : i32
      %dma_start3A_698 = tpu.memref_slice %arg4[%shift_right_arithmetic3A_629, %dma_start3A_692, %add3A_691, %dma_start3A_696, %dma_start3A_697] : memref<200x4x32x8x128xf32, #tpu.memory_space<hbm>> -> memref<1x1x1x8x128xf32, #tpu.memory_space<hbm>>
      %dma_start3A_699 = tpu.memref_squeeze %dma_start3A_698 : memref<1x1x1x8x128xf32, #tpu.memory_space<hbm>> -> memref<8x128xf32, #tpu.memory_space<hbm>>
      %dma_start3A_700 = arith.constant 0 : i32
      %dma_start3A_701 = arith.constant 0 : i32
      %dma_start3A_702 = tpu.memref_slice %arg4[%shift_right_arithmetic3A_629, %dma_start3A_692, %add3A_691, %dma_start3A_700, %dma_start3A_701] : memref<200x4x32x8x128xf32, #tpu.memory_space<hbm>> -> memref<1x1x1x8x128xf32, #tpu.memory_space<hbm>>
      %dma_start3A_703 = tpu.memref_squeeze %dma_start3A_702 : memref<1x1x1x8x128xf32, #tpu.memory_space<hbm>> -> memref<8x128xf32, #tpu.memory_space<hbm>>
      %dma_start3A_704 = arith.constant 24 : i32
      %dma_start3A_705 = arith.constant 0 : i32
      %dma_start3A_706 = tpu.memref_slice %arg8[%dma_start3A_704, %dma_start3A_705] : memref<160x129xf32, #tpu.memory_space<vmem>> -> memref<8x128xf32, #tpu.memory_space<vmem>>
      tpu.enqueue_dma source(%dma_start3A_706 : memref<8x128xf32, #tpu.memory_space<vmem>>) target(%dma_start3A_703 : memref<8x128xf32, #tpu.memory_space<hbm>>) target_semaphore(%arg12 : memref<!tpu.dma_semaphore, #tpu.memory_space<semaphore_mem>>)
      %add3A_707 = arith.constant 0 : i32
      %add3A_708 = arith.addi %add3A_638, %add3A_707 : i32
      %dma_start3A_709 = arith.constant 1 : i32
      %dma_start3A_710 = arith.constant 40 : i32
      %dma_start3A_711 = arith.constant 0 : i32
      %dma_start3A_712 = tpu.memref_slice %arg8[%dma_start3A_710, %dma_start3A_711] : memref<160x129xf32, #tpu.memory_space<vmem>> -> memref<8x128xf32, #tpu.memory_space<vmem>>
      %dma_start3A_713 = arith.constant 0 : i32
      %dma_start3A_714 = arith.constant 0 : i32
      %dma_start3A_715 = tpu.memref_slice %arg4[%shift_right_arithmetic3A_629, %dma_start3A_709, %add3A_708, %dma_start3A_713, %dma_start3A_714] : memref<200x4x32x8x128xf32, #tpu.memory_space<hbm>> -> memref<1x1x1x8x128xf32, #tpu.memory_space<hbm>>
      %dma_start3A_716 = tpu.memref_squeeze %dma_start3A_715 : memref<1x1x1x8x128xf32, #tpu.memory_space<hbm>> -> memref<8x128xf32, #tpu.memory_space<hbm>>
      %dma_start3A_717 = arith.constant 0 : i32
      %dma_start3A_718 = arith.constant 0 : i32
      %dma_start3A_719 = tpu.memref_slice %arg4[%shift_right_arithmetic3A_629, %dma_start3A_709, %add3A_708, %dma_start3A_717, %dma_start3A_718] : memref<200x4x32x8x128xf32, #tpu.memory_space<hbm>> -> memref<1x1x1x8x128xf32, #tpu.memory_space<hbm>>
      %dma_start3A_720 = tpu.memref_squeeze %dma_start3A_719 : memref<1x1x1x8x128xf32, #tpu.memory_space<hbm>> -> memref<8x128xf32, #tpu.memory_space<hbm>>
      %dma_start3A_721 = arith.constant 40 : i32
      %dma_start3A_722 = arith.constant 0 : i32
      %dma_start3A_723 = tpu.memref_slice %arg8[%dma_start3A_721, %dma_start3A_722] : memref<160x129xf32, #tpu.memory_space<vmem>> -> memref<8x128xf32, #tpu.memory_space<vmem>>
      tpu.enqueue_dma source(%dma_start3A_723 : memref<8x128xf32, #tpu.memory_space<vmem>>) target(%dma_start3A_720 : memref<8x128xf32, #tpu.memory_space<hbm>>) target_semaphore(%arg12 : memref<!tpu.dma_semaphore, #tpu.memory_space<semaphore_mem>>)
      %add3A_724 = arith.constant 1 : i32
      %add3A_725 = arith.addi %add3A_638, %add3A_724 : i32
      %dma_start3A_726 = arith.constant 1 : i32
      %dma_start3A_727 = arith.constant 48 : i32
      %dma_start3A_728 = arith.constant 0 : i32
      %dma_start3A_729 = tpu.memref_slice %arg8[%dma_start3A_727, %dma_start3A_728] : memref<160x129xf32, #tpu.memory_space<vmem>> -> memref<8x128xf32, #tpu.memory_space<vmem>>
      %dma_start3A_730 = arith.constant 0 : i32
      %dma_start3A_731 = arith.constant 0 : i32
      %dma_start3A_732 = tpu.memref_slice %arg4[%shift_right_arithmetic3A_629, %dma_start3A_726, %add3A_725, %dma_start3A_730, %dma_start3A_731] : memref<200x4x32x8x128xf32, #tpu.memory_space<hbm>> -> memref<1x1x1x8x128xf32, #tpu.memory_space<hbm>>
      %dma_start3A_733 = tpu.memref_squeeze %dma_start3A_732 : memref<1x1x1x8x128xf32, #tpu.memory_space<hbm>> -> memref<8x128xf32, #tpu.memory_space<hbm>>
      %dma_start3A_734 = arith.constant 0 : i32
      %dma_start3A_735 = arith.constant 0 : i32
      %dma_start3A_736 = tpu.memref_slice %arg4[%shift_right_arithmetic3A_629, %dma_start3A_726, %add3A_725, %dma_start3A_734, %dma_start3A_735] : memref<200x4x32x8x128xf32, #tpu.memory_space<hbm>> -> memref<1x1x1x8x128xf32, #tpu.memory_space<hbm>>
      %dma_start3A_737 = tpu.memref_squeeze %dma_start3A_736 : memref<1x1x1x8x128xf32, #tpu.memory_space<hbm>> -> memref<8x128xf32, #tpu.memory_space<hbm>>
      %dma_start3A_738 = arith.constant 48 : i32
      %dma_start3A_739 = arith.constant 0 : i32
      %dma_start3A_740 = tpu.memref_slice %arg8[%dma_start3A_738, %dma_start3A_739] : memref<160x129xf32, #tpu.memory_space<vmem>> -> memref<8x128xf32, #tpu.memory_space<vmem>>
      tpu.enqueue_dma source(%dma_start3A_740 : memref<8x128xf32, #tpu.memory_space<vmem>>) target(%dma_start3A_737 : memref<8x128xf32, #tpu.memory_space<hbm>>) target_semaphore(%arg12 : memref<!tpu.dma_semaphore, #tpu.memory_space<semaphore_mem>>)
      %add3A_741 = arith.constant 2 : i32
      %add3A_742 = arith.addi %add3A_638, %add3A_741 : i32
      %dma_start3A_743 = arith.constant 1 : i32
      %dma_start3A_744 = arith.constant 56 : i32
      %dma_start3A_745 = arith.constant 0 : i32
      %dma_start3A_746 = tpu.memref_slice %arg8[%dma_start3A_744, %dma_start3A_745] : memref<160x129xf32, #tpu.memory_space<vmem>> -> memref<8x128xf32, #tpu.memory_space<vmem>>
      %dma_start3A_747 = arith.constant 0 : i32
      %dma_start3A_748 = arith.constant 0 : i32
      %dma_start3A_749 = tpu.memref_slice %arg4[%shift_right_arithmetic3A_629, %dma_start3A_743, %add3A_742, %dma_start3A_747, %dma_start3A_748] : memref<200x4x32x8x128xf32, #tpu.memory_space<hbm>> -> memref<1x1x1x8x128xf32, #tpu.memory_space<hbm>>
      %dma_start3A_750 = tpu.memref_squeeze %dma_start3A_749 : memref<1x1x1x8x128xf32, #tpu.memory_space<hbm>> -> memref<8x128xf32, #tpu.memory_space<hbm>>
      %dma_start3A_751 = arith.constant 0 : i32
      %dma_start3A_752 = arith.constant 0 : i32
      %dma_start3A_753 = tpu.memref_slice %arg4[%shift_right_arithmetic3A_629, %dma_start3A_743, %add3A_742, %dma_start3A_751, %dma_start3A_752] : memref<200x4x32x8x128xf32, #tpu.memory_space<hbm>> -> memref<1x1x1x8x128xf32, #tpu.memory_space<hbm>>
      %dma_start3A_754 = tpu.memref_squeeze %dma_start3A_753 : memref<1x1x1x8x128xf32, #tpu.memory_space<hbm>> -> memref<8x128xf32, #tpu.memory_space<hbm>>
      %dma_start3A_755 = arith.constant 56 : i32
      %dma_start3A_756 = arith.constant 0 : i32
      %dma_start3A_757 = tpu.memref_slice %arg8[%dma_start3A_755, %dma_start3A_756] : memref<160x129xf32, #tpu.memory_space<vmem>> -> memref<8x128xf32, #tpu.memory_space<vmem>>
      tpu.enqueue_dma source(%dma_start3A_757 : memref<8x128xf32, #tpu.memory_space<vmem>>) target(%dma_start3A_754 : memref<8x128xf32, #tpu.memory_space<hbm>>) target_semaphore(%arg12 : memref<!tpu.dma_semaphore, #tpu.memory_space<semaphore_mem>>)
      %add3A_758 = arith.constant 3 : i32
      %add3A_759 = arith.addi %add3A_638, %add3A_758 : i32
      %dma_start3A_760 = arith.constant 1 : i32
      %dma_start3A_761 = arith.constant 64 : i32
      %dma_start3A_762 = arith.constant 0 : i32
      %dma_start3A_763 = tpu.memref_slice %arg8[%dma_start3A_761, %dma_start3A_762] : memref<160x129xf32, #tpu.memory_space<vmem>> -> memref<8x128xf32, #tpu.memory_space<vmem>>
      %dma_start3A_764 = arith.constant 0 : i32
      %dma_start3A_765 = arith.constant 0 : i32
      %dma_start3A_766 = tpu.memref_slice %arg4[%shift_right_arithmetic3A_629, %dma_start3A_760, %add3A_759, %dma_start3A_764, %dma_start3A_765] : memref<200x4x32x8x128xf32, #tpu.memory_space<hbm>> -> memref<1x1x1x8x128xf32, #tpu.memory_space<hbm>>
      %dma_start3A_767 = tpu.memref_squeeze %dma_start3A_766 : memref<1x1x1x8x128xf32, #tpu.memory_space<hbm>> -> memref<8x128xf32, #tpu.memory_space<hbm>>
      %dma_start3A_768 = arith.constant 0 : i32
      %dma_start3A_769 = arith.constant 0 : i32
      %dma_start3A_770 = tpu.memref_slice %arg4[%shift_right_arithmetic3A_629, %dma_start3A_760, %add3A_759, %dma_start3A_768, %dma_start3A_769] : memref<200x4x32x8x128xf32, #tpu.memory_space<hbm>> -> memref<1x1x1x8x128xf32, #tpu.memory_space<hbm>>
      %dma_start3A_771 = tpu.memref_squeeze %dma_start3A_770 : memref<1x1x1x8x128xf32, #tpu.memory_space<hbm>> -> memref<8x128xf32, #tpu.memory_space<hbm>>
      %dma_start3A_772 = arith.constant 64 : i32
      %dma_start3A_773 = arith.constant 0 : i32
      %dma_start3A_774 = tpu.memref_slice %arg8[%dma_start3A_772, %dma_start3A_773] : memref<160x129xf32, #tpu.memory_space<vmem>> -> memref<8x128xf32, #tpu.memory_space<vmem>>
      tpu.enqueue_dma source(%dma_start3A_774 : memref<8x128xf32, #tpu.memory_space<vmem>>) target(%dma_start3A_771 : memref<8x128xf32, #tpu.memory_space<hbm>>) target_semaphore(%arg12 : memref<!tpu.dma_semaphore, #tpu.memory_space<semaphore_mem>>)
      %add3A_775 = arith.constant 0 : i32
      %add3A_776 = arith.addi %add3A_638, %add3A_775 : i32
      %dma_start3A_777 = arith.constant 2 : i32
      %dma_start3A_778 = arith.constant 80 : i32
      %dma_start3A_779 = arith.constant 0 : i32
      %dma_start3A_780 = tpu.memref_slice %arg8[%dma_start3A_778, %dma_start3A_779] : memref<160x129xf32, #tpu.memory_space<vmem>> -> memref<8x128xf32, #tpu.memory_space<vmem>>
      %dma_start3A_781 = arith.constant 0 : i32
      %dma_start3A_782 = arith.constant 0 : i32
      %dma_start3A_783 = tpu.memref_slice %arg4[%shift_right_arithmetic3A_629, %dma_start3A_777, %add3A_776, %dma_start3A_781, %dma_start3A_782] : memref<200x4x32x8x128xf32, #tpu.memory_space<hbm>> -> memref<1x1x1x8x128xf32, #tpu.memory_space<hbm>>
      %dma_start3A_784 = tpu.memref_squeeze %dma_start3A_783 : memref<1x1x1x8x128xf32, #tpu.memory_space<hbm>> -> memref<8x128xf32, #tpu.memory_space<hbm>>
      %dma_start3A_785 = arith.constant 0 : i32
      %dma_start3A_786 = arith.constant 0 : i32
      %dma_start3A_787 = tpu.memref_slice %arg4[%shift_right_arithmetic3A_629, %dma_start3A_777, %add3A_776, %dma_start3A_785, %dma_start3A_786] : memref<200x4x32x8x128xf32, #tpu.memory_space<hbm>> -> memref<1x1x1x8x128xf32, #tpu.memory_space<hbm>>
      %dma_start3A_788 = tpu.memref_squeeze %dma_start3A_787 : memref<1x1x1x8x128xf32, #tpu.memory_space<hbm>> -> memref<8x128xf32, #tpu.memory_space<hbm>>
      %dma_start3A_789 = arith.constant 80 : i32
      %dma_start3A_790 = arith.constant 0 : i32
      %dma_start3A_791 = tpu.memref_slice %arg8[%dma_start3A_789, %dma_start3A_790] : memref<160x129xf32, #tpu.memory_space<vmem>> -> memref<8x128xf32, #tpu.memory_space<vmem>>
      tpu.enqueue_dma source(%dma_start3A_791 : memref<8x128xf32, #tpu.memory_space<vmem>>) target(%dma_start3A_788 : memref<8x128xf32, #tpu.memory_space<hbm>>) target_semaphore(%arg12 : memref<!tpu.dma_semaphore, #tpu.memory_space<semaphore_mem>>)
      %add3A_792 = arith.constant 1 : i32
      %add3A_793 = arith.addi %add3A_638, %add3A_792 : i32
      %dma_start3A_794 = arith.constant 2 : i32
      %dma_start3A_795 = arith.constant 88 : i32
      %dma_start3A_796 = arith.constant 0 : i32
      %dma_start3A_797 = tpu.memref_slice %arg8[%dma_start3A_795, %dma_start3A_796] : memref<160x129xf32, #tpu.memory_space<vmem>> -> memref<8x128xf32, #tpu.memory_space<vmem>>
      %dma_start3A_798 = arith.constant 0 : i32
      %dma_start3A_799 = arith.constant 0 : i32
      %dma_start3A_800 = tpu.memref_slice %arg4[%shift_right_arithmetic3A_629, %dma_start3A_794, %add3A_793, %dma_start3A_798, %dma_start3A_799] : memref<200x4x32x8x128xf32, #tpu.memory_space<hbm>> -> memref<1x1x1x8x128xf32, #tpu.memory_space<hbm>>
      %dma_start3A_801 = tpu.memref_squeeze %dma_start3A_800 : memref<1x1x1x8x128xf32, #tpu.memory_space<hbm>> -> memref<8x128xf32, #tpu.memory_space<hbm>>
      %dma_start3A_802 = arith.constant 0 : i32
      %dma_start3A_803 = arith.constant 0 : i32
      %dma_start3A_804 = tpu.memref_slice %arg4[%shift_right_arithmetic3A_629, %dma_start3A_794, %add3A_793, %dma_start3A_802, %dma_start3A_803] : memref<200x4x32x8x128xf32, #tpu.memory_space<hbm>> -> memref<1x1x1x8x128xf32, #tpu.memory_space<hbm>>
      %dma_start3A_805 = tpu.memref_squeeze %dma_start3A_804 : memref<1x1x1x8x128xf32, #tpu.memory_space<hbm>> -> memref<8x128xf32, #tpu.memory_space<hbm>>
      %dma_start3A_806 = arith.constant 88 : i32
      %dma_start3A_807 = arith.constant 0 : i32
      %dma_start3A_808 = tpu.memref_slice %arg8[%dma_start3A_806, %dma_start3A_807] : memref<160x129xf32, #tpu.memory_space<vmem>> -> memref<8x128xf32, #tpu.memory_space<vmem>>
      tpu.enqueue_dma source(%dma_start3A_808 : memref<8x128xf32, #tpu.memory_space<vmem>>) target(%dma_start3A_805 : memref<8x128xf32, #tpu.memory_space<hbm>>) target_semaphore(%arg12 : memref<!tpu.dma_semaphore, #tpu.memory_space<semaphore_mem>>)
      %add3A_809 = arith.constant 2 : i32
      %add3A_810 = arith.addi %add3A_638, %add3A_809 : i32
      %dma_start3A_811 = arith.constant 2 : i32
      %dma_start3A_812 = arith.constant 96 : i32
      %dma_start3A_813 = arith.constant 0 : i32
      %dma_start3A_814 = tpu.memref_slice %arg8[%dma_start3A_812, %dma_start3A_813] : memref<160x129xf32, #tpu.memory_space<vmem>> -> memref<8x128xf32, #tpu.memory_space<vmem>>
      %dma_start3A_815 = arith.constant 0 : i32
      %dma_start3A_816 = arith.constant 0 : i32
      %dma_start3A_817 = tpu.memref_slice %arg4[%shift_right_arithmetic3A_629, %dma_start3A_811, %add3A_810, %dma_start3A_815, %dma_start3A_816] : memref<200x4x32x8x128xf32, #tpu.memory_space<hbm>> -> memref<1x1x1x8x128xf32, #tpu.memory_space<hbm>>
      %dma_start3A_818 = tpu.memref_squeeze %dma_start3A_817 : memref<1x1x1x8x128xf32, #tpu.memory_space<hbm>> -> memref<8x128xf32, #tpu.memory_space<hbm>>
      %dma_start3A_819 = arith.constant 0 : i32
      %dma_start3A_820 = arith.constant 0 : i32
      %dma_start3A_821 = tpu.memref_slice %arg4[%shift_right_arithmetic3A_629, %dma_start3A_811, %add3A_810, %dma_start3A_819, %dma_start3A_820] : memref<200x4x32x8x128xf32, #tpu.memory_space<hbm>> -> memref<1x1x1x8x128xf32, #tpu.memory_space<hbm>>
      %dma_start3A_822 = tpu.memref_squeeze %dma_start3A_821 : memref<1x1x1x8x128xf32, #tpu.memory_space<hbm>> -> memref<8x128xf32, #tpu.memory_space<hbm>>
      %dma_start3A_823 = arith.constant 96 : i32
      %dma_start3A_824 = arith.constant 0 : i32
      %dma_start3A_825 = tpu.memref_slice %arg8[%dma_start3A_823, %dma_start3A_824] : memref<160x129xf32, #tpu.memory_space<vmem>> -> memref<8x128xf32, #tpu.memory_space<vmem>>
      tpu.enqueue_dma source(%dma_start3A_825 : memref<8x128xf32, #tpu.memory_space<vmem>>) target(%dma_start3A_822 : memref<8x128xf32, #tpu.memory_space<hbm>>) target_semaphore(%arg12 : memref<!tpu.dma_semaphore, #tpu.memory_space<semaphore_mem>>)
      %add3A_826 = arith.constant 3 : i32
      %add3A_827 = arith.addi %add3A_638, %add3A_826 : i32
      %dma_start3A_828 = arith.constant 2 : i32
      %dma_start3A_829 = arith.constant 104 : i32
      %dma_start3A_830 = arith.constant 0 : i32
      %dma_start3A_831 = tpu.memref_slice %arg8[%dma_start3A_829, %dma_start3A_830] : memref<160x129xf32, #tpu.memory_space<vmem>> -> memref<8x128xf32, #tpu.memory_space<vmem>>
      %dma_start3A_832 = arith.constant 0 : i32
      %dma_start3A_833 = arith.constant 0 : i32
      %dma_start3A_834 = tpu.memref_slice %arg4[%shift_right_arithmetic3A_629, %dma_start3A_828, %add3A_827, %dma_start3A_832, %dma_start3A_833] : memref<200x4x32x8x128xf32, #tpu.memory_space<hbm>> -> memref<1x1x1x8x128xf32, #tpu.memory_space<hbm>>
      %dma_start3A_835 = tpu.memref_squeeze %dma_start3A_834 : memref<1x1x1x8x128xf32, #tpu.memory_space<hbm>> -> memref<8x128xf32, #tpu.memory_space<hbm>>
      %dma_start3A_836 = arith.constant 0 : i32
      %dma_start3A_837 = arith.constant 0 : i32
      %dma_start3A_838 = tpu.memref_slice %arg4[%shift_right_arithmetic3A_629, %dma_start3A_828, %add3A_827, %dma_start3A_836, %dma_start3A_837] : memref<200x4x32x8x128xf32, #tpu.memory_space<hbm>> -> memref<1x1x1x8x128xf32, #tpu.memory_space<hbm>>
      %dma_start3A_839 = tpu.memref_squeeze %dma_start3A_838 : memref<1x1x1x8x128xf32, #tpu.memory_space<hbm>> -> memref<8x128xf32, #tpu.memory_space<hbm>>
      %dma_start3A_840 = arith.constant 104 : i32
      %dma_start3A_841 = arith.constant 0 : i32
      %dma_start3A_842 = tpu.memref_slice %arg8[%dma_start3A_840, %dma_start3A_841] : memref<160x129xf32, #tpu.memory_space<vmem>> -> memref<8x128xf32, #tpu.memory_space<vmem>>
      tpu.enqueue_dma source(%dma_start3A_842 : memref<8x128xf32, #tpu.memory_space<vmem>>) target(%dma_start3A_839 : memref<8x128xf32, #tpu.memory_space<hbm>>) target_semaphore(%arg12 : memref<!tpu.dma_semaphore, #tpu.memory_space<semaphore_mem>>)
      %add3A_843 = arith.constant 0 : i32
      %add3A_844 = arith.addi %add3A_638, %add3A_843 : i32
      %dma_start3A_845 = arith.constant 3 : i32
      %dma_start3A_846 = arith.constant 120 : i32
      %dma_start3A_847 = arith.constant 0 : i32
      %dma_start3A_848 = tpu.memref_slice %arg8[%dma_start3A_846, %dma_start3A_847] : memref<160x129xf32, #tpu.memory_space<vmem>> -> memref<8x128xf32, #tpu.memory_space<vmem>>
      %dma_start3A_849 = arith.constant 0 : i32
      %dma_start3A_850 = arith.constant 0 : i32
      %dma_start3A_851 = tpu.memref_slice %arg4[%shift_right_arithmetic3A_629, %dma_start3A_845, %add3A_844, %dma_start3A_849, %dma_start3A_850] : memref<200x4x32x8x128xf32, #tpu.memory_space<hbm>> -> memref<1x1x1x8x128xf32, #tpu.memory_space<hbm>>
      %dma_start3A_852 = tpu.memref_squeeze %dma_start3A_851 : memref<1x1x1x8x128xf32, #tpu.memory_space<hbm>> -> memref<8x128xf32, #tpu.memory_space<hbm>>
      %dma_start3A_853 = arith.constant 0 : i32
      %dma_start3A_854 = arith.constant 0 : i32
      %dma_start3A_855 = tpu.memref_slice %arg4[%shift_right_arithmetic3A_629, %dma_start3A_845, %add3A_844, %dma_start3A_853, %dma_start3A_854] : memref<200x4x32x8x128xf32, #tpu.memory_space<hbm>> -> memref<1x1x1x8x128xf32, #tpu.memory_space<hbm>>
      %dma_start3A_856 = tpu.memref_squeeze %dma_start3A_855 : memref<1x1x1x8x128xf32, #tpu.memory_space<hbm>> -> memref<8x128xf32, #tpu.memory_space<hbm>>
      %dma_start3A_857 = arith.constant 120 : i32
      %dma_start3A_858 = arith.constant 0 : i32
      %dma_start3A_859 = tpu.memref_slice %arg8[%dma_start3A_857, %dma_start3A_858] : memref<160x129xf32, #tpu.memory_space<vmem>> -> memref<8x128xf32, #tpu.memory_space<vmem>>
      tpu.enqueue_dma source(%dma_start3A_859 : memref<8x128xf32, #tpu.memory_space<vmem>>) target(%dma_start3A_856 : memref<8x128xf32, #tpu.memory_space<hbm>>) target_semaphore(%arg12 : memref<!tpu.dma_semaphore, #tpu.memory_space<semaphore_mem>>)
      %add3A_860 = arith.constant 1 : i32
      %add3A_861 = arith.addi %add3A_638, %add3A_860 : i32
      %dma_start3A_862 = arith.constant 3 : i32
      %dma_start3A_863 = arith.constant 128 : i32
      %dma_start3A_864 = arith.constant 0 : i32
      %dma_start3A_865 = tpu.memref_slice %arg8[%dma_start3A_863, %dma_start3A_864] : memref<160x129xf32, #tpu.memory_space<vmem>> -> memref<8x128xf32, #tpu.memory_space<vmem>>
      %dma_start3A_866 = arith.constant 0 : i32
      %dma_start3A_867 = arith.constant 0 : i32
      %dma_start3A_868 = tpu.memref_slice %arg4[%shift_right_arithmetic3A_629, %dma_start3A_862, %add3A_861, %dma_start3A_866, %dma_start3A_867] : memref<200x4x32x8x128xf32, #tpu.memory_space<hbm>> -> memref<1x1x1x8x128xf32, #tpu.memory_space<hbm>>
      %dma_start3A_869 = tpu.memref_squeeze %dma_start3A_868 : memref<1x1x1x8x128xf32, #tpu.memory_space<hbm>> -> memref<8x128xf32, #tpu.memory_space<hbm>>
      %dma_start3A_870 = arith.constant 0 : i32
      %dma_start3A_871 = arith.constant 0 : i32
      %dma_start3A_872 = tpu.memref_slice %arg4[%shift_right_arithmetic3A_629, %dma_start3A_862, %add3A_861, %dma_start3A_870, %dma_start3A_871] : memref<200x4x32x8x128xf32, #tpu.memory_space<hbm>> -> memref<1x1x1x8x128xf32, #tpu.memory_space<hbm>>
      %dma_start3A_873 = tpu.memref_squeeze %dma_start3A_872 : memref<1x1x1x8x128xf32, #tpu.memory_space<hbm>> -> memref<8x128xf32, #tpu.memory_space<hbm>>
      %dma_start3A_874 = arith.constant 128 : i32
      %dma_start3A_875 = arith.constant 0 : i32
      %dma_start3A_876 = tpu.memref_slice %arg8[%dma_start3A_874, %dma_start3A_875] : memref<160x129xf32, #tpu.memory_space<vmem>> -> memref<8x128xf32, #tpu.memory_space<vmem>>
      tpu.enqueue_dma source(%dma_start3A_876 : memref<8x128xf32, #tpu.memory_space<vmem>>) target(%dma_start3A_873 : memref<8x128xf32, #tpu.memory_space<hbm>>) target_semaphore(%arg12 : memref<!tpu.dma_semaphore, #tpu.memory_space<semaphore_mem>>)
      %add3A_877 = arith.constant 2 : i32
      %add3A_878 = arith.addi %add3A_638, %add3A_877 : i32
      %dma_start3A_879 = arith.constant 3 : i32
      %dma_start3A_880 = arith.constant 136 : i32
      %dma_start3A_881 = arith.constant 0 : i32
      %dma_start3A_882 = tpu.memref_slice %arg8[%dma_start3A_880, %dma_start3A_881] : memref<160x129xf32, #tpu.memory_space<vmem>> -> memref<8x128xf32, #tpu.memory_space<vmem>>
      %dma_start3A_883 = arith.constant 0 : i32
      %dma_start3A_884 = arith.constant 0 : i32
      %dma_start3A_885 = tpu.memref_slice %arg4[%shift_right_arithmetic3A_629, %dma_start3A_879, %add3A_878, %dma_start3A_883, %dma_start3A_884] : memref<200x4x32x8x128xf32, #tpu.memory_space<hbm>> -> memref<1x1x1x8x128xf32, #tpu.memory_space<hbm>>
      %dma_start3A_886 = tpu.memref_squeeze %dma_start3A_885 : memref<1x1x1x8x128xf32, #tpu.memory_space<hbm>> -> memref<8x128xf32, #tpu.memory_space<hbm>>
      %dma_start3A_887 = arith.constant 0 : i32
      %dma_start3A_888 = arith.constant 0 : i32
      %dma_start3A_889 = tpu.memref_slice %arg4[%shift_right_arithmetic3A_629, %dma_start3A_879, %add3A_878, %dma_start3A_887, %dma_start3A_888] : memref<200x4x32x8x128xf32, #tpu.memory_space<hbm>> -> memref<1x1x1x8x128xf32, #tpu.memory_space<hbm>>
      %dma_start3A_890 = tpu.memref_squeeze %dma_start3A_889 : memref<1x1x1x8x128xf32, #tpu.memory_space<hbm>> -> memref<8x128xf32, #tpu.memory_space<hbm>>
      %dma_start3A_891 = arith.constant 136 : i32
      %dma_start3A_892 = arith.constant 0 : i32
      %dma_start3A_893 = tpu.memref_slice %arg8[%dma_start3A_891, %dma_start3A_892] : memref<160x129xf32, #tpu.memory_space<vmem>> -> memref<8x128xf32, #tpu.memory_space<vmem>>
      tpu.enqueue_dma source(%dma_start3A_893 : memref<8x128xf32, #tpu.memory_space<vmem>>) target(%dma_start3A_890 : memref<8x128xf32, #tpu.memory_space<hbm>>) target_semaphore(%arg12 : memref<!tpu.dma_semaphore, #tpu.memory_space<semaphore_mem>>)
      %add3A_894 = arith.constant 3 : i32
      %add3A_895 = arith.addi %add3A_638, %add3A_894 : i32
      %dma_start3A_896 = arith.constant 3 : i32
      %dma_start3A_897 = arith.constant 144 : i32
      %dma_start3A_898 = arith.constant 0 : i32
      %dma_start3A_899 = tpu.memref_slice %arg8[%dma_start3A_897, %dma_start3A_898] : memref<160x129xf32, #tpu.memory_space<vmem>> -> memref<8x128xf32, #tpu.memory_space<vmem>>
      %dma_start3A_900 = arith.constant 0 : i32
      %dma_start3A_901 = arith.constant 0 : i32
      %dma_start3A_902 = tpu.memref_slice %arg4[%shift_right_arithmetic3A_629, %dma_start3A_896, %add3A_895, %dma_start3A_900, %dma_start3A_901] : memref<200x4x32x8x128xf32, #tpu.memory_space<hbm>> -> memref<1x1x1x8x128xf32, #tpu.memory_space<hbm>>
      %dma_start3A_903 = tpu.memref_squeeze %dma_start3A_902 : memref<1x1x1x8x128xf32, #tpu.memory_space<hbm>> -> memref<8x128xf32, #tpu.memory_space<hbm>>
      %dma_start3A_904 = arith.constant 0 : i32
      %dma_start3A_905 = arith.constant 0 : i32
      %dma_start3A_906 = tpu.memref_slice %arg4[%shift_right_arithmetic3A_629, %dma_start3A_896, %add3A_895, %dma_start3A_904, %dma_start3A_905] : memref<200x4x32x8x128xf32, #tpu.memory_space<hbm>> -> memref<1x1x1x8x128xf32, #tpu.memory_space<hbm>>
      %dma_start3A_907 = tpu.memref_squeeze %dma_start3A_906 : memref<1x1x1x8x128xf32, #tpu.memory_space<hbm>> -> memref<8x128xf32, #tpu.memory_space<hbm>>
      %dma_start3A_908 = arith.constant 144 : i32
      %dma_start3A_909 = arith.constant 0 : i32
      %dma_start3A_910 = tpu.memref_slice %arg8[%dma_start3A_908, %dma_start3A_909] : memref<160x129xf32, #tpu.memory_space<vmem>> -> memref<8x128xf32, #tpu.memory_space<vmem>>
      tpu.enqueue_dma source(%dma_start3A_910 : memref<8x128xf32, #tpu.memory_space<vmem>>) target(%dma_start3A_907 : memref<8x128xf32, #tpu.memory_space<hbm>>) target_semaphore(%arg12 : memref<!tpu.dma_semaphore, #tpu.memory_space<semaphore_mem>>)
      %lt3A = arith.constant 24 : i32
      %lt3A_911 = arith.cmpi slt, %scan3A_602, %lt3A : i32
      %convert_element_type3A_912 = arith.extui %lt3A_911 : i1 to i32
      %cond3A_913 = arith.constant 0 : i32
      %cond3A_914 = arith.cmpi ne, %convert_element_type3A_912, %cond3A_913 : i32
      scf.if %cond3A_914 {
        %add3A_1212 = arith.constant 2 : i32
        %add3A_1213 = arith.addi %mul3A_604, %add3A_1212 : i32
        %mul3A_1214 = arith.constant 512 : i32
        %mul3A_1215 = arith.muli %add3A_1213, %mul3A_1214 : i32
        %dma_start3A_1216 = tpu.memref_slice %arg5[%mul3A_1215] : memref<25600xi32, #tpu.memory_space<vmem>> -> memref<512xi32, #tpu.memory_space<vmem>>
        %dma_start3A_1217 = arith.constant 0 : i32
        %dma_start3A_1218 = arith.constant 0 : i32
        %dma_start3A_1219 = tpu.memref_slice %arg2[%dma_start3A_1217, %dma_start3A_1218] : memref<1000000x32xf32, #tpu.memory_space<hbm>> -> memref<1000000x32xf32, #tpu.memory_space<hbm>>
        tpu.enqueue_indirect_dma source(%dma_start3A_1219 : memref<1000000x32xf32, #tpu.memory_space<hbm>>) target(%arg6 : memref<512x32xf32, #tpu.memory_space<vmem>>) offsets(%dma_start3A_1216 : memref<512xi32, #tpu.memory_space<vmem>>) semaphore(%arg10 : memref<!tpu.dma_semaphore, #tpu.memory_space<semaphore_mem>>)
      } else {
      }
      %mul3A_915 = arith.constant 512 : i32
      %mul3A_916 = arith.muli %add3A_606, %mul3A_915 : i32
      %dma_wait3A_917 = tpu.memref_slice %arg5[%mul3A_916] : memref<25600xi32, #tpu.memory_space<vmem>> -> memref<512xi32, #tpu.memory_space<vmem>>
      %dma_wait3A_918 = arith.constant 0 : i32
      %dma_wait3A_919 = arith.constant 0 : i32
      %dma_wait3A_920 = tpu.memref_slice %arg2[%dma_wait3A_918, %dma_wait3A_919] : memref<1000000x32xf32, #tpu.memory_space<hbm>> -> memref<1000000x32xf32, #tpu.memory_space<hbm>>
      tpu.wait_indirect_dma semaphore(%arg11 : memref<!tpu.dma_semaphore, #tpu.memory_space<semaphore_mem>>) src(%dma_wait3A_920 : memref<1000000x32xf32, #tpu.memory_space<hbm>>) dst(%arg7 : memref<512x32xf32, #tpu.memory_space<vmem>>)
      %parallel_loop3A_921 = arith.constant 0 : i32
      %parallel_loop3A_922 = arith.constant 512 : i32
      %parallel_loop3A_923 = arith.constant 1 : i32
      scf.for %parallel_loop3A_1212 = %parallel_loop3A_921 to %parallel_loop3A_922 step %parallel_loop3A_923  : i32 {
        %parallel_loop3A_1213 = arith.constant 7 : i32
        %parallel_loop3A_1214 = arith.shrsi %parallel_loop3A_1212, %parallel_loop3A_1213 : i32
        %parallel_loop3A_1215 = arith.constant 8 : i32
        %parallel_loop3A_1216 = arith.muli %parallel_loop3A_1214, %parallel_loop3A_1215 : i32
        %parallel_loop3A_1217 = vector.broadcast %parallel_loop3A_1216 : i32 to vector<16xi32>
        %parallel_loop3A_1218 = arith.constant 127 : i32
        %parallel_loop3A_1219 = arith.andi %parallel_loop3A_1212, %parallel_loop3A_1218 : i32
        %parallel_loop3A_1220 = vector.broadcast %parallel_loop3A_1219 : i32 to vector<16xi32>
        %parallel_loop3A_1221 = arith.index_cast %parallel_loop3A_1212 : i32 to index
        %parallel_loop3A_1222 = arith.constant 0 : index
        %parallel_loop3A_1223 = tpu.vector_load %arg7[%parallel_loop3A_1221, %parallel_loop3A_1222] {strides = array<i32>} : memref<512x32xf32, #tpu.memory_space<vmem>>, vector<16xf32>,
        %parallel_loop3A_1224 = arith.constant 5.65685415 : f32
        %parallel_loop3A_1225 = vector.broadcast %parallel_loop3A_1224 : f32 to vector<16xf32>
        %parallel_loop3A_1226 = arith.mulf %parallel_loop3A_1223, %parallel_loop3A_1225 : vector<16xf32>
        %parallel_loop3A_1227 = arith.addi %add3A_13, %parallel_loop3A_1217 : vector<16xi32>
        tpu.vector_store_idx %arg9[%parallel_loop3A_1227, %parallel_loop3A_1220], %parallel_loop3A_1226 : memref<160x129xf32, #tpu.memory_space<vmem>>[vector<16xi32>, vector<16xi32>], vector<16xf32>,
        %parallel_loop3A_1228 = arith.index_cast %parallel_loop3A_1212 : i32 to index
        %parallel_loop3A_1229 = arith.constant 16 : index
        %parallel_loop3A_1230 = tpu.vector_load %arg7[%parallel_loop3A_1228, %parallel_loop3A_1229] {strides = array<i32>} : memref<512x32xf32, #tpu.memory_space<vmem>>, vector<16xf32>,
        %parallel_loop3A_1231 = arith.constant 5.65685415 : f32
        %parallel_loop3A_1232 = vector.broadcast %parallel_loop3A_1231 : f32 to vector<16xf32>
        %parallel_loop3A_1233 = arith.mulf %parallel_loop3A_1230, %parallel_loop3A_1232 : vector<16xf32>
        %parallel_loop3A_1234 = arith.addi %add3A_26, %parallel_loop3A_1217 : vector<16xi32>
        tpu.vector_store_idx %arg9[%parallel_loop3A_1234, %parallel_loop3A_1220], %parallel_loop3A_1233 : memref<160x129xf32, #tpu.memory_space<vmem>>[vector<16xi32>, vector<16xi32>], vector<16xf32>,
      } {sc.loop_unroll_factor = 4 : i64, sc.parallel_access}
      %mul3A_924 = arith.constant 25 : i32
      %mul3A_925 = arith.muli %add3A, %mul3A_924 : i32
      %shift_right_arithmetic3A_926 = arith.constant 1 : i32
      %shift_right_arithmetic3A_927 = arith.shrsi %add3A_606, %shift_right_arithmetic3A_926 : i32
      %add3A_928 = arith.addi %mul3A_925, %shift_right_arithmetic3A_927 : i32
      %shift_right_arithmetic3A_929 = arith.constant 2 : i32
      %shift_right_arithmetic3A_930 = arith.shrsi %add3A_928, %shift_right_arithmetic3A_929 : i32
      %and3A_931 = arith.constant 3 : i32
      %and3A_932 = arith.andi %add3A_928, %and3A_931 : i32
      %shift_left3A_933 = arith.constant 3 : i32
      %shift_left3A_934 = arith.shli %and3A_932, %shift_left3A_933 : i32
      %and3A_935 = arith.constant 1 : i32
      %and3A_936 = arith.andi %add3A_606, %and3A_935 : i32
      %shift_left3A_937 = arith.constant 2 : i32
      %shift_left3A_938 = arith.shli %and3A_936, %shift_left3A_937 : i32
      %add3A_939 = arith.addi %shift_left3A_934, %shift_left3A_938 : i32
      %add3A_940 = arith.constant 0 : i32
      %add3A_941 = arith.addi %add3A_939, %add3A_940 : i32
      %dma_start3A_942 = arith.constant 0 : i32
      %dma_start3A_943 = arith.constant 0 : i32
      %dma_start3A_944 = arith.constant 0 : i32
      %dma_start3A_945 = tpu.memref_slice %arg9[%dma_start3A_943, %dma_start3A_944] : memref<160x129xf32, #tpu.memory_space<vmem>> -> memref<8x128xf32, #tpu.memory_space<vmem>>
      %dma_start3A_946 = arith.constant 0 : i32
      %dma_start3A_947 = arith.constant 0 : i32
      %dma_start3A_948 = tpu.memref_slice %arg4[%shift_right_arithmetic3A_930, %dma_start3A_942, %add3A_941, %dma_start3A_946, %dma_start3A_947] : memref<200x4x32x8x128xf32, #tpu.memory_space<hbm>> -> memref<1x1x1x8x128xf32, #tpu.memory_space<hbm>>
      %dma_start3A_949 = tpu.memref_squeeze %dma_start3A_948 : memref<1x1x1x8x128xf32, #tpu.memory_space<hbm>> -> memref<8x128xf32, #tpu.memory_space<hbm>>
      %dma_start3A_950 = arith.constant 0 : i32
      %dma_start3A_951 = arith.constant 0 : i32
      %dma_start3A_952 = tpu.memref_slice %arg4[%shift_right_arithmetic3A_930, %dma_start3A_942, %add3A_941, %dma_start3A_950, %dma_start3A_951] : memref<200x4x32x8x128xf32, #tpu.memory_space<hbm>> -> memref<1x1x1x8x128xf32, #tpu.memory_space<hbm>>
      %dma_start3A_953 = tpu.memref_squeeze %dma_start3A_952 : memref<1x1x1x8x128xf32, #tpu.memory_space<hbm>> -> memref<8x128xf32, #tpu.memory_space<hbm>>
      %dma_start3A_954 = arith.constant 0 : i32
      %dma_start3A_955 = arith.constant 0 : i32
      %dma_start3A_956 = tpu.memref_slice %arg9[%dma_start3A_954, %dma_start3A_955] : memref<160x129xf32, #tpu.memory_space<vmem>> -> memref<8x128xf32, #tpu.memory_space<vmem>>
      tpu.enqueue_dma source(%dma_start3A_956 : memref<8x128xf32, #tpu.memory_space<vmem>>) target(%dma_start3A_953 : memref<8x128xf32, #tpu.memory_space<hbm>>) target_semaphore(%arg13 : memref<!tpu.dma_semaphore, #tpu.memory_space<semaphore_mem>>)
      %add3A_957 = arith.constant 1 : i32
      %add3A_958 = arith.addi %add3A_939, %add3A_957 : i32
      %dma_start3A_959 = arith.constant 0 : i32
      %dma_start3A_960 = arith.constant 8 : i32
      %dma_start3A_961 = arith.constant 0 : i32
      %dma_start3A_962 = tpu.memref_slice %arg9[%dma_start3A_960, %dma_start3A_961] : memref<160x129xf32, #tpu.memory_space<vmem>> -> memref<8x128xf32, #tpu.memory_space<vmem>>
      %dma_start3A_963 = arith.constant 0 : i32
      %dma_start3A_964 = arith.constant 0 : i32
      %dma_start3A_965 = tpu.memref_slice %arg4[%shift_right_arithmetic3A_930, %dma_start3A_959, %add3A_958, %dma_start3A_963, %dma_start3A_964] : memref<200x4x32x8x128xf32, #tpu.memory_space<hbm>> -> memref<1x1x1x8x128xf32, #tpu.memory_space<hbm>>
      %dma_start3A_966 = tpu.memref_squeeze %dma_start3A_965 : memref<1x1x1x8x128xf32, #tpu.memory_space<hbm>> -> memref<8x128xf32, #tpu.memory_space<hbm>>
      %dma_start3A_967 = arith.constant 0 : i32
      %dma_start3A_968 = arith.constant 0 : i32
      %dma_start3A_969 = tpu.memref_slice %arg4[%shift_right_arithmetic3A_930, %dma_start3A_959, %add3A_958, %dma_start3A_967, %dma_start3A_968] : memref<200x4x32x8x128xf32, #tpu.memory_space<hbm>> -> memref<1x1x1x8x128xf32, #tpu.memory_space<hbm>>
      %dma_start3A_970 = tpu.memref_squeeze %dma_start3A_969 : memref<1x1x1x8x128xf32, #tpu.memory_space<hbm>> -> memref<8x128xf32, #tpu.memory_space<hbm>>
      %dma_start3A_971 = arith.constant 8 : i32
      %dma_start3A_972 = arith.constant 0 : i32
      %dma_start3A_973 = tpu.memref_slice %arg9[%dma_start3A_971, %dma_start3A_972] : memref<160x129xf32, #tpu.memory_space<vmem>> -> memref<8x128xf32, #tpu.memory_space<vmem>>
      tpu.enqueue_dma source(%dma_start3A_973 : memref<8x128xf32, #tpu.memory_space<vmem>>) target(%dma_start3A_970 : memref<8x128xf32, #tpu.memory_space<hbm>>) target_semaphore(%arg13 : memref<!tpu.dma_semaphore, #tpu.memory_space<semaphore_mem>>)
      %add3A_974 = arith.constant 2 : i32
      %add3A_975 = arith.addi %add3A_939, %add3A_974 : i32
      %dma_start3A_976 = arith.constant 0 : i32
      %dma_start3A_977 = arith.constant 16 : i32
      %dma_start3A_978 = arith.constant 0 : i32
      %dma_start3A_979 = tpu.memref_slice %arg9[%dma_start3A_977, %dma_start3A_978] : memref<160x129xf32, #tpu.memory_space<vmem>> -> memref<8x128xf32, #tpu.memory_space<vmem>>
      %dma_start3A_980 = arith.constant 0 : i32
      %dma_start3A_981 = arith.constant 0 : i32
      %dma_start3A_982 = tpu.memref_slice %arg4[%shift_right_arithmetic3A_930, %dma_start3A_976, %add3A_975, %dma_start3A_980, %dma_start3A_981] : memref<200x4x32x8x128xf32, #tpu.memory_space<hbm>> -> memref<1x1x1x8x128xf32, #tpu.memory_space<hbm>>
      %dma_start3A_983 = tpu.memref_squeeze %dma_start3A_982 : memref<1x1x1x8x128xf32, #tpu.memory_space<hbm>> -> memref<8x128xf32, #tpu.memory_space<hbm>>
      %dma_start3A_984 = arith.constant 0 : i32
      %dma_start3A_985 = arith.constant 0 : i32
      %dma_start3A_986 = tpu.memref_slice %arg4[%shift_right_arithmetic3A_930, %dma_start3A_976, %add3A_975, %dma_start3A_984, %dma_start3A_985] : memref<200x4x32x8x128xf32, #tpu.memory_space<hbm>> -> memref<1x1x1x8x128xf32, #tpu.memory_space<hbm>>
      %dma_start3A_987 = tpu.memref_squeeze %dma_start3A_986 : memref<1x1x1x8x128xf32, #tpu.memory_space<hbm>> -> memref<8x128xf32, #tpu.memory_space<hbm>>
      %dma_start3A_988 = arith.constant 16 : i32
      %dma_start3A_989 = arith.constant 0 : i32
      %dma_start3A_990 = tpu.memref_slice %arg9[%dma_start3A_988, %dma_start3A_989] : memref<160x129xf32, #tpu.memory_space<vmem>> -> memref<8x128xf32, #tpu.memory_space<vmem>>
      tpu.enqueue_dma source(%dma_start3A_990 : memref<8x128xf32, #tpu.memory_space<vmem>>) target(%dma_start3A_987 : memref<8x128xf32, #tpu.memory_space<hbm>>) target_semaphore(%arg13 : memref<!tpu.dma_semaphore, #tpu.memory_space<semaphore_mem>>)
      %add3A_991 = arith.constant 3 : i32
      %add3A_992 = arith.addi %add3A_939, %add3A_991 : i32
      %dma_start3A_993 = arith.constant 0 : i32
      %dma_start3A_994 = arith.constant 24 : i32
      %dma_start3A_995 = arith.constant 0 : i32
      %dma_start3A_996 = tpu.memref_slice %arg9[%dma_start3A_994, %dma_start3A_995] : memref<160x129xf32, #tpu.memory_space<vmem>> -> memref<8x128xf32, #tpu.memory_space<vmem>>
      %dma_start3A_997 = arith.constant 0 : i32
      %dma_start3A_998 = arith.constant 0 : i32
      %dma_start3A_999 = tpu.memref_slice %arg4[%shift_right_arithmetic3A_930, %dma_start3A_993, %add3A_992, %dma_start3A_997, %dma_start3A_998] : memref<200x4x32x8x128xf32, #tpu.memory_space<hbm>> -> memref<1x1x1x8x128xf32, #tpu.memory_space<hbm>>
      %dma_start3A_1000 = tpu.memref_squeeze %dma_start3A_999 : memref<1x1x1x8x128xf32, #tpu.memory_space<hbm>> -> memref<8x128xf32, #tpu.memory_space<hbm>>
      %dma_start3A_1001 = arith.constant 0 : i32
      %dma_start3A_1002 = arith.constant 0 : i32
      %dma_start3A_1003 = tpu.memref_slice %arg4[%shift_right_arithmetic3A_930, %dma_start3A_993, %add3A_992, %dma_start3A_1001, %dma_start3A_1002] : memref<200x4x32x8x128xf32, #tpu.memory_space<hbm>> -> memref<1x1x1x8x128xf32, #tpu.memory_space<hbm>>
      %dma_start3A_1004 = tpu.memref_squeeze %dma_start3A_1003 : memref<1x1x1x8x128xf32, #tpu.memory_space<hbm>> -> memref<8x128xf32, #tpu.memory_space<hbm>>
      %dma_start3A_1005 = arith.constant 24 : i32
      %dma_start3A_1006 = arith.constant 0 : i32
      %dma_start3A_1007 = tpu.memref_slice %arg9[%dma_start3A_1005, %dma_start3A_1006] : memref<160x129xf32, #tpu.memory_space<vmem>> -> memref<8x128xf32, #tpu.memory_space<vmem>>
      tpu.enqueue_dma source(%dma_start3A_1007 : memref<8x128xf32, #tpu.memory_space<vmem>>) target(%dma_start3A_1004 : memref<8x128xf32, #tpu.memory_space<hbm>>) target_semaphore(%arg13 : memref<!tpu.dma_semaphore, #tpu.memory_space<semaphore_mem>>)
      %add3A_1008 = arith.constant 0 : i32
      %add3A_1009 = arith.addi %add3A_939, %add3A_1008 : i32
      %dma_start3A_1010 = arith.constant 1 : i32
      %dma_start3A_1011 = arith.constant 40 : i32
      %dma_start3A_1012 = arith.constant 0 : i32
      %dma_start3A_1013 = tpu.memref_slice %arg9[%dma_start3A_1011, %dma_start3A_1012] : memref<160x129xf32, #tpu.memory_space<vmem>> -> memref<8x128xf32, #tpu.memory_space<vmem>>
      %dma_start3A_1014 = arith.constant 0 : i32
      %dma_start3A_1015 = arith.constant 0 : i32
      %dma_start3A_1016 = tpu.memref_slice %arg4[%shift_right_arithmetic3A_930, %dma_start3A_1010, %add3A_1009, %dma_start3A_1014, %dma_start3A_1015] : memref<200x4x32x8x128xf32, #tpu.memory_space<hbm>> -> memref<1x1x1x8x128xf32, #tpu.memory_space<hbm>>
      %dma_start3A_1017 = tpu.memref_squeeze %dma_start3A_1016 : memref<1x1x1x8x128xf32, #tpu.memory_space<hbm>> -> memref<8x128xf32, #tpu.memory_space<hbm>>
      %dma_start3A_1018 = arith.constant 0 : i32
      %dma_start3A_1019 = arith.constant 0 : i32
      %dma_start3A_1020 = tpu.memref_slice %arg4[%shift_right_arithmetic3A_930, %dma_start3A_1010, %add3A_1009, %dma_start3A_1018, %dma_start3A_1019] : memref<200x4x32x8x128xf32, #tpu.memory_space<hbm>> -> memref<1x1x1x8x128xf32, #tpu.memory_space<hbm>>
      %dma_start3A_1021 = tpu.memref_squeeze %dma_start3A_1020 : memref<1x1x1x8x128xf32, #tpu.memory_space<hbm>> -> memref<8x128xf32, #tpu.memory_space<hbm>>
      %dma_start3A_1022 = arith.constant 40 : i32
      %dma_start3A_1023 = arith.constant 0 : i32
      %dma_start3A_1024 = tpu.memref_slice %arg9[%dma_start3A_1022, %dma_start3A_1023] : memref<160x129xf32, #tpu.memory_space<vmem>> -> memref<8x128xf32, #tpu.memory_space<vmem>>
      tpu.enqueue_dma source(%dma_start3A_1024 : memref<8x128xf32, #tpu.memory_space<vmem>>) target(%dma_start3A_1021 : memref<8x128xf32, #tpu.memory_space<hbm>>) target_semaphore(%arg13 : memref<!tpu.dma_semaphore, #tpu.memory_space<semaphore_mem>>)
      %add3A_1025 = arith.constant 1 : i32
      %add3A_1026 = arith.addi %add3A_939, %add3A_1025 : i32
      %dma_start3A_1027 = arith.constant 1 : i32
      %dma_start3A_1028 = arith.constant 48 : i32
      %dma_start3A_1029 = arith.constant 0 : i32
      %dma_start3A_1030 = tpu.memref_slice %arg9[%dma_start3A_1028, %dma_start3A_1029] : memref<160x129xf32, #tpu.memory_space<vmem>> -> memref<8x128xf32, #tpu.memory_space<vmem>>
      %dma_start3A_1031 = arith.constant 0 : i32
      %dma_start3A_1032 = arith.constant 0 : i32
      %dma_start3A_1033 = tpu.memref_slice %arg4[%shift_right_arithmetic3A_930, %dma_start3A_1027, %add3A_1026, %dma_start3A_1031, %dma_start3A_1032] : memref<200x4x32x8x128xf32, #tpu.memory_space<hbm>> -> memref<1x1x1x8x128xf32, #tpu.memory_space<hbm>>
      %dma_start3A_1034 = tpu.memref_squeeze %dma_start3A_1033 : memref<1x1x1x8x128xf32, #tpu.memory_space<hbm>> -> memref<8x128xf32, #tpu.memory_space<hbm>>
      %dma_start3A_1035 = arith.constant 0 : i32
      %dma_start3A_1036 = arith.constant 0 : i32
      %dma_start3A_1037 = tpu.memref_slice %arg4[%shift_right_arithmetic3A_930, %dma_start3A_1027, %add3A_1026, %dma_start3A_1035, %dma_start3A_1036] : memref<200x4x32x8x128xf32, #tpu.memory_space<hbm>> -> memref<1x1x1x8x128xf32, #tpu.memory_space<hbm>>
      %dma_start3A_1038 = tpu.memref_squeeze %dma_start3A_1037 : memref<1x1x1x8x128xf32, #tpu.memory_space<hbm>> -> memref<8x128xf32, #tpu.memory_space<hbm>>
      %dma_start3A_1039 = arith.constant 48 : i32
      %dma_start3A_1040 = arith.constant 0 : i32
      %dma_start3A_1041 = tpu.memref_slice %arg9[%dma_start3A_1039, %dma_start3A_1040] : memref<160x129xf32, #tpu.memory_space<vmem>> -> memref<8x128xf32, #tpu.memory_space<vmem>>
      tpu.enqueue_dma source(%dma_start3A_1041 : memref<8x128xf32, #tpu.memory_space<vmem>>) target(%dma_start3A_1038 : memref<8x128xf32, #tpu.memory_space<hbm>>) target_semaphore(%arg13 : memref<!tpu.dma_semaphore, #tpu.memory_space<semaphore_mem>>)
      %add3A_1042 = arith.constant 2 : i32
      %add3A_1043 = arith.addi %add3A_939, %add3A_1042 : i32
      %dma_start3A_1044 = arith.constant 1 : i32
      %dma_start3A_1045 = arith.constant 56 : i32
      %dma_start3A_1046 = arith.constant 0 : i32
      %dma_start3A_1047 = tpu.memref_slice %arg9[%dma_start3A_1045, %dma_start3A_1046] : memref<160x129xf32, #tpu.memory_space<vmem>> -> memref<8x128xf32, #tpu.memory_space<vmem>>
      %dma_start3A_1048 = arith.constant 0 : i32
      %dma_start3A_1049 = arith.constant 0 : i32
      %dma_start3A_1050 = tpu.memref_slice %arg4[%shift_right_arithmetic3A_930, %dma_start3A_1044, %add3A_1043, %dma_start3A_1048, %dma_start3A_1049] : memref<200x4x32x8x128xf32, #tpu.memory_space<hbm>> -> memref<1x1x1x8x128xf32, #tpu.memory_space<hbm>>
      %dma_start3A_1051 = tpu.memref_squeeze %dma_start3A_1050 : memref<1x1x1x8x128xf32, #tpu.memory_space<hbm>> -> memref<8x128xf32, #tpu.memory_space<hbm>>
      %dma_start3A_1052 = arith.constant 0 : i32
      %dma_start3A_1053 = arith.constant 0 : i32
      %dma_start3A_1054 = tpu.memref_slice %arg4[%shift_right_arithmetic3A_930, %dma_start3A_1044, %add3A_1043, %dma_start3A_1052, %dma_start3A_1053] : memref<200x4x32x8x128xf32, #tpu.memory_space<hbm>> -> memref<1x1x1x8x128xf32, #tpu.memory_space<hbm>>
      %dma_start3A_1055 = tpu.memref_squeeze %dma_start3A_1054 : memref<1x1x1x8x128xf32, #tpu.memory_space<hbm>> -> memref<8x128xf32, #tpu.memory_space<hbm>>
      %dma_start3A_1056 = arith.constant 56 : i32
      %dma_start3A_1057 = arith.constant 0 : i32
      %dma_start3A_1058 = tpu.memref_slice %arg9[%dma_start3A_1056, %dma_start3A_1057] : memref<160x129xf32, #tpu.memory_space<vmem>> -> memref<8x128xf32, #tpu.memory_space<vmem>>
      tpu.enqueue_dma source(%dma_start3A_1058 : memref<8x128xf32, #tpu.memory_space<vmem>>) target(%dma_start3A_1055 : memref<8x128xf32, #tpu.memory_space<hbm>>) target_semaphore(%arg13 : memref<!tpu.dma_semaphore, #tpu.memory_space<semaphore_mem>>)
      %add3A_1059 = arith.constant 3 : i32
      %add3A_1060 = arith.addi %add3A_939, %add3A_1059 : i32
      %dma_start3A_1061 = arith.constant 1 : i32
      %dma_start3A_1062 = arith.constant 64 : i32
      %dma_start3A_1063 = arith.constant 0 : i32
      %dma_start3A_1064 = tpu.memref_slice %arg9[%dma_start3A_1062, %dma_start3A_1063] : memref<160x129xf32, #tpu.memory_space<vmem>> -> memref<8x128xf32, #tpu.memory_space<vmem>>
      %dma_start3A_1065 = arith.constant 0 : i32
      %dma_start3A_1066 = arith.constant 0 : i32
      %dma_start3A_1067 = tpu.memref_slice %arg4[%shift_right_arithmetic3A_930, %dma_start3A_1061, %add3A_1060, %dma_start3A_1065, %dma_start3A_1066] : memref<200x4x32x8x128xf32, #tpu.memory_space<hbm>> -> memref<1x1x1x8x128xf32, #tpu.memory_space<hbm>>
      %dma_start3A_1068 = tpu.memref_squeeze %dma_start3A_1067 : memref<1x1x1x8x128xf32, #tpu.memory_space<hbm>> -> memref<8x128xf32, #tpu.memory_space<hbm>>
      %dma_start3A_1069 = arith.constant 0 : i32
      %dma_start3A_1070 = arith.constant 0 : i32
      %dma_start3A_1071 = tpu.memref_slice %arg4[%shift_right_arithmetic3A_930, %dma_start3A_1061, %add3A_1060, %dma_start3A_1069, %dma_start3A_1070] : memref<200x4x32x8x128xf32, #tpu.memory_space<hbm>> -> memref<1x1x1x8x128xf32, #tpu.memory_space<hbm>>
      %dma_start3A_1072 = tpu.memref_squeeze %dma_start3A_1071 : memref<1x1x1x8x128xf32, #tpu.memory_space<hbm>> -> memref<8x128xf32, #tpu.memory_space<hbm>>
      %dma_start3A_1073 = arith.constant 64 : i32
      %dma_start3A_1074 = arith.constant 0 : i32
      %dma_start3A_1075 = tpu.memref_slice %arg9[%dma_start3A_1073, %dma_start3A_1074] : memref<160x129xf32, #tpu.memory_space<vmem>> -> memref<8x128xf32, #tpu.memory_space<vmem>>
      tpu.enqueue_dma source(%dma_start3A_1075 : memref<8x128xf32, #tpu.memory_space<vmem>>) target(%dma_start3A_1072 : memref<8x128xf32, #tpu.memory_space<hbm>>) target_semaphore(%arg13 : memref<!tpu.dma_semaphore, #tpu.memory_space<semaphore_mem>>)
      %add3A_1076 = arith.constant 0 : i32
      %add3A_1077 = arith.addi %add3A_939, %add3A_1076 : i32
      %dma_start3A_1078 = arith.constant 2 : i32
      %dma_start3A_1079 = arith.constant 80 : i32
      %dma_start3A_1080 = arith.constant 0 : i32
      %dma_start3A_1081 = tpu.memref_slice %arg9[%dma_start3A_1079, %dma_start3A_1080] : memref<160x129xf32, #tpu.memory_space<vmem>> -> memref<8x128xf32, #tpu.memory_space<vmem>>
      %dma_start3A_1082 = arith.constant 0 : i32
      %dma_start3A_1083 = arith.constant 0 : i32
      %dma_start3A_1084 = tpu.memref_slice %arg4[%shift_right_arithmetic3A_930, %dma_start3A_1078, %add3A_1077, %dma_start3A_1082, %dma_start3A_1083] : memref<200x4x32x8x128xf32, #tpu.memory_space<hbm>> -> memref<1x1x1x8x128xf32, #tpu.memory_space<hbm>>
      %dma_start3A_1085 = tpu.memref_squeeze %dma_start3A_1084 : memref<1x1x1x8x128xf32, #tpu.memory_space<hbm>> -> memref<8x128xf32, #tpu.memory_space<hbm>>
      %dma_start3A_1086 = arith.constant 0 : i32
      %dma_start3A_1087 = arith.constant 0 : i32
      %dma_start3A_1088 = tpu.memref_slice %arg4[%shift_right_arithmetic3A_930, %dma_start3A_1078, %add3A_1077, %dma_start3A_1086, %dma_start3A_1087] : memref<200x4x32x8x128xf32, #tpu.memory_space<hbm>> -> memref<1x1x1x8x128xf32, #tpu.memory_space<hbm>>
      %dma_start3A_1089 = tpu.memref_squeeze %dma_start3A_1088 : memref<1x1x1x8x128xf32, #tpu.memory_space<hbm>> -> memref<8x128xf32, #tpu.memory_space<hbm>>
      %dma_start3A_1090 = arith.constant 80 : i32
      %dma_start3A_1091 = arith.constant 0 : i32
      %dma_start3A_1092 = tpu.memref_slice %arg9[%dma_start3A_1090, %dma_start3A_1091] : memref<160x129xf32, #tpu.memory_space<vmem>> -> memref<8x128xf32, #tpu.memory_space<vmem>>
      tpu.enqueue_dma source(%dma_start3A_1092 : memref<8x128xf32, #tpu.memory_space<vmem>>) target(%dma_start3A_1089 : memref<8x128xf32, #tpu.memory_space<hbm>>) target_semaphore(%arg13 : memref<!tpu.dma_semaphore, #tpu.memory_space<semaphore_mem>>)
      %add3A_1093 = arith.constant 1 : i32
      %add3A_1094 = arith.addi %add3A_939, %add3A_1093 : i32
      %dma_start3A_1095 = arith.constant 2 : i32
      %dma_start3A_1096 = arith.constant 88 : i32
      %dma_start3A_1097 = arith.constant 0 : i32
      %dma_start3A_1098 = tpu.memref_slice %arg9[%dma_start3A_1096, %dma_start3A_1097] : memref<160x129xf32, #tpu.memory_space<vmem>> -> memref<8x128xf32, #tpu.memory_space<vmem>>
      %dma_start3A_1099 = arith.constant 0 : i32
      %dma_start3A_1100 = arith.constant 0 : i32
      %dma_start3A_1101 = tpu.memref_slice %arg4[%shift_right_arithmetic3A_930, %dma_start3A_1095, %add3A_1094, %dma_start3A_1099, %dma_start3A_1100] : memref<200x4x32x8x128xf32, #tpu.memory_space<hbm>> -> memref<1x1x1x8x128xf32, #tpu.memory_space<hbm>>
      %dma_start3A_1102 = tpu.memref_squeeze %dma_start3A_1101 : memref<1x1x1x8x128xf32, #tpu.memory_space<hbm>> -> memref<8x128xf32, #tpu.memory_space<hbm>>
      %dma_start3A_1103 = arith.constant 0 : i32
      %dma_start3A_1104 = arith.constant 0 : i32
      %dma_start3A_1105 = tpu.memref_slice %arg4[%shift_right_arithmetic3A_930, %dma_start3A_1095, %add3A_1094, %dma_start3A_1103, %dma_start3A_1104] : memref<200x4x32x8x128xf32, #tpu.memory_space<hbm>> -> memref<1x1x1x8x128xf32, #tpu.memory_space<hbm>>
      %dma_start3A_1106 = tpu.memref_squeeze %dma_start3A_1105 : memref<1x1x1x8x128xf32, #tpu.memory_space<hbm>> -> memref<8x128xf32, #tpu.memory_space<hbm>>
      %dma_start3A_1107 = arith.constant 88 : i32
      %dma_start3A_1108 = arith.constant 0 : i32
      %dma_start3A_1109 = tpu.memref_slice %arg9[%dma_start3A_1107, %dma_start3A_1108] : memref<160x129xf32, #tpu.memory_space<vmem>> -> memref<8x128xf32, #tpu.memory_space<vmem>>
      tpu.enqueue_dma source(%dma_start3A_1109 : memref<8x128xf32, #tpu.memory_space<vmem>>) target(%dma_start3A_1106 : memref<8x128xf32, #tpu.memory_space<hbm>>) target_semaphore(%arg13 : memref<!tpu.dma_semaphore, #tpu.memory_space<semaphore_mem>>)
      %add3A_1110 = arith.constant 2 : i32
      %add3A_1111 = arith.addi %add3A_939, %add3A_1110 : i32
      %dma_start3A_1112 = arith.constant 2 : i32
      %dma_start3A_1113 = arith.constant 96 : i32
      %dma_start3A_1114 = arith.constant 0 : i32
      %dma_start3A_1115 = tpu.memref_slice %arg9[%dma_start3A_1113, %dma_start3A_1114] : memref<160x129xf32, #tpu.memory_space<vmem>> -> memref<8x128xf32, #tpu.memory_space<vmem>>
      %dma_start3A_1116 = arith.constant 0 : i32
      %dma_start3A_1117 = arith.constant 0 : i32
      %dma_start3A_1118 = tpu.memref_slice %arg4[%shift_right_arithmetic3A_930, %dma_start3A_1112, %add3A_1111, %dma_start3A_1116, %dma_start3A_1117] : memref<200x4x32x8x128xf32, #tpu.memory_space<hbm>> -> memref<1x1x1x8x128xf32, #tpu.memory_space<hbm>>
      %dma_start3A_1119 = tpu.memref_squeeze %dma_start3A_1118 : memref<1x1x1x8x128xf32, #tpu.memory_space<hbm>> -> memref<8x128xf32, #tpu.memory_space<hbm>>
      %dma_start3A_1120 = arith.constant 0 : i32
      %dma_start3A_1121 = arith.constant 0 : i32
      %dma_start3A_1122 = tpu.memref_slice %arg4[%shift_right_arithmetic3A_930, %dma_start3A_1112, %add3A_1111, %dma_start3A_1120, %dma_start3A_1121] : memref<200x4x32x8x128xf32, #tpu.memory_space<hbm>> -> memref<1x1x1x8x128xf32, #tpu.memory_space<hbm>>
      %dma_start3A_1123 = tpu.memref_squeeze %dma_start3A_1122 : memref<1x1x1x8x128xf32, #tpu.memory_space<hbm>> -> memref<8x128xf32, #tpu.memory_space<hbm>>
      %dma_start3A_1124 = arith.constant 96 : i32
      %dma_start3A_1125 = arith.constant 0 : i32
      %dma_start3A_1126 = tpu.memref_slice %arg9[%dma_start3A_1124, %dma_start3A_1125] : memref<160x129xf32, #tpu.memory_space<vmem>> -> memref<8x128xf32, #tpu.memory_space<vmem>>
      tpu.enqueue_dma source(%dma_start3A_1126 : memref<8x128xf32, #tpu.memory_space<vmem>>) target(%dma_start3A_1123 : memref<8x128xf32, #tpu.memory_space<hbm>>) target_semaphore(%arg13 : memref<!tpu.dma_semaphore, #tpu.memory_space<semaphore_mem>>)
      %add3A_1127 = arith.constant 3 : i32
      %add3A_1128 = arith.addi %add3A_939, %add3A_1127 : i32
      %dma_start3A_1129 = arith.constant 2 : i32
      %dma_start3A_1130 = arith.constant 104 : i32
      %dma_start3A_1131 = arith.constant 0 : i32
      %dma_start3A_1132 = tpu.memref_slice %arg9[%dma_start3A_1130, %dma_start3A_1131] : memref<160x129xf32, #tpu.memory_space<vmem>> -> memref<8x128xf32, #tpu.memory_space<vmem>>
      %dma_start3A_1133 = arith.constant 0 : i32
      %dma_start3A_1134 = arith.constant 0 : i32
      %dma_start3A_1135 = tpu.memref_slice %arg4[%shift_right_arithmetic3A_930, %dma_start3A_1129, %add3A_1128, %dma_start3A_1133, %dma_start3A_1134] : memref<200x4x32x8x128xf32, #tpu.memory_space<hbm>> -> memref<1x1x1x8x128xf32, #tpu.memory_space<hbm>>
      %dma_start3A_1136 = tpu.memref_squeeze %dma_start3A_1135 : memref<1x1x1x8x128xf32, #tpu.memory_space<hbm>> -> memref<8x128xf32, #tpu.memory_space<hbm>>
      %dma_start3A_1137 = arith.constant 0 : i32
      %dma_start3A_1138 = arith.constant 0 : i32
      %dma_start3A_1139 = tpu.memref_slice %arg4[%shift_right_arithmetic3A_930, %dma_start3A_1129, %add3A_1128, %dma_start3A_1137, %dma_start3A_1138] : memref<200x4x32x8x128xf32, #tpu.memory_space<hbm>> -> memref<1x1x1x8x128xf32, #tpu.memory_space<hbm>>
      %dma_start3A_1140 = tpu.memref_squeeze %dma_start3A_1139 : memref<1x1x1x8x128xf32, #tpu.memory_space<hbm>> -> memref<8x128xf32, #tpu.memory_space<hbm>>
      %dma_start3A_1141 = arith.constant 104 : i32
      %dma_start3A_1142 = arith.constant 0 : i32
      %dma_start3A_1143 = tpu.memref_slice %arg9[%dma_start3A_1141, %dma_start3A_1142] : memref<160x129xf32, #tpu.memory_space<vmem>> -> memref<8x128xf32, #tpu.memory_space<vmem>>
      tpu.enqueue_dma source(%dma_start3A_1143 : memref<8x128xf32, #tpu.memory_space<vmem>>) target(%dma_start3A_1140 : memref<8x128xf32, #tpu.memory_space<hbm>>) target_semaphore(%arg13 : memref<!tpu.dma_semaphore, #tpu.memory_space<semaphore_mem>>)
      %add3A_1144 = arith.constant 0 : i32
      %add3A_1145 = arith.addi %add3A_939, %add3A_1144 : i32
      %dma_start3A_1146 = arith.constant 3 : i32
      %dma_start3A_1147 = arith.constant 120 : i32
      %dma_start3A_1148 = arith.constant 0 : i32
      %dma_start3A_1149 = tpu.memref_slice %arg9[%dma_start3A_1147, %dma_start3A_1148] : memref<160x129xf32, #tpu.memory_space<vmem>> -> memref<8x128xf32, #tpu.memory_space<vmem>>
      %dma_start3A_1150 = arith.constant 0 : i32
      %dma_start3A_1151 = arith.constant 0 : i32
      %dma_start3A_1152 = tpu.memref_slice %arg4[%shift_right_arithmetic3A_930, %dma_start3A_1146, %add3A_1145, %dma_start3A_1150, %dma_start3A_1151] : memref<200x4x32x8x128xf32, #tpu.memory_space<hbm>> -> memref<1x1x1x8x128xf32, #tpu.memory_space<hbm>>
      %dma_start3A_1153 = tpu.memref_squeeze %dma_start3A_1152 : memref<1x1x1x8x128xf32, #tpu.memory_space<hbm>> -> memref<8x128xf32, #tpu.memory_space<hbm>>
      %dma_start3A_1154 = arith.constant 0 : i32
      %dma_start3A_1155 = arith.constant 0 : i32
      %dma_start3A_1156 = tpu.memref_slice %arg4[%shift_right_arithmetic3A_930, %dma_start3A_1146, %add3A_1145, %dma_start3A_1154, %dma_start3A_1155] : memref<200x4x32x8x128xf32, #tpu.memory_space<hbm>> -> memref<1x1x1x8x128xf32, #tpu.memory_space<hbm>>
      %dma_start3A_1157 = tpu.memref_squeeze %dma_start3A_1156 : memref<1x1x1x8x128xf32, #tpu.memory_space<hbm>> -> memref<8x128xf32, #tpu.memory_space<hbm>>
      %dma_start3A_1158 = arith.constant 120 : i32
      %dma_start3A_1159 = arith.constant 0 : i32
      %dma_start3A_1160 = tpu.memref_slice %arg9[%dma_start3A_1158, %dma_start3A_1159] : memref<160x129xf32, #tpu.memory_space<vmem>> -> memref<8x128xf32, #tpu.memory_space<vmem>>
      tpu.enqueue_dma source(%dma_start3A_1160 : memref<8x128xf32, #tpu.memory_space<vmem>>) target(%dma_start3A_1157 : memref<8x128xf32, #tpu.memory_space<hbm>>) target_semaphore(%arg13 : memref<!tpu.dma_semaphore, #tpu.memory_space<semaphore_mem>>)
      %add3A_1161 = arith.constant 1 : i32
      %add3A_1162 = arith.addi %add3A_939, %add3A_1161 : i32
      %dma_start3A_1163 = arith.constant 3 : i32
      %dma_start3A_1164 = arith.constant 128 : i32
      %dma_start3A_1165 = arith.constant 0 : i32
      %dma_start3A_1166 = tpu.memref_slice %arg9[%dma_start3A_1164, %dma_start3A_1165] : memref<160x129xf32, #tpu.memory_space<vmem>> -> memref<8x128xf32, #tpu.memory_space<vmem>>
      %dma_start3A_1167 = arith.constant 0 : i32
      %dma_start3A_1168 = arith.constant 0 : i32
      %dma_start3A_1169 = tpu.memref_slice %arg4[%shift_right_arithmetic3A_930, %dma_start3A_1163, %add3A_1162, %dma_start3A_1167, %dma_start3A_1168] : memref<200x4x32x8x128xf32, #tpu.memory_space<hbm>> -> memref<1x1x1x8x128xf32, #tpu.memory_space<hbm>>
      %dma_start3A_1170 = tpu.memref_squeeze %dma_start3A_1169 : memref<1x1x1x8x128xf32, #tpu.memory_space<hbm>> -> memref<8x128xf32, #tpu.memory_space<hbm>>
      %dma_start3A_1171 = arith.constant 0 : i32
      %dma_start3A_1172 = arith.constant 0 : i32
      %dma_start3A_1173 = tpu.memref_slice %arg4[%shift_right_arithmetic3A_930, %dma_start3A_1163, %add3A_1162, %dma_start3A_1171, %dma_start3A_1172] : memref<200x4x32x8x128xf32, #tpu.memory_space<hbm>> -> memref<1x1x1x8x128xf32, #tpu.memory_space<hbm>>
      %dma_start3A_1174 = tpu.memref_squeeze %dma_start3A_1173 : memref<1x1x1x8x128xf32, #tpu.memory_space<hbm>> -> memref<8x128xf32, #tpu.memory_space<hbm>>
      %dma_start3A_1175 = arith.constant 128 : i32
      %dma_start3A_1176 = arith.constant 0 : i32
      %dma_start3A_1177 = tpu.memref_slice %arg9[%dma_start3A_1175, %dma_start3A_1176] : memref<160x129xf32, #tpu.memory_space<vmem>> -> memref<8x128xf32, #tpu.memory_space<vmem>>
      tpu.enqueue_dma source(%dma_start3A_1177 : memref<8x128xf32, #tpu.memory_space<vmem>>) target(%dma_start3A_1174 : memref<8x128xf32, #tpu.memory_space<hbm>>) target_semaphore(%arg13 : memref<!tpu.dma_semaphore, #tpu.memory_space<semaphore_mem>>)
      %add3A_1178 = arith.constant 2 : i32
      %add3A_1179 = arith.addi %add3A_939, %add3A_1178 : i32
      %dma_start3A_1180 = arith.constant 3 : i32
      %dma_start3A_1181 = arith.constant 136 : i32
      %dma_start3A_1182 = arith.constant 0 : i32
      %dma_start3A_1183 = tpu.memref_slice %arg9[%dma_start3A_1181, %dma_start3A_1182] : memref<160x129xf32, #tpu.memory_space<vmem>> -> memref<8x128xf32, #tpu.memory_space<vmem>>
      %dma_start3A_1184 = arith.constant 0 : i32
      %dma_start3A_1185 = arith.constant 0 : i32
      %dma_start3A_1186 = tpu.memref_slice %arg4[%shift_right_arithmetic3A_930, %dma_start3A_1180, %add3A_1179, %dma_start3A_1184, %dma_start3A_1185] : memref<200x4x32x8x128xf32, #tpu.memory_space<hbm>> -> memref<1x1x1x8x128xf32, #tpu.memory_space<hbm>>
      %dma_start3A_1187 = tpu.memref_squeeze %dma_start3A_1186 : memref<1x1x1x8x128xf32, #tpu.memory_space<hbm>> -> memref<8x128xf32, #tpu.memory_space<hbm>>
      %dma_start3A_1188 = arith.constant 0 : i32
      %dma_start3A_1189 = arith.constant 0 : i32
      %dma_start3A_1190 = tpu.memref_slice %arg4[%shift_right_arithmetic3A_930, %dma_start3A_1180, %add3A_1179, %dma_start3A_1188, %dma_start3A_1189] : memref<200x4x32x8x128xf32, #tpu.memory_space<hbm>> -> memref<1x1x1x8x128xf32, #tpu.memory_space<hbm>>
      %dma_start3A_1191 = tpu.memref_squeeze %dma_start3A_1190 : memref<1x1x1x8x128xf32, #tpu.memory_space<hbm>> -> memref<8x128xf32, #tpu.memory_space<hbm>>
      %dma_start3A_1192 = arith.constant 136 : i32
      %dma_start3A_1193 = arith.constant 0 : i32
      %dma_start3A_1194 = tpu.memref_slice %arg9[%dma_start3A_1192, %dma_start3A_1193] : memref<160x129xf32, #tpu.memory_space<vmem>> -> memref<8x128xf32, #tpu.memory_space<vmem>>
      tpu.enqueue_dma source(%dma_start3A_1194 : memref<8x128xf32, #tpu.memory_space<vmem>>) target(%dma_start3A_1191 : memref<8x128xf32, #tpu.memory_space<hbm>>) target_semaphore(%arg13 : memref<!tpu.dma_semaphore, #tpu.memory_space<semaphore_mem>>)
      %add3A_1195 = arith.constant 3 : i32
      %add3A_1196 = arith.addi %add3A_939, %add3A_1195 : i32
      %dma_start3A_1197 = arith.constant 3 : i32
      %dma_start3A_1198 = arith.constant 144 : i32
      %dma_start3A_1199 = arith.constant 0 : i32
      %dma_start3A_1200 = tpu.memref_slice %arg9[%dma_start3A_1198, %dma_start3A_1199] : memref<160x129xf32, #tpu.memory_space<vmem>> -> memref<8x128xf32, #tpu.memory_space<vmem>>
      %dma_start3A_1201 = arith.constant 0 : i32
      %dma_start3A_1202 = arith.constant 0 : i32
      %dma_start3A_1203 = tpu.memref_slice %arg4[%shift_right_arithmetic3A_930, %dma_start3A_1197, %add3A_1196, %dma_start3A_1201, %dma_start3A_1202] : memref<200x4x32x8x128xf32, #tpu.memory_space<hbm>> -> memref<1x1x1x8x128xf32, #tpu.memory_space<hbm>>
      %dma_start3A_1204 = tpu.memref_squeeze %dma_start3A_1203 : memref<1x1x1x8x128xf32, #tpu.memory_space<hbm>> -> memref<8x128xf32, #tpu.memory_space<hbm>>
      %dma_start3A_1205 = arith.constant 0 : i32
      %dma_start3A_1206 = arith.constant 0 : i32
      %dma_start3A_1207 = tpu.memref_slice %arg4[%shift_right_arithmetic3A_930, %dma_start3A_1197, %add3A_1196, %dma_start3A_1205, %dma_start3A_1206] : memref<200x4x32x8x128xf32, #tpu.memory_space<hbm>> -> memref<1x1x1x8x128xf32, #tpu.memory_space<hbm>>
      %dma_start3A_1208 = tpu.memref_squeeze %dma_start3A_1207 : memref<1x1x1x8x128xf32, #tpu.memory_space<hbm>> -> memref<8x128xf32, #tpu.memory_space<hbm>>
      %dma_start3A_1209 = arith.constant 144 : i32
      %dma_start3A_1210 = arith.constant 0 : i32
      %dma_start3A_1211 = tpu.memref_slice %arg9[%dma_start3A_1209, %dma_start3A_1210] : memref<160x129xf32, #tpu.memory_space<vmem>> -> memref<8x128xf32, #tpu.memory_space<vmem>>
      tpu.enqueue_dma source(%dma_start3A_1211 : memref<8x128xf32, #tpu.memory_space<vmem>>) target(%dma_start3A_1208 : memref<8x128xf32, #tpu.memory_space<hbm>>) target_semaphore(%arg13 : memref<!tpu.dma_semaphore, #tpu.memory_space<semaphore_mem>>)
    }
    %scan3A_35 = arith.constant 25 : i32
    %mul3A_36 = arith.constant 25 : i32
    %mul3A_37 = arith.muli %add3A, %mul3A_36 : i32
    %add3A_38 = arith.constant 24 : i32
    %add3A_39 = arith.addi %mul3A_37, %add3A_38 : i32
    %shift_right_arithmetic3A_40 = arith.constant 2 : i32
    %shift_right_arithmetic3A_41 = arith.shrsi %add3A_39, %shift_right_arithmetic3A_40 : i32
    %and3A_42 = arith.constant 3 : i32
    %and3A_43 = arith.andi %add3A_39, %and3A_42 : i32
    %shift_left3A = arith.constant 3 : i32
    %shift_left3A_44 = arith.shli %and3A_43, %shift_left3A : i32
    %add3A_45 = arith.constant 0 : i32
    %add3A_46 = arith.addi %shift_left3A_44, %add3A_45 : i32
    %add3A_47 = arith.constant 0 : i32
    %add3A_48 = arith.addi %add3A_46, %add3A_47 : i32
    %dma_wait3A = arith.constant 0 : i32
    %dma_wait3A_49 = arith.constant 0 : i32
    %dma_wait3A_50 = arith.constant 0 : i32
    %dma_wait3A_51 = tpu.memref_slice %arg8[%dma_wait3A_49, %dma_wait3A_50] : memref<160x129xf32, #tpu.memory_space<vmem>> -> memref<8x128xf32, #tpu.memory_space<vmem>>
    %dma_wait3A_52 = arith.constant 0 : i32
    %dma_wait3A_53 = arith.constant 0 : i32
    %dma_wait3A_54 = tpu.memref_slice %arg4[%shift_right_arithmetic3A_41, %dma_wait3A, %add3A_48, %dma_wait3A_52, %dma_wait3A_53] : memref<200x4x32x8x128xf32, #tpu.memory_space<hbm>> -> memref<1x1x1x8x128xf32, #tpu.memory_space<hbm>>
    %dma_wait3A_55 = tpu.memref_squeeze %dma_wait3A_54 : memref<1x1x1x8x128xf32, #tpu.memory_space<hbm>> -> memref<8x128xf32, #tpu.memory_space<hbm>>
    %dma_wait3A_56 = arith.constant 0 : i32
    %dma_wait3A_57 = arith.constant 0 : i32
    %dma_wait3A_58 = tpu.memref_slice %arg4[%shift_right_arithmetic3A_41, %dma_wait3A, %add3A_48, %dma_wait3A_56, %dma_wait3A_57] : memref<200x4x32x8x128xf32, #tpu.memory_space<hbm>> -> memref<1x1x1x8x128xf32, #tpu.memory_space<hbm>>
    %dma_wait3A_59 = tpu.memref_squeeze %dma_wait3A_58 : memref<1x1x1x8x128xf32, #tpu.memory_space<hbm>> -> memref<8x128xf32, #tpu.memory_space<hbm>>
    %dma_wait3A_60 = arith.constant 0 : i32
    %dma_wait3A_61 = arith.constant 0 : i32
    %dma_wait3A_62 = tpu.memref_slice %arg8[%dma_wait3A_60, %dma_wait3A_61] : memref<160x129xf32, #tpu.memory_space<vmem>> -> memref<8x128xf32, #tpu.memory_space<vmem>>
    tpu.wait_dma2 semaphore(%arg12 : memref<!tpu.dma_semaphore, #tpu.memory_space<semaphore_mem>>) src(%dma_wait3A_62 : memref<8x128xf32, #tpu.memory_space<vmem>>) dst(%dma_wait3A_59 : memref<8x128xf32, #tpu.memory_space<hbm>>)
    %add3A_63 = arith.constant 1 : i32
    %add3A_64 = arith.addi %add3A_46, %add3A_63 : i32
    %dma_wait3A_65 = arith.constant 0 : i32
    %dma_wait3A_66 = arith.constant 8 : i32
    %dma_wait3A_67 = arith.constant 0 : i32
    %dma_wait3A_68 = tpu.memref_slice %arg8[%dma_wait3A_66, %dma_wait3A_67] : memref<160x129xf32, #tpu.memory_space<vmem>> -> memref<8x128xf32, #tpu.memory_space<vmem>>
    %dma_wait3A_69 = arith.constant 0 : i32
    %dma_wait3A_70 = arith.constant 0 : i32
    %dma_wait3A_71 = tpu.memref_slice %arg4[%shift_right_arithmetic3A_41, %dma_wait3A_65, %add3A_64, %dma_wait3A_69, %dma_wait3A_70] : memref<200x4x32x8x128xf32, #tpu.memory_space<hbm>> -> memref<1x1x1x8x128xf32, #tpu.memory_space<hbm>>
    %dma_wait3A_72 = tpu.memref_squeeze %dma_wait3A_71 : memref<1x1x1x8x128xf32, #tpu.memory_space<hbm>> -> memref<8x128xf32, #tpu.memory_space<hbm>>
    %dma_wait3A_73 = arith.constant 0 : i32
    %dma_wait3A_74 = arith.constant 0 : i32
    %dma_wait3A_75 = tpu.memref_slice %arg4[%shift_right_arithmetic3A_41, %dma_wait3A_65, %add3A_64, %dma_wait3A_73, %dma_wait3A_74] : memref<200x4x32x8x128xf32, #tpu.memory_space<hbm>> -> memref<1x1x1x8x128xf32, #tpu.memory_space<hbm>>
    %dma_wait3A_76 = tpu.memref_squeeze %dma_wait3A_75 : memref<1x1x1x8x128xf32, #tpu.memory_space<hbm>> -> memref<8x128xf32, #tpu.memory_space<hbm>>
    %dma_wait3A_77 = arith.constant 8 : i32
    %dma_wait3A_78 = arith.constant 0 : i32
    %dma_wait3A_79 = tpu.memref_slice %arg8[%dma_wait3A_77, %dma_wait3A_78] : memref<160x129xf32, #tpu.memory_space<vmem>> -> memref<8x128xf32, #tpu.memory_space<vmem>>
    tpu.wait_dma2 semaphore(%arg12 : memref<!tpu.dma_semaphore, #tpu.memory_space<semaphore_mem>>) src(%dma_wait3A_79 : memref<8x128xf32, #tpu.memory_space<vmem>>) dst(%dma_wait3A_76 : memref<8x128xf32, #tpu.memory_space<hbm>>)
    %add3A_80 = arith.constant 2 : i32
    %add3A_81 = arith.addi %add3A_46, %add3A_80 : i32
    %dma_wait3A_82 = arith.constant 0 : i32
    %dma_wait3A_83 = arith.constant 16 : i32
    %dma_wait3A_84 = arith.constant 0 : i32
    %dma_wait3A_85 = tpu.memref_slice %arg8[%dma_wait3A_83, %dma_wait3A_84] : memref<160x129xf32, #tpu.memory_space<vmem>> -> memref<8x128xf32, #tpu.memory_space<vmem>>
    %dma_wait3A_86 = arith.constant 0 : i32
    %dma_wait3A_87 = arith.constant 0 : i32
    %dma_wait3A_88 = tpu.memref_slice %arg4[%shift_right_arithmetic3A_41, %dma_wait3A_82, %add3A_81, %dma_wait3A_86, %dma_wait3A_87] : memref<200x4x32x8x128xf32, #tpu.memory_space<hbm>> -> memref<1x1x1x8x128xf32, #tpu.memory_space<hbm>>
    %dma_wait3A_89 = tpu.memref_squeeze %dma_wait3A_88 : memref<1x1x1x8x128xf32, #tpu.memory_space<hbm>> -> memref<8x128xf32, #tpu.memory_space<hbm>>
    %dma_wait3A_90 = arith.constant 0 : i32
    %dma_wait3A_91 = arith.constant 0 : i32
    %dma_wait3A_92 = tpu.memref_slice %arg4[%shift_right_arithmetic3A_41, %dma_wait3A_82, %add3A_81, %dma_wait3A_90, %dma_wait3A_91] : memref<200x4x32x8x128xf32, #tpu.memory_space<hbm>> -> memref<1x1x1x8x128xf32, #tpu.memory_space<hbm>>
    %dma_wait3A_93 = tpu.memref_squeeze %dma_wait3A_92 : memref<1x1x1x8x128xf32, #tpu.memory_space<hbm>> -> memref<8x128xf32, #tpu.memory_space<hbm>>
    %dma_wait3A_94 = arith.constant 16 : i32
    %dma_wait3A_95 = arith.constant 0 : i32
    %dma_wait3A_96 = tpu.memref_slice %arg8[%dma_wait3A_94, %dma_wait3A_95] : memref<160x129xf32, #tpu.memory_space<vmem>> -> memref<8x128xf32, #tpu.memory_space<vmem>>
    tpu.wait_dma2 semaphore(%arg12 : memref<!tpu.dma_semaphore, #tpu.memory_space<semaphore_mem>>) src(%dma_wait3A_96 : memref<8x128xf32, #tpu.memory_space<vmem>>) dst(%dma_wait3A_93 : memref<8x128xf32, #tpu.memory_space<hbm>>)
    %add3A_97 = arith.constant 3 : i32
    %add3A_98 = arith.addi %add3A_46, %add3A_97 : i32
    %dma_wait3A_99 = arith.constant 0 : i32
    %dma_wait3A_100 = arith.constant 24 : i32
    %dma_wait3A_101 = arith.constant 0 : i32
    %dma_wait3A_102 = tpu.memref_slice %arg8[%dma_wait3A_100, %dma_wait3A_101] : memref<160x129xf32, #tpu.memory_space<vmem>> -> memref<8x128xf32, #tpu.memory_space<vmem>>
    %dma_wait3A_103 = arith.constant 0 : i32
    %dma_wait3A_104 = arith.constant 0 : i32
    %dma_wait3A_105 = tpu.memref_slice %arg4[%shift_right_arithmetic3A_41, %dma_wait3A_99, %add3A_98, %dma_wait3A_103, %dma_wait3A_104] : memref<200x4x32x8x128xf32, #tpu.memory_space<hbm>> -> memref<1x1x1x8x128xf32, #tpu.memory_space<hbm>>
    %dma_wait3A_106 = tpu.memref_squeeze %dma_wait3A_105 : memref<1x1x1x8x128xf32, #tpu.memory_space<hbm>> -> memref<8x128xf32, #tpu.memory_space<hbm>>
    %dma_wait3A_107 = arith.constant 0 : i32
    %dma_wait3A_108 = arith.constant 0 : i32
    %dma_wait3A_109 = tpu.memref_slice %arg4[%shift_right_arithmetic3A_41, %dma_wait3A_99, %add3A_98, %dma_wait3A_107, %dma_wait3A_108] : memref<200x4x32x8x128xf32, #tpu.memory_space<hbm>> -> memref<1x1x1x8x128xf32, #tpu.memory_space<hbm>>
    %dma_wait3A_110 = tpu.memref_squeeze %dma_wait3A_109 : memref<1x1x1x8x128xf32, #tpu.memory_space<hbm>> -> memref<8x128xf32, #tpu.memory_space<hbm>>
    %dma_wait3A_111 = arith.constant 24 : i32
    %dma_wait3A_112 = arith.constant 0 : i32
    %dma_wait3A_113 = tpu.memref_slice %arg8[%dma_wait3A_111, %dma_wait3A_112] : memref<160x129xf32, #tpu.memory_space<vmem>> -> memref<8x128xf32, #tpu.memory_space<vmem>>
    tpu.wait_dma2 semaphore(%arg12 : memref<!tpu.dma_semaphore, #tpu.memory_space<semaphore_mem>>) src(%dma_wait3A_113 : memref<8x128xf32, #tpu.memory_space<vmem>>) dst(%dma_wait3A_110 : memref<8x128xf32, #tpu.memory_space<hbm>>)
    %add3A_114 = arith.constant 0 : i32
    %add3A_115 = arith.addi %add3A_46, %add3A_114 : i32
    %dma_wait3A_116 = arith.constant 1 : i32
    %dma_wait3A_117 = arith.constant 40 : i32
    %dma_wait3A_118 = arith.constant 0 : i32
    %dma_wait3A_119 = tpu.memref_slice %arg8[%dma_wait3A_117, %dma_wait3A_118] : memref<160x129xf32, #tpu.memory_space<vmem>> -> memref<8x128xf32, #tpu.memory_space<vmem>>
    %dma_wait3A_120 = arith.constant 0 : i32
    %dma_wait3A_121 = arith.constant 0 : i32
    %dma_wait3A_122 = tpu.memref_slice %arg4[%shift_right_arithmetic3A_41, %dma_wait3A_116, %add3A_115, %dma_wait3A_120, %dma_wait3A_121] : memref<200x4x32x8x128xf32, #tpu.memory_space<hbm>> -> memref<1x1x1x8x128xf32, #tpu.memory_space<hbm>>
    %dma_wait3A_123 = tpu.memref_squeeze %dma_wait3A_122 : memref<1x1x1x8x128xf32, #tpu.memory_space<hbm>> -> memref<8x128xf32, #tpu.memory_space<hbm>>
    %dma_wait3A_124 = arith.constant 0 : i32
    %dma_wait3A_125 = arith.constant 0 : i32
    %dma_wait3A_126 = tpu.memref_slice %arg4[%shift_right_arithmetic3A_41, %dma_wait3A_116, %add3A_115, %dma_wait3A_124, %dma_wait3A_125] : memref<200x4x32x8x128xf32, #tpu.memory_space<hbm>> -> memref<1x1x1x8x128xf32, #tpu.memory_space<hbm>>
    %dma_wait3A_127 = tpu.memref_squeeze %dma_wait3A_126 : memref<1x1x1x8x128xf32, #tpu.memory_space<hbm>> -> memref<8x128xf32, #tpu.memory_space<hbm>>
    %dma_wait3A_128 = arith.constant 40 : i32
    %dma_wait3A_129 = arith.constant 0 : i32
    %dma_wait3A_130 = tpu.memref_slice %arg8[%dma_wait3A_128, %dma_wait3A_129] : memref<160x129xf32, #tpu.memory_space<vmem>> -> memref<8x128xf32, #tpu.memory_space<vmem>>
    tpu.wait_dma2 semaphore(%arg12 : memref<!tpu.dma_semaphore, #tpu.memory_space<semaphore_mem>>) src(%dma_wait3A_130 : memref<8x128xf32, #tpu.memory_space<vmem>>) dst(%dma_wait3A_127 : memref<8x128xf32, #tpu.memory_space<hbm>>)
    %add3A_131 = arith.constant 1 : i32
    %add3A_132 = arith.addi %add3A_46, %add3A_131 : i32
    %dma_wait3A_133 = arith.constant 1 : i32
    %dma_wait3A_134 = arith.constant 48 : i32
    %dma_wait3A_135 = arith.constant 0 : i32
    %dma_wait3A_136 = tpu.memref_slice %arg8[%dma_wait3A_134, %dma_wait3A_135] : memref<160x129xf32, #tpu.memory_space<vmem>> -> memref<8x128xf32, #tpu.memory_space<vmem>>
    %dma_wait3A_137 = arith.constant 0 : i32
    %dma_wait3A_138 = arith.constant 0 : i32
    %dma_wait3A_139 = tpu.memref_slice %arg4[%shift_right_arithmetic3A_41, %dma_wait3A_133, %add3A_132, %dma_wait3A_137, %dma_wait3A_138] : memref<200x4x32x8x128xf32, #tpu.memory_space<hbm>> -> memref<1x1x1x8x128xf32, #tpu.memory_space<hbm>>
    %dma_wait3A_140 = tpu.memref_squeeze %dma_wait3A_139 : memref<1x1x1x8x128xf32, #tpu.memory_space<hbm>> -> memref<8x128xf32, #tpu.memory_space<hbm>>
    %dma_wait3A_141 = arith.constant 0 : i32
    %dma_wait3A_142 = arith.constant 0 : i32
    %dma_wait3A_143 = tpu.memref_slice %arg4[%shift_right_arithmetic3A_41, %dma_wait3A_133, %add3A_132, %dma_wait3A_141, %dma_wait3A_142] : memref<200x4x32x8x128xf32, #tpu.memory_space<hbm>> -> memref<1x1x1x8x128xf32, #tpu.memory_space<hbm>>
    %dma_wait3A_144 = tpu.memref_squeeze %dma_wait3A_143 : memref<1x1x1x8x128xf32, #tpu.memory_space<hbm>> -> memref<8x128xf32, #tpu.memory_space<hbm>>
    %dma_wait3A_145 = arith.constant 48 : i32
    %dma_wait3A_146 = arith.constant 0 : i32
    %dma_wait3A_147 = tpu.memref_slice %arg8[%dma_wait3A_145, %dma_wait3A_146] : memref<160x129xf32, #tpu.memory_space<vmem>> -> memref<8x128xf32, #tpu.memory_space<vmem>>
    tpu.wait_dma2 semaphore(%arg12 : memref<!tpu.dma_semaphore, #tpu.memory_space<semaphore_mem>>) src(%dma_wait3A_147 : memref<8x128xf32, #tpu.memory_space<vmem>>) dst(%dma_wait3A_144 : memref<8x128xf32, #tpu.memory_space<hbm>>)
    %add3A_148 = arith.constant 2 : i32
    %add3A_149 = arith.addi %add3A_46, %add3A_148 : i32
    %dma_wait3A_150 = arith.constant 1 : i32
    %dma_wait3A_151 = arith.constant 56 : i32
    %dma_wait3A_152 = arith.constant 0 : i32
    %dma_wait3A_153 = tpu.memref_slice %arg8[%dma_wait3A_151, %dma_wait3A_152] : memref<160x129xf32, #tpu.memory_space<vmem>> -> memref<8x128xf32, #tpu.memory_space<vmem>>
    %dma_wait3A_154 = arith.constant 0 : i32
    %dma_wait3A_155 = arith.constant 0 : i32
    %dma_wait3A_156 = tpu.memref_slice %arg4[%shift_right_arithmetic3A_41, %dma_wait3A_150, %add3A_149, %dma_wait3A_154, %dma_wait3A_155] : memref<200x4x32x8x128xf32, #tpu.memory_space<hbm>> -> memref<1x1x1x8x128xf32, #tpu.memory_space<hbm>>
    %dma_wait3A_157 = tpu.memref_squeeze %dma_wait3A_156 : memref<1x1x1x8x128xf32, #tpu.memory_space<hbm>> -> memref<8x128xf32, #tpu.memory_space<hbm>>
    %dma_wait3A_158 = arith.constant 0 : i32
    %dma_wait3A_159 = arith.constant 0 : i32
    %dma_wait3A_160 = tpu.memref_slice %arg4[%shift_right_arithmetic3A_41, %dma_wait3A_150, %add3A_149, %dma_wait3A_158, %dma_wait3A_159] : memref<200x4x32x8x128xf32, #tpu.memory_space<hbm>> -> memref<1x1x1x8x128xf32, #tpu.memory_space<hbm>>
    %dma_wait3A_161 = tpu.memref_squeeze %dma_wait3A_160 : memref<1x1x1x8x128xf32, #tpu.memory_space<hbm>> -> memref<8x128xf32, #tpu.memory_space<hbm>>
    %dma_wait3A_162 = arith.constant 56 : i32
    %dma_wait3A_163 = arith.constant 0 : i32
    %dma_wait3A_164 = tpu.memref_slice %arg8[%dma_wait3A_162, %dma_wait3A_163] : memref<160x129xf32, #tpu.memory_space<vmem>> -> memref<8x128xf32, #tpu.memory_space<vmem>>
    tpu.wait_dma2 semaphore(%arg12 : memref<!tpu.dma_semaphore, #tpu.memory_space<semaphore_mem>>) src(%dma_wait3A_164 : memref<8x128xf32, #tpu.memory_space<vmem>>) dst(%dma_wait3A_161 : memref<8x128xf32, #tpu.memory_space<hbm>>)
    %add3A_165 = arith.constant 3 : i32
    %add3A_166 = arith.addi %add3A_46, %add3A_165 : i32
    %dma_wait3A_167 = arith.constant 1 : i32
    %dma_wait3A_168 = arith.constant 64 : i32
    %dma_wait3A_169 = arith.constant 0 : i32
    %dma_wait3A_170 = tpu.memref_slice %arg8[%dma_wait3A_168, %dma_wait3A_169] : memref<160x129xf32, #tpu.memory_space<vmem>> -> memref<8x128xf32, #tpu.memory_space<vmem>>
    %dma_wait3A_171 = arith.constant 0 : i32
    %dma_wait3A_172 = arith.constant 0 : i32
    %dma_wait3A_173 = tpu.memref_slice %arg4[%shift_right_arithmetic3A_41, %dma_wait3A_167, %add3A_166, %dma_wait3A_171, %dma_wait3A_172] : memref<200x4x32x8x128xf32, #tpu.memory_space<hbm>> -> memref<1x1x1x8x128xf32, #tpu.memory_space<hbm>>
    %dma_wait3A_174 = tpu.memref_squeeze %dma_wait3A_173 : memref<1x1x1x8x128xf32, #tpu.memory_space<hbm>> -> memref<8x128xf32, #tpu.memory_space<hbm>>
    %dma_wait3A_175 = arith.constant 0 : i32
    %dma_wait3A_176 = arith.constant 0 : i32
    %dma_wait3A_177 = tpu.memref_slice %arg4[%shift_right_arithmetic3A_41, %dma_wait3A_167, %add3A_166, %dma_wait3A_175, %dma_wait3A_176] : memref<200x4x32x8x128xf32, #tpu.memory_space<hbm>> -> memref<1x1x1x8x128xf32, #tpu.memory_space<hbm>>
    %dma_wait3A_178 = tpu.memref_squeeze %dma_wait3A_177 : memref<1x1x1x8x128xf32, #tpu.memory_space<hbm>> -> memref<8x128xf32, #tpu.memory_space<hbm>>
    %dma_wait3A_179 = arith.constant 64 : i32
    %dma_wait3A_180 = arith.constant 0 : i32
    %dma_wait3A_181 = tpu.memref_slice %arg8[%dma_wait3A_179, %dma_wait3A_180] : memref<160x129xf32, #tpu.memory_space<vmem>> -> memref<8x128xf32, #tpu.memory_space<vmem>>
    tpu.wait_dma2 semaphore(%arg12 : memref<!tpu.dma_semaphore, #tpu.memory_space<semaphore_mem>>) src(%dma_wait3A_181 : memref<8x128xf32, #tpu.memory_space<vmem>>) dst(%dma_wait3A_178 : memref<8x128xf32, #tpu.memory_space<hbm>>)
    %add3A_182 = arith.constant 0 : i32
    %add3A_183 = arith.addi %add3A_46, %add3A_182 : i32
    %dma_wait3A_184 = arith.constant 2 : i32
    %dma_wait3A_185 = arith.constant 80 : i32
    %dma_wait3A_186 = arith.constant 0 : i32
    %dma_wait3A_187 = tpu.memref_slice %arg8[%dma_wait3A_185, %dma_wait3A_186] : memref<160x129xf32, #tpu.memory_space<vmem>> -> memref<8x128xf32, #tpu.memory_space<vmem>>
    %dma_wait3A_188 = arith.constant 0 : i32
    %dma_wait3A_189 = arith.constant 0 : i32
    %dma_wait3A_190 = tpu.memref_slice %arg4[%shift_right_arithmetic3A_41, %dma_wait3A_184, %add3A_183, %dma_wait3A_188, %dma_wait3A_189] : memref<200x4x32x8x128xf32, #tpu.memory_space<hbm>> -> memref<1x1x1x8x128xf32, #tpu.memory_space<hbm>>
    %dma_wait3A_191 = tpu.memref_squeeze %dma_wait3A_190 : memref<1x1x1x8x128xf32, #tpu.memory_space<hbm>> -> memref<8x128xf32, #tpu.memory_space<hbm>>
    %dma_wait3A_192 = arith.constant 0 : i32
    %dma_wait3A_193 = arith.constant 0 : i32
    %dma_wait3A_194 = tpu.memref_slice %arg4[%shift_right_arithmetic3A_41, %dma_wait3A_184, %add3A_183, %dma_wait3A_192, %dma_wait3A_193] : memref<200x4x32x8x128xf32, #tpu.memory_space<hbm>> -> memref<1x1x1x8x128xf32, #tpu.memory_space<hbm>>
    %dma_wait3A_195 = tpu.memref_squeeze %dma_wait3A_194 : memref<1x1x1x8x128xf32, #tpu.memory_space<hbm>> -> memref<8x128xf32, #tpu.memory_space<hbm>>
    %dma_wait3A_196 = arith.constant 80 : i32
    %dma_wait3A_197 = arith.constant 0 : i32
    %dma_wait3A_198 = tpu.memref_slice %arg8[%dma_wait3A_196, %dma_wait3A_197] : memref<160x129xf32, #tpu.memory_space<vmem>> -> memref<8x128xf32, #tpu.memory_space<vmem>>
    tpu.wait_dma2 semaphore(%arg12 : memref<!tpu.dma_semaphore, #tpu.memory_space<semaphore_mem>>) src(%dma_wait3A_198 : memref<8x128xf32, #tpu.memory_space<vmem>>) dst(%dma_wait3A_195 : memref<8x128xf32, #tpu.memory_space<hbm>>)
    %add3A_199 = arith.constant 1 : i32
    %add3A_200 = arith.addi %add3A_46, %add3A_199 : i32
    %dma_wait3A_201 = arith.constant 2 : i32
    %dma_wait3A_202 = arith.constant 88 : i32
    %dma_wait3A_203 = arith.constant 0 : i32
    %dma_wait3A_204 = tpu.memref_slice %arg8[%dma_wait3A_202, %dma_wait3A_203] : memref<160x129xf32, #tpu.memory_space<vmem>> -> memref<8x128xf32, #tpu.memory_space<vmem>>
    %dma_wait3A_205 = arith.constant 0 : i32
    %dma_wait3A_206 = arith.constant 0 : i32
    %dma_wait3A_207 = tpu.memref_slice %arg4[%shift_right_arithmetic3A_41, %dma_wait3A_201, %add3A_200, %dma_wait3A_205, %dma_wait3A_206] : memref<200x4x32x8x128xf32, #tpu.memory_space<hbm>> -> memref<1x1x1x8x128xf32, #tpu.memory_space<hbm>>
    %dma_wait3A_208 = tpu.memref_squeeze %dma_wait3A_207 : memref<1x1x1x8x128xf32, #tpu.memory_space<hbm>> -> memref<8x128xf32, #tpu.memory_space<hbm>>
    %dma_wait3A_209 = arith.constant 0 : i32
    %dma_wait3A_210 = arith.constant 0 : i32
    %dma_wait3A_211 = tpu.memref_slice %arg4[%shift_right_arithmetic3A_41, %dma_wait3A_201, %add3A_200, %dma_wait3A_209, %dma_wait3A_210] : memref<200x4x32x8x128xf32, #tpu.memory_space<hbm>> -> memref<1x1x1x8x128xf32, #tpu.memory_space<hbm>>
    %dma_wait3A_212 = tpu.memref_squeeze %dma_wait3A_211 : memref<1x1x1x8x128xf32, #tpu.memory_space<hbm>> -> memref<8x128xf32, #tpu.memory_space<hbm>>
    %dma_wait3A_213 = arith.constant 88 : i32
    %dma_wait3A_214 = arith.constant 0 : i32
    %dma_wait3A_215 = tpu.memref_slice %arg8[%dma_wait3A_213, %dma_wait3A_214] : memref<160x129xf32, #tpu.memory_space<vmem>> -> memref<8x128xf32, #tpu.memory_space<vmem>>
    tpu.wait_dma2 semaphore(%arg12 : memref<!tpu.dma_semaphore, #tpu.memory_space<semaphore_mem>>) src(%dma_wait3A_215 : memref<8x128xf32, #tpu.memory_space<vmem>>) dst(%dma_wait3A_212 : memref<8x128xf32, #tpu.memory_space<hbm>>)
    %add3A_216 = arith.constant 2 : i32
    %add3A_217 = arith.addi %add3A_46, %add3A_216 : i32
    %dma_wait3A_218 = arith.constant 2 : i32
    %dma_wait3A_219 = arith.constant 96 : i32
    %dma_wait3A_220 = arith.constant 0 : i32
    %dma_wait3A_221 = tpu.memref_slice %arg8[%dma_wait3A_219, %dma_wait3A_220] : memref<160x129xf32, #tpu.memory_space<vmem>> -> memref<8x128xf32, #tpu.memory_space<vmem>>
    %dma_wait3A_222 = arith.constant 0 : i32
    %dma_wait3A_223 = arith.constant 0 : i32
    %dma_wait3A_224 = tpu.memref_slice %arg4[%shift_right_arithmetic3A_41, %dma_wait3A_218, %add3A_217, %dma_wait3A_222, %dma_wait3A_223] : memref<200x4x32x8x128xf32, #tpu.memory_space<hbm>> -> memref<1x1x1x8x128xf32, #tpu.memory_space<hbm>>
    %dma_wait3A_225 = tpu.memref_squeeze %dma_wait3A_224 : memref<1x1x1x8x128xf32, #tpu.memory_space<hbm>> -> memref<8x128xf32, #tpu.memory_space<hbm>>
    %dma_wait3A_226 = arith.constant 0 : i32
    %dma_wait3A_227 = arith.constant 0 : i32
    %dma_wait3A_228 = tpu.memref_slice %arg4[%shift_right_arithmetic3A_41, %dma_wait3A_218, %add3A_217, %dma_wait3A_226, %dma_wait3A_227] : memref<200x4x32x8x128xf32, #tpu.memory_space<hbm>> -> memref<1x1x1x8x128xf32, #tpu.memory_space<hbm>>
    %dma_wait3A_229 = tpu.memref_squeeze %dma_wait3A_228 : memref<1x1x1x8x128xf32, #tpu.memory_space<hbm>> -> memref<8x128xf32, #tpu.memory_space<hbm>>
    %dma_wait3A_230 = arith.constant 96 : i32
    %dma_wait3A_231 = arith.constant 0 : i32
    %dma_wait3A_232 = tpu.memref_slice %arg8[%dma_wait3A_230, %dma_wait3A_231] : memref<160x129xf32, #tpu.memory_space<vmem>> -> memref<8x128xf32, #tpu.memory_space<vmem>>
    tpu.wait_dma2 semaphore(%arg12 : memref<!tpu.dma_semaphore, #tpu.memory_space<semaphore_mem>>) src(%dma_wait3A_232 : memref<8x128xf32, #tpu.memory_space<vmem>>) dst(%dma_wait3A_229 : memref<8x128xf32, #tpu.memory_space<hbm>>)
    %add3A_233 = arith.constant 3 : i32
    %add3A_234 = arith.addi %add3A_46, %add3A_233 : i32
    %dma_wait3A_235 = arith.constant 2 : i32
    %dma_wait3A_236 = arith.constant 104 : i32
    %dma_wait3A_237 = arith.constant 0 : i32
    %dma_wait3A_238 = tpu.memref_slice %arg8[%dma_wait3A_236, %dma_wait3A_237] : memref<160x129xf32, #tpu.memory_space<vmem>> -> memref<8x128xf32, #tpu.memory_space<vmem>>
    %dma_wait3A_239 = arith.constant 0 : i32
    %dma_wait3A_240 = arith.constant 0 : i32
    %dma_wait3A_241 = tpu.memref_slice %arg4[%shift_right_arithmetic3A_41, %dma_wait3A_235, %add3A_234, %dma_wait3A_239, %dma_wait3A_240] : memref<200x4x32x8x128xf32, #tpu.memory_space<hbm>> -> memref<1x1x1x8x128xf32, #tpu.memory_space<hbm>>
    %dma_wait3A_242 = tpu.memref_squeeze %dma_wait3A_241 : memref<1x1x1x8x128xf32, #tpu.memory_space<hbm>> -> memref<8x128xf32, #tpu.memory_space<hbm>>
    %dma_wait3A_243 = arith.constant 0 : i32
    %dma_wait3A_244 = arith.constant 0 : i32
    %dma_wait3A_245 = tpu.memref_slice %arg4[%shift_right_arithmetic3A_41, %dma_wait3A_235, %add3A_234, %dma_wait3A_243, %dma_wait3A_244] : memref<200x4x32x8x128xf32, #tpu.memory_space<hbm>> -> memref<1x1x1x8x128xf32, #tpu.memory_space<hbm>>
    %dma_wait3A_246 = tpu.memref_squeeze %dma_wait3A_245 : memref<1x1x1x8x128xf32, #tpu.memory_space<hbm>> -> memref<8x128xf32, #tpu.memory_space<hbm>>
    %dma_wait3A_247 = arith.constant 104 : i32
    %dma_wait3A_248 = arith.constant 0 : i32
    %dma_wait3A_249 = tpu.memref_slice %arg8[%dma_wait3A_247, %dma_wait3A_248] : memref<160x129xf32, #tpu.memory_space<vmem>> -> memref<8x128xf32, #tpu.memory_space<vmem>>
    tpu.wait_dma2 semaphore(%arg12 : memref<!tpu.dma_semaphore, #tpu.memory_space<semaphore_mem>>) src(%dma_wait3A_249 : memref<8x128xf32, #tpu.memory_space<vmem>>) dst(%dma_wait3A_246 : memref<8x128xf32, #tpu.memory_space<hbm>>)
    %add3A_250 = arith.constant 0 : i32
    %add3A_251 = arith.addi %add3A_46, %add3A_250 : i32
    %dma_wait3A_252 = arith.constant 3 : i32
    %dma_wait3A_253 = arith.constant 120 : i32
    %dma_wait3A_254 = arith.constant 0 : i32
    %dma_wait3A_255 = tpu.memref_slice %arg8[%dma_wait3A_253, %dma_wait3A_254] : memref<160x129xf32, #tpu.memory_space<vmem>> -> memref<8x128xf32, #tpu.memory_space<vmem>>
    %dma_wait3A_256 = arith.constant 0 : i32
    %dma_wait3A_257 = arith.constant 0 : i32
    %dma_wait3A_258 = tpu.memref_slice %arg4[%shift_right_arithmetic3A_41, %dma_wait3A_252, %add3A_251, %dma_wait3A_256, %dma_wait3A_257] : memref<200x4x32x8x128xf32, #tpu.memory_space<hbm>> -> memref<1x1x1x8x128xf32, #tpu.memory_space<hbm>>
    %dma_wait3A_259 = tpu.memref_squeeze %dma_wait3A_258 : memref<1x1x1x8x128xf32, #tpu.memory_space<hbm>> -> memref<8x128xf32, #tpu.memory_space<hbm>>
    %dma_wait3A_260 = arith.constant 0 : i32
    %dma_wait3A_261 = arith.constant 0 : i32
    %dma_wait3A_262 = tpu.memref_slice %arg4[%shift_right_arithmetic3A_41, %dma_wait3A_252, %add3A_251, %dma_wait3A_260, %dma_wait3A_261] : memref<200x4x32x8x128xf32, #tpu.memory_space<hbm>> -> memref<1x1x1x8x128xf32, #tpu.memory_space<hbm>>
    %dma_wait3A_263 = tpu.memref_squeeze %dma_wait3A_262 : memref<1x1x1x8x128xf32, #tpu.memory_space<hbm>> -> memref<8x128xf32, #tpu.memory_space<hbm>>
    %dma_wait3A_264 = arith.constant 120 : i32
    %dma_wait3A_265 = arith.constant 0 : i32
    %dma_wait3A_266 = tpu.memref_slice %arg8[%dma_wait3A_264, %dma_wait3A_265] : memref<160x129xf32, #tpu.memory_space<vmem>> -> memref<8x128xf32, #tpu.memory_space<vmem>>
    tpu.wait_dma2 semaphore(%arg12 : memref<!tpu.dma_semaphore, #tpu.memory_space<semaphore_mem>>) src(%dma_wait3A_266 : memref<8x128xf32, #tpu.memory_space<vmem>>) dst(%dma_wait3A_263 : memref<8x128xf32, #tpu.memory_space<hbm>>)
    %add3A_267 = arith.constant 1 : i32
    %add3A_268 = arith.addi %add3A_46, %add3A_267 : i32
    %dma_wait3A_269 = arith.constant 3 : i32
    %dma_wait3A_270 = arith.constant 128 : i32
    %dma_wait3A_271 = arith.constant 0 : i32
    %dma_wait3A_272 = tpu.memref_slice %arg8[%dma_wait3A_270, %dma_wait3A_271] : memref<160x129xf32, #tpu.memory_space<vmem>> -> memref<8x128xf32, #tpu.memory_space<vmem>>
    %dma_wait3A_273 = arith.constant 0 : i32
    %dma_wait3A_274 = arith.constant 0 : i32
    %dma_wait3A_275 = tpu.memref_slice %arg4[%shift_right_arithmetic3A_41, %dma_wait3A_269, %add3A_268, %dma_wait3A_273, %dma_wait3A_274] : memref<200x4x32x8x128xf32, #tpu.memory_space<hbm>> -> memref<1x1x1x8x128xf32, #tpu.memory_space<hbm>>
    %dma_wait3A_276 = tpu.memref_squeeze %dma_wait3A_275 : memref<1x1x1x8x128xf32, #tpu.memory_space<hbm>> -> memref<8x128xf32, #tpu.memory_space<hbm>>
    %dma_wait3A_277 = arith.constant 0 : i32
    %dma_wait3A_278 = arith.constant 0 : i32
    %dma_wait3A_279 = tpu.memref_slice %arg4[%shift_right_arithmetic3A_41, %dma_wait3A_269, %add3A_268, %dma_wait3A_277, %dma_wait3A_278] : memref<200x4x32x8x128xf32, #tpu.memory_space<hbm>> -> memref<1x1x1x8x128xf32, #tpu.memory_space<hbm>>
    %dma_wait3A_280 = tpu.memref_squeeze %dma_wait3A_279 : memref<1x1x1x8x128xf32, #tpu.memory_space<hbm>> -> memref<8x128xf32, #tpu.memory_space<hbm>>
    %dma_wait3A_281 = arith.constant 128 : i32
    %dma_wait3A_282 = arith.constant 0 : i32
    %dma_wait3A_283 = tpu.memref_slice %arg8[%dma_wait3A_281, %dma_wait3A_282] : memref<160x129xf32, #tpu.memory_space<vmem>> -> memref<8x128xf32, #tpu.memory_space<vmem>>
    tpu.wait_dma2 semaphore(%arg12 : memref<!tpu.dma_semaphore, #tpu.memory_space<semaphore_mem>>) src(%dma_wait3A_283 : memref<8x128xf32, #tpu.memory_space<vmem>>) dst(%dma_wait3A_280 : memref<8x128xf32, #tpu.memory_space<hbm>>)
    %add3A_284 = arith.constant 2 : i32
    %add3A_285 = arith.addi %add3A_46, %add3A_284 : i32
    %dma_wait3A_286 = arith.constant 3 : i32
    %dma_wait3A_287 = arith.constant 136 : i32
    %dma_wait3A_288 = arith.constant 0 : i32
    %dma_wait3A_289 = tpu.memref_slice %arg8[%dma_wait3A_287, %dma_wait3A_288] : memref<160x129xf32, #tpu.memory_space<vmem>> -> memref<8x128xf32, #tpu.memory_space<vmem>>
    %dma_wait3A_290 = arith.constant 0 : i32
    %dma_wait3A_291 = arith.constant 0 : i32
    %dma_wait3A_292 = tpu.memref_slice %arg4[%shift_right_arithmetic3A_41, %dma_wait3A_286, %add3A_285, %dma_wait3A_290, %dma_wait3A_291] : memref<200x4x32x8x128xf32, #tpu.memory_space<hbm>> -> memref<1x1x1x8x128xf32, #tpu.memory_space<hbm>>
    %dma_wait3A_293 = tpu.memref_squeeze %dma_wait3A_292 : memref<1x1x1x8x128xf32, #tpu.memory_space<hbm>> -> memref<8x128xf32, #tpu.memory_space<hbm>>
    %dma_wait3A_294 = arith.constant 0 : i32
    %dma_wait3A_295 = arith.constant 0 : i32
    %dma_wait3A_296 = tpu.memref_slice %arg4[%shift_right_arithmetic3A_41, %dma_wait3A_286, %add3A_285, %dma_wait3A_294, %dma_wait3A_295] : memref<200x4x32x8x128xf32, #tpu.memory_space<hbm>> -> memref<1x1x1x8x128xf32, #tpu.memory_space<hbm>>
    %dma_wait3A_297 = tpu.memref_squeeze %dma_wait3A_296 : memref<1x1x1x8x128xf32, #tpu.memory_space<hbm>> -> memref<8x128xf32, #tpu.memory_space<hbm>>
    %dma_wait3A_298 = arith.constant 136 : i32
    %dma_wait3A_299 = arith.constant 0 : i32
    %dma_wait3A_300 = tpu.memref_slice %arg8[%dma_wait3A_298, %dma_wait3A_299] : memref<160x129xf32, #tpu.memory_space<vmem>> -> memref<8x128xf32, #tpu.memory_space<vmem>>
    tpu.wait_dma2 semaphore(%arg12 : memref<!tpu.dma_semaphore, #tpu.memory_space<semaphore_mem>>) src(%dma_wait3A_300 : memref<8x128xf32, #tpu.memory_space<vmem>>) dst(%dma_wait3A_297 : memref<8x128xf32, #tpu.memory_space<hbm>>)
    %add3A_301 = arith.constant 3 : i32
    %add3A_302 = arith.addi %add3A_46, %add3A_301 : i32
    %dma_wait3A_303 = arith.constant 3 : i32
    %dma_wait3A_304 = arith.constant 144 : i32
    %dma_wait3A_305 = arith.constant 0 : i32
    %dma_wait3A_306 = tpu.memref_slice %arg8[%dma_wait3A_304, %dma_wait3A_305] : memref<160x129xf32, #tpu.memory_space<vmem>> -> memref<8x128xf32, #tpu.memory_space<vmem>>
    %dma_wait3A_307 = arith.constant 0 : i32
    %dma_wait3A_308 = arith.constant 0 : i32
    %dma_wait3A_309 = tpu.memref_slice %arg4[%shift_right_arithmetic3A_41, %dma_wait3A_303, %add3A_302, %dma_wait3A_307, %dma_wait3A_308] : memref<200x4x32x8x128xf32, #tpu.memory_space<hbm>> -> memref<1x1x1x8x128xf32, #tpu.memory_space<hbm>>
    %dma_wait3A_310 = tpu.memref_squeeze %dma_wait3A_309 : memref<1x1x1x8x128xf32, #tpu.memory_space<hbm>> -> memref<8x128xf32, #tpu.memory_space<hbm>>
    %dma_wait3A_311 = arith.constant 0 : i32
    %dma_wait3A_312 = arith.constant 0 : i32
    %dma_wait3A_313 = tpu.memref_slice %arg4[%shift_right_arithmetic3A_41, %dma_wait3A_303, %add3A_302, %dma_wait3A_311, %dma_wait3A_312] : memref<200x4x32x8x128xf32, #tpu.memory_space<hbm>> -> memref<1x1x1x8x128xf32, #tpu.memory_space<hbm>>
    %dma_wait3A_314 = tpu.memref_squeeze %dma_wait3A_313 : memref<1x1x1x8x128xf32, #tpu.memory_space<hbm>> -> memref<8x128xf32, #tpu.memory_space<hbm>>
    %dma_wait3A_315 = arith.constant 144 : i32
    %dma_wait3A_316 = arith.constant 0 : i32
    %dma_wait3A_317 = tpu.memref_slice %arg8[%dma_wait3A_315, %dma_wait3A_316] : memref<160x129xf32, #tpu.memory_space<vmem>> -> memref<8x128xf32, #tpu.memory_space<vmem>>
    tpu.wait_dma2 semaphore(%arg12 : memref<!tpu.dma_semaphore, #tpu.memory_space<semaphore_mem>>) src(%dma_wait3A_317 : memref<8x128xf32, #tpu.memory_space<vmem>>) dst(%dma_wait3A_314 : memref<8x128xf32, #tpu.memory_space<hbm>>)
    %mul3A_318 = arith.constant 25 : i32
    %mul3A_319 = arith.muli %add3A, %mul3A_318 : i32
    %add3A_320 = arith.constant 24 : i32
    %add3A_321 = arith.addi %mul3A_319, %add3A_320 : i32
    %shift_right_arithmetic3A_322 = arith.constant 2 : i32
    %shift_right_arithmetic3A_323 = arith.shrsi %add3A_321, %shift_right_arithmetic3A_322 : i32
    %and3A_324 = arith.constant 3 : i32
    %and3A_325 = arith.andi %add3A_321, %and3A_324 : i32
    %shift_left3A_326 = arith.constant 3 : i32
    %shift_left3A_327 = arith.shli %and3A_325, %shift_left3A_326 : i32
    %add3A_328 = arith.constant 4 : i32
    %add3A_329 = arith.addi %shift_left3A_327, %add3A_328 : i32
    %add3A_330 = arith.constant 0 : i32
    %add3A_331 = arith.addi %add3A_329, %add3A_330 : i32
    %dma_wait3A_332 = arith.constant 0 : i32
    %dma_wait3A_333 = arith.constant 0 : i32
    %dma_wait3A_334 = arith.constant 0 : i32
    %dma_wait3A_335 = tpu.memref_slice %arg9[%dma_wait3A_333, %dma_wait3A_334] : memref<160x129xf32, #tpu.memory_space<vmem>> -> memref<8x128xf32, #tpu.memory_space<vmem>>
    %dma_wait3A_336 = arith.constant 0 : i32
    %dma_wait3A_337 = arith.constant 0 : i32
    %dma_wait3A_338 = tpu.memref_slice %arg4[%shift_right_arithmetic3A_323, %dma_wait3A_332, %add3A_331, %dma_wait3A_336, %dma_wait3A_337] : memref<200x4x32x8x128xf32, #tpu.memory_space<hbm>> -> memref<1x1x1x8x128xf32, #tpu.memory_space<hbm>>
    %dma_wait3A_339 = tpu.memref_squeeze %dma_wait3A_338 : memref<1x1x1x8x128xf32, #tpu.memory_space<hbm>> -> memref<8x128xf32, #tpu.memory_space<hbm>>
    %dma_wait3A_340 = arith.constant 0 : i32
    %dma_wait3A_341 = arith.constant 0 : i32
    %dma_wait3A_342 = tpu.memref_slice %arg4[%shift_right_arithmetic3A_323, %dma_wait3A_332, %add3A_331, %dma_wait3A_340, %dma_wait3A_341] : memref<200x4x32x8x128xf32, #tpu.memory_space<hbm>> -> memref<1x1x1x8x128xf32, #tpu.memory_space<hbm>>
    %dma_wait3A_343 = tpu.memref_squeeze %dma_wait3A_342 : memref<1x1x1x8x128xf32, #tpu.memory_space<hbm>> -> memref<8x128xf32, #tpu.memory_space<hbm>>
    %dma_wait3A_344 = arith.constant 0 : i32
    %dma_wait3A_345 = arith.constant 0 : i32
    %dma_wait3A_346 = tpu.memref_slice %arg9[%dma_wait3A_344, %dma_wait3A_345] : memref<160x129xf32, #tpu.memory_space<vmem>> -> memref<8x128xf32, #tpu.memory_space<vmem>>
    tpu.wait_dma2 semaphore(%arg13 : memref<!tpu.dma_semaphore, #tpu.memory_space<semaphore_mem>>) src(%dma_wait3A_346 : memref<8x128xf32, #tpu.memory_space<vmem>>) dst(%dma_wait3A_343 : memref<8x128xf32, #tpu.memory_space<hbm>>)
    %add3A_347 = arith.constant 1 : i32
    %add3A_348 = arith.addi %add3A_329, %add3A_347 : i32
    %dma_wait3A_349 = arith.constant 0 : i32
    %dma_wait3A_350 = arith.constant 8 : i32
    %dma_wait3A_351 = arith.constant 0 : i32
    %dma_wait3A_352 = tpu.memref_slice %arg9[%dma_wait3A_350, %dma_wait3A_351] : memref<160x129xf32, #tpu.memory_space<vmem>> -> memref<8x128xf32, #tpu.memory_space<vmem>>
    %dma_wait3A_353 = arith.constant 0 : i32
    %dma_wait3A_354 = arith.constant 0 : i32
    %dma_wait3A_355 = tpu.memref_slice %arg4[%shift_right_arithmetic3A_323, %dma_wait3A_349, %add3A_348, %dma_wait3A_353, %dma_wait3A_354] : memref<200x4x32x8x128xf32, #tpu.memory_space<hbm>> -> memref<1x1x1x8x128xf32, #tpu.memory_space<hbm>>
    %dma_wait3A_356 = tpu.memref_squeeze %dma_wait3A_355 : memref<1x1x1x8x128xf32, #tpu.memory_space<hbm>> -> memref<8x128xf32, #tpu.memory_space<hbm>>
    %dma_wait3A_357 = arith.constant 0 : i32
    %dma_wait3A_358 = arith.constant 0 : i32
    %dma_wait3A_359 = tpu.memref_slice %arg4[%shift_right_arithmetic3A_323, %dma_wait3A_349, %add3A_348, %dma_wait3A_357, %dma_wait3A_358] : memref<200x4x32x8x128xf32, #tpu.memory_space<hbm>> -> memref<1x1x1x8x128xf32, #tpu.memory_space<hbm>>
    %dma_wait3A_360 = tpu.memref_squeeze %dma_wait3A_359 : memref<1x1x1x8x128xf32, #tpu.memory_space<hbm>> -> memref<8x128xf32, #tpu.memory_space<hbm>>
    %dma_wait3A_361 = arith.constant 8 : i32
    %dma_wait3A_362 = arith.constant 0 : i32
    %dma_wait3A_363 = tpu.memref_slice %arg9[%dma_wait3A_361, %dma_wait3A_362] : memref<160x129xf32, #tpu.memory_space<vmem>> -> memref<8x128xf32, #tpu.memory_space<vmem>>
    tpu.wait_dma2 semaphore(%arg13 : memref<!tpu.dma_semaphore, #tpu.memory_space<semaphore_mem>>) src(%dma_wait3A_363 : memref<8x128xf32, #tpu.memory_space<vmem>>) dst(%dma_wait3A_360 : memref<8x128xf32, #tpu.memory_space<hbm>>)
    %add3A_364 = arith.constant 2 : i32
    %add3A_365 = arith.addi %add3A_329, %add3A_364 : i32
    %dma_wait3A_366 = arith.constant 0 : i32
    %dma_wait3A_367 = arith.constant 16 : i32
    %dma_wait3A_368 = arith.constant 0 : i32
    %dma_wait3A_369 = tpu.memref_slice %arg9[%dma_wait3A_367, %dma_wait3A_368] : memref<160x129xf32, #tpu.memory_space<vmem>> -> memref<8x128xf32, #tpu.memory_space<vmem>>
    %dma_wait3A_370 = arith.constant 0 : i32
    %dma_wait3A_371 = arith.constant 0 : i32
    %dma_wait3A_372 = tpu.memref_slice %arg4[%shift_right_arithmetic3A_323, %dma_wait3A_366, %add3A_365, %dma_wait3A_370, %dma_wait3A_371] : memref<200x4x32x8x128xf32, #tpu.memory_space<hbm>> -> memref<1x1x1x8x128xf32, #tpu.memory_space<hbm>>
    %dma_wait3A_373 = tpu.memref_squeeze %dma_wait3A_372 : memref<1x1x1x8x128xf32, #tpu.memory_space<hbm>> -> memref<8x128xf32, #tpu.memory_space<hbm>>
    %dma_wait3A_374 = arith.constant 0 : i32
    %dma_wait3A_375 = arith.constant 0 : i32
    %dma_wait3A_376 = tpu.memref_slice %arg4[%shift_right_arithmetic3A_323, %dma_wait3A_366, %add3A_365, %dma_wait3A_374, %dma_wait3A_375] : memref<200x4x32x8x128xf32, #tpu.memory_space<hbm>> -> memref<1x1x1x8x128xf32, #tpu.memory_space<hbm>>
    %dma_wait3A_377 = tpu.memref_squeeze %dma_wait3A_376 : memref<1x1x1x8x128xf32, #tpu.memory_space<hbm>> -> memref<8x128xf32, #tpu.memory_space<hbm>>
    %dma_wait3A_378 = arith.constant 16 : i32
    %dma_wait3A_379 = arith.constant 0 : i32
    %dma_wait3A_380 = tpu.memref_slice %arg9[%dma_wait3A_378, %dma_wait3A_379] : memref<160x129xf32, #tpu.memory_space<vmem>> -> memref<8x128xf32, #tpu.memory_space<vmem>>
    tpu.wait_dma2 semaphore(%arg13 : memref<!tpu.dma_semaphore, #tpu.memory_space<semaphore_mem>>) src(%dma_wait3A_380 : memref<8x128xf32, #tpu.memory_space<vmem>>) dst(%dma_wait3A_377 : memref<8x128xf32, #tpu.memory_space<hbm>>)
    %add3A_381 = arith.constant 3 : i32
    %add3A_382 = arith.addi %add3A_329, %add3A_381 : i32
    %dma_wait3A_383 = arith.constant 0 : i32
    %dma_wait3A_384 = arith.constant 24 : i32
    %dma_wait3A_385 = arith.constant 0 : i32
    %dma_wait3A_386 = tpu.memref_slice %arg9[%dma_wait3A_384, %dma_wait3A_385] : memref<160x129xf32, #tpu.memory_space<vmem>> -> memref<8x128xf32, #tpu.memory_space<vmem>>
    %dma_wait3A_387 = arith.constant 0 : i32
    %dma_wait3A_388 = arith.constant 0 : i32
    %dma_wait3A_389 = tpu.memref_slice %arg4[%shift_right_arithmetic3A_323, %dma_wait3A_383, %add3A_382, %dma_wait3A_387, %dma_wait3A_388] : memref<200x4x32x8x128xf32, #tpu.memory_space<hbm>> -> memref<1x1x1x8x128xf32, #tpu.memory_space<hbm>>
    %dma_wait3A_390 = tpu.memref_squeeze %dma_wait3A_389 : memref<1x1x1x8x128xf32, #tpu.memory_space<hbm>> -> memref<8x128xf32, #tpu.memory_space<hbm>>
    %dma_wait3A_391 = arith.constant 0 : i32
    %dma_wait3A_392 = arith.constant 0 : i32
    %dma_wait3A_393 = tpu.memref_slice %arg4[%shift_right_arithmetic3A_323, %dma_wait3A_383, %add3A_382, %dma_wait3A_391, %dma_wait3A_392] : memref<200x4x32x8x128xf32, #tpu.memory_space<hbm>> -> memref<1x1x1x8x128xf32, #tpu.memory_space<hbm>>
    %dma_wait3A_394 = tpu.memref_squeeze %dma_wait3A_393 : memref<1x1x1x8x128xf32, #tpu.memory_space<hbm>> -> memref<8x128xf32, #tpu.memory_space<hbm>>
    %dma_wait3A_395 = arith.constant 24 : i32
    %dma_wait3A_396 = arith.constant 0 : i32
    %dma_wait3A_397 = tpu.memref_slice %arg9[%dma_wait3A_395, %dma_wait3A_396] : memref<160x129xf32, #tpu.memory_space<vmem>> -> memref<8x128xf32, #tpu.memory_space<vmem>>
    tpu.wait_dma2 semaphore(%arg13 : memref<!tpu.dma_semaphore, #tpu.memory_space<semaphore_mem>>) src(%dma_wait3A_397 : memref<8x128xf32, #tpu.memory_space<vmem>>) dst(%dma_wait3A_394 : memref<8x128xf32, #tpu.memory_space<hbm>>)
    %add3A_398 = arith.constant 0 : i32
    %add3A_399 = arith.addi %add3A_329, %add3A_398 : i32
    %dma_wait3A_400 = arith.constant 1 : i32
    %dma_wait3A_401 = arith.constant 40 : i32
    %dma_wait3A_402 = arith.constant 0 : i32
    %dma_wait3A_403 = tpu.memref_slice %arg9[%dma_wait3A_401, %dma_wait3A_402] : memref<160x129xf32, #tpu.memory_space<vmem>> -> memref<8x128xf32, #tpu.memory_space<vmem>>
    %dma_wait3A_404 = arith.constant 0 : i32
    %dma_wait3A_405 = arith.constant 0 : i32
    %dma_wait3A_406 = tpu.memref_slice %arg4[%shift_right_arithmetic3A_323, %dma_wait3A_400, %add3A_399, %dma_wait3A_404, %dma_wait3A_405] : memref<200x4x32x8x128xf32, #tpu.memory_space<hbm>> -> memref<1x1x1x8x128xf32, #tpu.memory_space<hbm>>
    %dma_wait3A_407 = tpu.memref_squeeze %dma_wait3A_406 : memref<1x1x1x8x128xf32, #tpu.memory_space<hbm>> -> memref<8x128xf32, #tpu.memory_space<hbm>>
    %dma_wait3A_408 = arith.constant 0 : i32
    %dma_wait3A_409 = arith.constant 0 : i32
    %dma_wait3A_410 = tpu.memref_slice %arg4[%shift_right_arithmetic3A_323, %dma_wait3A_400, %add3A_399, %dma_wait3A_408, %dma_wait3A_409] : memref<200x4x32x8x128xf32, #tpu.memory_space<hbm>> -> memref<1x1x1x8x128xf32, #tpu.memory_space<hbm>>
    %dma_wait3A_411 = tpu.memref_squeeze %dma_wait3A_410 : memref<1x1x1x8x128xf32, #tpu.memory_space<hbm>> -> memref<8x128xf32, #tpu.memory_space<hbm>>
    %dma_wait3A_412 = arith.constant 40 : i32
    %dma_wait3A_413 = arith.constant 0 : i32
    %dma_wait3A_414 = tpu.memref_slice %arg9[%dma_wait3A_412, %dma_wait3A_413] : memref<160x129xf32, #tpu.memory_space<vmem>> -> memref<8x128xf32, #tpu.memory_space<vmem>>
    tpu.wait_dma2 semaphore(%arg13 : memref<!tpu.dma_semaphore, #tpu.memory_space<semaphore_mem>>) src(%dma_wait3A_414 : memref<8x128xf32, #tpu.memory_space<vmem>>) dst(%dma_wait3A_411 : memref<8x128xf32, #tpu.memory_space<hbm>>)
    %add3A_415 = arith.constant 1 : i32
    %add3A_416 = arith.addi %add3A_329, %add3A_415 : i32
    %dma_wait3A_417 = arith.constant 1 : i32
    %dma_wait3A_418 = arith.constant 48 : i32
    %dma_wait3A_419 = arith.constant 0 : i32
    %dma_wait3A_420 = tpu.memref_slice %arg9[%dma_wait3A_418, %dma_wait3A_419] : memref<160x129xf32, #tpu.memory_space<vmem>> -> memref<8x128xf32, #tpu.memory_space<vmem>>
    %dma_wait3A_421 = arith.constant 0 : i32
    %dma_wait3A_422 = arith.constant 0 : i32
    %dma_wait3A_423 = tpu.memref_slice %arg4[%shift_right_arithmetic3A_323, %dma_wait3A_417, %add3A_416, %dma_wait3A_421, %dma_wait3A_422] : memref<200x4x32x8x128xf32, #tpu.memory_space<hbm>> -> memref<1x1x1x8x128xf32, #tpu.memory_space<hbm>>
    %dma_wait3A_424 = tpu.memref_squeeze %dma_wait3A_423 : memref<1x1x1x8x128xf32, #tpu.memory_space<hbm>> -> memref<8x128xf32, #tpu.memory_space<hbm>>
    %dma_wait3A_425 = arith.constant 0 : i32
    %dma_wait3A_426 = arith.constant 0 : i32
    %dma_wait3A_427 = tpu.memref_slice %arg4[%shift_right_arithmetic3A_323, %dma_wait3A_417, %add3A_416, %dma_wait3A_425, %dma_wait3A_426] : memref<200x4x32x8x128xf32, #tpu.memory_space<hbm>> -> memref<1x1x1x8x128xf32, #tpu.memory_space<hbm>>
    %dma_wait3A_428 = tpu.memref_squeeze %dma_wait3A_427 : memref<1x1x1x8x128xf32, #tpu.memory_space<hbm>> -> memref<8x128xf32, #tpu.memory_space<hbm>>
    %dma_wait3A_429 = arith.constant 48 : i32
    %dma_wait3A_430 = arith.constant 0 : i32
    %dma_wait3A_431 = tpu.memref_slice %arg9[%dma_wait3A_429, %dma_wait3A_430] : memref<160x129xf32, #tpu.memory_space<vmem>> -> memref<8x128xf32, #tpu.memory_space<vmem>>
    tpu.wait_dma2 semaphore(%arg13 : memref<!tpu.dma_semaphore, #tpu.memory_space<semaphore_mem>>) src(%dma_wait3A_431 : memref<8x128xf32, #tpu.memory_space<vmem>>) dst(%dma_wait3A_428 : memref<8x128xf32, #tpu.memory_space<hbm>>)
    %add3A_432 = arith.constant 2 : i32
    %add3A_433 = arith.addi %add3A_329, %add3A_432 : i32
    %dma_wait3A_434 = arith.constant 1 : i32
    %dma_wait3A_435 = arith.constant 56 : i32
    %dma_wait3A_436 = arith.constant 0 : i32
    %dma_wait3A_437 = tpu.memref_slice %arg9[%dma_wait3A_435, %dma_wait3A_436] : memref<160x129xf32, #tpu.memory_space<vmem>> -> memref<8x128xf32, #tpu.memory_space<vmem>>
    %dma_wait3A_438 = arith.constant 0 : i32
    %dma_wait3A_439 = arith.constant 0 : i32
    %dma_wait3A_440 = tpu.memref_slice %arg4[%shift_right_arithmetic3A_323, %dma_wait3A_434, %add3A_433, %dma_wait3A_438, %dma_wait3A_439] : memref<200x4x32x8x128xf32, #tpu.memory_space<hbm>> -> memref<1x1x1x8x128xf32, #tpu.memory_space<hbm>>
    %dma_wait3A_441 = tpu.memref_squeeze %dma_wait3A_440 : memref<1x1x1x8x128xf32, #tpu.memory_space<hbm>> -> memref<8x128xf32, #tpu.memory_space<hbm>>
    %dma_wait3A_442 = arith.constant 0 : i32
    %dma_wait3A_443 = arith.constant 0 : i32
    %dma_wait3A_444 = tpu.memref_slice %arg4[%shift_right_arithmetic3A_323, %dma_wait3A_434, %add3A_433, %dma_wait3A_442, %dma_wait3A_443] : memref<200x4x32x8x128xf32, #tpu.memory_space<hbm>> -> memref<1x1x1x8x128xf32, #tpu.memory_space<hbm>>
    %dma_wait3A_445 = tpu.memref_squeeze %dma_wait3A_444 : memref<1x1x1x8x128xf32, #tpu.memory_space<hbm>> -> memref<8x128xf32, #tpu.memory_space<hbm>>
    %dma_wait3A_446 = arith.constant 56 : i32
    %dma_wait3A_447 = arith.constant 0 : i32
    %dma_wait3A_448 = tpu.memref_slice %arg9[%dma_wait3A_446, %dma_wait3A_447] : memref<160x129xf32, #tpu.memory_space<vmem>> -> memref<8x128xf32, #tpu.memory_space<vmem>>
    tpu.wait_dma2 semaphore(%arg13 : memref<!tpu.dma_semaphore, #tpu.memory_space<semaphore_mem>>) src(%dma_wait3A_448 : memref<8x128xf32, #tpu.memory_space<vmem>>) dst(%dma_wait3A_445 : memref<8x128xf32, #tpu.memory_space<hbm>>)
    %add3A_449 = arith.constant 3 : i32
    %add3A_450 = arith.addi %add3A_329, %add3A_449 : i32
    %dma_wait3A_451 = arith.constant 1 : i32
    %dma_wait3A_452 = arith.constant 64 : i32
    %dma_wait3A_453 = arith.constant 0 : i32
    %dma_wait3A_454 = tpu.memref_slice %arg9[%dma_wait3A_452, %dma_wait3A_453] : memref<160x129xf32, #tpu.memory_space<vmem>> -> memref<8x128xf32, #tpu.memory_space<vmem>>
    %dma_wait3A_455 = arith.constant 0 : i32
    %dma_wait3A_456 = arith.constant 0 : i32
    %dma_wait3A_457 = tpu.memref_slice %arg4[%shift_right_arithmetic3A_323, %dma_wait3A_451, %add3A_450, %dma_wait3A_455, %dma_wait3A_456] : memref<200x4x32x8x128xf32, #tpu.memory_space<hbm>> -> memref<1x1x1x8x128xf32, #tpu.memory_space<hbm>>
    %dma_wait3A_458 = tpu.memref_squeeze %dma_wait3A_457 : memref<1x1x1x8x128xf32, #tpu.memory_space<hbm>> -> memref<8x128xf32, #tpu.memory_space<hbm>>
    %dma_wait3A_459 = arith.constant 0 : i32
    %dma_wait3A_460 = arith.constant 0 : i32
    %dma_wait3A_461 = tpu.memref_slice %arg4[%shift_right_arithmetic3A_323, %dma_wait3A_451, %add3A_450, %dma_wait3A_459, %dma_wait3A_460] : memref<200x4x32x8x128xf32, #tpu.memory_space<hbm>> -> memref<1x1x1x8x128xf32, #tpu.memory_space<hbm>>
    %dma_wait3A_462 = tpu.memref_squeeze %dma_wait3A_461 : memref<1x1x1x8x128xf32, #tpu.memory_space<hbm>> -> memref<8x128xf32, #tpu.memory_space<hbm>>
    %dma_wait3A_463 = arith.constant 64 : i32
    %dma_wait3A_464 = arith.constant 0 : i32
    %dma_wait3A_465 = tpu.memref_slice %arg9[%dma_wait3A_463, %dma_wait3A_464] : memref<160x129xf32, #tpu.memory_space<vmem>> -> memref<8x128xf32, #tpu.memory_space<vmem>>
    tpu.wait_dma2 semaphore(%arg13 : memref<!tpu.dma_semaphore, #tpu.memory_space<semaphore_mem>>) src(%dma_wait3A_465 : memref<8x128xf32, #tpu.memory_space<vmem>>) dst(%dma_wait3A_462 : memref<8x128xf32, #tpu.memory_space<hbm>>)
    %add3A_466 = arith.constant 0 : i32
    %add3A_467 = arith.addi %add3A_329, %add3A_466 : i32
    %dma_wait3A_468 = arith.constant 2 : i32
    %dma_wait3A_469 = arith.constant 80 : i32
    %dma_wait3A_470 = arith.constant 0 : i32
    %dma_wait3A_471 = tpu.memref_slice %arg9[%dma_wait3A_469, %dma_wait3A_470] : memref<160x129xf32, #tpu.memory_space<vmem>> -> memref<8x128xf32, #tpu.memory_space<vmem>>
    %dma_wait3A_472 = arith.constant 0 : i32
    %dma_wait3A_473 = arith.constant 0 : i32
    %dma_wait3A_474 = tpu.memref_slice %arg4[%shift_right_arithmetic3A_323, %dma_wait3A_468, %add3A_467, %dma_wait3A_472, %dma_wait3A_473] : memref<200x4x32x8x128xf32, #tpu.memory_space<hbm>> -> memref<1x1x1x8x128xf32, #tpu.memory_space<hbm>>
    %dma_wait3A_475 = tpu.memref_squeeze %dma_wait3A_474 : memref<1x1x1x8x128xf32, #tpu.memory_space<hbm>> -> memref<8x128xf32, #tpu.memory_space<hbm>>
    %dma_wait3A_476 = arith.constant 0 : i32
    %dma_wait3A_477 = arith.constant 0 : i32
    %dma_wait3A_478 = tpu.memref_slice %arg4[%shift_right_arithmetic3A_323, %dma_wait3A_468, %add3A_467, %dma_wait3A_476, %dma_wait3A_477] : memref<200x4x32x8x128xf32, #tpu.memory_space<hbm>> -> memref<1x1x1x8x128xf32, #tpu.memory_space<hbm>>
    %dma_wait3A_479 = tpu.memref_squeeze %dma_wait3A_478 : memref<1x1x1x8x128xf32, #tpu.memory_space<hbm>> -> memref<8x128xf32, #tpu.memory_space<hbm>>
    %dma_wait3A_480 = arith.constant 80 : i32
    %dma_wait3A_481 = arith.constant 0 : i32
    %dma_wait3A_482 = tpu.memref_slice %arg9[%dma_wait3A_480, %dma_wait3A_481] : memref<160x129xf32, #tpu.memory_space<vmem>> -> memref<8x128xf32, #tpu.memory_space<vmem>>
    tpu.wait_dma2 semaphore(%arg13 : memref<!tpu.dma_semaphore, #tpu.memory_space<semaphore_mem>>) src(%dma_wait3A_482 : memref<8x128xf32, #tpu.memory_space<vmem>>) dst(%dma_wait3A_479 : memref<8x128xf32, #tpu.memory_space<hbm>>)
    %add3A_483 = arith.constant 1 : i32
    %add3A_484 = arith.addi %add3A_329, %add3A_483 : i32
    %dma_wait3A_485 = arith.constant 2 : i32
    %dma_wait3A_486 = arith.constant 88 : i32
    %dma_wait3A_487 = arith.constant 0 : i32
    %dma_wait3A_488 = tpu.memref_slice %arg9[%dma_wait3A_486, %dma_wait3A_487] : memref<160x129xf32, #tpu.memory_space<vmem>> -> memref<8x128xf32, #tpu.memory_space<vmem>>
    %dma_wait3A_489 = arith.constant 0 : i32
    %dma_wait3A_490 = arith.constant 0 : i32
    %dma_wait3A_491 = tpu.memref_slice %arg4[%shift_right_arithmetic3A_323, %dma_wait3A_485, %add3A_484, %dma_wait3A_489, %dma_wait3A_490] : memref<200x4x32x8x128xf32, #tpu.memory_space<hbm>> -> memref<1x1x1x8x128xf32, #tpu.memory_space<hbm>>
    %dma_wait3A_492 = tpu.memref_squeeze %dma_wait3A_491 : memref<1x1x1x8x128xf32, #tpu.memory_space<hbm>> -> memref<8x128xf32, #tpu.memory_space<hbm>>
    %dma_wait3A_493 = arith.constant 0 : i32
    %dma_wait3A_494 = arith.constant 0 : i32
    %dma_wait3A_495 = tpu.memref_slice %arg4[%shift_right_arithmetic3A_323, %dma_wait3A_485, %add3A_484, %dma_wait3A_493, %dma_wait3A_494] : memref<200x4x32x8x128xf32, #tpu.memory_space<hbm>> -> memref<1x1x1x8x128xf32, #tpu.memory_space<hbm>>
    %dma_wait3A_496 = tpu.memref_squeeze %dma_wait3A_495 : memref<1x1x1x8x128xf32, #tpu.memory_space<hbm>> -> memref<8x128xf32, #tpu.memory_space<hbm>>
    %dma_wait3A_497 = arith.constant 88 : i32
    %dma_wait3A_498 = arith.constant 0 : i32
    %dma_wait3A_499 = tpu.memref_slice %arg9[%dma_wait3A_497, %dma_wait3A_498] : memref<160x129xf32, #tpu.memory_space<vmem>> -> memref<8x128xf32, #tpu.memory_space<vmem>>
    tpu.wait_dma2 semaphore(%arg13 : memref<!tpu.dma_semaphore, #tpu.memory_space<semaphore_mem>>) src(%dma_wait3A_499 : memref<8x128xf32, #tpu.memory_space<vmem>>) dst(%dma_wait3A_496 : memref<8x128xf32, #tpu.memory_space<hbm>>)
    %add3A_500 = arith.constant 2 : i32
    %add3A_501 = arith.addi %add3A_329, %add3A_500 : i32
    %dma_wait3A_502 = arith.constant 2 : i32
    %dma_wait3A_503 = arith.constant 96 : i32
    %dma_wait3A_504 = arith.constant 0 : i32
    %dma_wait3A_505 = tpu.memref_slice %arg9[%dma_wait3A_503, %dma_wait3A_504] : memref<160x129xf32, #tpu.memory_space<vmem>> -> memref<8x128xf32, #tpu.memory_space<vmem>>
    %dma_wait3A_506 = arith.constant 0 : i32
    %dma_wait3A_507 = arith.constant 0 : i32
    %dma_wait3A_508 = tpu.memref_slice %arg4[%shift_right_arithmetic3A_323, %dma_wait3A_502, %add3A_501, %dma_wait3A_506, %dma_wait3A_507] : memref<200x4x32x8x128xf32, #tpu.memory_space<hbm>> -> memref<1x1x1x8x128xf32, #tpu.memory_space<hbm>>
    %dma_wait3A_509 = tpu.memref_squeeze %dma_wait3A_508 : memref<1x1x1x8x128xf32, #tpu.memory_space<hbm>> -> memref<8x128xf32, #tpu.memory_space<hbm>>
    %dma_wait3A_510 = arith.constant 0 : i32
    %dma_wait3A_511 = arith.constant 0 : i32
    %dma_wait3A_512 = tpu.memref_slice %arg4[%shift_right_arithmetic3A_323, %dma_wait3A_502, %add3A_501, %dma_wait3A_510, %dma_wait3A_511] : memref<200x4x32x8x128xf32, #tpu.memory_space<hbm>> -> memref<1x1x1x8x128xf32, #tpu.memory_space<hbm>>
    %dma_wait3A_513 = tpu.memref_squeeze %dma_wait3A_512 : memref<1x1x1x8x128xf32, #tpu.memory_space<hbm>> -> memref<8x128xf32, #tpu.memory_space<hbm>>
    %dma_wait3A_514 = arith.constant 96 : i32
    %dma_wait3A_515 = arith.constant 0 : i32
    %dma_wait3A_516 = tpu.memref_slice %arg9[%dma_wait3A_514, %dma_wait3A_515] : memref<160x129xf32, #tpu.memory_space<vmem>> -> memref<8x128xf32, #tpu.memory_space<vmem>>
    tpu.wait_dma2 semaphore(%arg13 : memref<!tpu.dma_semaphore, #tpu.memory_space<semaphore_mem>>) src(%dma_wait3A_516 : memref<8x128xf32, #tpu.memory_space<vmem>>) dst(%dma_wait3A_513 : memref<8x128xf32, #tpu.memory_space<hbm>>)
    %add3A_517 = arith.constant 3 : i32
    %add3A_518 = arith.addi %add3A_329, %add3A_517 : i32
    %dma_wait3A_519 = arith.constant 2 : i32
    %dma_wait3A_520 = arith.constant 104 : i32
    %dma_wait3A_521 = arith.constant 0 : i32
    %dma_wait3A_522 = tpu.memref_slice %arg9[%dma_wait3A_520, %dma_wait3A_521] : memref<160x129xf32, #tpu.memory_space<vmem>> -> memref<8x128xf32, #tpu.memory_space<vmem>>
    %dma_wait3A_523 = arith.constant 0 : i32
    %dma_wait3A_524 = arith.constant 0 : i32
    %dma_wait3A_525 = tpu.memref_slice %arg4[%shift_right_arithmetic3A_323, %dma_wait3A_519, %add3A_518, %dma_wait3A_523, %dma_wait3A_524] : memref<200x4x32x8x128xf32, #tpu.memory_space<hbm>> -> memref<1x1x1x8x128xf32, #tpu.memory_space<hbm>>
    %dma_wait3A_526 = tpu.memref_squeeze %dma_wait3A_525 : memref<1x1x1x8x128xf32, #tpu.memory_space<hbm>> -> memref<8x128xf32, #tpu.memory_space<hbm>>
    %dma_wait3A_527 = arith.constant 0 : i32
    %dma_wait3A_528 = arith.constant 0 : i32
    %dma_wait3A_529 = tpu.memref_slice %arg4[%shift_right_arithmetic3A_323, %dma_wait3A_519, %add3A_518, %dma_wait3A_527, %dma_wait3A_528] : memref<200x4x32x8x128xf32, #tpu.memory_space<hbm>> -> memref<1x1x1x8x128xf32, #tpu.memory_space<hbm>>
    %dma_wait3A_530 = tpu.memref_squeeze %dma_wait3A_529 : memref<1x1x1x8x128xf32, #tpu.memory_space<hbm>> -> memref<8x128xf32, #tpu.memory_space<hbm>>
    %dma_wait3A_531 = arith.constant 104 : i32
    %dma_wait3A_532 = arith.constant 0 : i32
    %dma_wait3A_533 = tpu.memref_slice %arg9[%dma_wait3A_531, %dma_wait3A_532] : memref<160x129xf32, #tpu.memory_space<vmem>> -> memref<8x128xf32, #tpu.memory_space<vmem>>
    tpu.wait_dma2 semaphore(%arg13 : memref<!tpu.dma_semaphore, #tpu.memory_space<semaphore_mem>>) src(%dma_wait3A_533 : memref<8x128xf32, #tpu.memory_space<vmem>>) dst(%dma_wait3A_530 : memref<8x128xf32, #tpu.memory_space<hbm>>)
    %add3A_534 = arith.constant 0 : i32
    %add3A_535 = arith.addi %add3A_329, %add3A_534 : i32
    %dma_wait3A_536 = arith.constant 3 : i32
    %dma_wait3A_537 = arith.constant 120 : i32
    %dma_wait3A_538 = arith.constant 0 : i32
    %dma_wait3A_539 = tpu.memref_slice %arg9[%dma_wait3A_537, %dma_wait3A_538] : memref<160x129xf32, #tpu.memory_space<vmem>> -> memref<8x128xf32, #tpu.memory_space<vmem>>
    %dma_wait3A_540 = arith.constant 0 : i32
    %dma_wait3A_541 = arith.constant 0 : i32
    %dma_wait3A_542 = tpu.memref_slice %arg4[%shift_right_arithmetic3A_323, %dma_wait3A_536, %add3A_535, %dma_wait3A_540, %dma_wait3A_541] : memref<200x4x32x8x128xf32, #tpu.memory_space<hbm>> -> memref<1x1x1x8x128xf32, #tpu.memory_space<hbm>>
    %dma_wait3A_543 = tpu.memref_squeeze %dma_wait3A_542 : memref<1x1x1x8x128xf32, #tpu.memory_space<hbm>> -> memref<8x128xf32, #tpu.memory_space<hbm>>
    %dma_wait3A_544 = arith.constant 0 : i32
    %dma_wait3A_545 = arith.constant 0 : i32
    %dma_wait3A_546 = tpu.memref_slice %arg4[%shift_right_arithmetic3A_323, %dma_wait3A_536, %add3A_535, %dma_wait3A_544, %dma_wait3A_545] : memref<200x4x32x8x128xf32, #tpu.memory_space<hbm>> -> memref<1x1x1x8x128xf32, #tpu.memory_space<hbm>>
    %dma_wait3A_547 = tpu.memref_squeeze %dma_wait3A_546 : memref<1x1x1x8x128xf32, #tpu.memory_space<hbm>> -> memref<8x128xf32, #tpu.memory_space<hbm>>
    %dma_wait3A_548 = arith.constant 120 : i32
    %dma_wait3A_549 = arith.constant 0 : i32
    %dma_wait3A_550 = tpu.memref_slice %arg9[%dma_wait3A_548, %dma_wait3A_549] : memref<160x129xf32, #tpu.memory_space<vmem>> -> memref<8x128xf32, #tpu.memory_space<vmem>>
    tpu.wait_dma2 semaphore(%arg13 : memref<!tpu.dma_semaphore, #tpu.memory_space<semaphore_mem>>) src(%dma_wait3A_550 : memref<8x128xf32, #tpu.memory_space<vmem>>) dst(%dma_wait3A_547 : memref<8x128xf32, #tpu.memory_space<hbm>>)
    %add3A_551 = arith.constant 1 : i32
    %add3A_552 = arith.addi %add3A_329, %add3A_551 : i32
    %dma_wait3A_553 = arith.constant 3 : i32
    %dma_wait3A_554 = arith.constant 128 : i32
    %dma_wait3A_555 = arith.constant 0 : i32
    %dma_wait3A_556 = tpu.memref_slice %arg9[%dma_wait3A_554, %dma_wait3A_555] : memref<160x129xf32, #tpu.memory_space<vmem>> -> memref<8x128xf32, #tpu.memory_space<vmem>>
    %dma_wait3A_557 = arith.constant 0 : i32
    %dma_wait3A_558 = arith.constant 0 : i32
    %dma_wait3A_559 = tpu.memref_slice %arg4[%shift_right_arithmetic3A_323, %dma_wait3A_553, %add3A_552, %dma_wait3A_557, %dma_wait3A_558] : memref<200x4x32x8x128xf32, #tpu.memory_space<hbm>> -> memref<1x1x1x8x128xf32, #tpu.memory_space<hbm>>
    %dma_wait3A_560 = tpu.memref_squeeze %dma_wait3A_559 : memref<1x1x1x8x128xf32, #tpu.memory_space<hbm>> -> memref<8x128xf32, #tpu.memory_space<hbm>>
    %dma_wait3A_561 = arith.constant 0 : i32
    %dma_wait3A_562 = arith.constant 0 : i32
    %dma_wait3A_563 = tpu.memref_slice %arg4[%shift_right_arithmetic3A_323, %dma_wait3A_553, %add3A_552, %dma_wait3A_561, %dma_wait3A_562] : memref<200x4x32x8x128xf32, #tpu.memory_space<hbm>> -> memref<1x1x1x8x128xf32, #tpu.memory_space<hbm>>
    %dma_wait3A_564 = tpu.memref_squeeze %dma_wait3A_563 : memref<1x1x1x8x128xf32, #tpu.memory_space<hbm>> -> memref<8x128xf32, #tpu.memory_space<hbm>>
    %dma_wait3A_565 = arith.constant 128 : i32
    %dma_wait3A_566 = arith.constant 0 : i32
    %dma_wait3A_567 = tpu.memref_slice %arg9[%dma_wait3A_565, %dma_wait3A_566] : memref<160x129xf32, #tpu.memory_space<vmem>> -> memref<8x128xf32, #tpu.memory_space<vmem>>
    tpu.wait_dma2 semaphore(%arg13 : memref<!tpu.dma_semaphore, #tpu.memory_space<semaphore_mem>>) src(%dma_wait3A_567 : memref<8x128xf32, #tpu.memory_space<vmem>>) dst(%dma_wait3A_564 : memref<8x128xf32, #tpu.memory_space<hbm>>)
    %add3A_568 = arith.constant 2 : i32
    %add3A_569 = arith.addi %add3A_329, %add3A_568 : i32
    %dma_wait3A_570 = arith.constant 3 : i32
    %dma_wait3A_571 = arith.constant 136 : i32
    %dma_wait3A_572 = arith.constant 0 : i32
    %dma_wait3A_573 = tpu.memref_slice %arg9[%dma_wait3A_571, %dma_wait3A_572] : memref<160x129xf32, #tpu.memory_space<vmem>> -> memref<8x128xf32, #tpu.memory_space<vmem>>
    %dma_wait3A_574 = arith.constant 0 : i32
    %dma_wait3A_575 = arith.constant 0 : i32
    %dma_wait3A_576 = tpu.memref_slice %arg4[%shift_right_arithmetic3A_323, %dma_wait3A_570, %add3A_569, %dma_wait3A_574, %dma_wait3A_575] : memref<200x4x32x8x128xf32, #tpu.memory_space<hbm>> -> memref<1x1x1x8x128xf32, #tpu.memory_space<hbm>>
    %dma_wait3A_577 = tpu.memref_squeeze %dma_wait3A_576 : memref<1x1x1x8x128xf32, #tpu.memory_space<hbm>> -> memref<8x128xf32, #tpu.memory_space<hbm>>
    %dma_wait3A_578 = arith.constant 0 : i32
    %dma_wait3A_579 = arith.constant 0 : i32
    %dma_wait3A_580 = tpu.memref_slice %arg4[%shift_right_arithmetic3A_323, %dma_wait3A_570, %add3A_569, %dma_wait3A_578, %dma_wait3A_579] : memref<200x4x32x8x128xf32, #tpu.memory_space<hbm>> -> memref<1x1x1x8x128xf32, #tpu.memory_space<hbm>>
    %dma_wait3A_581 = tpu.memref_squeeze %dma_wait3A_580 : memref<1x1x1x8x128xf32, #tpu.memory_space<hbm>> -> memref<8x128xf32, #tpu.memory_space<hbm>>
    %dma_wait3A_582 = arith.constant 136 : i32
    %dma_wait3A_583 = arith.constant 0 : i32
    %dma_wait3A_584 = tpu.memref_slice %arg9[%dma_wait3A_582, %dma_wait3A_583] : memref<160x129xf32, #tpu.memory_space<vmem>> -> memref<8x128xf32, #tpu.memory_space<vmem>>
    tpu.wait_dma2 semaphore(%arg13 : memref<!tpu.dma_semaphore, #tpu.memory_space<semaphore_mem>>) src(%dma_wait3A_584 : memref<8x128xf32, #tpu.memory_space<vmem>>) dst(%dma_wait3A_581 : memref<8x128xf32, #tpu.memory_space<hbm>>)
    %add3A_585 = arith.constant 3 : i32
    %add3A_586 = arith.addi %add3A_329, %add3A_585 : i32
    %dma_wait3A_587 = arith.constant 3 : i32
    %dma_wait3A_588 = arith.constant 144 : i32
    %dma_wait3A_589 = arith.constant 0 : i32
    %dma_wait3A_590 = tpu.memref_slice %arg9[%dma_wait3A_588, %dma_wait3A_589] : memref<160x129xf32, #tpu.memory_space<vmem>> -> memref<8x128xf32, #tpu.memory_space<vmem>>
    %dma_wait3A_591 = arith.constant 0 : i32
    %dma_wait3A_592 = arith.constant 0 : i32
    %dma_wait3A_593 = tpu.memref_slice %arg4[%shift_right_arithmetic3A_323, %dma_wait3A_587, %add3A_586, %dma_wait3A_591, %dma_wait3A_592] : memref<200x4x32x8x128xf32, #tpu.memory_space<hbm>> -> memref<1x1x1x8x128xf32, #tpu.memory_space<hbm>>
    %dma_wait3A_594 = tpu.memref_squeeze %dma_wait3A_593 : memref<1x1x1x8x128xf32, #tpu.memory_space<hbm>> -> memref<8x128xf32, #tpu.memory_space<hbm>>
    %dma_wait3A_595 = arith.constant 0 : i32
    %dma_wait3A_596 = arith.constant 0 : i32
    %dma_wait3A_597 = tpu.memref_slice %arg4[%shift_right_arithmetic3A_323, %dma_wait3A_587, %add3A_586, %dma_wait3A_595, %dma_wait3A_596] : memref<200x4x32x8x128xf32, #tpu.memory_space<hbm>> -> memref<1x1x1x8x128xf32, #tpu.memory_space<hbm>>
    %dma_wait3A_598 = tpu.memref_squeeze %dma_wait3A_597 : memref<1x1x1x8x128xf32, #tpu.memory_space<hbm>> -> memref<8x128xf32, #tpu.memory_space<hbm>>
    %dma_wait3A_599 = arith.constant 144 : i32
    %dma_wait3A_600 = arith.constant 0 : i32
    %dma_wait3A_601 = tpu.memref_slice %arg9[%dma_wait3A_599, %dma_wait3A_600] : memref<160x129xf32, #tpu.memory_space<vmem>> -> memref<8x128xf32, #tpu.memory_space<vmem>>
    tpu.wait_dma2 semaphore(%arg13 : memref<!tpu.dma_semaphore, #tpu.memory_space<semaphore_mem>>) src(%dma_wait3A_601 : memref<8x128xf32, #tpu.memory_space<vmem>>) dst(%dma_wait3A_598 : memref<8x128xf32, #tpu.memory_space<hbm>>)
    return
  }
}

</mosaic_0001>

<sc_bundles>
// kernel: kernel.4.cloned.1.call-start
scs
__scs_entry_jumppad:
0x0: {  	(pc) =	sbr.rel $0x88, $3  }
0x1: {  	(tag) =	ssettag $0x0;
	lr =	simm.s32 $0x1  }
0x2: {  	[smem:$0x3F9F] =	sst lr;
	_ =	strace $0xD0000000  }
0x3: {  	_ = 	snop  }
0x4: {  	_ = 	snop  }
0x5: {  	_ = 	snop  }
0x6: {  	_ = 	snop  }
0x7: {  	_ = 	snop  }
__scs_overlays_trampoline_lowered:
0x8: {  	[smem:$0x3FAE] =	sst s0  }
0x9: {  	[smem:$0x3FAF] =	sst s1  }
0xa: {  	[smem:$0x3FB0] =	sst s2  }
0xb: {  	[smem:$0x3FB1] =	sst s3  }
0xc: {  	[smem:$0x3FB2] =	sst s4  }
0xd: {  	[smem:$0x3FB3] =	sst s5  }
0xe: {  	[smem:$0x3FB4] =	sst s6  }
0xf: {  	[smem:$0x3FB5] =	sst s7  }
0x10: {  	[smem:$0x3FB6] =	sst s8  }
0x11: {  	[smem:$0x3FB7] =	sst s9;
	s0 =	simm.s32 @!p0 $0x0  }
0x12: {  	s1 =	sld [smem:$0x3F9D];
	s0 =	simm.s32 @p0 $0x1  }
0x13: {  	[smem:$0x3FB8] =	sst s0;
	s0 =	simm.s32 @!p1 $0x0  }
0x14: {  	s2 =	sld [smem:$0x3F9C];
	s0 =	simm.s32 @p1 $0x1  }
0x15: {  	[smem:$0x3FB9] =	sst s0;
	s0 =	simm.s32 @!p2 $0x0  }
0x16: {  	s3 =	sld [smem:$0x3FDB];
	s0 =	simm.s32 @p2 $0x1  }
0x17: {  	s4 =	simm.s32 $0x1BF5;
	[smem:$0x3FBB] =	sst s0  }
0x18: {  	s0 =	sld [smem:$0x3F9E];
	_ =	swait.ge [sflag:s4], $0x0  }
0x19: {  	s7 =	sld [smem:$0x3F9F]  }
0x1a: {  	s8 =	sadd.s32 $0xFFFFE003, lr  }
0x1b: {  	s9 =	sadd.s32 $0xFFFFFEF7, lr;
	s5 =	simm.s32 $0xFFFFFFFF;
	p2 =	slt.u32 s8, $0xFFFFF086  }
0x1c: {  	p1 =	slt.u32 s9, $0xF7A;
	s5 =	simm.s32 @!p2 $0x0  }
0x1d: {  	s5 =	simm.s32 @p1 $0x1;
	p0 =	seq.s32 s7, s2  }
0x1e: {  	s7 =	smul.u32 @!p0 $0xF7A, s2;
	p2 =	seq.s32 @!p0 s5, $0x0  }
0x1f: {  	s9 =	smul.u32 $0xF7A, s1;
	s8 =	simm.s32 @!p0 $0x1BF5;
	p2 =	por !p2, p0  }
0x20: {  	[sflag:s8] =	ssyncset.s32 @!p0 $0xFFFFF086;
	s6 =	sadd.s32 @!p0 s3, s7;
	s7 =	simm.s32 @!p0 $0x108  }
0x21: {  	s3 =	sadd.s32 s3, s9;
	s6 =	sadd.s32 @!p0 $0x88, s6;
	s7 =	simm.s32 @p2 $0x1082  }
0x22: {  	[simem:s7], [sflag:s8] =	dma.local @!p0 [hbm:s6], $0xF7A  }
0x23: {  	s9 =	sor.u32 $0xD0000000, s2;
	s6 =	simm.s32 $0x108;
	_ =	swait.ge @!p0 [sflag:s8], $0x0  }
0x24: {  	s3 =	sadd.s32 $0x88, s3;
	s6 =	simm.s32 @!p1 $0x1082;
	[sflag:s4] =	ssyncset.s32 $0xFFFFF086  }
0x25: {  	[simem:s6], [sflag:s4] =	dma.local [hbm:s3], $0xF7A  }
0x26: {  	[smem:$0x3F9F] =	sst s1;
	(tag) =	ssettag s2;
	_ =	strace s9  }
0x27: {  	s1 =	sld [smem:$0x3FAF]  }
0x28: {  	s2 =	sld [smem:$0x3FB0]  }
0x29: {  	s4 =	sld [smem:$0x3FB2]  }
0x2a: {  	p0 =	seq.s32 s5, $0x0;
	s5 =	sld [smem:$0x3FB3]  }
0x2b: {  	s6 =	sld [smem:$0x3FB4]  }
0x2c: {  	s7 =	sld [smem:$0x3FB5]  }
0x2d: {  	s3 =	simm.s32 $0x108;
	s8 =	sld [smem:$0x3FB6]  }
0x2e: {  	s3 =	simm.s32 @!p0 $0x1082;
	s9 =	sld [smem:$0x3FB7]  }
0x2f: {  	lr =	sadd.s32 s0, s3;
	s0 =	sld [smem:$0x3FAE]  }
0x30: {  	s3 =	sld [smem:$0x3FB1]  }
0x31: {  	[smem:$0x3FBA] =	sst s10  }
0x32: {  	s10 =	sld [smem:$0x3FB8];
	_ =	sdelay $0x3  }
0x33: {  	p0 =	seq.s32 s10, $0x1;
	s10 =	sld [smem:$0x3FBA];
	_ =	sdelay $0x3  }
0x34: {  	[smem:$0x3FBA] =	sst s10  }
0x35: {  	s10 =	sld [smem:$0x3FB9];
	_ =	sdelay $0x3  }
0x36: {  	p1 =	seq.s32 s10, $0x1;
	s10 =	sld [smem:$0x3FBA];
	_ =	sdelay $0x3  }
0x37: {  	[smem:$0x3FBA] =	sst s10  }
0x38: {  	s10 =	sld [smem:$0x3FBB]  }
0x39: {  	_ = 	snop;
	(pc) =	sbr.ind lr, $3  }
0x3a: {  	_ = 	snop  }
0x3b: {  	_ = 	snop  }
0x3c: {  	p2 =	seq.s32 s10, $0x1;
	s10 =	sld [smem:$0x3FBA]  }
0x3d: {  	_ =	shalt  }
0x3e: {  	_ =	shalt  }
0x3f: {  	_ =	shalt  }
0x40: {  	_ =	shalt  }
0x41: {  	_ =	shalt  }
0x42: {  	_ =	shalt  }
0x43: {  	_ =	shalt  }
0x44: {  	_ =	shalt  }
0x45: {  	_ =	shalt  }
0x46: {  	_ =	shalt  }
0x47: {  	_ =	shalt  }
0x48: {  	_ =	shalt  }
0x49: {  	_ =	shalt  }
0x4a: {  	_ =	shalt  }
0x4b: {  	_ =	shalt  }
0x4c: {  	_ =	shalt  }
0x4d: {  	_ =	shalt  }
0x4e: {  	_ =	shalt  }
0x4f: {  	_ =	shalt  }
0x50: {  	_ =	shalt  }
0x51: {  	_ =	shalt  }
0x52: {  	_ =	shalt  }
0x53: {  	_ =	shalt  }
0x54: {  	_ =	shalt  }
0x55: {  	_ =	shalt  }
0x56: {  	_ =	shalt  }
0x57: {  	_ =	shalt  }
0x58: {  	_ =	shalt  }
0x59: {  	_ =	shalt  }
0x5a: {  	_ =	shalt  }
0x5b: {  	_ =	shalt  }
0x5c: {  	_ =	shalt  }
0x5d: {  	_ =	shalt  }
0x5e: {  	_ =	shalt  }
0x5f: {  	_ =	shalt  }
0x60: {  	_ =	shalt  }
0x61: {  	_ =	shalt  }
0x62: {  	_ =	shalt  }
0x63: {  	_ =	shalt  }
0x64: {  	_ =	shalt  }
0x65: {  	_ =	shalt  }
0x66: {  	_ =	shalt  }
0x67: {  	_ =	shalt  }
0x68: {  	_ =	shalt  }
0x69: {  	_ =	shalt  }
0x6a: {  	_ =	shalt  }
0x6b: {  	_ =	shalt  }
0x6c: {  	_ =	shalt  }
0x6d: {  	_ =	shalt  }
0x6e: {  	_ =	shalt  }
0x6f: {  	_ =	shalt  }
0x70: {  	_ =	shalt  }
0x71: {  	_ =	shalt  }
0x72: {  	_ =	shalt  }
0x73: {  	_ =	shalt  }
0x74: {  	_ =	shalt  }
0x75: {  	_ =	shalt  }
0x76: {  	_ =	shalt  }
0x77: {  	_ =	shalt  }
0x78: {  	_ =	shalt  }
0x79: {  	_ =	shalt  }
0x7a: {  	_ =	shalt  }
0x7b: {  	_ =	shalt  }
0x7c: {  	_ =	shalt  }
0x7d: {  	_ =	shalt  }
0x7e: {  	_ =	shalt  }
0x7f: {  	_ =	shalt  }
0x80: {  	_ =	shalt  }
0x81: {  	_ =	shalt  }
0x82: {  	_ =	shalt  }
0x83: {  	_ =	shalt  }
0x84: {  	_ =	shalt  }
0x85: {  	_ =	shalt  }
0x86: {  	_ =	shalt  }
0x87: {  	_ =	shalt  }
.Lfunc_end0:
.L_simem_size_0:
called_computation_lowered:
.L_overlay_start_0:
0x88: {  	s2 =	sld [smem:$0x3FD9]  }
0x89: {  	s3 =	sld [smem:$0x3FFE];
	_ =	sdelay $0x1  }
0x8a: {  	s1 =	srdreg.scid  }
0x8b: {  	s0 =	sand.u32 $0x1, s1  }
0x8c: {  	s17 =	sshll.u32 s0, $0xA;
	s2 =	sadd.s32 s3, s2  }
0x8d: {  	s2 =	sadd.s32 s2, s17  }
0x8e: {  	[smem:$0x3FC6] =	sst s2  }
0x8f: {  	_ = 	snop  }
0x90: {  	s2 =	sld [smem:$0x3FC8]  }
0x91: {  	s18 =	sld [smem:$0x3FD0];
	(tm) =	ssettm $0x1  }
0x92: {  	s4 =	sld [smem:$0x3FFB];
	_ =	sdelay $0x3  }
0x93: {  	_ =	strace s4  }
0x94: {  	s4 =	sld [smem:$0x3FFC];
	_ =	sdelay $0x3  }
0x95: {  	_ =	strace s4  }
0x96: {  	s4 =	sld [smem:$0x3FFD];
	_ =	sdelay $0x3  }
0x97: {  	_ =	strace s4  }
0x98: {  	_ =	strace $0x8FFFFFFF  }
0x99: {  	s19 =	sld [smem:$0x3FDB];
	_ =	sdelay $0x1  }
0x9a: {  	s5 =	simm.s32 $_scs_section_size  }
0x9b: {  	s6 =	simm.s32 $_size__tile_overlayer_lowered;
	s7 =	simm.s32 $_tile_overlayer_lowered  }
0x9c: {  	s22 =	simm.s32 $0x1BFF;
	s21 =	sshll.u32 s7, $0x1;
	s4 =	sadd.s32 s5, s19  }
0x9d: {  	s8 =	simm.s32 $0x0;
	s20 =	sshll.u32 s6, $0x1;
	s6 =	sadd.s32 s21, s4  }
0x9e: {  	[timem:s8], [sflag:s22] =	dma.local [hbm:s6], s20  }
0x9f: {  	_ =	swait.ge [sflag:s22], s20  }
0xa0: {  	s5 =	ssub.s32 $0x0, s20;
	[sflag:s22] =	ssyncset.done $0x0  }
0xa1: {  	[sflag:s22] =	ssyncadd.s32 s5;
	_ =	sdelay $0x1  }
0xa2: {  	s23 =	simm.s32 $0x1B8B  }
0xa3: {  	_ =	swait.ge [sflag:s23], $0x1  }
0xa4: {  	[sflag:s23] =	ssyncset.done $0x0  }
0xa5: {  	s25 =	simm.s32 $0x1B8E;
	s24 =	sld [smem:$0x3FFE];
	[sflag:s23] =	ssyncadd.s32 $0xFFFFFFFF  }
0xa6: {  	s26 =	simm.s32 $execute0_lowered;
	[smem:$0x3FD2] =	sst s25  }
0xa7: {  	s6 =	sshll.u32 s26, $0x1;
	_ =	strace $0x80000046;
	[dreg:$0x1] =	wrdreg $0xFFFFFFFF  }
0xa8: {  	s28 =	simm.s32 $_size_execute0_lowered;
	s4 =	sadd.s32 s4, s6;
	[dreg:$0x0] =	wrdreg $0x0  }
0xa9: {  	s6 =	sshll.u32 s28, $0x1;
	[dreg:$0x2] =	wrdreg s4  }
0xaa: {  	[dreg:$0x3] =	wrdreg s6  }
0xab: {  	[dreg:$0x4] =	wrdreg $0xC0  }
0xac: {  	_ =	task [dreg:s8], $0x5FFFF  }
0xad: {  	[dreg:$0x1] =	wrdreg $0xFFFFFFFF  }
0xae: {  	[dreg:$0x0] =	wrdreg $0x60  }
0xaf: {  	[dreg:$0x2] =	wrdreg s2  }
0xb0: {  	[dreg:$0x3] =	wrdreg s18  }
0xb1: {  	[dreg:$0x4] =	wrdreg s24  }
0xb2: {  	[dreg:$0x5] =	wrdreg $0x9  }
0xb3: {  	_ =	task.clear_ibuf [dreg:s8], $0x6FFFF;
	_ =	strace $0x90000046  }
0xb4: {  	s29 =	simm.s32 $0x9;
	_ =	strace $0x80000048  }
0xb5: {  	_ =	swait.ge [sflag:s29], $0x1  }
0xb6: {  	[sflag:s29] =	ssyncadd.s32 $0xFFFFFFFF  }
0xb7: {  	_ =	strace $0x90000048  }
0xb8: {  	_ =	sfence  }
0xb9: {  	s30 =	sld [smem:$0x0];
	_ =	sdelay $0x2  }
0xba: {  	s31 =	sshll.u32 s1, $0xD;
	s1 =	sshrl.u32 s1, $0x2  }
0xbb: {  	s3 =	sand.u32 $0x4000, s31;
	s1 =	sadd.s32 s1, s30  }
0xbc: {  	s0 =	sor.u32 s3, s0;
	s1 =	sshll.u32 s1, $0x11  }
0xbd: {  	s0 =	sor.u32 s1, s0  }
0xbe: {  	s0 =	sadd.s32 $0x8F2B, s0  }
0xbf: {  	[sflag:s0] =	ssyncadd.remote.s32 $0x1  }
0xc0: {  	_ =	sfence.sel $0xFFFF  }
0xc1: {  	[dreg:$0x0] =	wrdreg $0xFFFFFFFF;
	(pc) =	sbr.abs _section_cstart, $3  }
0xc2: {  	[dreg:$0x1] =	wrdreg $0xFFFFFFFF  }
0xc3: {  	_ =	task.clear_ibuf [dreg:s8], $0x2FFFF;
	_ =	strace $0x9FFFFFFF  }
0xc4: {  	(tm) =	ssettm $0x7FFFFFFF  }
0xc5: {  	_ =	shalt  }
tec
execute0_lowered:
.L_overlay_start_1:
0x0: {  	(tag) =	ssettag $0x1  }
0x1: {  	v0 =	vimm.s32 $0xF80  }
0x2: {  	vm0 =	vcmask $0x300;
	v1 =	vimm.s32 $0x2780;
	vm1 =	vcmask $0x704  }
0x3: {  	vm15 =	vcmask $0xB08;
	v0 =	vsel vm0, $0x0, v0;
	v1 =	vsel vm0, $0x1800, v1  }
0x4: {  	s30 =	rddreg [dreg:$0x0];
	vm4 =	vcmask $0xF0C;
	v0 =	vsel vm1, $0x80, v0;
	v1 =	vsel vm1, $0x1880, v1  }
0x5: {  	s0 =	rddreg [dreg:$0x2];
	vm5 =	vcmask $0x1310;
	v0 =	vsel vm15, $0x100, v0;
	v1 =	vsel vm15, $0x1900, v1  }
0x6: {  	s1 =	srdreg.scid;
	s2 =	stileid.u32;
	vm6 =	vcmask $0x1714;
	v0 =	vsel vm4, $0x180, v0;
	v1 =	vsel vm4, $0x1980, v1  }
0x7: {  	s3 =	simm.s32 $0x0;
	vm7 =	vcmask $0x1B18;
	s1 =	sand.u32 $0x1, s1;
	s4 =	sshll.u32 s2, $0x1;
	v0 =	vsel vm5, $0x200, v0;
	v1 =	vsel vm5, $0x1A00, v1  }
0x8: {  	[smem:$0x7FF] =	sst s3;
	s6 =	sadd.s32 $0x3D1200, s0;
	s0 =	sadd.s32 $0xA00, s0;
	v0 =	vsel vm6, $0x280, v0;
	v1 =	vsel vm6, $0x1A80, v1  }
0x9: {  	vm8 =	vcmask $0x1F1C;
	s31 =	sor.u32 s1, s4;
	_ =	strace $0x80000047;
	[dreg:$0x6] =	wrdreg s6;
	v0 =	vsel vm7, $0x300, v0;
	v1 =	vsel vm7, $0x1B00, v1  }
0xa: {  	vm9 =	vcmask $0x2320;
	s1 =	ssub.s32 $0x2, s1;
	[dreg:$0x7] =	wrdreg s0;
	s4 =	sshll.u32 s31, $0x8;
	v0 =	vsel vm8, $0x380, v0;
	v1 =	vsel vm8, $0x1B80, v1  }
0xb: {  	vm10 =	vcmask $0x2724;
	s5 =	sshrl.u32 s1, $0x1;
	s26 =	sor.u32 $0x40, s31;
	[dreg:$0x4] =	wrdreg s31;
	v0 =	vsel vm9, $0xC00, v0;
	v1 =	vsel vm9, $0x2400, v1  }
0xc: {  	vm11 =	vcmask $0x2B28;
	s4 =	sadd.s32 s30, s4;
	s24 =	ssub.s32 s1, s5;
	[dreg:$0x9] =	wrdreg s26;
	v0 =	vsel vm10, $0xC80, v0;
	v1 =	vsel vm10, $0x2480, v1  }
.Ltmp0:
0xd: {  	vm12 =	vcmask $0x2F2C;
	s25 =	sadd.s32 $0x1E8500, s4;
	[dreg:$0x5] =	wrdreg s4;
	v0 =	vsel vm11, $0xD00, v0;
	v1 =	vsel vm11, $0x2500, v1;
	(pc) =	sbr.rel .LBB2_1-.Ltmp0, $4  }
0xe: {  	vm13 =	vcmask $0x3330;
	s0 =	smax.u32 s24, $0x1;
	[dreg:$0x8] =	wrdreg s25;
	v0 =	vsel vm12, $0xD80, v0;
	v1 =	vsel vm12, $0x2580, v1  }
0xf: {  	vm14 =	vcmask $0x3734;
	s19 =	simm.s32 $0x3000;
	s28 =	sadd.s32 $0x2DC780, s4;
	[dreg:$0xa] =	wrdreg s0;
	v0 =	vsel vm13, $0xE00, v0;
	v1 =	vsel vm13, $0x2600, v1  }
0x10: {  	p0 =	sne.s32 s2, $0x0;
	vm15 =	vcmask $0x3B38;
	s29 =	sadd.s32 $0xF4280, s4;
	[dreg:$0xb] =	wrdreg s28;
	v0 =	vsel vm14, $0xE80, v0;
	v1 =	vsel vm14, $0x2680, v1  }
0x11: {  	p1 =	sne.s32 s31, $0x4;
	s1 =	simm.s32 $0x0;
	[dreg:$0xc] =	wrdreg s29;
	v0 =	vsel vm15, $0xF00, v0;
	v1 =	vsel vm15, $0x2700, v1  }
.LBB2_11:
0x12: {  	s0 =	simm.s32 @!p0 $0x3  }
0x13: {  	_ =	swait.ge @!p0 [sflag:s0], $0x2000  }
0x14: {  	[sflag:s0] =	ssyncset.done @!p0 $0x0  }
0x15: {  	[sflag:s0] =	ssyncadd.s32 @!p0 $0xFFFFE000  }
0x16: {  	s1 =	simm.s32 @!p1 $0x6000;
	s0 =	simm.s32 @!p1 $0x0;
	s2 =	rddreg [dreg:$0x1]  }
0x17: {  	[tilespmem:s1], [sflag:$0x5] =	stream.linear.gather @!p1 [hbm4b:s2+s0], $0x800, $0x38;
	[tilespmem:$0xA000] =	vst v63  }
0x18: {  	s2 =	simm.s32 @!p1 $0x5  }
0x19: {  	_ =	swait.ge @!p1 [sflag:s2], $0x800  }
0x1a: {  	[sflag:s2] =	ssyncset.done @!p1 $0x0  }
0x1b: {  	s4 =	rddreg [dreg:$0x6];
	[sflag:s2] =	ssyncadd.s32 @!p1 $0xFFFFF800  }
0x1c: {  	[hbm4b:s4+s0] =	stream.linear.scatter @!p1 [tilespmem:s1], [sflag:$0x5], $0x800, $0x38;
	[tilespmem:$0xA000] =	vst v63  }
0x1d: {  	_ =	swait.ge @!p1 [sflag:s2], $0x800  }
0x1e: {  	s28 =	rddreg [dreg:$0xd]  }
0x1f: {  	s29 =	rddreg [dreg:$0xa];
	s1 =	sadd.s32 $0x1, s28  }
0x20: {  	p2 =	sne.s32 s1, s29  }
.Ltmp1:
0x21: {  	_ = 	snop;
	(pc) =	sbr.rel @!p2 .LBB2_12-.Ltmp1, $3  }
0x22: {  	_ =	sdelay $0x1  }
0x23: {  	[sflag:s2] =	ssyncset.done @!p1 $0x0  }
0x24: {  	[sflag:s2] =	ssyncadd.s32 @!p1 $0xFFFFF800  }
.LBB2_1:
0x25: {  	s0 =	rddreg [dreg:$0x5]  }
0x26: {  	[tilespmem:s3], [sflag:$0x1] =	stream.linear.gather [hbm4b:s0+s3], $0x800, $0x38;
	[tilespmem:$0xA000] =	vst v63  }
0x27: {  	s23 =	rddreg [dreg:$0xc];
	s24 =	simm.s32 $0xC00  }
0x28: {  	[tilespmem:s24], [sflag:$0x1] =	stream.linear.gather [hbm4b:s23+s3], $0x800, $0x38;
	[tilespmem:$0xA000] =	vst v63  }
.Ltmp2:
0x29: {  	[dreg:$0xd] =	wrdreg s1;
	(pc) =	sbr.rel .LBB2_2-.Ltmp2, $4  }
0x2a: {  	s25 =	rddreg [dreg:$0x8];
	s26 =	simm.s32 $0x1800  }
0x2b: {  	[tilespmem:s26], [sflag:$0x1] =	stream.linear.gather [hbm4b:s25+s3], $0x800, $0x38;
	[tilespmem:$0xA000] =	vst v63  }
0x2c: {  	s28 =	rddreg [dreg:$0xb];
	s29 =	simm.s32 $0x2400;
	s22 =	simm.s32 $0x0  }
0x2d: {  	[tilespmem:s29], [sflag:$0x1] =	stream.linear.gather [hbm4b:s28+s3], $0x800, $0x38;
	[tilespmem:$0xA000] =	vst v63  }
.LBB2_10:
0x2e: {  	s22 =	sadd.s32 $0x1, s22  }
0x2f: {  	p2 =	sne.s32 s22, $0x3E  }
.Ltmp3:
0x30: {  	_ = 	snop;
	(pc) =	sbr.rel @!p2 .LBB2_11-.Ltmp3, $1  }
0x31: {  	_ =	sdelay $0x3  }
.LBB2_2:
0x32: {  	p3 =	seq.s32 s22, $0x0  }
0x33: {  	s0 =	simm.s32 @!p3 $0x4  }
0x34: {  	_ =	swait.ge @!p3 [sflag:s0], $0x2000  }
0x35: {  	s24 =	sshll.u32 s22, $0x6;
	[sflag:s0] =	ssyncset.done @!p3 $0x0  }
0x36: {  	s25 =	sor.u32 s24, s31;
	[sflag:s0] =	ssyncadd.s32 @!p3 $0xFFFFE000;
	s0 =	simm.s32 @!p3 $0x3  }
0x37: {  	s1 =	sor.u32 $0x20, s25;
	_ =	swait.ge @!p3 [sflag:s0], $0x2000  }
0x38: {  	p2 =	sgt.u32 s1, $0xF41;
	[sflag:s0] =	ssyncset.done @!p3 $0x0  }
0x39: {  	s2 =	simm.s32 @!p2 $0x3000;
	[sflag:s0] =	ssyncadd.s32 @!p3 $0xFFFFE000;
	s0 =	sshll.u32 @!p2 s1, $0x8  }
0x3a: {  	[dreg:$0xe] =	wrdreg s1;
	s1 =	simm.s32 @!p2 $0x0;
	s0 =	sadd.s32 @!p2 s30, s0  }
0x3b: {  	[tilespmem:s2], [sflag:$0x2] =	stream.linear.gather @!p2 [hbm4b:s0+s1], $0x800, $0x38;
	[tilespmem:$0xA000] =	vst v63  }
0x3c: {  	s4 =	simm.s32 @!p2 $0x3C00;
	p3 =	sgt.u32 s25, $0xF41;
	s2 =	sadd.s32 @!p2 $0xF4280, s0  }
0x3d: {  	[tilespmem:s4], [sflag:$0x2] =	stream.linear.gather @!p2 [hbm4b:s2+s1], $0x800, $0x38;
	[tilespmem:$0xA000] =	vst v63  }
.Ltmp4:
0x3e: {  	_ = 	snop;
	(pc) =	sbr.rel @p3 .LBB2_6-.Ltmp4, $4  }
0x3f: {  	s2 =	sadd.s32 @!p2 $0x1E8500, s0;
	s4 =	simm.s32 @!p2 $0x4800  }
0x40: {  	[tilespmem:s4], [sflag:$0x2] =	stream.linear.gather @!p2 [hbm4b:s2+s1], $0x800, $0x38;
	[tilespmem:$0xA000] =	vst v63  }
0x41: {  	s0 =	sadd.s32 @!p2 $0x2DC780, s0;
	s2 =	simm.s32 @!p2 $0x5400  }
0x42: {  	[tilespmem:s2], [sflag:$0x2] =	stream.linear.gather @!p2 [hbm4b:s0+s1], $0x800, $0x38;
	[tilespmem:$0xA000] =	vst v63  }
0x43: {  	s0 =	simm.s32 $0x4  }
0x44: {  	s1 =	simm.s32 $0x1C;
	s12 =	simm.s32 $0x8;
	s2 =	simm.s32 $0xC;
	v2 =	vmov s0  }
0x45: {  	s13 =	simm.s32 $0x10;
	s14 =	simm.s32 $0x14;
	s15 =	simm.s32 $0x0;
	v3 =	vmov s1;
	v4 =	vmov s12;
	v5 =	vmov s2  }
0x46: {  	s16 =	simm.s32 $0x18;
	s20 =	simm.s32 $0x1;
	s21 =	simm.s32 $0x5;
	v7 =	vmov s13;
	v8 =	vmov s15;
	v9 =	vmov s14  }
0x47: {  	s23 =	simm.s32 $0x9;
	s31 =	simm.s32 $0xD;
	s4 =	simm.s32 $0x11;
	v10 =	vmov s16;
	v19 =	vmov s20;
	v20 =	vmov s21  }
0x48: {  	s5 =	simm.s32 $0x15;
	s6 =	simm.s32 $0x19;
	s7 =	simm.s32 $0x1E;
	v21 =	vmov s23;
	v22 =	vmov s31;
	v24 =	vmov s4  }
0x49: {  	s10 =	simm.s32 $0xA;
	s11 =	simm.s32 $0xE;
	v26 =	vmov s5;
	v27 =	vmov s6;
	v34 =	vmov s7  }
0x4a: {  	v40 =	vmov s10;
	v41 =	vmov s11;
	v6 =	vshll.u32 v3, $0x3  }
0x4b: {  	v3 =	vand.u32 $0x7C, v3;
	v12 =	vshll.u32 v2, $0x3;
	v13 =	vshll.u32 v4, $0x3  }
0x4c: {  	v14 =	vshll.u32 v5, $0x3;
	v15 =	vshll.u32 v7, $0x3;
	v16 =	vshll.u32 v9, $0x3  }
0x4d: {  	v17 =	vshll.u32 v10, $0x3;
	v2 =	vand.u32 $0x64, v2;
	v4 =	vand.u32 $0x68, v4  }
0x4e: {  	v5 =	vand.u32 $0x6C, v5;
	v7 =	vand.u32 $0x70, v7;
	v9 =	vand.u32 $0x74, v9  }
0x4f: {  	v10 =	vand.u32 $0x78, v10;
	v23 =	vshll.u32 v19, $0x3;
	v25 =	vshll.u32 v20, $0x3  }
0x50: {  	v28 =	vshll.u32 v22, $0x3;
	v29 =	vshll.u32 v24, $0x3;
	v6 =	vand.u32 $0x400, v6  }
0x51: {  	v30 =	vshll.u32 v26, $0x3;
	v31 =	vshll.u32 v27, $0x3;
	v3 =	vor.u32 v3, v6  }
0x52: {  	v12 =	vand.u32 $0x400, v12;
	v13 =	vand.u32 $0x400, v13;
	v11 =	vadd.s32 v0, v3  }
0x53: {  	s17 =	simm.s32 $0x1;
	v14 =	vand.u32 $0x400, v14;
	v16 =	vand.u32 $0x400, v16;
	v6 =	vshll.u32 v8, $0x3  }
0x54: {  	_ =	swait.ge [sflag:s17], $0x2000;
	v8 =	vand.u32 $0x60, v8;
	v2 =	vor.u32 v2, v12;
	v5 =	vor.u32 v5, v14  }
0x55: {  	[sflag:s17] =	ssyncset.done $0x0;
	v9 =	vor.u32 v9, v16;
	v6 =	vand.u32 $0x400, v6;
	v16 =	vadd.s32 v0, v5  }
0x56: {  	[sflag:s17] =	ssyncadd.s32 $0xFFFFE000;
	v4 =	vor.u32 v4, v13;
	v13 =	vadd.s32 v0, v2;
	v6 =	vor.u32 v8, v6  }
0x57: {  	v35 =	vshll.u32 v34, $0x3;
	v36 =	vand.u32 $0x7E, v34;
	v8 =	vld.idx.msk [tilespmem:v11+s3+$0x0], $0xffff;
	v11 =	vadd.s32 v0, v6  }
0x58: {  	v37 =	vand.u32 $0x75, v26;
	v15 =	vand.u32 $0x400, v15;
	v14 =	vadd.s32 v0, v4  }
0x59: {  	s12 =	simm.s32 $0x12;
	v17 =	vand.u32 $0x400, v17;
	v7 =	vor.u32 v7, v15;
	v3 =	vadd.s32 v1, v3  }
0x5a: {  	s18 =	simm.s32 $0x1D;
	s14 =	simm.s32 $0x16;
	v42 =	vmov s12;
	v10 =	vor.u32 v10, v17;
	v17 =	vadd.s32 v0, v7;
	v16 =	vld.idx.msk [tilespmem:v16+s3+$0x0], $0xffff  }
0x5b: {  	s13 =	simm.s32 $0x1F;
	v43 =	vmov s14;
	v12 =	vmov s18;
	v5 =	vadd.s32 v1, v5;
	v13 =	vld.idx.msk [tilespmem:v13+s3+$0x0], $0xffff  }
0x5c: {  	s26 =	simm.s32 $0x6200;
	v44 =	vmov s13;
	v15 =	vshll.u32 v12, $0x3;
	v18 =	vadd.s32 v0, v9;
	v11 =	vld.idx.msk [tilespmem:v11+s3+$0x0], $0xffff  }
0x5d: {  	s15 =	simm.s32 $0x1A;
	v12 =	vand.u32 $0x7D, v12;
	v15 =	vand.u32 $0x7FFFFC00, v15;
	v14 =	vld.idx.msk [tilespmem:v14+s3+$0x0], $0xffff;
	[tilespmem:s26+$0x180] =	vst v8;
	v8 =	vadd.s32 v0, v10  }
0x5e: {  	v45 =	vmov s15;
	v12 =	vor.u32 v12, v15;
	v6 =	vadd.s32 v1, v6;
	v3 =	vld.idx.msk [tilespmem:v3+s3+$0x0], $0xffff  }
0x5f: {  	v23 =	vand.u32 $0x400, v23;
	v25 =	vand.u32 $0x7FFFFC00, v25;
	v15 =	vadd.s32 v0, v12;
	v17 =	vld.idx.msk [tilespmem:v17+s3+$0x0], $0xffff;
	[tilespmem:s26+$0xFFFFFF80] =	vst v16  }
0x60: {  	v63 =	vand.u32 $0x7FFFFC00, v29;
	v33 =	vand.u32 $0x7FFFFC00, v30;
	v2 =	vadd.s32 v1, v2;
	[tilespmem:s26+$0xFFFFFE80] =	vst v13;
	v5 =	vld.idx.msk [tilespmem:v5+s3+$0x0], $0xffff  }
0x61: {  	v46 =	vshll.u32 v44, $0x3;
	v4 =	vadd.s32 v1, v4;
	v7 =	vadd.s32 v1, v7;
	[tilespmem:s26+$0xFFFFFE00] =	vst v11;
	v11 =	vld.idx.msk [tilespmem:v18+s3+$0x0], $0xffff  }
0x62: {  	v9 =	vadd.s32 v1, v9;
	v12 =	vadd.s32 v1, v12;
	v13 =	vand.u32 $0x61, v19;
	[tilespmem:s26+$0xFFFFFF00] =	vst v14;
	v8 =	vld.idx.msk [tilespmem:v8+s3+$0x0], $0xffff  }
0x63: {  	v16 =	vand.u32 $0x6D, v22;
	v13 =	vor.u32 v13, v23;
	v18 =	vand.u32 $0x7FFFFC00, v28;
	[tilespmem:s26+$0x190] =	vst v3;
	v6 =	vld.idx.msk [tilespmem:v6+s3+$0x0], $0xffff  }
0x64: {  	v14 =	vand.u32 $0x65, v20;
	[tilespmem:s26+$0x0] =	vst v17;
	v16 =	vor.u32 v16, v18;
	v18 =	vadd.s32 v0, v13;
	v15 =	vld.idx.msk [tilespmem:v15+s3+$0x0], $0xffff  }
0x65: {  	v19 =	vand.u32 $0x7FFFFC00, v31;
	v17 =	vand.u32 $0x79, v27;
	v2 =	vld.idx.msk [tilespmem:v2+s3+$0x0], $0xffff;
	v14 =	vor.u32 v14, v25;
	[tilespmem:s26+$0xFFFFFF90] =	vst v5  }
0x66: {  	v17 =	vor.u32 v17, v19;
	v7 =	vld.idx.msk [tilespmem:v7+s3+$0x0], $0xffff;
	v19 =	vadd.s32 v0, v14;
	v3 =	vshll.u32 v21, $0x3;
	[tilespmem:s26+$0x80] =	vst v11  }
0x67: {  	v10 =	vadd.s32 v1, v10;
	v20 =	vand.u32 $0x69, v21;
	v4 =	vld.idx.msk [tilespmem:v4+s3+$0x0], $0xffff;
	v3 =	vand.u32 $0x7FFFFC00, v3;
	[tilespmem:s26+$0x100] =	vst v8  }
0x68: {  	v47 =	vshll.u32 v43, $0x3;
	v3 =	vor.u32 v20, v3;
	v8 =	vadd.s32 v0, v16;
	v9 =	vld.idx.msk [tilespmem:v9+s3+$0x0], $0xffff;
	[tilespmem:s26+$0xFFFFFE10] =	vst v6  }
0x69: {  	v39 =	vadd.s32 v0, v17;
	v21 =	vand.u32 $0x7FFFFC00, v35;
	v20 =	vadd.s32 v0, v3;
	[tilespmem:s26+$0x1A0] =	vst v15;
	v5 =	vld.idx.msk [tilespmem:v18+s3+$0x0], $0xffff  }
0x6a: {  	[tilespmem:s26+$0xFFFFFE90] =	vst v2;
	v21 =	vor.u32 v36, v21;
	v6 =	vadd.s32 v1, v13;
	v15 =	vand.u32 $0x71, v24;
	v12 =	vld.idx.msk [tilespmem:v12+s3+$0x0], $0xffff  }
0x6b: {  	v30 =	vand.u32 $0x7FFFFC00, v46;
	[tilespmem:s26+$0x10] =	vst v7;
	v7 =	vld.idx.msk [tilespmem:v19+s3+$0x0], $0xffff;
	v22 =	vadd.s32 v0, v21;
	v11 =	vor.u32 v15, v63  }
0x6c: {  	v28 =	vand.u32 $0x7F, v44;
	[tilespmem:s26+$0xFFFFFF10] =	vst v4;
	v10 =	vld.idx.msk [tilespmem:v10+s3+$0x0], $0xffff;
	v15 =	vor.u32 v37, v33;
	v38 =	vadd.s32 v0, v11  }
0x6d: {  	v48 =	vand.u32 $0x72, v42;
	v28 =	vor.u32 v28, v30;
	v24 =	vadd.s32 v0, v15;
	v8 =	vld.idx.msk [tilespmem:v8+s3+$0x0], $0xffff;
	[tilespmem:s26+$0x90] =	vst v9  }
0x6e: {  	s8 =	simm.s32 $0x2;
	v49 =	vand.u32 $0x76, v43;
	v17 =	vadd.s32 v1, v17;
	v30 =	vadd.s32 v0, v28;
	v9 =	vld.idx.msk [tilespmem:v20+s3+$0x0], $0xffff;
	[tilespmem:s26+$0xFFFFFE20] =	vst v5  }
0x6f: {  	v4 =	vadd.s32 v1, v21;
	v3 =	vadd.s32 v1, v3;
	v13 =	vmov s8;
	[tilespmem:s26+$0x1B0] =	vst v12;
	v6 =	vld.idx.msk [tilespmem:v6+s3+$0x0], $0xffff  }
0x70: {  	s9 =	simm.s32 $0x6;
	v21 =	vand.u32 $0x6A, v40;
	v18 =	vshll.u32 v13, $0x3;
	v12 =	vadd.s32 v1, v14;
	v2 =	vld.idx.msk [tilespmem:v22+s3+$0x0], $0xffff  }
0x71: {  	[tilespmem:s26+$0xFFFFFEA0] =	vst v7;
	v13 =	vand.u32 $0x62, v13;
	v14 =	vadd.s32 v1, v16;
	v16 =	vmov s9;
	v23 =	vld.idx.msk [tilespmem:v38+s3+$0x0], $0xffff  }
0x72: {  	v11 =	vadd.s32 v1, v11;
	v20 =	vshll.u32 v40, $0x3;
	[tilespmem:s26+$0x110] =	vst v10;
	v19 =	vshll.u32 v16, $0x3;
	v24 =	vld.idx.msk [tilespmem:v24+s3+$0x0], $0xffff  }
0x73: {  	v15 =	vadd.s32 v1, v15;
	v7 =	vand.u32 $0x7FFFFC00, v19;
	v19 =	vand.u32 $0x7FFFFC00, v20;
	v20 =	vld.idx.msk [tilespmem:v39+s3+$0x0], $0xffff;
	[tilespmem:s26+$0xFFFFFF20] =	vst v9  }
0x74: {  	v10 =	vshll.u32 v42, $0x3;
	v5 =	vand.u32 $0x400, v18;
	v18 =	vshll.u32 v45, $0x3;
	[tilespmem:s26+$0xFFFFFFA0] =	vst v8;
	v3 =	vld.idx.msk [tilespmem:v3+s3+$0x0], $0xffff  }
0x75: {  	v18 =	vand.u32 $0x7FFFFC00, v18;
	v16 =	vand.u32 $0x66, v16;
	v9 =	vand.u32 $0x7FFFFC00, v10;
	v8 =	vld.idx.msk [tilespmem:v12+s3+$0x0], $0xffff;
	[tilespmem:s26+$0x1C0] =	vst v2  }
0x76: {  	v10 =	vand.u32 $0x7FFFFC00, v47;
	v19 =	vor.u32 v21, v19;
	v9 =	vor.u32 v48, v9;
	[tilespmem:s26+$0x20] =	vst v23;
	v4 =	vld.idx.msk [tilespmem:v4+s3+$0x0], $0xffff  }
0x77: {  	v10 =	vor.u32 v49, v10;
	v51 =	vadd.s32 v0, v19;
	v2 =	vshll.u32 v41, $0x3;
	[tilespmem:s26+$0xA0] =	vst v24;
	v11 =	vld.idx.msk [tilespmem:v11+s3+$0x0], $0xffff  }
0x78: {  	s18 =	simm.s32 $0xB;
	v12 =	vand.u32 $0x6E, v41;
	[tilespmem:s26+$0xFFFFFE30] =	vst v6;
	v53 =	vadd.s32 v0, v9;
	v2 =	vand.u32 $0x7FFFFC00, v2;
	v15 =	vld.idx.msk [tilespmem:v15+s3+$0x0], $0xffff  }
0x79: {  	v6 =	vmov s18;
	v25 =	vadd.s32 v0, v10;
	[tilespmem:s26+$0x120] =	vst v20;
	v2 =	vor.u32 v12, v2;
	v12 =	vld.idx.msk [tilespmem:v14+s3+$0x0], $0xffff  }
0x7a: {  	v9 =	vadd.s32 v1, v9;
	v57 =	vshll.u32 v6, $0x3;
	v6 =	vand.u32 $0x6B, v6;
	v17 =	vld.idx.msk [tilespmem:v17+s3+$0x0], $0xffff;
	[tilespmem:s26+$0xFFFFFF30] =	vst v3  }
0x7b: {  	v52 =	vadd.s32 v0, v2;
	[tilespmem:s26+$0x1D0] =	vst v4;
	v4 =	vor.u32 v13, v5;
	v5 =	vor.u32 v16, v7  }
0x7c: {  	s17 =	simm.s32 $0x7;
	v20 =	vadd.s32 v1, v28;
	v28 =	vand.u32 $0x7FFFFC00, v57;
	[tilespmem:s26+$0xFFFFFEB0] =	vst v8;
	v13 =	vld.idx.msk [tilespmem:v30+s3+$0x0], $0xffff;
	v8 =	vadd.s32 v0, v5  }
0x7d: {  	v14 =	vmov s17;
	v28 =	vor.u32 v6, v28;
	v2 =	vadd.s32 v1, v2;
	v22 =	vld.idx.msk [tilespmem:v51+s3+$0x0], $0xffff;
	[tilespmem:s26+$0x30] =	vst v11  }
0x7e: {  	s16 =	simm.s32 $0x3;
	s20 =	simm.s32 $0xF;
	v56 =	vshll.u32 v14, $0x3;
	v7 =	vand.u32 $0x7A, v45;
	[tilespmem:s26+$0xB0] =	vst v15;
	v50 =	vadd.s32 v0, v4;
	v24 =	vld.idx.msk [tilespmem:v53+s3+$0x0], $0xffff  }
0x7f: {  	v16 =	vmov s16;
	v7 =	vor.u32 v7, v18;
	v18 =	vmov s20;
	[tilespmem:s26+$0xFFFFFFB0] =	vst v12;
	v25 =	vld.idx.msk [tilespmem:v25+s3+$0x0], $0xffff  }
0x80: {  	s23 =	simm.s32 $0x17;
	v4 =	vadd.s32 v1, v4;
	v3 =	vadd.s32 v1, v5;
	v5 =	vadd.s32 v1, v19;
	v23 =	vld.idx.msk [tilespmem:v52+s3+$0x0], $0xffff  }
0x81: {  	v12 =	vmov s23;
	v11 =	vshll.u32 v16, $0x3;
	v54 =	vadd.s32 v0, v7;
	[tilespmem:s26+$0x1E0] =	vst v13;
	v8 =	vld.idx.msk [tilespmem:v8+s3+$0x0], $0xffff  }
0x82: {  	s31 =	simm.s32 $0x1B;
	[tilespmem:s26+$0x130] =	vst v17;
	v17 =	vand.u32 $0x7FFFFC00, v56;
	v16 =	vand.u32 $0x63, v16;
	v55 =	vadd.s32 v1, v7;
	v19 =	vld.idx.msk [tilespmem:v20+s3+$0x0], $0xffff  }
0x83: {  	v7 =	vmov s31;
	v15 =	vshll.u32 v18, $0x3;
	[tilespmem:s26+$0xFFFFFF40] =	vst v22;
	v20 =	vadd.s32 v1, v10;
	v10 =	vld.idx.msk [tilespmem:v50+s3+$0x0], $0xffff  }
0x84: {  	s21 =	simm.s32 $0x13;
	v59 =	vshll.u32 v12, $0x3;
	v11 =	vand.u32 $0x400, v11;
	v60 =	vshll.u32 v7, $0x3;
	[tilespmem:s26+$0x40] =	vst v24  }
0x85: {  	v15 =	vand.u32 $0x7FFFFC00, v15;
	v61 =	vor.u32 v16, v11;
	v13 =	vmov s21;
	v22 =	vld.idx.msk [tilespmem:v5+s3+$0x0], $0xffff;
	[tilespmem:s26+$0xC0] =	vst v25  }
0x86: {  	v27 =	vand.u32 $0x7FFFFC00, v60;
	v5 =	vand.u32 $0x7B, v7;
	v58 =	vshll.u32 v13, $0x3;
	v26 =	vld.idx.msk [tilespmem:v54+s3+$0x0], $0xffff;
	[tilespmem:s26+$0xFFFFFFC0] =	vst v23  }
0x87: {  	v16 =	vld.idx.msk [tilespmem:v9+s3+$0x0], $0xffff;
	v9 =	vor.u32 v5, v27;
	v5 =	vadd.s32 v1, v61;
	v29 =	vand.u32 $0x7FFFFC00, v58;
	[tilespmem:s26+$0xFFFFFEC0] =	vst v8  }
0x88: {  	v6 =	vadd.s32 v0, v9;
	v8 =	vand.u32 $0x73, v13;
	[tilespmem:s26+$0xFFFFFE40] =	vst v10;
	v10 =	vand.u32 $0x67, v14;
	v3 =	vld.idx.msk [tilespmem:v3+s3+$0x0], $0xffff  }
0x89: {  	[tilespmem:s26+$0x1F0] =	vst v19;
	v19 =	vand.u32 $0x7FFFFC00, v59;
	v4 =	vld.idx.msk [tilespmem:v4+s3+$0x0], $0xffff;
	v62 =	vor.u32 v10, v17;
	v10 =	vand.u32 $0x77, v12  }
0x8a: {  	v13 =	vadd.s32 v0, v28;
	v17 =	vld.idx.msk [tilespmem:v2+s3+$0x0], $0xffff;
	v10 =	vor.u32 v10, v19;
	v19 =	vadd.s32 v0, v61  }
0x8b: {  	[tilespmem:s26+$0xFFFFFF50] =	vst v22;
	v14 =	vand.u32 $0x6F, v18;
	v11 =	vor.u32 v8, v29;
	v18 =	vadd.s32 v0, v62  }
0x8c: {  	[tilespmem:s26+$0x140] =	vst v26;
	v63 =	vor.u32 v14, v15;
	v14 =	vld.idx.msk [tilespmem:v20+s3+$0x0], $0xffff;
	v7 =	vadd.s32 v0, v11  }
0x8d: {  	v15 =	vld.idx.msk [tilespmem:v55+s3+$0x0], $0xffff;
	v12 =	vadd.s32 v0, v63;
	v2 =	vadd.s32 v1, v63;
	[tilespmem:s26+$0xFFFFFED0] =	vst v3  }
0x8e: {  	s29 =	simm.s32 $0x0;
	s30 =	simm.s32 $0x3F;
	s28 =	simm.s32 $0x6200;
	v8 =	vadd.s32 v0, v10;
	v3 =	vadd.s32 v1, v28;
	[tilespmem:s26+$0xFFFFFE50] =	vst v4;
	v4 =	vadd.s32 v1, v62  }
.LBB2_4:
0x8f: {  	s0 =	sadd.s32 $0xFFFFFFE5, s30;
	s1 =	sadd.s32 $0xFFFFFFFD, s30;
	s29 =	sadd.s32 $0x8, s29;
	v19 =	vld.idx.msk [tilespmem:v19+s3+$0x0], $0xffff;
	[tilespmem:s26+$0xFFFFFFD0] =	vst v17;
	v11 =	vadd.s32 v1, v11;
	v10 =	vadd.s32 v1, v10  }
0x90: {  	s2 =	sadd.s32 $0xFFFFFFED, s30;
	v9 =	vadd.s32 v1, v9;
	v17 =	vmov s0;
	s0 =	sadd.s32 $0xFFFFFFE9, s30;
	v20 =	vmov s1;
	p3 =	slt.u32 s29, $0x38;
	v18 =	vld.idx.msk [tilespmem:v18+s3+$0x0], $0xffff;
	[tilespmem:s26+$0x50] =	vst v16  }
0x91: {  	v21 =	vmov s2;
	s1 =	sadd.s32 $0xFFFFFFF5, s30;
	s2 =	sadd.s32 $0xFFFFFFF9, s30;
	v16 =	vmov s0;
	s0 =	sadd.s32 $0xFFFFFFF1, s30;
	v22 =	vshll.u32 v20, $0x3;
	v13 =	vld.idx.msk [tilespmem:v13+s3+$0x0], $0xffff;
	[tilespmem:s26+$0xD0] =	vst v14  }
0x92: {  	s4 =	sadd.s32 $0xFFFFFFE1, s30;
	s20 =	sadd.s32 $0xFFFFFFE2, s30;
	s16 =	sadd.s32 $0xFFFFFFE6, s30;
	v20 =	vand.u32 $0x7C, v20;
	v14 =	vmov s0;
	v22 =	vand.u32 $0x400, v22;
	v12 =	vld.idx.msk [tilespmem:v12+s3+$0x0], $0xffff;
	[tilespmem:s26+$0x150] =	vst v15  }
0x93: {  	s18 =	sadd.s32 $0xFFFFFFEE, s30;
	v23 =	vmov s1;
	v15 =	vmov s4;
	s4 =	sadd.s32 $0xFFFFFFEA, s30;
	s0 =	sadd.s32 $0xFFFFFFF2, s30;
	v20 =	vor.u32 v20, v22;
	v7 =	vld.idx.msk [tilespmem:v7+s3+$0x0], $0xffff  }
0x94: {  	s17 =	sadd.s32 $0xFFFFFFE3, s30;
	s7 =	sadd.s32 $0xFFFFFFF6, s30;
	s9 =	sadd.s32 $0xFFFFFFFA, s30;
	v24 =	vmov s2;
	v22 =	vshll.u32 v15, $0x3;
	v25 =	vadd.s32 v0, v20;
	v8 =	vld.idx.msk [tilespmem:v8+s3+$0x0], $0xffff  }
0x95: {  	s12 =	sadd.s32 $0xFFFFFFE7, s30;
	s5 =	sadd.s32 $0xFFFFFFEB, s30;
	s10 =	sadd.s32 $0xFFFFFFEF, s30;
	v26 =	vshll.u32 v17, $0x3;
	v28 =	vshll.u32 v21, $0x3;
	v27 =	vshll.u32 v16, $0x3;
	[tilespmem:s26+$0xFFFFFE60] =	vst v19;
	v6 =	vld.idx.msk [tilespmem:v6+s3+$0x0], $0xffff  }
0x96: {  	s21 =	sadd.s32 $0xFFFFFFF3, s30;
	s11 =	sadd.s32 $0xFFFFFFF7, s30;
	s8 =	sadd.s32 $0xFFFFFFFB, s30;
	v29 =	vshll.u32 v23, $0x3;
	v30 =	vshll.u32 v24, $0x3;
	v19 =	vshll.u32 v14, $0x3;
	v5 =	vld.idx.msk [tilespmem:v5+s3+$0x0], $0xffff;
	[tilespmem:s26+$0xFFFFFEE0] =	vst v18  }
0x97: {  	s6 =	sadd.s32 $0xFFFFFFE4, s30;
	s15 =	sadd.s32 $0xFFFFFFE8, s30;
	s14 =	sadd.s32 $0xFFFFFFEC, s30;
	v18 =	vand.u32 $0x400, v22;
	v22 =	vand.u32 $0x400, v26;
	v26 =	vand.u32 $0x400, v27;
	v4 =	vld.idx.msk [tilespmem:v4+s3+$0x0], $0xffff;
	[tilespmem:s26+$0xFFFFFF60] =	vst v13  }
0x98: {  	s13 =	sadd.s32 $0xFFFFFFF0, s30;
	s31 =	sadd.s32 $0xFFFFFFF8, s30;
	s1 =	sadd.s32 $0xFFFFFFF4, s30;
	v19 =	vand.u32 $0x400, v19;
	v27 =	vand.u32 $0x400, v29;
	v13 =	vand.u32 $0x400, v28;
	v3 =	vld.idx.msk [tilespmem:v3+s3+$0x0], $0xffff;
	[tilespmem:s26+$0xFFFFFFE0] =	vst v12  }
0x99: {  	s2 =	sadd.s32 $0xFFFFFFFC, s30;
	v12 =	vand.u32 $0x60, v15;
	v15 =	vand.u32 $0x64, v17;
	v17 =	vand.u32 $0x400, v30;
	v25 =	vld.idx.msk [tilespmem:v25+s3+$0x0], $0xffff;
	[tilespmem:s26+$0x60] =	vst v7  }
0x9a: {  	v14 =	vand.u32 $0x70, v14;
	v7 =	vand.u32 $0x68, v16;
	v16 =	vand.u32 $0x6C, v21;
	v21 =	vld.idx.msk [tilespmem:v2+s3+$0x0], $0xffff;
	[tilespmem:s26+$0xE0] =	vst v8  }
0x9b: {  	v20 =	vadd.s32 v1, v20;
	v2 =	vand.u32 $0x74, v23;
	v8 =	vand.u32 $0x78, v24;
	v11 =	vld.idx.msk [tilespmem:v11+s3+$0x0], $0xffff;
	[tilespmem:s26+$0x160] =	vst v6  }
0x9c: {  	v7 =	vor.u32 v7, v26;
	v6 =	vor.u32 v12, v18;
	v12 =	vor.u32 v15, v22;
	v10 =	vld.idx.msk [tilespmem:v10+s3+$0x0], $0xffff  }
0x9d: {  	s23 =	sadd.s32 $0xFFFFFFFE, s30;
	v14 =	vor.u32 v14, v19;
	v13 =	vor.u32 v16, v13;
	v15 =	vor.u32 v2, v27;
	v2 =	vld.idx.msk [tilespmem:v9+s3+$0x0], $0xffff  }
0x9e: {  	v16 =	vmov s23;
	v8 =	vor.u32 v8, v17;
	s26 =	sadd.s32 $0x400, s26;
	v9 =	vadd.s32 v0, v6;
	[tilespmem:s28+$0xFFFFFE70] =	vst v5  }
0x9f: {  	v17 =	vadd.s32 v0, v7;
	v18 =	vshll.u32 v16, $0x3;
	v5 =	vadd.s32 v0, v12;
	[tilespmem:s26+$0x180] =	vst v25  }
0xa0: {  	v19 =	vadd.s32 v0, v13;
	v16 =	vand.u32 $0x7D, v16;
	v18 =	vand.u32 $0x7FFFFC00, v18;
	v20 =	vld.idx.msk [tilespmem:v20+s3+$0x0], $0xffff;
	[tilespmem:s28+$0xFFFFFEF0] =	vst v4  }
0xa1: {  	v22 =	vadd.s32 v0, v15;
	v16 =	vor.u32 v16, v18;
	v4 =	vadd.s32 v0, v14;
	[tilespmem:s28+$0xFFFFFF70] =	vst v3  }
0xa2: {  	v18 =	vadd.s32 v0, v16;
	v3 =	vadd.s32 v1, v6;
	v6 =	vadd.s32 v0, v8;
	[tilespmem:s28+$0xFFFFFFF0] =	vst v21  }
0xa3: {  	v7 =	vadd.s32 v1, v7;
	v13 =	vadd.s32 v1, v13;
	v12 =	vadd.s32 v1, v12;
	v9 =	vld.idx.msk [tilespmem:v9+s3+$0x0], $0xffff  }
0xa4: {  	v15 =	vadd.s32 v1, v15;
	v14 =	vadd.s32 v1, v14;
	v8 =	vadd.s32 v1, v8;
	v5 =	vld.idx.msk [tilespmem:v5+s3+$0x0], $0xffff  }
0xa5: {  	v23 =	vmov s16;
	v24 =	vmov s4;
	v21 =	vmov s20;
	v17 =	vld.idx.msk [tilespmem:v17+s3+$0x0], $0xffff  }
0xa6: {  	v26 =	vmov s18;
	v27 =	vmov s0;
	v25 =	vshll.u32 v21, $0x3;
	v19 =	vld.idx.msk [tilespmem:v19+s3+$0x0], $0xffff;
	[tilespmem:s26+$0x190] =	vst v20  }
0xa7: {  	v29 =	vmov s9;
	v28 =	vmov s7;
	v20 =	vshll.u32 v23, $0x3;
	v18 =	vld.idx.msk [tilespmem:v18+s3+$0x0], $0xffff;
	[tilespmem:s28+$0x70] =	vst v11  }
0xa8: {  	v30 =	vshll.u32 v26, $0x3;
	v31 =	vshll.u32 v27, $0x3;
	v11 =	vshll.u32 v24, $0x3;
	v4 =	vld.idx.msk [tilespmem:v4+s3+$0x0], $0xffff;
	[tilespmem:s28+$0xF0] =	vst v10  }
0xa9: {  	v16 =	vadd.s32 v1, v16;
	v10 =	vshll.u32 v28, $0x3;
	[tilespmem:s26+$0xFFFFFE00] =	vst v9;
	v9 =	vld.idx.msk [tilespmem:v22+s3+$0x0], $0xffff;
	v22 =	vshll.u32 v29, $0x3  }
0xaa: {  	v25 =	vand.u32 $0x400, v25;
	v11 =	vand.u32 $0x7FFFFC00, v11;
	[tilespmem:s26+$0xFFFFFE80] =	vst v5;
	v5 =	vand.u32 $0x7FFFFC00, v20;
	v6 =	vld.idx.msk [tilespmem:v6+s3+$0x0], $0xffff  }
0xab: {  	s0 =	sadd.s32 $0xFFFFFFFF, s30;
	v10 =	vand.u32 $0x7FFFFC00, v10;
	v20 =	vand.u32 $0x7FFFFC00, v31;
	v3 =	vld.idx.msk [tilespmem:v3+s3+$0x0], $0xffff;
	[tilespmem:s26+$0xFFFFFF00] =	vst v17;
	v17 =	vand.u32 $0x7FFFFC00, v30  }
0xac: {  	v21 =	vand.u32 $0x61, v21;
	v12 =	vld.idx.msk [tilespmem:v12+s3+$0x0], $0xffff;
	[tilespmem:s26+$0xFFFFFF80] =	vst v19;
	v19 =	vand.u32 $0x7FFFFC00, v22;
	v22 =	vmov s0  }
0xad: {  	v23 =	vand.u32 $0x65, v23;
	v24 =	vand.u32 $0x69, v24;
	v7 =	vld.idx.msk [tilespmem:v7+s3+$0x0], $0xffff;
	[tilespmem:s26+$0x1A0] =	vst v18;
	v18 =	vshll.u32 v22, $0x3  }
0xae: {  	v26 =	vand.u32 $0x6D, v26;
	[tilespmem:s26+$0x0] =	vst v4;
	v4 =	vld.idx.msk [tilespmem:v16+s3+$0x0], $0xffff;
	v16 =	vand.u32 $0x7E, v22;
	v18 =	vand.u32 $0x7FFFFC00, v18  }
0xaf: {  	v22 =	vand.u32 $0x71, v27;
	v13 =	vld.idx.msk [tilespmem:v13+s3+$0x0], $0xffff;
	[tilespmem:s26+$0x80] =	vst v9;
	v9 =	vand.u32 $0x75, v28;
	v16 =	vor.u32 v16, v18  }
0xb0: {  	v18 =	vor.u32 v21, v25;
	v14 =	vld.idx.msk [tilespmem:v14+s3+$0x0], $0xffff;
	[tilespmem:s26+$0x100] =	vst v6;
	v6 =	vand.u32 $0x79, v29;
	v21 =	vadd.s32 v0, v16  }
0xb1: {  	v11 =	vor.u32 v24, v11;
	v5 =	vor.u32 v23, v5;
	v17 =	vor.u32 v26, v17;
	v15 =	vld.idx.msk [tilespmem:v15+s3+$0x0], $0xffff  }
0xb2: {  	v20 =	vor.u32 v22, v20;
	v9 =	vor.u32 v9, v10;
	v6 =	vor.u32 v6, v19;
	v8 =	vld.idx.msk [tilespmem:v8+s3+$0x0], $0xffff  }
0xb3: {  	v10 =	vadd.s32 v0, v5;
	v19 =	vadd.s32 v0, v11;
	[tilespmem:s26+$0xFFFFFE10] =	vst v3;
	v3 =	vadd.s32 v0, v18  }
0xb4: {  	v22 =	vadd.s32 v0, v17;
	v23 =	vadd.s32 v0, v20;
	v24 =	vadd.s32 v0, v9;
	[tilespmem:s26+$0x1B0] =	vst v4  }
0xb5: {  	v4 =	vadd.s32 v1, v18;
	v18 =	vmov s17;
	[tilespmem:s26+$0xFFFFFE90] =	vst v12;
	v12 =	vadd.s32 v0, v6;
	v21 =	vld.idx.msk [tilespmem:v21+s3+$0x0], $0xffff  }
0xb6: {  	v5 =	vadd.s32 v1, v5;
	[tilespmem:s26+$0xFFFFFF10] =	vst v7;
	v7 =	vadd.s32 v1, v11;
	v11 =	vadd.s32 v1, v17  }
0xb7: {  	v16 =	vadd.s32 v1, v16;
	v9 =	vadd.s32 v1, v9;
	[tilespmem:s26+$0xFFFFFF90] =	vst v13;
	v13 =	vadd.s32 v1, v20  }
0xb8: {  	v6 =	vadd.s32 v1, v6;
	v17 =	vmov s12;
	v20 =	vmov s5;
	v3 =	vld.idx.msk [tilespmem:v3+s3+$0x0], $0xffff;
	[tilespmem:s26+$0x10] =	vst v14  }
0xb9: {  	v26 =	vmov s21;
	v25 =	vmov s10;
	v14 =	vshll.u32 v18, $0x3;
	v10 =	vld.idx.msk [tilespmem:v10+s3+$0x0], $0xffff;
	[tilespmem:s26+$0x90] =	vst v15  }
0xba: {  	v27 =	vmov s11;
	v15 =	vshll.u32 v17, $0x3;
	v19 =	vld.idx.msk [tilespmem:v19+s3+$0x0], $0xffff;
	[tilespmem:s26+$0x110] =	vst v8;
	v8 =	vmov s30  }
0xbb: {  	v29 =	vmov s8;
	v28 =	vshll.u32 v20, $0x3;
	v22 =	vld.idx.msk [tilespmem:v22+s3+$0x0], $0xffff;
	[tilespmem:s26+$0x1C0] =	vst v21;
	v21 =	vshll.u32 v8, $0x3  }
0xbc: {  	v30 =	vshll.u32 v25, $0x3;
	v8 =	vand.u32 $0x7F, v8;
	v16 =	vld.idx.msk [tilespmem:v16+s3+$0x0], $0xffff;
	v21 =	vand.u32 $0x7FFFFC00, v21;
	[tilespmem:s28+$0x170] =	vst v2;
	s28 =	smov.u32 s26  }
0xbd: {  	v31 =	vshll.u32 v27, $0x3;
	v2 =	vld.idx.msk [tilespmem:v23+s3+$0x0], $0xffff;
	v23 =	vshll.u32 v26, $0x3;
	v8 =	vor.u32 v8, v21  }
0xbe: {  	v21 =	vshll.u32 v29, $0x3;
	[tilespmem:s26+$0xFFFFFE20] =	vst v3;
	v3 =	vand.u32 $0x400, v14;
	v14 =	vld.idx.msk [tilespmem:v24+s3+$0x0], $0xffff;
	v24 =	vadd.s32 v0, v8  }
0xbf: {  	[tilespmem:s26+$0xFFFFFEA0] =	vst v10;
	v10 =	vand.u32 $0x7FFFFC00, v15;
	v15 =	vand.u32 $0x7FFFFC00, v28;
	v28 =	vand.u32 $0x7FFFFC00, v30;
	v12 =	vld.idx.msk [tilespmem:v12+s3+$0x0], $0xffff  }
0xc0: {  	v21 =	vand.u32 $0x7FFFFC00, v21;
	v4 =	vld.idx.msk [tilespmem:v4+s3+$0x0], $0xffff;
	[tilespmem:s26+$0xFFFFFF20] =	vst v19;
	v19 =	vand.u32 $0x7FFFFC00, v23;
	v23 =	vand.u32 $0x7FFFFC00, v31  }
0xc1: {  	v18 =	vand.u32 $0x62, v18;
	v20 =	vand.u32 $0x6A, v20;
	v17 =	vand.u32 $0x66, v17;
	v5 =	vld.idx.msk [tilespmem:v5+s3+$0x0], $0xffff;
	[tilespmem:s26+$0xFFFFFFA0] =	vst v22  }
0xc2: {  	v22 =	vand.u32 $0x6E, v25;
	v25 =	vand.u32 $0x72, v26;
	v26 =	vand.u32 $0x76, v27;
	v7 =	vld.idx.msk [tilespmem:v7+s3+$0x0], $0xffff;
	[tilespmem:s26+$0x1D0] =	vst v16  }
0xc3: {  	v3 =	vor.u32 v18, v3;
	v10 =	vor.u32 v17, v10;
	[tilespmem:s26+$0x20] =	vst v2;
	v2 =	vand.u32 $0x7A, v29;
	v16 =	vld.idx.msk [tilespmem:v24+s3+$0x0], $0xffff  }
0xc4: {  	v17 =	vmov s6;
	v15 =	vor.u32 v20, v15;
	v18 =	vor.u32 v22, v28;
	v11 =	vld.idx.msk [tilespmem:v11+s3+$0x0], $0xffff;
	[tilespmem:s26+$0xA0] =	vst v14  }
0xc5: {  	v8 =	vadd.s32 v1, v8;
	v19 =	vor.u32 v25, v19;
	v14 =	vmov s15;
	v13 =	vld.idx.msk [tilespmem:v13+s3+$0x0], $0xffff;
	[tilespmem:s26+$0x120] =	vst v12  }
0xc6: {  	v2 =	vor.u32 v2, v21;
	v12 =	vor.u32 v26, v23;
	[tilespmem:s26+$0xFFFFFE30] =	vst v4;
	v4 =	vmov s14;
	v9 =	vld.idx.msk [tilespmem:v9+s3+$0x0], $0xffff  }
0xc7: {  	v20 =	vadd.s32 v0, v3;
	v21 =	vmov s13;
	[tilespmem:s26+$0xFFFFFEB0] =	vst v5;
	v5 =	vadd.s32 v0, v10;
	v6 =	vld.idx.msk [tilespmem:v6+s3+$0x0], $0xffff  }
0xc8: {  	v22 =	vadd.s32 v0, v18;
	v23 =	vadd.s32 v0, v19;
	[tilespmem:s26+$0xFFFFFF30] =	vst v7;
	v7 =	vadd.s32 v0, v15  }
0xc9: {  	v3 =	vadd.s32 v1, v3;
	v25 =	vadd.s32 v0, v2;
	v24 =	vadd.s32 v0, v12;
	[tilespmem:s26+$0x1E0] =	vst v16  }
0xca: {  	v10 =	vadd.s32 v1, v10;
	v15 =	vadd.s32 v1, v15;
	[tilespmem:s26+$0xFFFFFFB0] =	vst v11;
	v11 =	vmov s1;
	v8 =	vld.idx.msk [tilespmem:v8+s3+$0x0], $0xffff  }
0xcb: {  	v12 =	vadd.s32 v1, v12;
	v16 =	vadd.s32 v1, v18;
	[tilespmem:s26+$0x30] =	vst v13;
	v13 =	vadd.s32 v1, v19  }
0xcc: {  	v2 =	vadd.s32 v1, v2;
	v19 =	vmov s2;
	v18 =	vld.idx.msk [tilespmem:v20+s3+$0x0], $0xffff;
	[tilespmem:s26+$0xB0] =	vst v9;
	v9 =	vmov s31  }
0xcd: {  	v26 =	vshll.u32 v14, $0x3;
	v27 =	vshll.u32 v4, $0x3;
	v20 =	vshll.u32 v17, $0x3;
	v5 =	vld.idx.msk [tilespmem:v5+s3+$0x0], $0xffff;
	[tilespmem:s26+$0x130] =	vst v6  }
0xce: {  	v28 =	vshll.u32 v11, $0x3;
	v29 =	vshll.u32 v9, $0x3;
	v6 =	vld.idx.msk [tilespmem:v7+s3+$0x0], $0xffff;
	v7 =	vshll.u32 v21, $0x3  }
0xcf: {  	v26 =	vand.u32 $0x7FFFFC00, v26;
	v30 =	vshll.u32 v19, $0x3;
	v20 =	vand.u32 $0x400, v20;
	v22 =	vld.idx.msk [tilespmem:v22+s3+$0x0], $0xffff  }
0xd0: {  	v27 =	vand.u32 $0x7FFFFC00, v27;
	v28 =	vand.u32 $0x7FFFFC00, v28;
	v7 =	vand.u32 $0x7FFFFC00, v7;
	v23 =	vld.idx.msk [tilespmem:v23+s3+$0x0], $0xffff;
	[tilespmem:s26+$0x1F0] =	vst v8  }
0xd1: {  	v30 =	vand.u32 $0x7FFFFC00, v30;
	v29 =	vand.u32 $0x7FFFFC00, v29;
	v8 =	vand.u32 $0x63, v17;
	v24 =	vld.idx.msk [tilespmem:v24+s3+$0x0], $0xffff  }
0xd2: {  	v14 =	vand.u32 $0x67, v14;
	v4 =	vand.u32 $0x6B, v4;
	v17 =	vand.u32 $0x6F, v21;
	[tilespmem:s26+$0xFFFFFE40] =	vst v18;
	v21 =	vld.idx.msk [tilespmem:v25+s3+$0x0], $0xffff  }
0xd3: {  	v9 =	vand.u32 $0x77, v9;
	v18 =	vand.u32 $0x7B, v19;
	v3 =	vld.idx.msk [tilespmem:v3+s3+$0x0], $0xffff;
	[tilespmem:s26+$0xFFFFFEC0] =	vst v5;
	v5 =	vand.u32 $0x73, v11  }
0xd4: {  	v8 =	vor.u32 v8, v20;
	v25 =	vor.u32 v14, v26;
	v20 =	vld.idx.msk [tilespmem:v10+s3+$0x0], $0xffff;
	[tilespmem:s26+$0xFFFFFF40] =	vst v6  }
0xd5: {  	v27 =	vor.u32 v4, v27;
	v26 =	vld.idx.msk [tilespmem:v15+s3+$0x0], $0xffff;
	[tilespmem:s26+$0xFFFFFFC0] =	vst v22;
	v22 =	vor.u32 v17, v7  }
0xd6: {  	v11 =	vor.u32 v5, v28;
	v10 =	vor.u32 v9, v29;
	v17 =	vld.idx.msk [tilespmem:v16+s3+$0x0], $0xffff;
	[tilespmem:s26+$0x40] =	vst v23  }
.Ltmp5:
0xd7: {  	v19 =	vadd.s32 v0, v8;
	v9 =	vor.u32 v18, v30;
	v16 =	vld.idx.msk [tilespmem:v13+s3+$0x0], $0xffff;
	[tilespmem:s26+$0xC0] =	vst v24;
	(pc) =	sbr.rel @p3 .LBB2_4-.Ltmp5, $4  }
0xd8: {  	v18 =	vadd.s32 v0, v25;
	v13 =	vadd.s32 v0, v27;
	v14 =	vld.idx.msk [tilespmem:v12+s3+$0x0], $0xffff;
	[tilespmem:s26+$0x140] =	vst v21  }
0xd9: {  	v7 =	vadd.s32 v0, v11;
	v12 =	vadd.s32 v0, v22;
	[tilespmem:s26+$0xFFFFFE50] =	vst v3;
	v15 =	vld.idx.msk [tilespmem:v2+s3+$0x0], $0xffff  }
0xda: {  	v5 =	vadd.s32 v1, v8;
	v8 =	vadd.s32 v0, v10;
	v6 =	vadd.s32 v0, v9;
	[tilespmem:s26+$0xFFFFFED0] =	vst v20  }
0xdb: {  	s30 =	sadd.s32 $0x20, s30;
	v4 =	vadd.s32 v1, v25;
	v3 =	vadd.s32 v1, v27;
	v2 =	vadd.s32 v1, v22;
	[tilespmem:s26+$0xFFFFFF50] =	vst v26  }
0xdc: {  	_ =	sdelay $0x3  }
0xdd: {  	v19 =	vld.idx.msk [tilespmem:v19+s3+$0x0], $0xffff  }
0xde: {  	[tilespmem:s26+$0xFFFFFFD0] =	vst v17;
	v61 =	vld.idx.msk [tilespmem:v18+s3+$0x0], $0xffff  }
0xdf: {  	[tilespmem:s26+$0x50] =	vst v16;
	v13 =	vld.idx.msk [tilespmem:v13+s3+$0x0], $0xffff  }
0xe0: {  	[tilespmem:s26+$0xD0] =	vst v14;
	v12 =	vld.idx.msk [tilespmem:v12+s3+$0x0], $0xffff  }
0xe1: {  	v7 =	vld.idx.msk [tilespmem:v7+s3+$0x0], $0xffff;
	[tilespmem:s26+$0x150] =	vst v15  }
0xe2: {  	v8 =	vld.idx.msk [tilespmem:v8+s3+$0x0], $0xffff;
	[tilespmem:s26+$0xFFFFFE60] =	vst v19  }
0xe3: {  	v11 =	vadd.s32 v1, v11;
	v6 =	vld.idx.msk [tilespmem:v6+s3+$0x0], $0xffff;
	[tilespmem:s26+$0xFFFFFEE0] =	vst v61  }
0xe4: {  	v10 =	vadd.s32 v1, v10;
	[tilespmem:s26+$0xFFFFFF60] =	vst v13;
	v5 =	vld.idx.msk [tilespmem:v5+s3+$0x0], $0xffff  }
0xe5: {  	v9 =	vadd.s32 v1, v9;
	v4 =	vld.idx.msk [tilespmem:v4+s3+$0x0], $0xffff;
	[tilespmem:s26+$0xFFFFFFE0] =	vst v12  }
0xe6: {  	v3 =	vld.idx.msk [tilespmem:v3+s3+$0x0], $0xffff;
	[tilespmem:s26+$0x60] =	vst v7  }
0xe7: {  	v2 =	vld.idx.msk [tilespmem:v2+s3+$0x0], $0xffff;
	[tilespmem:s26+$0xE0] =	vst v8  }
0xe8: {  	v7 =	vld.idx.msk [tilespmem:v11+s3+$0x0], $0xffff;
	[tilespmem:s26+$0x160] =	vst v6  }
0xe9: {  	v62 =	vld.idx.msk [tilespmem:v10+s3+$0x0], $0xffff;
	[tilespmem:s28+$0xFFFFFE70] =	vst v5  }
0xea: {  	v63 =	vld.idx.msk [tilespmem:v9+s3+$0x0], $0xffff;
	[tilespmem:s28+$0xFFFFFEF0] =	vst v4  }
0xeb: {  	[tilespmem:s28+$0xFFFFFF70] =	vst v3  }
0xec: {  	[tilespmem:s28+$0xFFFFFFF0] =	vst v2  }
0xed: {  	[tilespmem:s28+$0x70] =	vst v7  }
0xee: {  	[tilespmem:s28+$0xF0] =	vst v62  }
0xef: {  	s30 =	rddreg [dreg:$0x0];
	[tilespmem:s28+$0x170] =	vst v63  }
0xf0: {  	s0 =	sshll.u32 s25, $0xA;
	s1 =	rddreg [dreg:$0x7]  }
0xf1: {  	s29 =	simm.s32 $0x6000;
	s31 =	rddreg [dreg:$0x4];
	s0 =	sadd.s32 s1, s0  }
0xf2: {  	[hbm4b:s0+s3] =	stream.linear.scatter [tilespmem:s29], [sflag:$0x3], $0x2000, $0x38;
	[tilespmem:$0xA000] =	vst v63  }
.LBB2_6:
0xf3: {  	s0 =	rddreg [dreg:$0x9]  }
0xf4: {  	s0 =	sadd.s32 s0, s24  }
0xf5: {  	p3 =	sgt.u32 s0, $0xF41  }
0xf6: {  	s0 =	sshll.u32 @!p3 s0, $0x8  }
0xf7: {  	s1 =	simm.s32 @!p3 $0x0;
	s0 =	sadd.s32 @!p3 s30, s0  }
0xf8: {  	[tilespmem:s1], [sflag:$0x1] =	stream.linear.gather @!p3 [hbm4b:s0+s1], $0x800, $0x38;
	[tilespmem:$0xA000] =	vst v63  }
0xf9: {  	s4 =	simm.s32 @!p3 $0xC00;
	s2 =	sadd.s32 @!p3 $0xF4280, s0  }
0xfa: {  	[tilespmem:s4], [sflag:$0x1] =	stream.linear.gather @!p3 [hbm4b:s2+s1], $0x800, $0x38;
	[tilespmem:$0xA000] =	vst v63  }
.Ltmp6:
0xfb: {  	_ = 	snop;
	(pc) =	sbr.rel @p2 .LBB2_10-.Ltmp6, $4  }
0xfc: {  	s2 =	sadd.s32 @!p3 $0x1E8500, s0;
	s4 =	simm.s32 @!p3 $0x1800  }
0xfd: {  	[tilespmem:s4], [sflag:$0x1] =	stream.linear.gather @!p3 [hbm4b:s2+s1], $0x800, $0x38;
	[tilespmem:$0xA000] =	vst v63  }
0xfe: {  	s0 =	sadd.s32 @!p3 $0x2DC780, s0;
	s2 =	simm.s32 @!p3 $0x2400  }
0xff: {  	[tilespmem:s2], [sflag:$0x1] =	stream.linear.gather @!p3 [hbm4b:s0+s1], $0x800, $0x38;
	[tilespmem:$0xA000] =	vst v63  }
0x100: {  	s0 =	simm.s32 $0x4  }
0x101: {  	s1 =	simm.s32 $0x1C;
	s20 =	simm.s32 $0x8;
	s2 =	simm.s32 $0xC;
	v2 =	vmov s0  }
0x102: {  	s21 =	simm.s32 $0x10;
	s23 =	simm.s32 $0x14;
	s24 =	simm.s32 $0x0;
	v3 =	vmov s1;
	v4 =	vmov s20;
	v5 =	vmov s2  }
0x103: {  	s25 =	simm.s32 $0x18;
	s4 =	simm.s32 $0x9;
	s5 =	simm.s32 $0xD;
	v7 =	vmov s21;
	v8 =	vmov s24;
	v9 =	vmov s23  }
0x104: {  	s6 =	simm.s32 $0x11;
	s7 =	simm.s32 $0x15;
	s8 =	simm.s32 $0x19;
	v10 =	vmov s25;
	v21 =	vmov s4;
	v22 =	vmov s5  }
0x105: {  	s9 =	simm.s32 $0x1E;
	s12 =	simm.s32 $0xA;
	s13 =	simm.s32 $0xE;
	v24 =	vmov s6;
	v26 =	vmov s7;
	v27 =	vmov s8  }
0x106: {  	s14 =	simm.s32 $0x12;
	s15 =	simm.s32 $0x1F;
	s16 =	simm.s32 $0x16;
	v34 =	vmov s9;
	v40 =	vmov s12;
	v41 =	vmov s13  }
0x107: {  	s17 =	simm.s32 $0x1A;
	v42 =	vmov s14;
	v43 =	vmov s16;
	v44 =	vmov s15  }
0x108: {  	v45 =	vmov s17;
	v6 =	vshll.u32 v3, $0x3;
	v3 =	vand.u32 $0x7C, v3  }
0x109: {  	v12 =	vshll.u32 v2, $0x3;
	v13 =	vshll.u32 v4, $0x3;
	v14 =	vshll.u32 v5, $0x3  }
0x10a: {  	v15 =	vshll.u32 v7, $0x3;
	v16 =	vshll.u32 v9, $0x3;
	v17 =	vshll.u32 v10, $0x3  }
0x10b: {  	v2 =	vand.u32 $0x64, v2;
	v4 =	vand.u32 $0x68, v4;
	v5 =	vand.u32 $0x6C, v5  }
0x10c: {  	s1 =	simm.s32 $0x1;
	s2 =	simm.s32 $0x5;
	v7 =	vand.u32 $0x70, v7;
	v9 =	vand.u32 $0x74, v9;
	v10 =	vand.u32 $0x78, v10  }
0x10d: {  	v19 =	vmov s1;
	v20 =	vmov s2;
	v6 =	vand.u32 $0x400, v6  }
0x10e: {  	v28 =	vshll.u32 v22, $0x3;
	v29 =	vshll.u32 v24, $0x3;
	v3 =	vor.u32 v3, v6  }
0x10f: {  	v12 =	vand.u32 $0x400, v12;
	v13 =	vand.u32 $0x400, v13;
	v11 =	vadd.s32 v0, v3  }
0x110: {  	s26 =	simm.s32 $0x2;
	v14 =	vand.u32 $0x400, v14;
	v16 =	vand.u32 $0x400, v16;
	v6 =	vshll.u32 v8, $0x3  }
0x111: {  	_ =	swait.ge [sflag:s26], $0x2000;
	v8 =	vand.u32 $0x60, v8;
	v2 =	vor.u32 v2, v12;
	v5 =	vor.u32 v5, v14  }
0x112: {  	[sflag:s26] =	ssyncset.done $0x0;
	v9 =	vor.u32 v9, v16;
	v6 =	vand.u32 $0x400, v6;
	v16 =	vadd.s32 v0, v5  }
0x113: {  	[sflag:s26] =	ssyncadd.s32 $0xFFFFE000;
	v4 =	vor.u32 v4, v13;
	v13 =	vadd.s32 v0, v2;
	v6 =	vor.u32 v8, v6  }
0x114: {  	v30 =	vshll.u32 v26, $0x3;
	v31 =	vshll.u32 v27, $0x3;
	v8 =	vld.idx.msk [tilespmem:v11+s19+$0x0], $0xffff;
	v11 =	vadd.s32 v0, v6  }
0x115: {  	v35 =	vshll.u32 v34, $0x3;
	v15 =	vand.u32 $0x400, v15;
	v14 =	vadd.s32 v0, v4  }
0x116: {  	v17 =	vand.u32 $0x400, v17;
	v7 =	vor.u32 v7, v15;
	v3 =	vadd.s32 v1, v3  }
0x117: {  	s29 =	simm.s32 $0x1D;
	v36 =	vand.u32 $0x7E, v34;
	v10 =	vor.u32 v10, v17;
	v17 =	vadd.s32 v0, v7;
	v16 =	vld.idx.msk [tilespmem:v16+s19+$0x0], $0xffff  }
0x118: {  	v37 =	vand.u32 $0x75, v26;
	v12 =	vmov s29;
	v5 =	vadd.s32 v1, v5;
	v13 =	vld.idx.msk [tilespmem:v13+s19+$0x0], $0xffff  }
0x119: {  	s24 =	simm.s32 $0x8200;
	v46 =	vshll.u32 v44, $0x3;
	v15 =	vshll.u32 v12, $0x3;
	v18 =	vadd.s32 v0, v9;
	v11 =	vld.idx.msk [tilespmem:v11+s19+$0x0], $0xffff  }
0x11a: {  	v12 =	vand.u32 $0x7D, v12;
	v15 =	vand.u32 $0x7FFFFC00, v15;
	v14 =	vld.idx.msk [tilespmem:v14+s19+$0x0], $0xffff;
	[tilespmem:s24+$0x180] =	vst v8;
	v8 =	vadd.s32 v0, v10  }
0x11b: {  	v47 =	vshll.u32 v43, $0x3;
	v12 =	vor.u32 v12, v15;
	v6 =	vadd.s32 v1, v6;
	v3 =	vld.idx.msk [tilespmem:v3+s19+$0x0], $0xffff  }
0x11c: {  	v23 =	vshll.u32 v19, $0x3;
	v25 =	vshll.u32 v20, $0x3;
	v15 =	vadd.s32 v0, v12;
	v17 =	vld.idx.msk [tilespmem:v17+s19+$0x0], $0xffff;
	[tilespmem:s24+$0xFFFFFF80] =	vst v16  }
0x11d: {  	v63 =	vand.u32 $0x7FFFFC00, v29;
	v23 =	vand.u32 $0x400, v23;
	v2 =	vadd.s32 v1, v2;
	[tilespmem:s24+$0xFFFFFE80] =	vst v13;
	v5 =	vld.idx.msk [tilespmem:v5+s19+$0x0], $0xffff  }
0x11e: {  	v25 =	vand.u32 $0x7FFFFC00, v25;
	v4 =	vadd.s32 v1, v4;
	v7 =	vadd.s32 v1, v7;
	[tilespmem:s24+$0xFFFFFE00] =	vst v11;
	v11 =	vld.idx.msk [tilespmem:v18+s19+$0x0], $0xffff  }
0x11f: {  	v9 =	vadd.s32 v1, v9;
	v12 =	vadd.s32 v1, v12;
	v13 =	vand.u32 $0x61, v19;
	[tilespmem:s24+$0xFFFFFF00] =	vst v14;
	v8 =	vld.idx.msk [tilespmem:v8+s19+$0x0], $0xffff  }
0x120: {  	v16 =	vand.u32 $0x6D, v22;
	v13 =	vor.u32 v13, v23;
	v18 =	vand.u32 $0x7FFFFC00, v28;
	[tilespmem:s24+$0x190] =	vst v3;
	v6 =	vld.idx.msk [tilespmem:v6+s19+$0x0], $0xffff  }
0x121: {  	v14 =	vand.u32 $0x65, v20;
	[tilespmem:s24+$0x0] =	vst v17;
	v16 =	vor.u32 v16, v18;
	v18 =	vadd.s32 v0, v13;
	v15 =	vld.idx.msk [tilespmem:v15+s19+$0x0], $0xffff  }
0x122: {  	v19 =	vand.u32 $0x7FFFFC00, v31;
	v17 =	vand.u32 $0x79, v27;
	v2 =	vld.idx.msk [tilespmem:v2+s19+$0x0], $0xffff;
	v14 =	vor.u32 v14, v25;
	[tilespmem:s24+$0xFFFFFF90] =	vst v5  }
0x123: {  	v17 =	vor.u32 v17, v19;
	v7 =	vld.idx.msk [tilespmem:v7+s19+$0x0], $0xffff;
	v19 =	vadd.s32 v0, v14;
	v3 =	vshll.u32 v21, $0x3;
	[tilespmem:s24+$0x80] =	vst v11  }
0x124: {  	v10 =	vadd.s32 v1, v10;
	v20 =	vand.u32 $0x69, v21;
	v4 =	vld.idx.msk [tilespmem:v4+s19+$0x0], $0xffff;
	v3 =	vand.u32 $0x7FFFFC00, v3;
	[tilespmem:s24+$0x100] =	vst v8  }
0x125: {  	v33 =	vand.u32 $0x7FFFFC00, v30;
	v3 =	vor.u32 v20, v3;
	v8 =	vadd.s32 v0, v16;
	v9 =	vld.idx.msk [tilespmem:v9+s19+$0x0], $0xffff;
	[tilespmem:s24+$0xFFFFFE10] =	vst v6  }
0x126: {  	v39 =	vadd.s32 v0, v17;
	v21 =	vand.u32 $0x7FFFFC00, v35;
	v20 =	vadd.s32 v0, v3;
	[tilespmem:s24+$0x1A0] =	vst v15;
	v5 =	vld.idx.msk [tilespmem:v18+s19+$0x0], $0xffff  }
0x127: {  	[tilespmem:s24+$0xFFFFFE90] =	vst v2;
	v21 =	vor.u32 v36, v21;
	v6 =	vadd.s32 v1, v13;
	v15 =	vand.u32 $0x71, v24;
	v12 =	vld.idx.msk [tilespmem:v12+s19+$0x0], $0xffff  }
0x128: {  	v30 =	vand.u32 $0x7FFFFC00, v46;
	[tilespmem:s24+$0x10] =	vst v7;
	v7 =	vld.idx.msk [tilespmem:v19+s19+$0x0], $0xffff;
	v22 =	vadd.s32 v0, v21;
	v11 =	vor.u32 v15, v63  }
0x129: {  	v28 =	vand.u32 $0x7F, v44;
	[tilespmem:s24+$0xFFFFFF10] =	vst v4;
	v10 =	vld.idx.msk [tilespmem:v10+s19+$0x0], $0xffff;
	v15 =	vor.u32 v37, v33;
	v38 =	vadd.s32 v0, v11  }
0x12a: {  	v48 =	vand.u32 $0x72, v42;
	v28 =	vor.u32 v28, v30;
	v24 =	vadd.s32 v0, v15;
	v8 =	vld.idx.msk [tilespmem:v8+s19+$0x0], $0xffff;
	[tilespmem:s24+$0x90] =	vst v9  }
0x12b: {  	s10 =	simm.s32 $0x2;
	v49 =	vand.u32 $0x76, v43;
	v17 =	vadd.s32 v1, v17;
	v30 =	vadd.s32 v0, v28;
	v9 =	vld.idx.msk [tilespmem:v20+s19+$0x0], $0xffff;
	[tilespmem:s24+$0xFFFFFE20] =	vst v5  }
0x12c: {  	v4 =	vadd.s32 v1, v21;
	v3 =	vadd.s32 v1, v3;
	v13 =	vmov s10;
	[tilespmem:s24+$0x1B0] =	vst v12;
	v6 =	vld.idx.msk [tilespmem:v6+s19+$0x0], $0xffff  }
0x12d: {  	s11 =	simm.s32 $0x6;
	v21 =	vand.u32 $0x6A, v40;
	v18 =	vshll.u32 v13, $0x3;
	v12 =	vadd.s32 v1, v14;
	v2 =	vld.idx.msk [tilespmem:v22+s19+$0x0], $0xffff  }
0x12e: {  	[tilespmem:s24+$0xFFFFFEA0] =	vst v7;
	v13 =	vand.u32 $0x62, v13;
	v14 =	vadd.s32 v1, v16;
	v16 =	vmov s11;
	v23 =	vld.idx.msk [tilespmem:v38+s19+$0x0], $0xffff  }
0x12f: {  	v11 =	vadd.s32 v1, v11;
	v20 =	vshll.u32 v40, $0x3;
	[tilespmem:s24+$0x110] =	vst v10;
	v19 =	vshll.u32 v16, $0x3;
	v24 =	vld.idx.msk [tilespmem:v24+s19+$0x0], $0xffff  }
0x130: {  	v15 =	vadd.s32 v1, v15;
	v7 =	vand.u32 $0x7FFFFC00, v19;
	v19 =	vand.u32 $0x7FFFFC00, v20;
	v20 =	vld.idx.msk [tilespmem:v39+s19+$0x0], $0xffff;
	[tilespmem:s24+$0xFFFFFF20] =	vst v9  }
0x131: {  	v10 =	vshll.u32 v42, $0x3;
	v5 =	vand.u32 $0x400, v18;
	v18 =	vshll.u32 v45, $0x3;
	[tilespmem:s24+$0xFFFFFFA0] =	vst v8;
	v3 =	vld.idx.msk [tilespmem:v3+s19+$0x0], $0xffff  }
0x132: {  	v18 =	vand.u32 $0x7FFFFC00, v18;
	v16 =	vand.u32 $0x66, v16;
	v9 =	vand.u32 $0x7FFFFC00, v10;
	v8 =	vld.idx.msk [tilespmem:v12+s19+$0x0], $0xffff;
	[tilespmem:s24+$0x1C0] =	vst v2  }
0x133: {  	v10 =	vand.u32 $0x7FFFFC00, v47;
	v19 =	vor.u32 v21, v19;
	v9 =	vor.u32 v48, v9;
	[tilespmem:s24+$0x20] =	vst v23;
	v4 =	vld.idx.msk [tilespmem:v4+s19+$0x0], $0xffff  }
0x134: {  	v10 =	vor.u32 v49, v10;
	v51 =	vadd.s32 v0, v19;
	v2 =	vshll.u32 v41, $0x3;
	[tilespmem:s24+$0xA0] =	vst v24;
	v11 =	vld.idx.msk [tilespmem:v11+s19+$0x0], $0xffff  }
0x135: {  	s21 =	simm.s32 $0xB;
	v12 =	vand.u32 $0x6E, v41;
	[tilespmem:s24+$0xFFFFFE30] =	vst v6;
	v53 =	vadd.s32 v0, v9;
	v2 =	vand.u32 $0x7FFFFC00, v2;
	v15 =	vld.idx.msk [tilespmem:v15+s19+$0x0], $0xffff  }
0x136: {  	v6 =	vmov s21;
	v25 =	vadd.s32 v0, v10;
	[tilespmem:s24+$0x120] =	vst v20;
	v2 =	vor.u32 v12, v2;
	v12 =	vld.idx.msk [tilespmem:v14+s19+$0x0], $0xffff  }
0x137: {  	v9 =	vadd.s32 v1, v9;
	v57 =	vshll.u32 v6, $0x3;
	v6 =	vand.u32 $0x6B, v6;
	v17 =	vld.idx.msk [tilespmem:v17+s19+$0x0], $0xffff;
	[tilespmem:s24+$0xFFFFFF30] =	vst v3  }
0x138: {  	v52 =	vadd.s32 v0, v2;
	[tilespmem:s24+$0x1D0] =	vst v4;
	v4 =	vor.u32 v13, v5;
	v5 =	vor.u32 v16, v7  }
0x139: {  	s20 =	simm.s32 $0x7;
	v20 =	vadd.s32 v1, v28;
	v28 =	vand.u32 $0x7FFFFC00, v57;
	[tilespmem:s24+$0xFFFFFEB0] =	vst v8;
	v13 =	vld.idx.msk [tilespmem:v30+s19+$0x0], $0xffff;
	v8 =	vadd.s32 v0, v5  }
0x13a: {  	v14 =	vmov s20;
	v28 =	vor.u32 v6, v28;
	v2 =	vadd.s32 v1, v2;
	v22 =	vld.idx.msk [tilespmem:v51+s19+$0x0], $0xffff;
	[tilespmem:s24+$0x30] =	vst v11  }
0x13b: {  	s18 =	simm.s32 $0x3;
	s23 =	simm.s32 $0xF;
	v56 =	vshll.u32 v14, $0x3;
	v7 =	vand.u32 $0x7A, v45;
	[tilespmem:s24+$0xB0] =	vst v15;
	v50 =	vadd.s32 v0, v4;
	v24 =	vld.idx.msk [tilespmem:v53+s19+$0x0], $0xffff  }
0x13c: {  	v16 =	vmov s18;
	v7 =	vor.u32 v7, v18;
	v18 =	vmov s23;
	[tilespmem:s24+$0xFFFFFFB0] =	vst v12;
	v25 =	vld.idx.msk [tilespmem:v25+s19+$0x0], $0xffff  }
0x13d: {  	s26 =	simm.s32 $0x17;
	v4 =	vadd.s32 v1, v4;
	v3 =	vadd.s32 v1, v5;
	v5 =	vadd.s32 v1, v19;
	v23 =	vld.idx.msk [tilespmem:v52+s19+$0x0], $0xffff  }
0x13e: {  	v12 =	vmov s26;
	v11 =	vshll.u32 v16, $0x3;
	v54 =	vadd.s32 v0, v7;
	[tilespmem:s24+$0x1E0] =	vst v13;
	v8 =	vld.idx.msk [tilespmem:v8+s19+$0x0], $0xffff  }
0x13f: {  	s29 =	simm.s32 $0x1B;
	[tilespmem:s24+$0x130] =	vst v17;
	v17 =	vand.u32 $0x7FFFFC00, v56;
	v16 =	vand.u32 $0x63, v16;
	v55 =	vadd.s32 v1, v7;
	v19 =	vld.idx.msk [tilespmem:v20+s19+$0x0], $0xffff  }
0x140: {  	v7 =	vmov s29;
	v15 =	vshll.u32 v18, $0x3;
	[tilespmem:s24+$0xFFFFFF40] =	vst v22;
	v20 =	vadd.s32 v1, v10;
	v10 =	vld.idx.msk [tilespmem:v50+s19+$0x0], $0xffff  }
0x141: {  	s25 =	simm.s32 $0x13;
	v59 =	vshll.u32 v12, $0x3;
	v11 =	vand.u32 $0x400, v11;
	v60 =	vshll.u32 v7, $0x3;
	[tilespmem:s24+$0x40] =	vst v24  }
0x142: {  	v15 =	vand.u32 $0x7FFFFC00, v15;
	v61 =	vor.u32 v16, v11;
	v13 =	vmov s25;
	v22 =	vld.idx.msk [tilespmem:v5+s19+$0x0], $0xffff;
	[tilespmem:s24+$0xC0] =	vst v25  }
0x143: {  	v27 =	vand.u32 $0x7FFFFC00, v60;
	v5 =	vand.u32 $0x7B, v7;
	v58 =	vshll.u32 v13, $0x3;
	v26 =	vld.idx.msk [tilespmem:v54+s19+$0x0], $0xffff;
	[tilespmem:s24+$0xFFFFFFC0] =	vst v23  }
0x144: {  	v16 =	vld.idx.msk [tilespmem:v9+s19+$0x0], $0xffff;
	v9 =	vor.u32 v5, v27;
	v5 =	vadd.s32 v1, v61;
	v29 =	vand.u32 $0x7FFFFC00, v58;
	[tilespmem:s24+$0xFFFFFEC0] =	vst v8  }
0x145: {  	v6 =	vadd.s32 v0, v9;
	v8 =	vand.u32 $0x73, v13;
	[tilespmem:s24+$0xFFFFFE40] =	vst v10;
	v10 =	vand.u32 $0x67, v14;
	v3 =	vld.idx.msk [tilespmem:v3+s19+$0x0], $0xffff  }
0x146: {  	[tilespmem:s24+$0x1F0] =	vst v19;
	v19 =	vand.u32 $0x7FFFFC00, v59;
	v4 =	vld.idx.msk [tilespmem:v4+s19+$0x0], $0xffff;
	v62 =	vor.u32 v10, v17;
	v10 =	vand.u32 $0x77, v12  }
0x147: {  	v13 =	vadd.s32 v0, v28;
	v17 =	vld.idx.msk [tilespmem:v2+s19+$0x0], $0xffff;
	v10 =	vor.u32 v10, v19;
	v19 =	vadd.s32 v0, v61  }
0x148: {  	[tilespmem:s24+$0xFFFFFF50] =	vst v22;
	v14 =	vand.u32 $0x6F, v18;
	v11 =	vor.u32 v8, v29;
	v18 =	vadd.s32 v0, v62  }
0x149: {  	[tilespmem:s24+$0x140] =	vst v26;
	v63 =	vor.u32 v14, v15;
	v14 =	vld.idx.msk [tilespmem:v20+s19+$0x0], $0xffff;
	v7 =	vadd.s32 v0, v11  }
0x14a: {  	v15 =	vld.idx.msk [tilespmem:v55+s19+$0x0], $0xffff;
	v12 =	vadd.s32 v0, v63;
	v2 =	vadd.s32 v1, v63;
	[tilespmem:s24+$0xFFFFFED0] =	vst v3  }
0x14b: {  	s28 =	simm.s32 $0x3F;
	s26 =	simm.s32 $0x0;
	s25 =	simm.s32 $0x8200;
	v8 =	vadd.s32 v0, v10;
	v3 =	vadd.s32 v1, v28;
	[tilespmem:s24+$0xFFFFFE50] =	vst v4;
	v4 =	vadd.s32 v1, v62  }
.LBB2_8:
0x14c: {  	s0 =	sadd.s32 $0xFFFFFFE5, s28;
	s1 =	sadd.s32 $0xFFFFFFFD, s28;
	s26 =	sadd.s32 $0x8, s26;
	v19 =	vld.idx.msk [tilespmem:v19+s19+$0x0], $0xffff;
	[tilespmem:s24+$0xFFFFFFD0] =	vst v17;
	v11 =	vadd.s32 v1, v11;
	v10 =	vadd.s32 v1, v10  }
0x14d: {  	s2 =	sadd.s32 $0xFFFFFFED, s28;
	v9 =	vadd.s32 v1, v9;
	v17 =	vmov s0;
	s0 =	sadd.s32 $0xFFFFFFE9, s28;
	v20 =	vmov s1;
	p2 =	slt.u32 s26, $0x38;
	v18 =	vld.idx.msk [tilespmem:v18+s19+$0x0], $0xffff;
	[tilespmem:s24+$0x50] =	vst v16  }
0x14e: {  	v21 =	vmov s2;
	s1 =	sadd.s32 $0xFFFFFFF5, s28;
	s2 =	sadd.s32 $0xFFFFFFF9, s28;
	v16 =	vmov s0;
	s0 =	sadd.s32 $0xFFFFFFF1, s28;
	v22 =	vshll.u32 v20, $0x3;
	v13 =	vld.idx.msk [tilespmem:v13+s19+$0x0], $0xffff;
	[tilespmem:s24+$0xD0] =	vst v14  }
0x14f: {  	s4 =	sadd.s32 $0xFFFFFFE1, s28;
	s16 =	sadd.s32 $0xFFFFFFE2, s28;
	s20 =	sadd.s32 $0xFFFFFFE6, s28;
	v20 =	vand.u32 $0x7C, v20;
	v14 =	vmov s0;
	v22 =	vand.u32 $0x400, v22;
	v12 =	vld.idx.msk [tilespmem:v12+s19+$0x0], $0xffff;
	[tilespmem:s24+$0x150] =	vst v15  }
0x150: {  	s18 =	sadd.s32 $0xFFFFFFF2, s28;
	v23 =	vmov s1;
	v15 =	vmov s4;
	s4 =	sadd.s32 $0xFFFFFFEA, s28;
	s0 =	sadd.s32 $0xFFFFFFEE, s28;
	v20 =	vor.u32 v20, v22;
	v7 =	vld.idx.msk [tilespmem:v7+s19+$0x0], $0xffff  }
0x151: {  	s17 =	sadd.s32 $0xFFFFFFE3, s28;
	s7 =	sadd.s32 $0xFFFFFFF6, s28;
	s9 =	sadd.s32 $0xFFFFFFFA, s28;
	v24 =	vmov s2;
	v22 =	vshll.u32 v15, $0x3;
	v25 =	vadd.s32 v0, v20;
	v8 =	vld.idx.msk [tilespmem:v8+s19+$0x0], $0xffff  }
0x152: {  	s12 =	sadd.s32 $0xFFFFFFE7, s28;
	s5 =	sadd.s32 $0xFFFFFFEB, s28;
	s10 =	sadd.s32 $0xFFFFFFEF, s28;
	v26 =	vshll.u32 v17, $0x3;
	v28 =	vshll.u32 v21, $0x3;
	v27 =	vshll.u32 v16, $0x3;
	[tilespmem:s24+$0xFFFFFE60] =	vst v19;
	v6 =	vld.idx.msk [tilespmem:v6+s19+$0x0], $0xffff  }
0x153: {  	s21 =	sadd.s32 $0xFFFFFFF3, s28;
	s11 =	sadd.s32 $0xFFFFFFF7, s28;
	s8 =	sadd.s32 $0xFFFFFFFB, s28;
	v29 =	vshll.u32 v23, $0x3;
	v30 =	vshll.u32 v24, $0x3;
	v19 =	vshll.u32 v14, $0x3;
	v5 =	vld.idx.msk [tilespmem:v5+s19+$0x0], $0xffff;
	[tilespmem:s24+$0xFFFFFEE0] =	vst v18  }
0x154: {  	s6 =	sadd.s32 $0xFFFFFFE4, s28;
	s15 =	sadd.s32 $0xFFFFFFE8, s28;
	s14 =	sadd.s32 $0xFFFFFFEC, s28;
	v18 =	vand.u32 $0x400, v22;
	v22 =	vand.u32 $0x400, v26;
	v26 =	vand.u32 $0x400, v27;
	v4 =	vld.idx.msk [tilespmem:v4+s19+$0x0], $0xffff;
	[tilespmem:s24+$0xFFFFFF60] =	vst v13  }
0x155: {  	s13 =	sadd.s32 $0xFFFFFFF0, s28;
	s29 =	sadd.s32 $0xFFFFFFF8, s28;
	s1 =	sadd.s32 $0xFFFFFFF4, s28;
	v19 =	vand.u32 $0x400, v19;
	v27 =	vand.u32 $0x400, v29;
	v13 =	vand.u32 $0x400, v28;
	v3 =	vld.idx.msk [tilespmem:v3+s19+$0x0], $0xffff;
	[tilespmem:s24+$0xFFFFFFE0] =	vst v12  }
0x156: {  	s2 =	sadd.s32 $0xFFFFFFFC, s28;
	v12 =	vand.u32 $0x60, v15;
	v15 =	vand.u32 $0x64, v17;
	v17 =	vand.u32 $0x400, v30;
	v25 =	vld.idx.msk [tilespmem:v25+s19+$0x0], $0xffff;
	[tilespmem:s24+$0x60] =	vst v7  }
0x157: {  	v14 =	vand.u32 $0x70, v14;
	v7 =	vand.u32 $0x68, v16;
	v16 =	vand.u32 $0x6C, v21;
	v21 =	vld.idx.msk [tilespmem:v2+s19+$0x0], $0xffff;
	[tilespmem:s24+$0xE0] =	vst v8  }
0x158: {  	v20 =	vadd.s32 v1, v20;
	v2 =	vand.u32 $0x74, v23;
	v8 =	vand.u32 $0x78, v24;
	v11 =	vld.idx.msk [tilespmem:v11+s19+$0x0], $0xffff;
	[tilespmem:s24+$0x160] =	vst v6  }
0x159: {  	v7 =	vor.u32 v7, v26;
	v6 =	vor.u32 v12, v18;
	v12 =	vor.u32 v15, v22;
	v10 =	vld.idx.msk [tilespmem:v10+s19+$0x0], $0xffff  }
0x15a: {  	s23 =	sadd.s32 $0xFFFFFFFE, s28;
	v14 =	vor.u32 v14, v19;
	v13 =	vor.u32 v16, v13;
	v15 =	vor.u32 v2, v27;
	v2 =	vld.idx.msk [tilespmem:v9+s19+$0x0], $0xffff  }
0x15b: {  	v16 =	vmov s23;
	v8 =	vor.u32 v8, v17;
	s24 =	sadd.s32 $0x400, s24;
	v9 =	vadd.s32 v0, v6;
	[tilespmem:s25+$0xFFFFFE70] =	vst v5  }
0x15c: {  	v17 =	vadd.s32 v0, v7;
	v18 =	vshll.u32 v16, $0x3;
	v5 =	vadd.s32 v0, v12;
	[tilespmem:s24+$0x180] =	vst v25  }
0x15d: {  	v19 =	vadd.s32 v0, v13;
	v16 =	vand.u32 $0x7D, v16;
	v18 =	vand.u32 $0x7FFFFC00, v18;
	v20 =	vld.idx.msk [tilespmem:v20+s19+$0x0], $0xffff;
	[tilespmem:s25+$0xFFFFFEF0] =	vst v4  }
0x15e: {  	v22 =	vadd.s32 v0, v15;
	v16 =	vor.u32 v16, v18;
	v4 =	vadd.s32 v0, v14;
	[tilespmem:s25+$0xFFFFFF70] =	vst v3  }
0x15f: {  	v18 =	vadd.s32 v0, v16;
	v3 =	vadd.s32 v1, v6;
	v6 =	vadd.s32 v0, v8;
	[tilespmem:s25+$0xFFFFFFF0] =	vst v21  }
0x160: {  	v7 =	vadd.s32 v1, v7;
	v13 =	vadd.s32 v1, v13;
	v12 =	vadd.s32 v1, v12;
	v9 =	vld.idx.msk [tilespmem:v9+s19+$0x0], $0xffff  }
0x161: {  	v15 =	vadd.s32 v1, v15;
	v14 =	vadd.s32 v1, v14;
	v8 =	vadd.s32 v1, v8;
	v5 =	vld.idx.msk [tilespmem:v5+s19+$0x0], $0xffff  }
0x162: {  	v23 =	vmov s20;
	v24 =	vmov s4;
	v21 =	vmov s16;
	v17 =	vld.idx.msk [tilespmem:v17+s19+$0x0], $0xffff  }
0x163: {  	v26 =	vmov s0;
	v27 =	vmov s18;
	v25 =	vshll.u32 v21, $0x3;
	v19 =	vld.idx.msk [tilespmem:v19+s19+$0x0], $0xffff;
	[tilespmem:s24+$0x190] =	vst v20  }
0x164: {  	v29 =	vmov s9;
	v28 =	vmov s7;
	v20 =	vshll.u32 v23, $0x3;
	v18 =	vld.idx.msk [tilespmem:v18+s19+$0x0], $0xffff;
	[tilespmem:s25+$0x70] =	vst v11  }
0x165: {  	v30 =	vshll.u32 v26, $0x3;
	v31 =	vshll.u32 v27, $0x3;
	v11 =	vshll.u32 v24, $0x3;
	v4 =	vld.idx.msk [tilespmem:v4+s19+$0x0], $0xffff;
	[tilespmem:s25+$0xF0] =	vst v10  }
0x166: {  	v16 =	vadd.s32 v1, v16;
	v10 =	vshll.u32 v28, $0x3;
	[tilespmem:s24+$0xFFFFFE00] =	vst v9;
	v9 =	vld.idx.msk [tilespmem:v22+s19+$0x0], $0xffff;
	v22 =	vshll.u32 v29, $0x3  }
0x167: {  	v25 =	vand.u32 $0x400, v25;
	v11 =	vand.u32 $0x7FFFFC00, v11;
	[tilespmem:s24+$0xFFFFFE80] =	vst v5;
	v5 =	vand.u32 $0x7FFFFC00, v20;
	v6 =	vld.idx.msk [tilespmem:v6+s19+$0x0], $0xffff  }
0x168: {  	s0 =	sadd.s32 $0xFFFFFFFF, s28;
	v10 =	vand.u32 $0x7FFFFC00, v10;
	v20 =	vand.u32 $0x7FFFFC00, v31;
	v3 =	vld.idx.msk [tilespmem:v3+s19+$0x0], $0xffff;
	[tilespmem:s24+$0xFFFFFF00] =	vst v17;
	v17 =	vand.u32 $0x7FFFFC00, v30  }
0x169: {  	v21 =	vand.u32 $0x61, v21;
	v12 =	vld.idx.msk [tilespmem:v12+s19+$0x0], $0xffff;
	[tilespmem:s24+$0xFFFFFF80] =	vst v19;
	v19 =	vand.u32 $0x7FFFFC00, v22;
	v22 =	vmov s0  }
0x16a: {  	v23 =	vand.u32 $0x65, v23;
	v24 =	vand.u32 $0x69, v24;
	v7 =	vld.idx.msk [tilespmem:v7+s19+$0x0], $0xffff;
	[tilespmem:s24+$0x1A0] =	vst v18;
	v18 =	vshll.u32 v22, $0x3  }
0x16b: {  	v26 =	vand.u32 $0x6D, v26;
	[tilespmem:s24+$0x0] =	vst v4;
	v4 =	vld.idx.msk [tilespmem:v16+s19+$0x0], $0xffff;
	v16 =	vand.u32 $0x7E, v22;
	v18 =	vand.u32 $0x7FFFFC00, v18  }
0x16c: {  	v22 =	vand.u32 $0x71, v27;
	v13 =	vld.idx.msk [tilespmem:v13+s19+$0x0], $0xffff;
	[tilespmem:s24+$0x80] =	vst v9;
	v9 =	vand.u32 $0x75, v28;
	v16 =	vor.u32 v16, v18  }
0x16d: {  	v18 =	vor.u32 v21, v25;
	v14 =	vld.idx.msk [tilespmem:v14+s19+$0x0], $0xffff;
	[tilespmem:s24+$0x100] =	vst v6;
	v6 =	vand.u32 $0x79, v29;
	v21 =	vadd.s32 v0, v16  }
0x16e: {  	v11 =	vor.u32 v24, v11;
	v5 =	vor.u32 v23, v5;
	v17 =	vor.u32 v26, v17;
	v15 =	vld.idx.msk [tilespmem:v15+s19+$0x0], $0xffff  }
0x16f: {  	v20 =	vor.u32 v22, v20;
	v9 =	vor.u32 v9, v10;
	v6 =	vor.u32 v6, v19;
	v8 =	vld.idx.msk [tilespmem:v8+s19+$0x0], $0xffff  }
0x170: {  	v10 =	vadd.s32 v0, v5;
	v19 =	vadd.s32 v0, v11;
	[tilespmem:s24+$0xFFFFFE10] =	vst v3;
	v3 =	vadd.s32 v0, v18  }
0x171: {  	v22 =	vadd.s32 v0, v17;
	v23 =	vadd.s32 v0, v20;
	v24 =	vadd.s32 v0, v9;
	[tilespmem:s24+$0x1B0] =	vst v4  }
0x172: {  	v4 =	vadd.s32 v1, v18;
	v18 =	vmov s17;
	[tilespmem:s24+$0xFFFFFE90] =	vst v12;
	v12 =	vadd.s32 v0, v6;
	v21 =	vld.idx.msk [tilespmem:v21+s19+$0x0], $0xffff  }
0x173: {  	v5 =	vadd.s32 v1, v5;
	[tilespmem:s24+$0xFFFFFF10] =	vst v7;
	v7 =	vadd.s32 v1, v11;
	v11 =	vadd.s32 v1, v17  }
0x174: {  	v16 =	vadd.s32 v1, v16;
	v9 =	vadd.s32 v1, v9;
	[tilespmem:s24+$0xFFFFFF90] =	vst v13;
	v13 =	vadd.s32 v1, v20  }
0x175: {  	v6 =	vadd.s32 v1, v6;
	v17 =	vmov s12;
	v20 =	vmov s5;
	v3 =	vld.idx.msk [tilespmem:v3+s19+$0x0], $0xffff;
	[tilespmem:s24+$0x10] =	vst v14  }
0x176: {  	v26 =	vmov s21;
	v25 =	vmov s10;
	v14 =	vshll.u32 v18, $0x3;
	v10 =	vld.idx.msk [tilespmem:v10+s19+$0x0], $0xffff;
	[tilespmem:s24+$0x90] =	vst v15  }
0x177: {  	v27 =	vmov s11;
	v15 =	vshll.u32 v17, $0x3;
	v19 =	vld.idx.msk [tilespmem:v19+s19+$0x0], $0xffff;
	[tilespmem:s24+$0x110] =	vst v8;
	v8 =	vmov s28  }
0x178: {  	v29 =	vmov s8;
	v28 =	vshll.u32 v20, $0x3;
	v22 =	vld.idx.msk [tilespmem:v22+s19+$0x0], $0xffff;
	[tilespmem:s24+$0x1C0] =	vst v21;
	v21 =	vshll.u32 v8, $0x3  }
0x179: {  	v30 =	vshll.u32 v25, $0x3;
	v8 =	vand.u32 $0x7F, v8;
	v16 =	vld.idx.msk [tilespmem:v16+s19+$0x0], $0xffff;
	v21 =	vand.u32 $0x7FFFFC00, v21;
	[tilespmem:s25+$0x170] =	vst v2;
	s25 =	smov.u32 s24  }
0x17a: {  	v31 =	vshll.u32 v27, $0x3;
	v2 =	vld.idx.msk [tilespmem:v23+s19+$0x0], $0xffff;
	v23 =	vshll.u32 v26, $0x3;
	v8 =	vor.u32 v8, v21  }
0x17b: {  	v21 =	vshll.u32 v29, $0x3;
	[tilespmem:s24+$0xFFFFFE20] =	vst v3;
	v3 =	vand.u32 $0x400, v14;
	v14 =	vld.idx.msk [tilespmem:v24+s19+$0x0], $0xffff;
	v24 =	vadd.s32 v0, v8  }
0x17c: {  	[tilespmem:s24+$0xFFFFFEA0] =	vst v10;
	v10 =	vand.u32 $0x7FFFFC00, v15;
	v15 =	vand.u32 $0x7FFFFC00, v28;
	v28 =	vand.u32 $0x7FFFFC00, v30;
	v12 =	vld.idx.msk [tilespmem:v12+s19+$0x0], $0xffff  }
0x17d: {  	v21 =	vand.u32 $0x7FFFFC00, v21;
	v4 =	vld.idx.msk [tilespmem:v4+s19+$0x0], $0xffff;
	[tilespmem:s24+$0xFFFFFF20] =	vst v19;
	v19 =	vand.u32 $0x7FFFFC00, v23;
	v23 =	vand.u32 $0x7FFFFC00, v31  }
0x17e: {  	v18 =	vand.u32 $0x62, v18;
	v20 =	vand.u32 $0x6A, v20;
	v17 =	vand.u32 $0x66, v17;
	v5 =	vld.idx.msk [tilespmem:v5+s19+$0x0], $0xffff;
	[tilespmem:s24+$0xFFFFFFA0] =	vst v22  }
0x17f: {  	v22 =	vand.u32 $0x6E, v25;
	v25 =	vand.u32 $0x72, v26;
	v26 =	vand.u32 $0x76, v27;
	v7 =	vld.idx.msk [tilespmem:v7+s19+$0x0], $0xffff;
	[tilespmem:s24+$0x1D0] =	vst v16  }
0x180: {  	v3 =	vor.u32 v18, v3;
	v10 =	vor.u32 v17, v10;
	[tilespmem:s24+$0x20] =	vst v2;
	v2 =	vand.u32 $0x7A, v29;
	v16 =	vld.idx.msk [tilespmem:v24+s19+$0x0], $0xffff  }
0x181: {  	v17 =	vmov s6;
	v15 =	vor.u32 v20, v15;
	v18 =	vor.u32 v22, v28;
	v11 =	vld.idx.msk [tilespmem:v11+s19+$0x0], $0xffff;
	[tilespmem:s24+$0xA0] =	vst v14  }
0x182: {  	v8 =	vadd.s32 v1, v8;
	v19 =	vor.u32 v25, v19;
	v14 =	vmov s15;
	v13 =	vld.idx.msk [tilespmem:v13+s19+$0x0], $0xffff;
	[tilespmem:s24+$0x120] =	vst v12  }
0x183: {  	v2 =	vor.u32 v2, v21;
	v12 =	vor.u32 v26, v23;
	[tilespmem:s24+$0xFFFFFE30] =	vst v4;
	v4 =	vmov s14;
	v9 =	vld.idx.msk [tilespmem:v9+s19+$0x0], $0xffff  }
0x184: {  	v20 =	vadd.s32 v0, v3;
	v21 =	vmov s13;
	[tilespmem:s24+$0xFFFFFEB0] =	vst v5;
	v5 =	vadd.s32 v0, v10;
	v6 =	vld.idx.msk [tilespmem:v6+s19+$0x0], $0xffff  }
0x185: {  	v22 =	vadd.s32 v0, v18;
	v23 =	vadd.s32 v0, v19;
	[tilespmem:s24+$0xFFFFFF30] =	vst v7;
	v7 =	vadd.s32 v0, v15  }
0x186: {  	v3 =	vadd.s32 v1, v3;
	v25 =	vadd.s32 v0, v2;
	v24 =	vadd.s32 v0, v12;
	[tilespmem:s24+$0x1E0] =	vst v16  }
0x187: {  	v10 =	vadd.s32 v1, v10;
	v15 =	vadd.s32 v1, v15;
	[tilespmem:s24+$0xFFFFFFB0] =	vst v11;
	v11 =	vmov s1;
	v8 =	vld.idx.msk [tilespmem:v8+s19+$0x0], $0xffff  }
0x188: {  	v12 =	vadd.s32 v1, v12;
	v16 =	vadd.s32 v1, v18;
	[tilespmem:s24+$0x30] =	vst v13;
	v13 =	vadd.s32 v1, v19  }
0x189: {  	v2 =	vadd.s32 v1, v2;
	v19 =	vmov s2;
	v18 =	vld.idx.msk [tilespmem:v20+s19+$0x0], $0xffff;
	[tilespmem:s24+$0xB0] =	vst v9;
	v9 =	vmov s29  }
0x18a: {  	v26 =	vshll.u32 v14, $0x3;
	v27 =	vshll.u32 v4, $0x3;
	v20 =	vshll.u32 v17, $0x3;
	v5 =	vld.idx.msk [tilespmem:v5+s19+$0x0], $0xffff;
	[tilespmem:s24+$0x130] =	vst v6  }
0x18b: {  	v28 =	vshll.u32 v11, $0x3;
	v29 =	vshll.u32 v9, $0x3;
	v6 =	vld.idx.msk [tilespmem:v7+s19+$0x0], $0xffff;
	v7 =	vshll.u32 v21, $0x3  }
0x18c: {  	v26 =	vand.u32 $0x7FFFFC00, v26;
	v30 =	vshll.u32 v19, $0x3;
	v20 =	vand.u32 $0x400, v20;
	v22 =	vld.idx.msk [tilespmem:v22+s19+$0x0], $0xffff  }
0x18d: {  	v27 =	vand.u32 $0x7FFFFC00, v27;
	v28 =	vand.u32 $0x7FFFFC00, v28;
	v7 =	vand.u32 $0x7FFFFC00, v7;
	v23 =	vld.idx.msk [tilespmem:v23+s19+$0x0], $0xffff;
	[tilespmem:s24+$0x1F0] =	vst v8  }
0x18e: {  	v30 =	vand.u32 $0x7FFFFC00, v30;
	v29 =	vand.u32 $0x7FFFFC00, v29;
	v8 =	vand.u32 $0x63, v17;
	v24 =	vld.idx.msk [tilespmem:v24+s19+$0x0], $0xffff  }
0x18f: {  	v14 =	vand.u32 $0x67, v14;
	v4 =	vand.u32 $0x6B, v4;
	v17 =	vand.u32 $0x6F, v21;
	[tilespmem:s24+$0xFFFFFE40] =	vst v18;
	v21 =	vld.idx.msk [tilespmem:v25+s19+$0x0], $0xffff  }
0x190: {  	v9 =	vand.u32 $0x77, v9;
	v18 =	vand.u32 $0x7B, v19;
	v3 =	vld.idx.msk [tilespmem:v3+s19+$0x0], $0xffff;
	[tilespmem:s24+$0xFFFFFEC0] =	vst v5;
	v5 =	vand.u32 $0x73, v11  }
0x191: {  	v8 =	vor.u32 v8, v20;
	v25 =	vor.u32 v14, v26;
	v20 =	vld.idx.msk [tilespmem:v10+s19+$0x0], $0xffff;
	[tilespmem:s24+$0xFFFFFF40] =	vst v6  }
0x192: {  	v27 =	vor.u32 v4, v27;
	v26 =	vld.idx.msk [tilespmem:v15+s19+$0x0], $0xffff;
	[tilespmem:s24+$0xFFFFFFC0] =	vst v22;
	v22 =	vor.u32 v17, v7  }
0x193: {  	v11 =	vor.u32 v5, v28;
	v10 =	vor.u32 v9, v29;
	v17 =	vld.idx.msk [tilespmem:v16+s19+$0x0], $0xffff;
	[tilespmem:s24+$0x40] =	vst v23  }
.Ltmp7:
0x194: {  	v19 =	vadd.s32 v0, v8;
	v9 =	vor.u32 v18, v30;
	v16 =	vld.idx.msk [tilespmem:v13+s19+$0x0], $0xffff;
	[tilespmem:s24+$0xC0] =	vst v24;
	(pc) =	sbr.rel @p2 .LBB2_8-.Ltmp7, $4  }
0x195: {  	v18 =	vadd.s32 v0, v25;
	v13 =	vadd.s32 v0, v27;
	v14 =	vld.idx.msk [tilespmem:v12+s19+$0x0], $0xffff;
	[tilespmem:s24+$0x140] =	vst v21  }
0x196: {  	v7 =	vadd.s32 v0, v11;
	v12 =	vadd.s32 v0, v22;
	[tilespmem:s24+$0xFFFFFE50] =	vst v3;
	v15 =	vld.idx.msk [tilespmem:v2+s19+$0x0], $0xffff  }
0x197: {  	v5 =	vadd.s32 v1, v8;
	v8 =	vadd.s32 v0, v10;
	v6 =	vadd.s32 v0, v9;
	[tilespmem:s24+$0xFFFFFED0] =	vst v20  }
0x198: {  	s28 =	sadd.s32 $0x20, s28;
	v4 =	vadd.s32 v1, v25;
	v3 =	vadd.s32 v1, v27;
	v2 =	vadd.s32 v1, v22;
	[tilespmem:s24+$0xFFFFFF50] =	vst v26  }
0x199: {  	_ =	sdelay $0x3  }
0x19a: {  	v19 =	vld.idx.msk [tilespmem:v19+s19+$0x0], $0xffff  }
0x19b: {  	[tilespmem:s24+$0xFFFFFFD0] =	vst v17;
	v61 =	vld.idx.msk [tilespmem:v18+s19+$0x0], $0xffff  }
0x19c: {  	[tilespmem:s24+$0x50] =	vst v16;
	v13 =	vld.idx.msk [tilespmem:v13+s19+$0x0], $0xffff  }
0x19d: {  	[tilespmem:s24+$0xD0] =	vst v14;
	v12 =	vld.idx.msk [tilespmem:v12+s19+$0x0], $0xffff  }
0x19e: {  	v7 =	vld.idx.msk [tilespmem:v7+s19+$0x0], $0xffff;
	[tilespmem:s24+$0x150] =	vst v15  }
0x19f: {  	v8 =	vld.idx.msk [tilespmem:v8+s19+$0x0], $0xffff;
	[tilespmem:s24+$0xFFFFFE60] =	vst v19  }
0x1a0: {  	v11 =	vadd.s32 v1, v11;
	v6 =	vld.idx.msk [tilespmem:v6+s19+$0x0], $0xffff;
	[tilespmem:s24+$0xFFFFFEE0] =	vst v61  }
0x1a1: {  	v10 =	vadd.s32 v1, v10;
	[tilespmem:s24+$0xFFFFFF60] =	vst v13;
	v5 =	vld.idx.msk [tilespmem:v5+s19+$0x0], $0xffff  }
0x1a2: {  	v9 =	vadd.s32 v1, v9;
	v4 =	vld.idx.msk [tilespmem:v4+s19+$0x0], $0xffff;
	[tilespmem:s24+$0xFFFFFFE0] =	vst v12  }
0x1a3: {  	v3 =	vld.idx.msk [tilespmem:v3+s19+$0x0], $0xffff;
	[tilespmem:s24+$0x60] =	vst v7  }
0x1a4: {  	v2 =	vld.idx.msk [tilespmem:v2+s19+$0x0], $0xffff;
	[tilespmem:s24+$0xE0] =	vst v8  }
0x1a5: {  	v7 =	vld.idx.msk [tilespmem:v11+s19+$0x0], $0xffff;
	[tilespmem:s24+$0x160] =	vst v6  }
0x1a6: {  	v62 =	vld.idx.msk [tilespmem:v10+s19+$0x0], $0xffff;
	[tilespmem:s25+$0xFFFFFE70] =	vst v5  }
0x1a7: {  	v63 =	vld.idx.msk [tilespmem:v9+s19+$0x0], $0xffff;
	[tilespmem:s25+$0xFFFFFEF0] =	vst v4  }
0x1a8: {  	[tilespmem:s25+$0xFFFFFF70] =	vst v3  }
0x1a9: {  	[tilespmem:s25+$0xFFFFFFF0] =	vst v2  }
0x1aa: {  	[tilespmem:s25+$0x70] =	vst v7  }
.Ltmp8:
0x1ab: {  	[tilespmem:s25+$0xF0] =	vst v62;
	(pc) =	sbr.rel .LBB2_10-.Ltmp8, $4  }
0x1ac: {  	s0 =	rddreg [dreg:$0xe];
	[tilespmem:s25+$0x170] =	vst v63  }
0x1ad: {  	s0 =	sshll.u32 s0, $0xA;
	s1 =	rddreg [dreg:$0x7]  }
0x1ae: {  	s29 =	simm.s32 $0x8000;
	s0 =	sadd.s32 s1, s0  }
0x1af: {  	[hbm4b:s0+s3] =	stream.linear.scatter [tilespmem:s29], [sflag:$0x4], $0x2000, $0x38;
	[tilespmem:$0xA000] =	vst v63  }
.LBB2_12:
0x1b0: {  	_ =	sfence.sel $0x180000  }
0x1b1: {  	[bflag:$0x0] =	sbarrier.arrive $0xFFFF  }
0x1b2: {  	_ =	strace $0x90000047  }
0x1b3: {  	[bflag:$0x2] =	sbarrier.arrive $0xFFFF  }
0x1b4: {  	s0 =	rddreg [dreg:$0x3]  }
0x1b5: {  	s0 =	sadd.s32 @!p0 $0x100000, s0  }
0x1b6: {  	[sflag:s0] =	ssyncadd.tile.s32 @!p0 $0x1;
	_ =	shalt  }
.Lfunc_end2:
_tile_overlayer_lowered:
.L_overlay_start_2:
0x1b7: {  	(tag) =	ssettag $0x2  }
0x1b8: {  	s0 =	rddreg [dreg:$0x0];
	s2 =	stileid.u32  }
0x1b9: {  	s1 =	rddreg [dreg:$0x1];
	p0 =	sne.s32 s2, $0x0  }
0x1ba: {  	s3 =	rddreg [dreg:$0x2];
	[bflag:$0x3] =	sbarrier.arrive $0xFFFF;
	s2 =	simm.s32 @!p0 $0x1C05  }
0x1bb: {  	[timem:s3], [sflag:s2] =	dma.local @!p0 [hbm:s0], s1  }
0x1bc: {  	s0 =	simm.s32 @!p0 $0x5  }
0x1bd: {  	_ =	swait.ge @!p0 [sflag:s0], s1  }
0x1be: {  	s1 =	ssub.s32 @!p0 $0x0, s1;
	[sflag:s0] =	ssyncset.done @!p0 $0x0  }
0x1bf: {  	[sflag:s0] =	ssyncadd.s32 @!p0 s1  }
0x1c0: {  	[bflag:$0x3] =	sbarrier.arrive $0xFFFF  }
0x1c1: {  	_ =	shalt  }

// kernel: kernel.7.cloned.1.call-start
scs
__scs_entry_jumppad:
0x0: {  	(pc) =	sbr.rel $0x88, $3  }
0x1: {  	(tag) =	ssettag $0x0;
	lr =	simm.s32 $0x1  }
0x2: {  	[smem:$0x3F9F] =	sst lr;
	_ =	strace $0xD0000000  }
0x3: {  	_ = 	snop  }
0x4: {  	_ = 	snop  }
0x5: {  	_ = 	snop  }
0x6: {  	_ = 	snop  }
0x7: {  	_ = 	snop  }
__scs_overlays_trampoline_lowered:
0x8: {  	[smem:$0x3FAE] =	sst s0  }
0x9: {  	[smem:$0x3FAF] =	sst s1  }
0xa: {  	[smem:$0x3FB0] =	sst s2  }
0xb: {  	[smem:$0x3FB1] =	sst s3  }
0xc: {  	[smem:$0x3FB2] =	sst s4  }
0xd: {  	[smem:$0x3FB3] =	sst s5  }
0xe: {  	[smem:$0x3FB4] =	sst s6  }
0xf: {  	[smem:$0x3FB5] =	sst s7  }
0x10: {  	[smem:$0x3FB6] =	sst s8  }
0x11: {  	[smem:$0x3FB7] =	sst s9;
	s0 =	simm.s32 @!p0 $0x0  }
0x12: {  	s1 =	sld [smem:$0x3F9D];
	s0 =	simm.s32 @p0 $0x1  }
0x13: {  	[smem:$0x3FB8] =	sst s0;
	s0 =	simm.s32 @!p1 $0x0  }
0x14: {  	s2 =	sld [smem:$0x3F9C];
	s0 =	simm.s32 @p1 $0x1  }
0x15: {  	[smem:$0x3FB9] =	sst s0;
	s0 =	simm.s32 @!p2 $0x0  }
0x16: {  	s3 =	sld [smem:$0x3FDB];
	s0 =	simm.s32 @p2 $0x1  }
0x17: {  	s4 =	simm.s32 $0x1BF5;
	[smem:$0x3FBB] =	sst s0  }
0x18: {  	s0 =	sld [smem:$0x3F9E];
	_ =	swait.ge [sflag:s4], $0x0  }
0x19: {  	s7 =	sld [smem:$0x3F9F]  }
0x1a: {  	s8 =	sadd.s32 $0xFFFFE003, lr  }
0x1b: {  	s9 =	sadd.s32 $0xFFFFFEF7, lr;
	s5 =	simm.s32 $0xFFFFFFFF;
	p2 =	slt.u32 s8, $0xFFFFF086  }
0x1c: {  	p1 =	slt.u32 s9, $0xF7A;
	s5 =	simm.s32 @!p2 $0x0  }
0x1d: {  	s5 =	simm.s32 @p1 $0x1;
	p0 =	seq.s32 s7, s2  }
0x1e: {  	s7 =	smul.u32 @!p0 $0xF7A, s2;
	p2 =	seq.s32 @!p0 s5, $0x0  }
0x1f: {  	s9 =	smul.u32 $0xF7A, s1;
	s8 =	simm.s32 @!p0 $0x1BF5;
	p2 =	por !p2, p0  }
0x20: {  	[sflag:s8] =	ssyncset.s32 @!p0 $0xFFFFF086;
	s6 =	sadd.s32 @!p0 s3, s7;
	s7 =	simm.s32 @!p0 $0x108  }
0x21: {  	s3 =	sadd.s32 s3, s9;
	s6 =	sadd.s32 @!p0 $0x88, s6;
	s7 =	simm.s32 @p2 $0x1082  }
0x22: {  	[simem:s7], [sflag:s8] =	dma.local @!p0 [hbm:s6], $0xF7A  }
0x23: {  	s9 =	sor.u32 $0xD0000000, s2;
	s6 =	simm.s32 $0x108;
	_ =	swait.ge @!p0 [sflag:s8], $0x0  }
0x24: {  	s3 =	sadd.s32 $0x88, s3;
	s6 =	simm.s32 @!p1 $0x1082;
	[sflag:s4] =	ssyncset.s32 $0xFFFFF086  }
0x25: {  	[simem:s6], [sflag:s4] =	dma.local [hbm:s3], $0xF7A  }
0x26: {  	[smem:$0x3F9F] =	sst s1;
	(tag) =	ssettag s2;
	_ =	strace s9  }
0x27: {  	s1 =	sld [smem:$0x3FAF]  }
0x28: {  	s2 =	sld [smem:$0x3FB0]  }
0x29: {  	s4 =	sld [smem:$0x3FB2]  }
0x2a: {  	p0 =	seq.s32 s5, $0x0;
	s5 =	sld [smem:$0x3FB3]  }
0x2b: {  	s6 =	sld [smem:$0x3FB4]  }
0x2c: {  	s7 =	sld [smem:$0x3FB5]  }
0x2d: {  	s3 =	simm.s32 $0x108;
	s8 =	sld [smem:$0x3FB6]  }
0x2e: {  	s3 =	simm.s32 @!p0 $0x1082;
	s9 =	sld [smem:$0x3FB7]  }
0x2f: {  	lr =	sadd.s32 s0, s3;
	s0 =	sld [smem:$0x3FAE]  }
0x30: {  	s3 =	sld [smem:$0x3FB1]  }
0x31: {  	[smem:$0x3FBA] =	sst s10  }
0x32: {  	s10 =	sld [smem:$0x3FB8];
	_ =	sdelay $0x3  }
0x33: {  	p0 =	seq.s32 s10, $0x1;
	s10 =	sld [smem:$0x3FBA];
	_ =	sdelay $0x3  }
0x34: {  	[smem:$0x3FBA] =	sst s10  }
0x35: {  	s10 =	sld [smem:$0x3FB9];
	_ =	sdelay $0x3  }
0x36: {  	p1 =	seq.s32 s10, $0x1;
	s10 =	sld [smem:$0x3FBA];
	_ =	sdelay $0x3  }
0x37: {  	[smem:$0x3FBA] =	sst s10  }
0x38: {  	s10 =	sld [smem:$0x3FBB]  }
0x39: {  	_ = 	snop;
	(pc) =	sbr.ind lr, $3  }
0x3a: {  	_ = 	snop  }
0x3b: {  	_ = 	snop  }
0x3c: {  	p2 =	seq.s32 s10, $0x1;
	s10 =	sld [smem:$0x3FBA]  }
0x3d: {  	_ =	shalt  }
0x3e: {  	_ =	shalt  }
0x3f: {  	_ =	shalt  }
0x40: {  	_ =	shalt  }
0x41: {  	_ =	shalt  }
0x42: {  	_ =	shalt  }
0x43: {  	_ =	shalt  }
0x44: {  	_ =	shalt  }
0x45: {  	_ =	shalt  }
0x46: {  	_ =	shalt  }
0x47: {  	_ =	shalt  }
0x48: {  	_ =	shalt  }
0x49: {  	_ =	shalt  }
0x4a: {  	_ =	shalt  }
0x4b: {  	_ =	shalt  }
0x4c: {  	_ =	shalt  }
0x4d: {  	_ =	shalt  }
0x4e: {  	_ =	shalt  }
0x4f: {  	_ =	shalt  }
0x50: {  	_ =	shalt  }
0x51: {  	_ =	shalt  }
0x52: {  	_ =	shalt  }
0x53: {  	_ =	shalt  }
0x54: {  	_ =	shalt  }
0x55: {  	_ =	shalt  }
0x56: {  	_ =	shalt  }
0x57: {  	_ =	shalt  }
0x58: {  	_ =	shalt  }
0x59: {  	_ =	shalt  }
0x5a: {  	_ =	shalt  }
0x5b: {  	_ =	shalt  }
0x5c: {  	_ =	shalt  }
0x5d: {  	_ =	shalt  }
0x5e: {  	_ =	shalt  }
0x5f: {  	_ =	shalt  }
0x60: {  	_ =	shalt  }
0x61: {  	_ =	shalt  }
0x62: {  	_ =	shalt  }
0x63: {  	_ =	shalt  }
0x64: {  	_ =	shalt  }
0x65: {  	_ =	shalt  }
0x66: {  	_ =	shalt  }
0x67: {  	_ =	shalt  }
0x68: {  	_ =	shalt  }
0x69: {  	_ =	shalt  }
0x6a: {  	_ =	shalt  }
0x6b: {  	_ =	shalt  }
0x6c: {  	_ =	shalt  }
0x6d: {  	_ =	shalt  }
0x6e: {  	_ =	shalt  }
0x6f: {  	_ =	shalt  }
0x70: {  	_ =	shalt  }
0x71: {  	_ =	shalt  }
0x72: {  	_ =	shalt  }
0x73: {  	_ =	shalt  }
0x74: {  	_ =	shalt  }
0x75: {  	_ =	shalt  }
0x76: {  	_ =	shalt  }
0x77: {  	_ =	shalt  }
0x78: {  	_ =	shalt  }
0x79: {  	_ =	shalt  }
0x7a: {  	_ =	shalt  }
0x7b: {  	_ =	shalt  }
0x7c: {  	_ =	shalt  }
0x7d: {  	_ =	shalt  }
0x7e: {  	_ =	shalt  }
0x7f: {  	_ =	shalt  }
0x80: {  	_ =	shalt  }
0x81: {  	_ =	shalt  }
0x82: {  	_ =	shalt  }
0x83: {  	_ =	shalt  }
0x84: {  	_ =	shalt  }
0x85: {  	_ =	shalt  }
0x86: {  	_ =	shalt  }
0x87: {  	_ =	shalt  }
.Lfunc_end0:
.L_simem_size_0:
called_computation.1_lowered:
.L_overlay_start_0:
0x88: {  	s2 =	sld [smem:$0x3FD9]  }
0x89: {  	s3 =	sld [smem:$0x3FFE];
	_ =	sdelay $0x1  }
0x8a: {  	s1 =	srdreg.scid  }
0x8b: {  	s0 =	sand.u32 $0x1, s1  }
0x8c: {  	s17 =	sshll.u32 s0, $0xA;
	s2 =	sadd.s32 s3, s2  }
0x8d: {  	s2 =	sadd.s32 s2, s17  }
0x8e: {  	[smem:$0x3FC6] =	sst s2  }
0x8f: {  	_ = 	snop  }
0x90: {  	s2 =	sld [smem:$0x3FD0];
	(tm) =	ssettm $0x1  }
0x91: {  	s18 =	sld [smem:$0x3FFB];
	_ =	sdelay $0x3  }
0x92: {  	_ =	strace s18  }
0x93: {  	s3 =	sld [smem:$0x3FFC];
	_ =	sdelay $0x3  }
0x94: {  	_ =	strace s3  }
0x95: {  	s3 =	sld [smem:$0x3FFD];
	_ =	sdelay $0x3  }
0x96: {  	_ =	strace s3  }
0x97: {  	_ =	strace $0x8FFFFFFF  }
0x98: {  	s19 =	sld [smem:$0x3FDB];
	_ =	sdelay $0x1  }
0x99: {  	s4 =	simm.s32 $_scs_section_size  }
0x9a: {  	s5 =	simm.s32 $_size__tile_overlayer_lowered;
	s6 =	simm.s32 $_tile_overlayer_lowered  }
0x9b: {  	s22 =	simm.s32 $0x1BFF;
	s21 =	sshll.u32 s6, $0x1;
	s3 =	sadd.s32 s4, s19  }
0x9c: {  	s7 =	simm.s32 $0x0;
	s20 =	sshll.u32 s5, $0x1;
	s5 =	sadd.s32 s21, s3  }
0x9d: {  	[timem:s7], [sflag:s22] =	dma.local [hbm:s5], s20  }
0x9e: {  	_ =	swait.ge [sflag:s22], s20  }
0x9f: {  	s4 =	ssub.s32 $0x0, s20;
	[sflag:s22] =	ssyncset.done $0x0  }
0xa0: {  	[sflag:s22] =	ssyncadd.s32 s4;
	_ =	sdelay $0x1  }
0xa1: {  	s23 =	simm.s32 $0x1B8B  }
0xa2: {  	_ =	swait.ge [sflag:s23], $0x1  }
0xa3: {  	[sflag:s23] =	ssyncset.done $0x0  }
0xa4: {  	s25 =	simm.s32 $0x1B8E;
	s24 =	sld [smem:$0x3FFE];
	[sflag:s23] =	ssyncadd.s32 $0xFFFFFFFF  }
0xa5: {  	s26 =	simm.s32 $execute0_lowered;
	[smem:$0x3FD2] =	sst s25  }
0xa6: {  	s5 =	sshll.u32 s26, $0x1;
	_ =	strace $0x80000049;
	[dreg:$0x1] =	wrdreg $0xFFFFFFFF  }
0xa7: {  	s28 =	simm.s32 $_size_execute0_lowered;
	s3 =	sadd.s32 s3, s5;
	[dreg:$0x0] =	wrdreg $0x0  }
0xa8: {  	s5 =	sshll.u32 s28, $0x1;
	[dreg:$0x2] =	wrdreg s3  }
0xa9: {  	[dreg:$0x3] =	wrdreg s5  }
0xaa: {  	[dreg:$0x4] =	wrdreg $0xC0  }
0xab: {  	_ =	task [dreg:s7], $0x5FFFF  }
0xac: {  	[dreg:$0x1] =	wrdreg $0xFFFFFFFF  }
0xad: {  	[dreg:$0x0] =	wrdreg $0x60  }
0xae: {  	[dreg:$0x2] =	wrdreg s24  }
0xaf: {  	[dreg:$0x3] =	wrdreg s2  }
0xb0: {  	[dreg:$0x4] =	wrdreg $0x9  }
0xb1: {  	_ =	task.clear_ibuf [dreg:s7], $0x5FFFF;
	_ =	strace $0x90000049  }
0xb2: {  	s29 =	simm.s32 $0x9;
	_ =	strace $0x8000004B  }
0xb3: {  	_ =	swait.ge [sflag:s29], $0x1  }
0xb4: {  	[sflag:s29] =	ssyncadd.s32 $0xFFFFFFFF  }
0xb5: {  	_ =	strace $0x9000004B  }
0xb6: {  	_ =	sfence  }
0xb7: {  	s30 =	sld [smem:$0x0];
	_ =	sdelay $0x2  }
0xb8: {  	s31 =	sshll.u32 s1, $0xD;
	s1 =	sshrl.u32 s1, $0x2  }
0xb9: {  	s3 =	sand.u32 $0x4000, s31;
	s1 =	sadd.s32 s1, s30  }
0xba: {  	s0 =	sor.u32 s3, s0;
	s1 =	sshll.u32 s1, $0x11  }
0xbb: {  	s0 =	sor.u32 s1, s0  }
0xbc: {  	s0 =	sadd.s32 $0x8F2B, s0  }
0xbd: {  	[sflag:s0] =	ssyncadd.remote.s32 $0x1  }
0xbe: {  	_ =	sfence.sel $0xFFFF  }
0xbf: {  	[dreg:$0x0] =	wrdreg $0xFFFFFFFF;
	(pc) =	sbr.abs _section_cstart, $3  }
0xc0: {  	[dreg:$0x1] =	wrdreg $0xFFFFFFFF  }
0xc1: {  	_ =	task.clear_ibuf [dreg:s7], $0x2FFFF;
	_ =	strace $0x9FFFFFFF  }
0xc2: {  	(tm) =	ssettm $0x7FFFFFFF  }
0xc3: {  	_ =	shalt  }
tec
execute0_lowered:
.L_overlay_start_1:
0x0: {  	(tag) =	ssettag $0x1  }
0x1: {  	v0 =	vimm.s32 $0x18F8;
	vm0 =	vcmask $0x300;
	v1 =	vimm.s32 $0x4378  }
0x2: {  	vm1 =	vcmask $0x704;
	v0 =	vsel vm0, $0x0, v0;
	v1 =	vsel vm0, $0x2A80, v1  }
0x3: {  	s0 =	srdreg.scid;
	vm15 =	vcmask $0xB08;
	v0 =	vsel vm1, $0x88, v0;
	v1 =	vsel vm1, $0x2B08, v1  }
0x4: {  	s2 =	stileid.u32;
	s1 =	rddreg [dreg:$0x0];
	s15 =	simm.s32 $0x1;
	vm4 =	vcmask $0xF0C;
	v0 =	vsel vm15, $0x110, v0;
	v1 =	vsel vm15, $0x2B90, v1  }
0x5: {  	s16 =	simm.s32 $0xE400;
	s11 =	simm.s32 $0x2;
	s14 =	simm.s32 $0x13900;
	vm5 =	vcmask $0x1310;
	v0 =	vsel vm4, $0x198, v0;
	v1 =	vsel vm4, $0x2C18, v1  }
0x6: {  	vm6 =	vcmask $0x1714;
	s10 =	simm.s32 $0x18580;
	s17 =	simm.s32 $0x18608;
	s18 =	simm.s32 $0x18690;
	v0 =	vsel vm5, $0x220, v0;
	v1 =	vsel vm5, $0x2CA0, v1  }
0x7: {  	vm7 =	vcmask $0x1B18;
	s19 =	simm.s32 $0x18718;
	s20 =	simm.s32 $0x187A0;
	s12 =	simm.s32 $0x18828;
	v0 =	vsel vm6, $0x2A8, v0;
	v1 =	vsel vm6, $0x2D28, v1  }
0x8: {  	vm8 =	vcmask $0x1F1C;
	s21 =	simm.s32 $0x188B0;
	s22 =	simm.s32 $0x18938;
	s23 =	simm.s32 $0x3;
	v0 =	vsel vm7, $0x330, v0;
	v1 =	vsel vm7, $0x2DB0, v1  }
0x9: {  	vm9 =	vcmask $0x2320;
	s24 =	simm.s32 $0x4;
	s0 =	sand.u32 $0x1, s0;
	s3 =	sshll.u32 s2, $0x1;
	v0 =	vsel vm8, $0x3B8, v0;
	v1 =	vsel vm8, $0x2E38, v1  }
0xa: {  	vm10 =	vcmask $0x2724;
	s2 =	rddreg [dreg:$0x1];
	s5 =	sor.u32 s0, s3;
	s3 =	simm.s32 $0x0;
	v0 =	vsel vm9, $0x1540, v0;
	v1 =	vsel vm9, $0x3FC0, v1  }
0xb: {  	vm11 =	vcmask $0x2B28;
	s0 =	ssub.s32 $0x2, s0;
	s8 =	sadd.s32 $0x2000, s2;
	s9 =	sadd.s32 $0x3000, s2;
	v0 =	vsel vm10, $0x15C8, v0;
	v1 =	vsel vm10, $0x4048, v1  }
0xc: {  	vm12 =	vcmask $0x2F2C;
	s4 =	smul.u32 $0xC80, s5;
	[smem:$0x7FF] =	sst s3;
	s7 =	sshrl.u32 s0, $0x1;
	v0 =	vsel vm11, $0x1650, v0;
	v1 =	vsel vm11, $0x40D0, v1  }
0xd: {  	vm13 =	vcmask $0x3330;
	_ =	strace $0x8000004A;
	s0 =	ssub.s32 s0, s7;
	s7 =	sadd.s32 $0x1000, s2;
	v0 =	vsel vm12, $0x16D8, v0;
	v1 =	vsel vm12, $0x4158, v1  }
0xe: {  	vm14 =	vcmask $0x3734;
	s6 =	sadd.s32 s4, s1;
	s4 =	sadd.s32 $0xA00, s1;
	s0 =	smax.u32 s0, $0x1;
	v0 =	vsel vm13, $0x1760, v0;
	v1 =	vsel vm13, $0x41E0, v1  }
0xf: {  	vm15 =	vcmask $0x3B38;
	s1 =	simm.s32 $0x0;
	s31 =	sadd.s32 $0x3D1400, s6;
	[dreg:$0x4] =	wrdreg s0;
	v0 =	vsel vm14, $0x17E8, v0;
	v1 =	vsel vm14, $0x4268, v1  }
0x10: {  	s6 =	smul.u32 $0x19, s5;
	s5 =	simm.s32 $0x184F8;
	[dreg:$0x3] =	wrdreg s31;
	v0 =	vsel vm15, $0x1870, v0;
	v1 =	vsel vm15, $0x42F0, v1  }
.LBB2_1:
0x11: {  	[dreg:$0x5] =	wrdreg s1  }
0x12: {  	s0 =	rddreg [dreg:$0x3];
	s29 =	simm.s32 $0x5  }
0x13: {  	[tilespmem:s3], [sflag:$0x5] =	stream.linear.gather [hbm4b:s0+s3], $0x6400, $0x38;
	[tilespmem:$0x18E00] =	vst v63  }
0x14: {  	_ =	swait.ge [sflag:s29], $0x6400  }
0x15: {  	s30 =	simm.s32 $0x200;
	[sflag:s29] =	ssyncset.done $0x0  }
0x16: {  	s31 =	simm.s32 $0x6400;
	s25 =	simm.s32 $0x0;
	[sflag:s29] =	ssyncadd.s32 $0xFFFF9C00  }
0x17: {  	[tilespmem:s31], [sflag:$0x1] =	stream.indirect.gather [hbm4b:s4+s30], $0x20, s3, s30, $0xb8;
	[tilespmem:$0x18E00] =	vst v63  }
.LBB2_2:
0x18: {  	p0 =	seq.s32 s25, $0x0  }
.Ltmp0:
0x19: {  	_ = 	snop;
	(pc) =	sbr.rel @p0 .LBB2_4-.Ltmp0, $1  }
0x1a: {  	_ =	sdelay $0x3  }
0x1b: {  	_ =	swait.ge [sflag:s24], $0x400  }
0x1c: {  	[sflag:s24] =	ssyncset.done $0x0  }
0x1d: {  	[sflag:s24] =	ssyncadd.s32 $0xFFFFFC00  }
0x1e: {  	_ =	swait.ge [sflag:s24], $0x400  }
0x1f: {  	[sflag:s24] =	ssyncset.done $0x0  }
0x20: {  	[sflag:s24] =	ssyncadd.s32 $0xFFFFFC00  }
0x21: {  	_ =	swait.ge [sflag:s24], $0x400  }
0x22: {  	[sflag:s24] =	ssyncset.done $0x0  }
0x23: {  	[sflag:s24] =	ssyncadd.s32 $0xFFFFFC00  }
0x24: {  	_ =	swait.ge [sflag:s24], $0x400  }
0x25: {  	[sflag:s24] =	ssyncset.done $0x0  }
0x26: {  	[sflag:s24] =	ssyncadd.s32 $0xFFFFFC00  }
0x27: {  	_ =	swait.ge [sflag:s24], $0x400  }
0x28: {  	[sflag:s24] =	ssyncset.done $0x0  }
0x29: {  	[sflag:s24] =	ssyncadd.s32 $0xFFFFFC00  }
0x2a: {  	_ =	swait.ge [sflag:s24], $0x400  }
0x2b: {  	[sflag:s24] =	ssyncset.done $0x0  }
0x2c: {  	[sflag:s24] =	ssyncadd.s32 $0xFFFFFC00  }
0x2d: {  	_ =	swait.ge [sflag:s24], $0x400  }
0x2e: {  	[sflag:s24] =	ssyncset.done $0x0  }
0x2f: {  	[sflag:s24] =	ssyncadd.s32 $0xFFFFFC00  }
0x30: {  	_ =	swait.ge [sflag:s24], $0x400  }
0x31: {  	[sflag:s24] =	ssyncset.done $0x0  }
0x32: {  	[sflag:s24] =	ssyncadd.s32 $0xFFFFFC00  }
0x33: {  	_ =	swait.ge [sflag:s24], $0x400  }
0x34: {  	[sflag:s24] =	ssyncset.done $0x0  }
0x35: {  	[sflag:s24] =	ssyncadd.s32 $0xFFFFFC00  }
0x36: {  	_ =	swait.ge [sflag:s24], $0x400  }
0x37: {  	[sflag:s24] =	ssyncset.done $0x0  }
0x38: {  	[sflag:s24] =	ssyncadd.s32 $0xFFFFFC00  }
0x39: {  	_ =	swait.ge [sflag:s24], $0x400  }
0x3a: {  	[sflag:s24] =	ssyncset.done $0x0  }
0x3b: {  	[sflag:s24] =	ssyncadd.s32 $0xFFFFFC00  }
0x3c: {  	_ =	swait.ge [sflag:s24], $0x400  }
0x3d: {  	[sflag:s24] =	ssyncset.done $0x0  }
0x3e: {  	[sflag:s24] =	ssyncadd.s32 $0xFFFFFC00  }
0x3f: {  	_ =	swait.ge [sflag:s24], $0x400  }
0x40: {  	[sflag:s24] =	ssyncset.done $0x0  }
0x41: {  	[sflag:s24] =	ssyncadd.s32 $0xFFFFFC00  }
0x42: {  	_ =	swait.ge [sflag:s24], $0x400  }
0x43: {  	[sflag:s24] =	ssyncset.done $0x0  }
0x44: {  	[sflag:s24] =	ssyncadd.s32 $0xFFFFFC00  }
0x45: {  	_ =	swait.ge [sflag:s24], $0x400  }
0x46: {  	[sflag:s24] =	ssyncset.done $0x0  }
0x47: {  	[sflag:s24] =	ssyncadd.s32 $0xFFFFFC00  }
0x48: {  	_ =	swait.ge [sflag:s24], $0x400  }
0x49: {  	[sflag:s24] =	ssyncset.done $0x0  }
0x4a: {  	[sflag:s24] =	ssyncadd.s32 $0xFFFFFC00  }
0x4b: {  	_ =	swait.ge [sflag:s23], $0x400  }
0x4c: {  	[sflag:s23] =	ssyncset.done $0x0  }
0x4d: {  	[sflag:s23] =	ssyncadd.s32 $0xFFFFFC00  }
0x4e: {  	_ =	swait.ge [sflag:s23], $0x400  }
0x4f: {  	[sflag:s23] =	ssyncset.done $0x0  }
0x50: {  	[sflag:s23] =	ssyncadd.s32 $0xFFFFFC00  }
0x51: {  	_ =	swait.ge [sflag:s23], $0x400  }
0x52: {  	[sflag:s23] =	ssyncset.done $0x0  }
0x53: {  	[sflag:s23] =	ssyncadd.s32 $0xFFFFFC00  }
0x54: {  	_ =	swait.ge [sflag:s23], $0x400  }
0x55: {  	[sflag:s23] =	ssyncset.done $0x0  }
0x56: {  	[sflag:s23] =	ssyncadd.s32 $0xFFFFFC00  }
0x57: {  	_ =	swait.ge [sflag:s23], $0x400  }
0x58: {  	[sflag:s23] =	ssyncset.done $0x0  }
0x59: {  	[sflag:s23] =	ssyncadd.s32 $0xFFFFFC00  }
0x5a: {  	_ =	swait.ge [sflag:s23], $0x400  }
0x5b: {  	[sflag:s23] =	ssyncset.done $0x0  }
0x5c: {  	[sflag:s23] =	ssyncadd.s32 $0xFFFFFC00  }
0x5d: {  	_ =	swait.ge [sflag:s23], $0x400  }
0x5e: {  	[sflag:s23] =	ssyncset.done $0x0  }
0x5f: {  	[sflag:s23] =	ssyncadd.s32 $0xFFFFFC00  }
0x60: {  	_ =	swait.ge [sflag:s23], $0x400  }
0x61: {  	[sflag:s23] =	ssyncset.done $0x0  }
0x62: {  	[sflag:s23] =	ssyncadd.s32 $0xFFFFFC00  }
0x63: {  	_ =	swait.ge [sflag:s23], $0x400  }
0x64: {  	[sflag:s23] =	ssyncset.done $0x0  }
0x65: {  	[sflag:s23] =	ssyncadd.s32 $0xFFFFFC00  }
0x66: {  	_ =	swait.ge [sflag:s23], $0x400  }
0x67: {  	[sflag:s23] =	ssyncset.done $0x0  }
0x68: {  	[sflag:s23] =	ssyncadd.s32 $0xFFFFFC00  }
0x69: {  	_ =	swait.ge [sflag:s23], $0x400  }
0x6a: {  	[sflag:s23] =	ssyncset.done $0x0  }
0x6b: {  	[sflag:s23] =	ssyncadd.s32 $0xFFFFFC00  }
0x6c: {  	_ =	swait.ge [sflag:s23], $0x400  }
0x6d: {  	[sflag:s23] =	ssyncset.done $0x0  }
0x6e: {  	[sflag:s23] =	ssyncadd.s32 $0xFFFFFC00  }
0x6f: {  	_ =	swait.ge [sflag:s23], $0x400  }
0x70: {  	[sflag:s23] =	ssyncset.done $0x0  }
0x71: {  	[sflag:s23] =	ssyncadd.s32 $0xFFFFFC00  }
0x72: {  	_ =	swait.ge [sflag:s23], $0x400  }
0x73: {  	[sflag:s23] =	ssyncset.done $0x0  }
0x74: {  	[sflag:s23] =	ssyncadd.s32 $0xFFFFFC00  }
0x75: {  	_ =	swait.ge [sflag:s23], $0x400  }
0x76: {  	[sflag:s23] =	ssyncset.done $0x0  }
0x77: {  	[sflag:s23] =	ssyncadd.s32 $0xFFFFFC00  }
0x78: {  	_ =	swait.ge [sflag:s23], $0x400  }
0x79: {  	[sflag:s23] =	ssyncset.done $0x0  }
0x7a: {  	[sflag:s23] =	ssyncadd.s32 $0xFFFFFC00  }
.LBB2_4:
0x7b: {  	s26 =	sshll.u32 s25, $0xA;
	s29 =	simm.s32 $0x0;
	s30 =	simm.s32 $0x0  }
0x7c: {  	s0 =	simm.s32 $0x200;
	s28 =	sand.u32 $0x3FFFFC00, s26;
	s1 =	sand.u32 $0x18, s29  }
0x7d: {  	s13 =	simm.s32 $0x1;
	s29 =	sor.u32 $0x200, s28;
	v2 =	vmov s1;
	s1 =	simm.s32 $0xA400  }
0x7e: {  	v3 =	vmov s30;
	[tilespmem:s1], [sflag:$0x2] =	stream.indirect.gather [hbm4b:s4+s0], $0x20, s29, s0, $0xb8;
	v2 =	vmul.u32 $0x88, v2;
	[tilespmem:$0x18E00] =	vst v63  }
0x7f: {  	v6 =	vand.u32 $0x4, v3;
	v7 =	vand.u32 $0x78, v3;
	v3 =	vmov s13;
	s13 =	simm.s32 $0x5;
	_ =	swait.ge [sflag:s15], $0x4000  }
0x80: {  	s29 =	simm.s32 $0x2;
	s0 =	simm.s32 $0x3;
	v9 =	vand.u32 $0x5, v3;
	v11 =	vand.u32 $0x78, v3;
	[sflag:s15] =	ssyncset.done $0x0;
	v8 =	vbroadcast v2, $0x0  }
0x81: {  	v23 =	vmov s13;
	v4 =	vmov s29;
	s29 =	simm.s32 $0x6440;
	v2 =	vmov s0;
	[sflag:s15] =	ssyncadd.s32 $0xFFFFC000  }
0x82: {  	v10 =	vand.u32 $0x6, v4;
	v12 =	vand.u32 $0x78, v2;
	v3 =	vadd.s32 v0, v8;
	v5 =	vld [tilespmem:s29+$0x20]  }
0x83: {  	v13 =	vand.u32 $0x78, v4;
	v15 =	vand.u32 $0x7, v2;
	v14 =	vld [tilespmem:s29+$0xFFFFFFC0];
	v2 =	vadd.s32 v12, v3  }
0x84: {  	v16 =	vld [tilespmem:s29+$0xFFFFFFE0];
	v8 =	vadd.s32 v1, v8;
	v4 =	vadd.s32 v7, v3;
	v18 =	vor.u32 v15, v2  }
0x85: {  	v17 =	vadd.s32 v11, v3;
	v7 =	vadd.s32 v7, v8;
	v19 =	vor.u32 v6, v4  }
0x86: {  	s1 =	simm.s32 $0x4;
	v20 =	vld [tilespmem:s29+$0x0];
	v12 =	vadd.s32 v12, v8;
	v11 =	vadd.s32 v11, v8;
	v17 =	vor.u32 v9, v17  }
0x87: {  	v2 =	vadd.s32 v13, v3;
	v3 =	vmov s1;
	v22 =	vmul.f32 $5.656854150e+00, v5  }
0x88: {  	s30 =	simm.s32 $0x0;
	v12 =	vor.u32 v15, v12;
	v21 =	vor.u32 v10, v2;
	v14 =	vmul.f32 $5.656854150e+00, v14  }
0x89: {  	s26 =	simm.s32 $0x64C0;
	s1 =	sand.u32 $0x18, s30;
	v15 =	vor.u32 v6, v7;
	v6 =	vadd.s32 v13, v8;
	v16 =	vmul.f32 $5.656854150e+00, v16;
	[tilespmem:v18+s16+$0x0] =	vst.idx.msk $0xffff, v22  }
0x8a: {  	s0 =	simm.s32 $0x6;
	v8 =	vand.u32 $0x78, v23;
	v5 =	vand.u32 $0x5, v23;
	v23 =	vld [tilespmem:s26+$0xFFFFFFE0];
	[tilespmem:v19+s16+$0x0] =	vst.idx.msk $0xffff, v14;
	v19 =	vmov s1  }
0x8b: {  	v24 =	vmov s0;
	v14 =	vmul.f32 $5.656854150e+00, v20;
	[tilespmem:v17+s16+$0x0] =	vst.idx.msk $0xffff, v16;
	v18 =	vld [tilespmem:s29+$0x30];
	v16 =	vmul.u32 $0x88, v19  }
0x8c: {  	s13 =	simm.s32 $0x7;
	v25 =	vor.u32 v9, v11;
	v7 =	vand.u32 $0x78, v24;
	v20 =	vld [tilespmem:s29+$0xFFFFFFD0]  }
0x8d: {  	v9 =	vmov s13;
	v2 =	vand.u32 $0x4, v3;
	[tilespmem:v21+s16+$0x0] =	vst.idx.msk $0xffff, v14;
	v21 =	vld [tilespmem:s26+$0x20];
	v13 =	vbroadcast v16, $0x0  }
0x8e: {  	v4 =	vand.u32 $0x78, v3;
	v3 =	vand.u32 $0x6, v24;
	v6 =	vor.u32 v10, v6;
	v19 =	vld [tilespmem:s29+$0xFFFFFFF0]  }
0x8f: {  	v11 =	vand.u32 $0x78, v9;
	v9 =	vand.u32 $0x7, v9;
	v22 =	vld [tilespmem:s26+$0xFFFFFFC0];
	v16 =	vadd.s32 v0, v13  }
0x90: {  	v14 =	vld [tilespmem:s29+$0x10];
	v23 =	vmul.f32 $5.656854150e+00, v23;
	v10 =	vmul.f32 $5.656854150e+00, v18;
	v17 =	vadd.s32 v11, v16  }
0x91: {  	v20 =	vmul.f32 $5.656854150e+00, v20;
	v18 =	vadd.s32 v4, v16;
	v26 =	vor.u32 v9, v17  }
0x92: {  	v62 =	vadd.s32 v8, v16;
	v18 =	vor.u32 v2, v18;
	v27 =	vmul.f32 $5.656854150e+00, v21;
	v21 =	vld [tilespmem:s26+$0x0]  }
0x93: {  	s30 =	simm.s32 $0x9;
	v16 =	vadd.s32 v7, v16;
	v63 =	vmul.f32 $5.656854150e+00, v19;
	v17 =	vor.u32 v5, v62;
	[tilespmem:v12+s16+$0x0] =	vst.idx.msk $0xffff, v10  }
0x94: {  	s29 =	simm.s32 $0x8;
	v22 =	vmul.f32 $5.656854150e+00, v22;
	v19 =	vmov s30;
	s30 =	simm.s32 $0xA;
	v16 =	vor.u32 v3, v16;
	[tilespmem:v15+s16+$0x0] =	vst.idx.msk $0xffff, v20  }
0x95: {  	v12 =	vmov s29;
	v14 =	vmul.f32 $5.656854150e+00, v14;
	[tilespmem:v25+s16+$0x0] =	vst.idx.msk $0xffff, v63;
	v20 =	vmov s30  }
0x96: {  	s31 =	simm.s32 $0x0;
	s30 =	simm.s32 $0xC;
	v10 =	vand.u32 $0x4, v12;
	v15 =	vand.u32 $0x78, v12;
	v12 =	vand.u32 $0x5, v19;
	[tilespmem:v26+s16+$0x0] =	vst.idx.msk $0xffff, v27  }
.LBB2_5:
0x97: {  	p0 =	slt.u32 s30, $0x1FC;
	s31 =	sand.u32 $0x18, s31;
	v24 =	vand.u32 $0x6, v20;
	[tilespmem:v18+s16+$0x0] =	vst.idx.msk $0xffff, v22;
	v13 =	vadd.s32 v1, v13;
	v18 =	vmul.f32 $5.656854150e+00, v21;
	v21 =	vld [tilespmem:s26+$0x30]  }
0x98: {  	v22 =	vmov s31;
	v25 =	vld [tilespmem:s26+$0xFFFFFFD0];
	v26 =	vadd.s32 v4, v13;
	[tilespmem:v17+s16+$0x0] =	vst.idx.msk $0xffff, v23;
	v11 =	vadd.s32 v11, v13;
	v4 =	vmovc v15  }
0x99: {  	v8 =	vadd.s32 v8, v13;
	v15 =	vmul.u32 $0x88, v22;
	v22 =	vld [tilespmem:s26+$0xFFFFFFF0];
	[tilespmem:v16+s16+$0x0] =	vst.idx.msk $0xffff, v18;
	v16 =	vor.u32 v9, v11  }
0x9a: {  	v23 =	vor.u32 v2, v26;
	v26 =	vor.u32 v5, v8;
	v11 =	vadd.s32 v7, v13;
	v2 =	vmovc v10;
	v27 =	vld [tilespmem:s26+$0x10]  }
0x9b: {  	s31 =	sadd.s32 $0x3, s29;
	s29 =	smov.u32 s30;
	v8 =	vand.u32 $0x78, v19;
	v13 =	vbroadcast v15, $0x0;
	[tilespmem:v6+s16+$0x0] =	vst.idx.msk $0xffff, v14;
	v6 =	vor.u32 v3, v11;
	v3 =	vmovc v24  }
0x9c: {  	v7 =	vand.u32 $0x78, v20;
	v9 =	vmov s31;
	v5 =	vmovc v12;
	s26 =	sadd.s32 $0x80, s26;
	v10 =	vmul.f32 $5.656854150e+00, v21  }
0x9d: {  	v11 =	vand.u32 $0x78, v9;
	v12 =	vadd.s32 v0, v13;
	v15 =	vld [tilespmem:s26+$0x20];
	v14 =	vmul.f32 $5.656854150e+00, v25  }
0x9e: {  	v9 =	vand.u32 $0x7, v9;
	v20 =	vld [tilespmem:s26+$0xFFFFFFC0];
	v17 =	vadd.s32 v4, v12;
	v18 =	vadd.s32 v11, v12;
	[tilespmem:v16+s16+$0x0] =	vst.idx.msk $0xffff, v10  }
0x9f: {  	v10 =	vadd.s32 v8, v12;
	v12 =	vadd.s32 v7, v12;
	v24 =	vld [tilespmem:s26+$0xFFFFFFE0];
	v25 =	vor.u32 v9, v18  }
.Ltmp1:
0xa0: {  	v18 =	vor.u32 v2, v17;
	v17 =	vor.u32 v5, v10;
	v16 =	vor.u32 v3, v12;
	v21 =	vld [tilespmem:s26+$0x0];
	(pc) =	sbr.rel @p0 .LBB2_5-.Ltmp1, $4  }
0xa1: {  	v12 =	vmov s30;
	[tilespmem:v23+s16+$0x0] =	vst.idx.msk $0xffff, v14;
	v23 =	vmul.f32 $5.656854150e+00, v22;
	v14 =	vmul.f32 $5.656854150e+00, v27  }
0xa2: {  	s31 =	sadd.s32 $0x1, s30;
	v10 =	vand.u32 $0x4, v12;
	v27 =	vmul.f32 $5.656854150e+00, v15  }
0xa3: {  	s1 =	sadd.s32 $0x2, s30;
	v19 =	vmov s31;
	v15 =	vand.u32 $0x78, v12;
	v22 =	vmul.f32 $5.656854150e+00, v20;
	[tilespmem:v26+s16+$0x0] =	vst.idx.msk $0xffff, v23  }
0xa4: {  	s31 =	sshrl.u32 s29, $0x4;
	s30 =	sadd.s32 $0x4, s30;
	v12 =	vand.u32 $0x5, v19;
	v20 =	vmov s1;
	v23 =	vmul.f32 $5.656854150e+00, v24;
	[tilespmem:v25+s16+$0x0] =	vst.idx.msk $0xffff, v27  }
0xa5: {  	s1 =	sand.u32 $0x18, s31  }
0xa6: {  	v24 =	vmov s1  }
0xa7: {  	v24 =	vmul.u32 $0x88, v24;
	_ =	sdelay $0x1  }
0xa8: {  	s0 =	sadd.s32 $0x3, s29;
	v24 =	vbroadcast v24, $0x0  }
0xa9: {  	v25 =	vand.u32 $0x6, v20;
	s13 =	sadd.s32 $0x80, s26;
	v26 =	vmov s0  }
0xaa: {  	v13 =	vadd.s32 v1, v13;
	v28 =	vld [tilespmem:s13+$0x20];
	v29 =	vand.u32 $0x78, v26;
	v27 =	vadd.s32 v0, v24  }
0xab: {  	v21 =	vmul.f32 $5.656854150e+00, v21;
	v30 =	vld [tilespmem:s13+$0xFFFFFFC0];
	v26 =	vand.u32 $0x7, v26;
	v31 =	vadd.s32 v29, v27  }
0xac: {  	[tilespmem:v18+s16+$0x0] =	vst.idx.msk $0xffff, v22;
	v18 =	vand.u32 $0x78, v19;
	v22 =	vld [tilespmem:s13+$0xFFFFFFE0];
	v19 =	vadd.s32 v15, v27;
	v31 =	vor.u32 v26, v31  }
0xad: {  	[tilespmem:v17+s16+$0x0] =	vst.idx.msk $0xffff, v23;
	v17 =	vand.u32 $0x78, v20;
	v23 =	vld [tilespmem:s13+$0x0];
	v20 =	vadd.s32 v18, v27;
	v19 =	vor.u32 v10, v19  }
0xae: {  	v32 =	vld [tilespmem:s26+$0x30];
	v4 =	vadd.s32 v4, v13;
	v27 =	vadd.s32 v17, v27;
	v20 =	vor.u32 v12, v20  }
0xaf: {  	v11 =	vadd.s32 v11, v13;
	[tilespmem:v16+s16+$0x0] =	vst.idx.msk $0xffff, v21;
	v16 =	vld [tilespmem:s26+$0xFFFFFFD0];
	v57 =	vmul.f32 $5.656854150e+00, v28;
	v21 =	vor.u32 v25, v27  }
0xb0: {  	[tilespmem:v6+s16+$0x0] =	vst.idx.msk $0xffff, v14;
	v8 =	vadd.s32 v8, v13;
	v6 =	vor.u32 v9, v11;
	v9 =	vld [tilespmem:s26+$0xFFFFFFF0];
	v11 =	vmul.f32 $5.656854150e+00, v30  }
0xb1: {  	v2 =	vor.u32 v2, v4;
	v4 =	vor.u32 v5, v8;
	v5 =	vld [tilespmem:s26+$0x10];
	v8 =	vmul.f32 $5.656854150e+00, v22;
	[tilespmem:v31+s16+$0x0] =	vst.idx.msk $0xffff, v57  }
0xb2: {  	v7 =	vadd.s32 v7, v13;
	v13 =	vmul.f32 $5.656854150e+00, v23;
	[tilespmem:v19+s16+$0x0] =	vst.idx.msk $0xffff, v11;
	v11 =	vadd.s32 v1, v24;
	v14 =	vld [tilespmem:s13+$0x30]  }
0xb3: {  	v3 =	vor.u32 v3, v7;
	v7 =	vmul.f32 $5.656854150e+00, v32;
	[tilespmem:v20+s16+$0x0] =	vst.idx.msk $0xffff, v8;
	v19 =	vld [tilespmem:s13+$0xFFFFFFD0];
	v8 =	vadd.s32 v29, v11  }
0xb4: {  	v16 =	vmul.f32 $5.656854150e+00, v16;
	[tilespmem:v21+s16+$0x0] =	vst.idx.msk $0xffff, v13;
	v15 =	vadd.s32 v15, v11;
	v20 =	vld [tilespmem:s13+$0xFFFFFFF0];
	v8 =	vor.u32 v26, v8  }
0xb5: {  	[tilespmem:v6+s16+$0x0] =	vst.idx.msk $0xffff, v7;
	v6 =	vmul.f32 $5.656854150e+00, v9;
	v7 =	vadd.s32 v18, v11;
	v9 =	vor.u32 v10, v15;
	v10 =	vld [tilespmem:s13+$0x10]  }
0xb6: {  	[tilespmem:v2+s16+$0x0] =	vst.idx.msk $0xffff, v16;
	v2 =	vmul.f32 $5.656854150e+00, v5;
	v5 =	vor.u32 v12, v7;
	v7 =	vadd.s32 v17, v11  }
0xb7: {  	s26 =	sadd.s32 s6, s25;
	[tilespmem:v4+s16+$0x0] =	vst.idx.msk $0xffff, v6;
	v4 =	vor.u32 v25, v7;
	v6 =	vmul.f32 $5.656854150e+00, v14  }
0xb8: {  	s0 =	sshll.u32 s26, $0xD;
	s1 =	sshll.u32 s26, $0xF;
	[tilespmem:v3+s16+$0x0] =	vst.idx.msk $0xffff, v2;
	v2 =	vmul.f32 $5.656854150e+00, v19  }
0xb9: {  	s26 =	sand.u32 $0x6000, s0;
	s1 =	sand.u32 $0x7FFE0000, s1;
	v3 =	vmul.f32 $5.656854150e+00, v20;
	[tilespmem:v8+s16+$0x0] =	vst.idx.msk $0xffff, v6  }
0xba: {  	s1 =	sor.u32 s26, s1;
	[tilespmem:v9+s16+$0x0] =	vst.idx.msk $0xffff, v2;
	v2 =	vmul.f32 $5.656854150e+00, v10  }
0xbb: {  	s26 =	sshrl.u32 s1, $0x3;
	[tilespmem:v5+s16+$0x0] =	vst.idx.msk $0xffff, v3  }
0xbc: {  	s1 =	sadd.s32 s2, s26;
	[tilespmem:v4+s16+$0x0] =	vst.idx.msk $0xffff, v2  }
0xbd: {  	[hbm4b:s1+s3] =	stream.linear.scatter [tilespmem:s16], [sflag:$0x3], $0x80, $0x38;
	[tilespmem:$0x18E00] =	vst v63  }
0xbe: {  	s0 =	simm.s32 $0xE488;
	s29 =	sadd.s32 $0x10, s1  }
0xbf: {  	[hbm4b:s29+s3] =	stream.linear.scatter [tilespmem:s0], [sflag:$0x3], $0x80, $0x38;
	[tilespmem:$0x18E00] =	vst v63  }
0xc0: {  	s13 =	simm.s32 $0xE510;
	s29 =	sadd.s32 $0x20, s1  }
0xc1: {  	[hbm4b:s29+s3] =	stream.linear.scatter [tilespmem:s13], [sflag:$0x3], $0x80, $0x38;
	[tilespmem:$0x18E00] =	vst v63  }
0xc2: {  	s29 =	sadd.s32 $0x30, s1;
	s13 =	simm.s32 $0xE598  }
0xc3: {  	[hbm4b:s29+s3] =	stream.linear.scatter [tilespmem:s13], [sflag:$0x3], $0x80, $0x38;
	[tilespmem:$0x18E00] =	vst v63  }
0xc4: {  	s29 =	sadd.s32 $0x40, s1;
	s13 =	simm.s32 $0xE620  }
0xc5: {  	[hbm4b:s29+s3] =	stream.linear.scatter [tilespmem:s13], [sflag:$0x3], $0x80, $0x38;
	[tilespmem:$0x18E00] =	vst v63  }
0xc6: {  	s29 =	sadd.s32 $0x50, s1;
	s13 =	simm.s32 $0xE6A8  }
0xc7: {  	[hbm4b:s29+s3] =	stream.linear.scatter [tilespmem:s13], [sflag:$0x3], $0x80, $0x38;
	[tilespmem:$0x18E00] =	vst v63  }
0xc8: {  	s29 =	sadd.s32 $0x60, s1;
	s13 =	simm.s32 $0xE730  }
0xc9: {  	[hbm4b:s29+s3] =	stream.linear.scatter [tilespmem:s13], [sflag:$0x3], $0x80, $0x38;
	[tilespmem:$0x18E00] =	vst v63  }
0xca: {  	s1 =	sadd.s32 $0x70, s1;
	s13 =	simm.s32 $0xE7B8;
	s29 =	sor.u32 $0x80, s26  }
0xcb: {  	[hbm4b:s1+s3] =	stream.linear.scatter [tilespmem:s13], [sflag:$0x3], $0x80, $0x38;
	[tilespmem:$0x18E00] =	vst v63  }
0xcc: {  	s1 =	sadd.s32 s2, s29;
	s13 =	simm.s32 $0xE840  }
0xcd: {  	[hbm4b:s1+s3] =	stream.linear.scatter [tilespmem:s13], [sflag:$0x3], $0x80, $0x38;
	[tilespmem:$0x18E00] =	vst v63  }
0xce: {  	s30 =	sadd.s32 $0x10, s1;
	s13 =	simm.s32 $0xE8C8  }
0xcf: {  	[hbm4b:s30+s3] =	stream.linear.scatter [tilespmem:s13], [sflag:$0x3], $0x80, $0x38;
	[tilespmem:$0x18E00] =	vst v63  }
0xd0: {  	s30 =	sadd.s32 $0x20, s1;
	s13 =	simm.s32 $0xE950  }
0xd1: {  	[hbm4b:s30+s3] =	stream.linear.scatter [tilespmem:s13], [sflag:$0x3], $0x80, $0x38;
	[tilespmem:$0x18E00] =	vst v63  }
0xd2: {  	s30 =	sadd.s32 $0x30, s1;
	s13 =	simm.s32 $0xE9D8  }
0xd3: {  	[hbm4b:s30+s3] =	stream.linear.scatter [tilespmem:s13], [sflag:$0x3], $0x80, $0x38;
	[tilespmem:$0x18E00] =	vst v63  }
0xd4: {  	s30 =	sadd.s32 $0x40, s1;
	s13 =	simm.s32 $0xEA60  }
0xd5: {  	[hbm4b:s30+s3] =	stream.linear.scatter [tilespmem:s13], [sflag:$0x3], $0x80, $0x38;
	[tilespmem:$0x18E00] =	vst v63  }
0xd6: {  	s30 =	sadd.s32 $0x50, s1;
	s13 =	simm.s32 $0xEAE8  }
0xd7: {  	[hbm4b:s30+s3] =	stream.linear.scatter [tilespmem:s13], [sflag:$0x3], $0x80, $0x38;
	[tilespmem:$0x18E00] =	vst v63  }
0xd8: {  	s30 =	sadd.s32 $0x60, s1;
	s13 =	simm.s32 $0xEB70  }
0xd9: {  	[hbm4b:s30+s3] =	stream.linear.scatter [tilespmem:s13], [sflag:$0x3], $0x80, $0x38;
	[tilespmem:$0x18E00] =	vst v63  }
0xda: {  	s1 =	sadd.s32 $0x70, s1;
	s13 =	simm.s32 $0xEBF8;
	s30 =	sor.u32 $0x100, s26  }
0xdb: {  	[hbm4b:s1+s3] =	stream.linear.scatter [tilespmem:s13], [sflag:$0x3], $0x80, $0x38;
	[tilespmem:$0x18E00] =	vst v63  }
0xdc: {  	s1 =	sadd.s32 s2, s30;
	s13 =	simm.s32 $0xEC80  }
0xdd: {  	[hbm4b:s1+s3] =	stream.linear.scatter [tilespmem:s13], [sflag:$0x3], $0x80, $0x38;
	[tilespmem:$0x18E00] =	vst v63  }
0xde: {  	s31 =	sadd.s32 $0x10, s1;
	s13 =	simm.s32 $0xED08  }
0xdf: {  	[hbm4b:s31+s3] =	stream.linear.scatter [tilespmem:s13], [sflag:$0x3], $0x80, $0x38;
	[tilespmem:$0x18E00] =	vst v63  }
0xe0: {  	s31 =	sadd.s32 $0x20, s1;
	s13 =	simm.s32 $0xED90  }
0xe1: {  	[hbm4b:s31+s3] =	stream.linear.scatter [tilespmem:s13], [sflag:$0x3], $0x80, $0x38;
	[tilespmem:$0x18E00] =	vst v63  }
0xe2: {  	s31 =	sadd.s32 $0x30, s1;
	s13 =	simm.s32 $0xEE18  }
0xe3: {  	[hbm4b:s31+s3] =	stream.linear.scatter [tilespmem:s13], [sflag:$0x3], $0x80, $0x38;
	[tilespmem:$0x18E00] =	vst v63  }
0xe4: {  	s31 =	sadd.s32 $0x40, s1;
	s13 =	simm.s32 $0xEEA0  }
0xe5: {  	[hbm4b:s31+s3] =	stream.linear.scatter [tilespmem:s13], [sflag:$0x3], $0x80, $0x38;
	[tilespmem:$0x18E00] =	vst v63  }
0xe6: {  	s31 =	sadd.s32 $0x50, s1;
	s13 =	simm.s32 $0xEF28  }
0xe7: {  	[hbm4b:s31+s3] =	stream.linear.scatter [tilespmem:s13], [sflag:$0x3], $0x80, $0x38;
	[tilespmem:$0x18E00] =	vst v63  }
0xe8: {  	s31 =	sadd.s32 $0x60, s1;
	s13 =	simm.s32 $0xEFB0  }
0xe9: {  	[hbm4b:s31+s3] =	stream.linear.scatter [tilespmem:s13], [sflag:$0x3], $0x80, $0x38;
	[tilespmem:$0x18E00] =	vst v63  }
0xea: {  	s1 =	sadd.s32 $0x70, s1;
	s13 =	simm.s32 $0xF038;
	s31 =	sor.u32 $0x180, s26  }
0xeb: {  	[hbm4b:s1+s3] =	stream.linear.scatter [tilespmem:s13], [sflag:$0x3], $0x80, $0x38;
	[tilespmem:$0x18E00] =	vst v63  }
0xec: {  	s1 =	sadd.s32 s2, s31;
	s13 =	simm.s32 $0xF0C0  }
0xed: {  	[hbm4b:s1+s3] =	stream.linear.scatter [tilespmem:s13], [sflag:$0x3], $0x80, $0x38;
	[tilespmem:$0x18E00] =	vst v63  }
0xee: {  	s0 =	sadd.s32 $0x10, s1;
	s13 =	simm.s32 $0xF148  }
0xef: {  	[hbm4b:s0+s3] =	stream.linear.scatter [tilespmem:s13], [sflag:$0x3], $0x80, $0x38;
	[tilespmem:$0x18E00] =	vst v63  }
0xf0: {  	s0 =	sadd.s32 $0x20, s1;
	s13 =	simm.s32 $0xF1D0  }
0xf1: {  	[hbm4b:s0+s3] =	stream.linear.scatter [tilespmem:s13], [sflag:$0x3], $0x80, $0x38;
	[tilespmem:$0x18E00] =	vst v63  }
0xf2: {  	s0 =	sadd.s32 $0x30, s1;
	s13 =	simm.s32 $0xF258  }
0xf3: {  	[hbm4b:s0+s3] =	stream.linear.scatter [tilespmem:s13], [sflag:$0x3], $0x80, $0x38;
	[tilespmem:$0x18E00] =	vst v63  }
0xf4: {  	s0 =	sadd.s32 $0x40, s1;
	s13 =	simm.s32 $0xF2E0  }
0xf5: {  	[hbm4b:s0+s3] =	stream.linear.scatter [tilespmem:s13], [sflag:$0x3], $0x80, $0x38;
	[tilespmem:$0x18E00] =	vst v63  }
0xf6: {  	s0 =	sadd.s32 $0x50, s1;
	s13 =	simm.s32 $0xF368  }
0xf7: {  	[hbm4b:s0+s3] =	stream.linear.scatter [tilespmem:s13], [sflag:$0x3], $0x80, $0x38;
	[tilespmem:$0x18E00] =	vst v63  }
0xf8: {  	s0 =	sadd.s32 $0x60, s1;
	s13 =	simm.s32 $0xF3F0  }
0xf9: {  	[hbm4b:s0+s3] =	stream.linear.scatter [tilespmem:s13], [sflag:$0x3], $0x80, $0x38;
	[tilespmem:$0x18E00] =	vst v63  }
0xfa: {  	s1 =	sadd.s32 $0x70, s1;
	s13 =	simm.s32 $0xF478  }
0xfb: {  	[hbm4b:s1+s3] =	stream.linear.scatter [tilespmem:s13], [sflag:$0x3], $0x80, $0x38;
	[tilespmem:$0x18E00] =	vst v63  }
0xfc: {  	s0 =	sadd.s32 s26, s7;
	s13 =	simm.s32 $0xF940  }
0xfd: {  	[hbm4b:s0+s3] =	stream.linear.scatter [tilespmem:s13], [sflag:$0x3], $0x80, $0x38;
	[tilespmem:$0x18E00] =	vst v63  }
0xfe: {  	s1 =	sadd.s32 $0x10, s0;
	s13 =	simm.s32 $0xF9C8  }
0xff: {  	[hbm4b:s1+s3] =	stream.linear.scatter [tilespmem:s13], [sflag:$0x3], $0x80, $0x38;
	[tilespmem:$0x18E00] =	vst v63  }
0x100: {  	s1 =	sadd.s32 $0x20, s0;
	s13 =	simm.s32 $0xFA50  }
0x101: {  	[hbm4b:s1+s3] =	stream.linear.scatter [tilespmem:s13], [sflag:$0x3], $0x80, $0x38;
	[tilespmem:$0x18E00] =	vst v63  }
0x102: {  	s1 =	sadd.s32 $0x30, s0;
	s13 =	simm.s32 $0xFAD8  }
0x103: {  	[hbm4b:s1+s3] =	stream.linear.scatter [tilespmem:s13], [sflag:$0x3], $0x80, $0x38;
	[tilespmem:$0x18E00] =	vst v63  }
0x104: {  	s1 =	sadd.s32 $0x40, s0;
	s13 =	simm.s32 $0xFB60  }
0x105: {  	[hbm4b:s1+s3] =	stream.linear.scatter [tilespmem:s13], [sflag:$0x3], $0x80, $0x38;
	[tilespmem:$0x18E00] =	vst v63  }
0x106: {  	s1 =	sadd.s32 $0x50, s0;
	s13 =	simm.s32 $0xFBE8  }
0x107: {  	[hbm4b:s1+s3] =	stream.linear.scatter [tilespmem:s13], [sflag:$0x3], $0x80, $0x38;
	[tilespmem:$0x18E00] =	vst v63  }
0x108: {  	s1 =	sadd.s32 $0x60, s0;
	s13 =	simm.s32 $0xFC70  }
0x109: {  	[hbm4b:s1+s3] =	stream.linear.scatter [tilespmem:s13], [sflag:$0x3], $0x80, $0x38;
	[tilespmem:$0x18E00] =	vst v63  }
0x10a: {  	s0 =	sadd.s32 $0x70, s0;
	s13 =	simm.s32 $0xFCF8  }
0x10b: {  	[hbm4b:s0+s3] =	stream.linear.scatter [tilespmem:s13], [sflag:$0x3], $0x80, $0x38;
	[tilespmem:$0x18E00] =	vst v63  }
0x10c: {  	s0 =	sadd.s32 s29, s7;
	s13 =	simm.s32 $0xFD80  }
0x10d: {  	[hbm4b:s0+s3] =	stream.linear.scatter [tilespmem:s13], [sflag:$0x3], $0x80, $0x38;
	[tilespmem:$0x18E00] =	vst v63  }
0x10e: {  	s1 =	sadd.s32 $0x10, s0;
	s13 =	simm.s32 $0xFE08  }
0x10f: {  	[hbm4b:s1+s3] =	stream.linear.scatter [tilespmem:s13], [sflag:$0x3], $0x80, $0x38;
	[tilespmem:$0x18E00] =	vst v63  }
0x110: {  	s1 =	sadd.s32 $0x20, s0;
	s13 =	simm.s32 $0xFE90  }
0x111: {  	[hbm4b:s1+s3] =	stream.linear.scatter [tilespmem:s13], [sflag:$0x3], $0x80, $0x38;
	[tilespmem:$0x18E00] =	vst v63  }
0x112: {  	s1 =	sadd.s32 $0x30, s0;
	s13 =	simm.s32 $0xFF18  }
0x113: {  	[hbm4b:s1+s3] =	stream.linear.scatter [tilespmem:s13], [sflag:$0x3], $0x80, $0x38;
	[tilespmem:$0x18E00] =	vst v63  }
0x114: {  	s1 =	sadd.s32 $0x40, s0;
	s13 =	simm.s32 $0xFFA0  }
0x115: {  	[hbm4b:s1+s3] =	stream.linear.scatter [tilespmem:s13], [sflag:$0x3], $0x80, $0x38;
	[tilespmem:$0x18E00] =	vst v63  }
0x116: {  	s1 =	sadd.s32 $0x50, s0;
	s13 =	simm.s32 $0x10028  }
0x117: {  	[hbm4b:s1+s3] =	stream.linear.scatter [tilespmem:s13], [sflag:$0x3], $0x80, $0x38;
	[tilespmem:$0x18E00] =	vst v63  }
0x118: {  	s1 =	sadd.s32 $0x60, s0;
	s13 =	simm.s32 $0x100B0  }
0x119: {  	[hbm4b:s1+s3] =	stream.linear.scatter [tilespmem:s13], [sflag:$0x3], $0x80, $0x38;
	[tilespmem:$0x18E00] =	vst v63  }
0x11a: {  	s0 =	sadd.s32 $0x70, s0;
	s13 =	simm.s32 $0x10138  }
0x11b: {  	[hbm4b:s0+s3] =	stream.linear.scatter [tilespmem:s13], [sflag:$0x3], $0x80, $0x38;
	[tilespmem:$0x18E00] =	vst v63  }
0x11c: {  	s0 =	sadd.s32 s30, s7;
	s13 =	simm.s32 $0x101C0  }
0x11d: {  	[hbm4b:s0+s3] =	stream.linear.scatter [tilespmem:s13], [sflag:$0x3], $0x80, $0x38;
	[tilespmem:$0x18E00] =	vst v63  }
0x11e: {  	s1 =	sadd.s32 $0x10, s0;
	s13 =	simm.s32 $0x10248  }
0x11f: {  	[hbm4b:s1+s3] =	stream.linear.scatter [tilespmem:s13], [sflag:$0x3], $0x80, $0x38;
	[tilespmem:$0x18E00] =	vst v63  }
0x120: {  	s1 =	sadd.s32 $0x20, s0;
	s13 =	simm.s32 $0x102D0  }
0x121: {  	[hbm4b:s1+s3] =	stream.linear.scatter [tilespmem:s13], [sflag:$0x3], $0x80, $0x38;
	[tilespmem:$0x18E00] =	vst v63  }
0x122: {  	s1 =	sadd.s32 $0x30, s0;
	s13 =	simm.s32 $0x10358  }
0x123: {  	[hbm4b:s1+s3] =	stream.linear.scatter [tilespmem:s13], [sflag:$0x3], $0x80, $0x38;
	[tilespmem:$0x18E00] =	vst v63  }
0x124: {  	s1 =	sadd.s32 $0x40, s0;
	s13 =	simm.s32 $0x103E0  }
0x125: {  	[hbm4b:s1+s3] =	stream.linear.scatter [tilespmem:s13], [sflag:$0x3], $0x80, $0x38;
	[tilespmem:$0x18E00] =	vst v63  }
0x126: {  	s1 =	sadd.s32 $0x50, s0;
	s13 =	simm.s32 $0x10468  }
0x127: {  	[hbm4b:s1+s3] =	stream.linear.scatter [tilespmem:s13], [sflag:$0x3], $0x80, $0x38;
	[tilespmem:$0x18E00] =	vst v63  }
0x128: {  	s1 =	sadd.s32 $0x60, s0;
	s13 =	simm.s32 $0x104F0  }
0x129: {  	[hbm4b:s1+s3] =	stream.linear.scatter [tilespmem:s13], [sflag:$0x3], $0x80, $0x38;
	[tilespmem:$0x18E00] =	vst v63  }
0x12a: {  	s0 =	sadd.s32 $0x70, s0;
	s13 =	simm.s32 $0x10578  }
0x12b: {  	[hbm4b:s0+s3] =	stream.linear.scatter [tilespmem:s13], [sflag:$0x3], $0x80, $0x38;
	[tilespmem:$0x18E00] =	vst v63  }
0x12c: {  	s0 =	sadd.s32 s31, s7;
	s13 =	simm.s32 $0x10600  }
0x12d: {  	[hbm4b:s0+s3] =	stream.linear.scatter [tilespmem:s13], [sflag:$0x3], $0x80, $0x38;
	[tilespmem:$0x18E00] =	vst v63  }
0x12e: {  	s1 =	sadd.s32 $0x10, s0;
	s13 =	simm.s32 $0x10688  }
0x12f: {  	[hbm4b:s1+s3] =	stream.linear.scatter [tilespmem:s13], [sflag:$0x3], $0x80, $0x38;
	[tilespmem:$0x18E00] =	vst v63  }
0x130: {  	s1 =	sadd.s32 $0x20, s0;
	s13 =	simm.s32 $0x10710  }
0x131: {  	[hbm4b:s1+s3] =	stream.linear.scatter [tilespmem:s13], [sflag:$0x3], $0x80, $0x38;
	[tilespmem:$0x18E00] =	vst v63  }
0x132: {  	s1 =	sadd.s32 $0x30, s0;
	s13 =	simm.s32 $0x10798  }
0x133: {  	[hbm4b:s1+s3] =	stream.linear.scatter [tilespmem:s13], [sflag:$0x3], $0x80, $0x38;
	[tilespmem:$0x18E00] =	vst v63  }
0x134: {  	s1 =	sadd.s32 $0x40, s0;
	s13 =	simm.s32 $0x10820  }
0x135: {  	[hbm4b:s1+s3] =	stream.linear.scatter [tilespmem:s13], [sflag:$0x3], $0x80, $0x38;
	[tilespmem:$0x18E00] =	vst v63  }
0x136: {  	s1 =	sadd.s32 $0x50, s0;
	s13 =	simm.s32 $0x108A8  }
0x137: {  	[hbm4b:s1+s3] =	stream.linear.scatter [tilespmem:s13], [sflag:$0x3], $0x80, $0x38;
	[tilespmem:$0x18E00] =	vst v63  }
0x138: {  	s1 =	sadd.s32 $0x60, s0;
	s13 =	simm.s32 $0x10930  }
0x139: {  	[hbm4b:s1+s3] =	stream.linear.scatter [tilespmem:s13], [sflag:$0x3], $0x80, $0x38;
	[tilespmem:$0x18E00] =	vst v63  }
0x13a: {  	s0 =	sadd.s32 $0x70, s0;
	s13 =	simm.s32 $0x109B8  }
0x13b: {  	[hbm4b:s0+s3] =	stream.linear.scatter [tilespmem:s13], [sflag:$0x3], $0x80, $0x38;
	[tilespmem:$0x18E00] =	vst v63  }
0x13c: {  	s0 =	sadd.s32 s26, s8;
	s13 =	simm.s32 $0x10E80  }
0x13d: {  	[hbm4b:s0+s3] =	stream.linear.scatter [tilespmem:s13], [sflag:$0x3], $0x80, $0x38;
	[tilespmem:$0x18E00] =	vst v63  }
0x13e: {  	s1 =	sadd.s32 $0x10, s0;
	s13 =	simm.s32 $0x10F08  }
0x13f: {  	[hbm4b:s1+s3] =	stream.linear.scatter [tilespmem:s13], [sflag:$0x3], $0x80, $0x38;
	[tilespmem:$0x18E00] =	vst v63  }
0x140: {  	s1 =	sadd.s32 $0x20, s0;
	s13 =	simm.s32 $0x10F90  }
0x141: {  	[hbm4b:s1+s3] =	stream.linear.scatter [tilespmem:s13], [sflag:$0x3], $0x80, $0x38;
	[tilespmem:$0x18E00] =	vst v63  }
0x142: {  	s1 =	sadd.s32 $0x30, s0;
	s13 =	simm.s32 $0x11018  }
0x143: {  	[hbm4b:s1+s3] =	stream.linear.scatter [tilespmem:s13], [sflag:$0x3], $0x80, $0x38;
	[tilespmem:$0x18E00] =	vst v63  }
0x144: {  	s1 =	sadd.s32 $0x40, s0;
	s13 =	simm.s32 $0x110A0  }
0x145: {  	[hbm4b:s1+s3] =	stream.linear.scatter [tilespmem:s13], [sflag:$0x3], $0x80, $0x38;
	[tilespmem:$0x18E00] =	vst v63  }
0x146: {  	s1 =	sadd.s32 $0x50, s0;
	s13 =	simm.s32 $0x11128  }
0x147: {  	[hbm4b:s1+s3] =	stream.linear.scatter [tilespmem:s13], [sflag:$0x3], $0x80, $0x38;
	[tilespmem:$0x18E00] =	vst v63  }
0x148: {  	s1 =	sadd.s32 $0x60, s0;
	s13 =	simm.s32 $0x111B0  }
0x149: {  	[hbm4b:s1+s3] =	stream.linear.scatter [tilespmem:s13], [sflag:$0x3], $0x80, $0x38;
	[tilespmem:$0x18E00] =	vst v63  }
0x14a: {  	s0 =	sadd.s32 $0x70, s0;
	s13 =	simm.s32 $0x11238  }
0x14b: {  	[hbm4b:s0+s3] =	stream.linear.scatter [tilespmem:s13], [sflag:$0x3], $0x80, $0x38;
	[tilespmem:$0x18E00] =	vst v63  }
0x14c: {  	s0 =	sadd.s32 s29, s8;
	s13 =	simm.s32 $0x112C0  }
0x14d: {  	[hbm4b:s0+s3] =	stream.linear.scatter [tilespmem:s13], [sflag:$0x3], $0x80, $0x38;
	[tilespmem:$0x18E00] =	vst v63  }
0x14e: {  	s1 =	sadd.s32 $0x10, s0;
	s13 =	simm.s32 $0x11348  }
0x14f: {  	[hbm4b:s1+s3] =	stream.linear.scatter [tilespmem:s13], [sflag:$0x3], $0x80, $0x38;
	[tilespmem:$0x18E00] =	vst v63  }
0x150: {  	s1 =	sadd.s32 $0x20, s0;
	s13 =	simm.s32 $0x113D0  }
0x151: {  	[hbm4b:s1+s3] =	stream.linear.scatter [tilespmem:s13], [sflag:$0x3], $0x80, $0x38;
	[tilespmem:$0x18E00] =	vst v63  }
0x152: {  	s1 =	sadd.s32 $0x30, s0;
	s13 =	simm.s32 $0x11458  }
0x153: {  	[hbm4b:s1+s3] =	stream.linear.scatter [tilespmem:s13], [sflag:$0x3], $0x80, $0x38;
	[tilespmem:$0x18E00] =	vst v63  }
0x154: {  	s1 =	sadd.s32 $0x40, s0;
	s13 =	simm.s32 $0x114E0  }
0x155: {  	[hbm4b:s1+s3] =	stream.linear.scatter [tilespmem:s13], [sflag:$0x3], $0x80, $0x38;
	[tilespmem:$0x18E00] =	vst v63  }
0x156: {  	s1 =	sadd.s32 $0x50, s0;
	s13 =	simm.s32 $0x11568  }
0x157: {  	[hbm4b:s1+s3] =	stream.linear.scatter [tilespmem:s13], [sflag:$0x3], $0x80, $0x38;
	[tilespmem:$0x18E00] =	vst v63  }
0x158: {  	s1 =	sadd.s32 $0x60, s0;
	s13 =	simm.s32 $0x115F0  }
0x159: {  	[hbm4b:s1+s3] =	stream.linear.scatter [tilespmem:s13], [sflag:$0x3], $0x80, $0x38;
	[tilespmem:$0x18E00] =	vst v63  }
0x15a: {  	s0 =	sadd.s32 $0x70, s0;
	s13 =	simm.s32 $0x11678  }
0x15b: {  	[hbm4b:s0+s3] =	stream.linear.scatter [tilespmem:s13], [sflag:$0x3], $0x80, $0x38;
	[tilespmem:$0x18E00] =	vst v63  }
0x15c: {  	s0 =	sadd.s32 s30, s8;
	s13 =	simm.s32 $0x11700  }
0x15d: {  	[hbm4b:s0+s3] =	stream.linear.scatter [tilespmem:s13], [sflag:$0x3], $0x80, $0x38;
	[tilespmem:$0x18E00] =	vst v63  }
0x15e: {  	s1 =	sadd.s32 $0x10, s0;
	s13 =	simm.s32 $0x11788  }
0x15f: {  	[hbm4b:s1+s3] =	stream.linear.scatter [tilespmem:s13], [sflag:$0x3], $0x80, $0x38;
	[tilespmem:$0x18E00] =	vst v63  }
0x160: {  	s1 =	sadd.s32 $0x20, s0;
	s13 =	simm.s32 $0x11810  }
0x161: {  	[hbm4b:s1+s3] =	stream.linear.scatter [tilespmem:s13], [sflag:$0x3], $0x80, $0x38;
	[tilespmem:$0x18E00] =	vst v63  }
0x162: {  	s1 =	sadd.s32 $0x30, s0;
	s13 =	simm.s32 $0x11898  }
0x163: {  	[hbm4b:s1+s3] =	stream.linear.scatter [tilespmem:s13], [sflag:$0x3], $0x80, $0x38;
	[tilespmem:$0x18E00] =	vst v63  }
0x164: {  	s1 =	sadd.s32 $0x40, s0;
	s13 =	simm.s32 $0x11920  }
0x165: {  	[hbm4b:s1+s3] =	stream.linear.scatter [tilespmem:s13], [sflag:$0x3], $0x80, $0x38;
	[tilespmem:$0x18E00] =	vst v63  }
0x166: {  	s1 =	sadd.s32 $0x50, s0;
	s13 =	simm.s32 $0x119A8  }
0x167: {  	[hbm4b:s1+s3] =	stream.linear.scatter [tilespmem:s13], [sflag:$0x3], $0x80, $0x38;
	[tilespmem:$0x18E00] =	vst v63  }
0x168: {  	s1 =	sadd.s32 $0x60, s0;
	s13 =	simm.s32 $0x11A30  }
0x169: {  	[hbm4b:s1+s3] =	stream.linear.scatter [tilespmem:s13], [sflag:$0x3], $0x80, $0x38;
	[tilespmem:$0x18E00] =	vst v63  }
0x16a: {  	s0 =	sadd.s32 $0x70, s0;
	s13 =	simm.s32 $0x11AB8  }
0x16b: {  	[hbm4b:s0+s3] =	stream.linear.scatter [tilespmem:s13], [sflag:$0x3], $0x80, $0x38;
	[tilespmem:$0x18E00] =	vst v63  }
0x16c: {  	s0 =	sadd.s32 s31, s8;
	s13 =	simm.s32 $0x11B40  }
0x16d: {  	[hbm4b:s0+s3] =	stream.linear.scatter [tilespmem:s13], [sflag:$0x3], $0x80, $0x38;
	[tilespmem:$0x18E00] =	vst v63  }
0x16e: {  	s1 =	sadd.s32 $0x10, s0;
	s13 =	simm.s32 $0x11BC8  }
0x16f: {  	[hbm4b:s1+s3] =	stream.linear.scatter [tilespmem:s13], [sflag:$0x3], $0x80, $0x38;
	[tilespmem:$0x18E00] =	vst v63  }
0x170: {  	s1 =	sadd.s32 $0x20, s0;
	s13 =	simm.s32 $0x11C50  }
0x171: {  	[hbm4b:s1+s3] =	stream.linear.scatter [tilespmem:s13], [sflag:$0x3], $0x80, $0x38;
	[tilespmem:$0x18E00] =	vst v63  }
0x172: {  	s1 =	sadd.s32 $0x30, s0;
	s13 =	simm.s32 $0x11CD8  }
0x173: {  	[hbm4b:s1+s3] =	stream.linear.scatter [tilespmem:s13], [sflag:$0x3], $0x80, $0x38;
	[tilespmem:$0x18E00] =	vst v63  }
0x174: {  	s1 =	sadd.s32 $0x40, s0;
	s13 =	simm.s32 $0x11D60  }
0x175: {  	[hbm4b:s1+s3] =	stream.linear.scatter [tilespmem:s13], [sflag:$0x3], $0x80, $0x38;
	[tilespmem:$0x18E00] =	vst v63  }
0x176: {  	s1 =	sadd.s32 $0x50, s0;
	s13 =	simm.s32 $0x11DE8  }
0x177: {  	[hbm4b:s1+s3] =	stream.linear.scatter [tilespmem:s13], [sflag:$0x3], $0x80, $0x38;
	[tilespmem:$0x18E00] =	vst v63  }
0x178: {  	s1 =	sadd.s32 $0x60, s0;
	s13 =	simm.s32 $0x11E70  }
0x179: {  	[hbm4b:s1+s3] =	stream.linear.scatter [tilespmem:s13], [sflag:$0x3], $0x80, $0x38;
	[tilespmem:$0x18E00] =	vst v63  }
0x17a: {  	s0 =	sadd.s32 $0x70, s0;
	s13 =	simm.s32 $0x11EF8  }
0x17b: {  	[hbm4b:s0+s3] =	stream.linear.scatter [tilespmem:s13], [sflag:$0x3], $0x80, $0x38;
	[tilespmem:$0x18E00] =	vst v63  }
0x17c: {  	s0 =	sadd.s32 s26, s9;
	s13 =	simm.s32 $0x123C0  }
0x17d: {  	[hbm4b:s0+s3] =	stream.linear.scatter [tilespmem:s13], [sflag:$0x3], $0x80, $0x38;
	[tilespmem:$0x18E00] =	vst v63  }
0x17e: {  	s1 =	sadd.s32 $0x10, s0;
	s13 =	simm.s32 $0x12448  }
0x17f: {  	[hbm4b:s1+s3] =	stream.linear.scatter [tilespmem:s13], [sflag:$0x3], $0x80, $0x38;
	[tilespmem:$0x18E00] =	vst v63  }
0x180: {  	s1 =	sadd.s32 $0x20, s0;
	s13 =	simm.s32 $0x124D0  }
0x181: {  	[hbm4b:s1+s3] =	stream.linear.scatter [tilespmem:s13], [sflag:$0x3], $0x80, $0x38;
	[tilespmem:$0x18E00] =	vst v63  }
0x182: {  	s1 =	sadd.s32 $0x30, s0;
	s13 =	simm.s32 $0x12558  }
0x183: {  	[hbm4b:s1+s3] =	stream.linear.scatter [tilespmem:s13], [sflag:$0x3], $0x80, $0x38;
	[tilespmem:$0x18E00] =	vst v63  }
0x184: {  	s1 =	sadd.s32 $0x40, s0;
	s13 =	simm.s32 $0x125E0  }
0x185: {  	[hbm4b:s1+s3] =	stream.linear.scatter [tilespmem:s13], [sflag:$0x3], $0x80, $0x38;
	[tilespmem:$0x18E00] =	vst v63  }
0x186: {  	s1 =	sadd.s32 $0x50, s0;
	s13 =	simm.s32 $0x12668  }
0x187: {  	[hbm4b:s1+s3] =	stream.linear.scatter [tilespmem:s13], [sflag:$0x3], $0x80, $0x38;
	[tilespmem:$0x18E00] =	vst v63  }
0x188: {  	s1 =	sadd.s32 $0x60, s0;
	s13 =	simm.s32 $0x126F0  }
0x189: {  	[hbm4b:s1+s3] =	stream.linear.scatter [tilespmem:s13], [sflag:$0x3], $0x80, $0x38;
	[tilespmem:$0x18E00] =	vst v63  }
0x18a: {  	s0 =	sadd.s32 $0x70, s0;
	s13 =	simm.s32 $0x12778  }
0x18b: {  	[hbm4b:s0+s3] =	stream.linear.scatter [tilespmem:s13], [sflag:$0x3], $0x80, $0x38;
	[tilespmem:$0x18E00] =	vst v63  }
0x18c: {  	s0 =	sadd.s32 s29, s9;
	s13 =	simm.s32 $0x12800  }
0x18d: {  	[hbm4b:s0+s3] =	stream.linear.scatter [tilespmem:s13], [sflag:$0x3], $0x80, $0x38;
	[tilespmem:$0x18E00] =	vst v63  }
0x18e: {  	s1 =	sadd.s32 $0x10, s0;
	s13 =	simm.s32 $0x12888  }
0x18f: {  	[hbm4b:s1+s3] =	stream.linear.scatter [tilespmem:s13], [sflag:$0x3], $0x80, $0x38;
	[tilespmem:$0x18E00] =	vst v63  }
0x190: {  	s1 =	sadd.s32 $0x20, s0;
	s13 =	simm.s32 $0x12910  }
0x191: {  	[hbm4b:s1+s3] =	stream.linear.scatter [tilespmem:s13], [sflag:$0x3], $0x80, $0x38;
	[tilespmem:$0x18E00] =	vst v63  }
0x192: {  	s1 =	sadd.s32 $0x30, s0;
	s13 =	simm.s32 $0x12998  }
0x193: {  	[hbm4b:s1+s3] =	stream.linear.scatter [tilespmem:s13], [sflag:$0x3], $0x80, $0x38;
	[tilespmem:$0x18E00] =	vst v63  }
0x194: {  	s1 =	sadd.s32 $0x40, s0;
	s13 =	simm.s32 $0x12A20  }
0x195: {  	[hbm4b:s1+s3] =	stream.linear.scatter [tilespmem:s13], [sflag:$0x3], $0x80, $0x38;
	[tilespmem:$0x18E00] =	vst v63  }
0x196: {  	s1 =	sadd.s32 $0x50, s0;
	s13 =	simm.s32 $0x12AA8  }
0x197: {  	[hbm4b:s1+s3] =	stream.linear.scatter [tilespmem:s13], [sflag:$0x3], $0x80, $0x38;
	[tilespmem:$0x18E00] =	vst v63  }
0x198: {  	s1 =	sadd.s32 $0x60, s0;
	s13 =	simm.s32 $0x12B30  }
0x199: {  	[hbm4b:s1+s3] =	stream.linear.scatter [tilespmem:s13], [sflag:$0x3], $0x80, $0x38;
	[tilespmem:$0x18E00] =	vst v63  }
0x19a: {  	s0 =	sadd.s32 $0x70, s0;
	s13 =	simm.s32 $0x12BB8  }
0x19b: {  	[hbm4b:s0+s3] =	stream.linear.scatter [tilespmem:s13], [sflag:$0x3], $0x80, $0x38;
	[tilespmem:$0x18E00] =	vst v63  }
0x19c: {  	s0 =	sadd.s32 s30, s9;
	s13 =	simm.s32 $0x12C40  }
0x19d: {  	[hbm4b:s0+s3] =	stream.linear.scatter [tilespmem:s13], [sflag:$0x3], $0x80, $0x38;
	[tilespmem:$0x18E00] =	vst v63  }
0x19e: {  	s1 =	sadd.s32 $0x10, s0;
	s13 =	simm.s32 $0x12CC8  }
0x19f: {  	[hbm4b:s1+s3] =	stream.linear.scatter [tilespmem:s13], [sflag:$0x3], $0x80, $0x38;
	[tilespmem:$0x18E00] =	vst v63  }
0x1a0: {  	s1 =	sadd.s32 $0x20, s0;
	s13 =	simm.s32 $0x12D50  }
0x1a1: {  	[hbm4b:s1+s3] =	stream.linear.scatter [tilespmem:s13], [sflag:$0x3], $0x80, $0x38;
	[tilespmem:$0x18E00] =	vst v63  }
0x1a2: {  	s1 =	sadd.s32 $0x30, s0;
	s13 =	simm.s32 $0x12DD8  }
0x1a3: {  	[hbm4b:s1+s3] =	stream.linear.scatter [tilespmem:s13], [sflag:$0x3], $0x80, $0x38;
	[tilespmem:$0x18E00] =	vst v63  }
0x1a4: {  	s1 =	sadd.s32 $0x40, s0;
	s13 =	simm.s32 $0x12E60  }
0x1a5: {  	[hbm4b:s1+s3] =	stream.linear.scatter [tilespmem:s13], [sflag:$0x3], $0x80, $0x38;
	[tilespmem:$0x18E00] =	vst v63  }
0x1a6: {  	s1 =	sadd.s32 $0x50, s0;
	s13 =	simm.s32 $0x12EE8  }
0x1a7: {  	[hbm4b:s1+s3] =	stream.linear.scatter [tilespmem:s13], [sflag:$0x3], $0x80, $0x38;
	[tilespmem:$0x18E00] =	vst v63  }
0x1a8: {  	s1 =	sadd.s32 $0x60, s0;
	s13 =	simm.s32 $0x12F70  }
0x1a9: {  	[hbm4b:s1+s3] =	stream.linear.scatter [tilespmem:s13], [sflag:$0x3], $0x80, $0x38;
	[tilespmem:$0x18E00] =	vst v63  }
0x1aa: {  	s0 =	sadd.s32 $0x70, s0;
	s13 =	simm.s32 $0x12FF8  }
0x1ab: {  	[hbm4b:s0+s3] =	stream.linear.scatter [tilespmem:s13], [sflag:$0x3], $0x80, $0x38;
	[tilespmem:$0x18E00] =	vst v63  }
0x1ac: {  	s0 =	sadd.s32 s31, s9;
	s13 =	simm.s32 $0x13080  }
0x1ad: {  	[hbm4b:s0+s3] =	stream.linear.scatter [tilespmem:s13], [sflag:$0x3], $0x80, $0x38;
	[tilespmem:$0x18E00] =	vst v63  }
0x1ae: {  	s1 =	sadd.s32 $0x10, s0;
	s13 =	simm.s32 $0x13108  }
0x1af: {  	[hbm4b:s1+s3] =	stream.linear.scatter [tilespmem:s13], [sflag:$0x3], $0x80, $0x38;
	[tilespmem:$0x18E00] =	vst v63  }
0x1b0: {  	s1 =	sadd.s32 $0x20, s0;
	s13 =	simm.s32 $0x13190  }
0x1b1: {  	[hbm4b:s1+s3] =	stream.linear.scatter [tilespmem:s13], [sflag:$0x3], $0x80, $0x38;
	[tilespmem:$0x18E00] =	vst v63  }
0x1b2: {  	s1 =	sadd.s32 $0x30, s0;
	s13 =	simm.s32 $0x13218  }
0x1b3: {  	[hbm4b:s1+s3] =	stream.linear.scatter [tilespmem:s13], [sflag:$0x3], $0x80, $0x38;
	[tilespmem:$0x18E00] =	vst v63  }
0x1b4: {  	s1 =	sadd.s32 $0x40, s0;
	s13 =	simm.s32 $0x132A0  }
0x1b5: {  	[hbm4b:s1+s3] =	stream.linear.scatter [tilespmem:s13], [sflag:$0x3], $0x80, $0x38;
	[tilespmem:$0x18E00] =	vst v63  }
0x1b6: {  	s1 =	sadd.s32 $0x50, s0;
	s13 =	simm.s32 $0x13328  }
0x1b7: {  	[hbm4b:s1+s3] =	stream.linear.scatter [tilespmem:s13], [sflag:$0x3], $0x80, $0x38;
	[tilespmem:$0x18E00] =	vst v63  }
0x1b8: {  	s1 =	sadd.s32 $0x60, s0;
	s13 =	simm.s32 $0x133B0  }
0x1b9: {  	[hbm4b:s1+s3] =	stream.linear.scatter [tilespmem:s13], [sflag:$0x3], $0x80, $0x38;
	[tilespmem:$0x18E00] =	vst v63  }
0x1ba: {  	p0 =	seq.s32 s25, $0x18;
	s0 =	sadd.s32 $0x70, s0;
	s13 =	simm.s32 $0x13438  }
0x1bb: {  	[hbm4b:s0+s3] =	stream.linear.scatter [tilespmem:s13], [sflag:$0x3], $0x80, $0x38;
	[tilespmem:$0x18E00] =	vst v63  }
0x1bc: {  	s29 =	simm.s32 @!p0 $0x6400;
	s1 =	sadd.s32 @!p0 $0x400, s28;
	s13 =	simm.s32 $0x0  }
0x1bd: {  	s28 =	simm.s32 @!p0 $0x200;
	s0 =	sand.u32 $0x18, s13;
	s13 =	simm.s32 $0x0  }
0x1be: {  	v2 =	vmov s0;
	[tilespmem:s29], [sflag:$0x1] =	stream.indirect.gather @!p0 [hbm4b:s4+s28], $0x20, s1, s28, $0xb8;
	v3 =	vmov s13;
	[tilespmem:$0x18E00] =	vst v63  }
0x1bf: {  	s1 =	simm.s32 $0x1;
	s13 =	simm.s32 $0x2;
	v2 =	vmul.u32 $0x88, v2;
	v6 =	vand.u32 $0x4, v3  }
0x1c0: {  	_ =	swait.ge [sflag:s11], $0x4000;
	v7 =	vand.u32 $0x78, v3;
	v3 =	vmov s1;
	v4 =	vmov s13  }
0x1c1: {  	s13 =	simm.s32 $0x3;
	[sflag:s11] =	ssyncset.done $0x0;
	v9 =	vand.u32 $0x5, v3;
	v10 =	vand.u32 $0x6, v4;
	v8 =	vbroadcast v2, $0x0  }
0x1c2: {  	s1 =	simm.s32 $0xA440;
	v11 =	vand.u32 $0x78, v3;
	v13 =	vand.u32 $0x78, v4;
	[sflag:s11] =	ssyncadd.s32 $0xFFFFC000;
	v2 =	vmov s13  }
0x1c3: {  	v5 =	vld [tilespmem:s1+$0x20];
	v12 =	vand.u32 $0x78, v2;
	v15 =	vand.u32 $0x7, v2;
	v3 =	vadd.s32 v0, v8  }
0x1c4: {  	v14 =	vld [tilespmem:s1+$0xFFFFFFC0];
	v8 =	vadd.s32 v1, v8;
	v2 =	vadd.s32 v12, v3;
	v4 =	vadd.s32 v7, v3  }
0x1c5: {  	v16 =	vld [tilespmem:s1+$0xFFFFFFE0];
	v17 =	vadd.s32 v11, v3;
	v7 =	vadd.s32 v7, v8;
	v18 =	vor.u32 v15, v2  }
0x1c6: {  	s13 =	simm.s32 $0x4;
	v12 =	vadd.s32 v12, v8;
	v11 =	vadd.s32 v11, v8;
	v19 =	vor.u32 v6, v4  }
0x1c7: {  	v20 =	vld [tilespmem:s1+$0x0];
	v2 =	vadd.s32 v13, v3;
	v3 =	vmov s13;
	v17 =	vor.u32 v9, v17  }
0x1c8: {  	s13 =	simm.s32 $0x5;
	v12 =	vor.u32 v15, v12;
	v15 =	vor.u32 v6, v7;
	v22 =	vmul.f32 $5.656854150e+00, v5  }
0x1c9: {  	s28 =	simm.s32 $0x0;
	v21 =	vor.u32 v10, v2;
	v23 =	vmov s13;
	s13 =	simm.s32 $0x6;
	v14 =	vmul.f32 $5.656854150e+00, v14  }
0x1ca: {  	v6 =	vadd.s32 v13, v8;
	v58 =	vmov s13;
	v16 =	vmul.f32 $5.656854150e+00, v16;
	s13 =	sand.u32 $0x18, s28;
	s28 =	simm.s32 $0xA4C0;
	[tilespmem:v18+s14+$0x0] =	vst.idx.msk $0xffff, v22  }
0x1cb: {  	v5 =	vand.u32 $0x5, v23;
	v8 =	vand.u32 $0x78, v23;
	v23 =	vld [tilespmem:s28+$0xFFFFFFE0];
	[tilespmem:v19+s14+$0x0] =	vst.idx.msk $0xffff, v14;
	v19 =	vmov s13  }
0x1cc: {  	v14 =	vmul.f32 $5.656854150e+00, v20;
	[tilespmem:v17+s14+$0x0] =	vst.idx.msk $0xffff, v16;
	v18 =	vld [tilespmem:s1+$0x30];
	v16 =	vmul.u32 $0x88, v19  }
0x1cd: {  	v59 =	vor.u32 v9, v11;
	v2 =	vand.u32 $0x4, v3;
	v20 =	vld [tilespmem:s1+$0xFFFFFFD0]  }
0x1ce: {  	v4 =	vand.u32 $0x78, v3;
	v6 =	vor.u32 v10, v6;
	s13 =	simm.s32 $0x7;
	[tilespmem:v21+s14+$0x0] =	vst.idx.msk $0xffff, v14;
	v21 =	vld [tilespmem:s28+$0x20];
	v13 =	vbroadcast v16, $0x0  }
0x1cf: {  	v3 =	vand.u32 $0x6, v58;
	v7 =	vand.u32 $0x78, v58;
	v19 =	vld [tilespmem:s1+$0xFFFFFFF0];
	v9 =	vmov s13  }
0x1d0: {  	v22 =	vld [tilespmem:s28+$0xFFFFFFC0];
	v11 =	vand.u32 $0x78, v9;
	v9 =	vand.u32 $0x7, v9;
	v16 =	vadd.s32 v0, v13  }
0x1d1: {  	v14 =	vld [tilespmem:s1+$0x10];
	v23 =	vmul.f32 $5.656854150e+00, v23;
	v10 =	vmul.f32 $5.656854150e+00, v18;
	v17 =	vadd.s32 v11, v16  }
0x1d2: {  	v20 =	vmul.f32 $5.656854150e+00, v20;
	v18 =	vadd.s32 v4, v16;
	v61 =	vor.u32 v9, v17  }
0x1d3: {  	v60 =	vadd.s32 v8, v16;
	v18 =	vor.u32 v2, v18;
	v63 =	vmul.f32 $5.656854150e+00, v21;
	v21 =	vld [tilespmem:s28+$0x0]  }
0x1d4: {  	s1 =	simm.s32 $0x9;
	v16 =	vadd.s32 v7, v16;
	v62 =	vmul.f32 $5.656854150e+00, v19;
	v17 =	vor.u32 v5, v60;
	[tilespmem:v12+s14+$0x0] =	vst.idx.msk $0xffff, v10  }
0x1d5: {  	s29 =	simm.s32 $0x8;
	s13 =	simm.s32 $0xA;
	v22 =	vmul.f32 $5.656854150e+00, v22;
	v19 =	vmov s1;
	v16 =	vor.u32 v3, v16;
	[tilespmem:v15+s14+$0x0] =	vst.idx.msk $0xffff, v20  }
0x1d6: {  	v12 =	vmov s29;
	v14 =	vmul.f32 $5.656854150e+00, v14;
	[tilespmem:v59+s14+$0x0] =	vst.idx.msk $0xffff, v62;
	v20 =	vmov s13  }
0x1d7: {  	s30 =	simm.s32 $0xC;
	s31 =	simm.s32 $0x0;
	v10 =	vand.u32 $0x4, v12;
	v15 =	vand.u32 $0x78, v12;
	v12 =	vand.u32 $0x5, v19;
	[tilespmem:v61+s14+$0x0] =	vst.idx.msk $0xffff, v63  }
.LBB2_7:
0x1d8: {  	p0 =	slt.u32 s30, $0x1FC;
	s0 =	sand.u32 $0x18, s31;
	v24 =	vand.u32 $0x6, v20;
	[tilespmem:v18+s14+$0x0] =	vst.idx.msk $0xffff, v22;
	v13 =	vadd.s32 v1, v13;
	v18 =	vmul.f32 $5.656854150e+00, v21;
	v21 =	vld [tilespmem:s28+$0x30]  }
0x1d9: {  	v22 =	vmov s0;
	v25 =	vld [tilespmem:s28+$0xFFFFFFD0];
	v26 =	vadd.s32 v4, v13;
	[tilespmem:v17+s14+$0x0] =	vst.idx.msk $0xffff, v23;
	v11 =	vadd.s32 v11, v13;
	v4 =	vmovc v15  }
0x1da: {  	v8 =	vadd.s32 v8, v13;
	v15 =	vmul.u32 $0x88, v22;
	v22 =	vld [tilespmem:s28+$0xFFFFFFF0];
	[tilespmem:v16+s14+$0x0] =	vst.idx.msk $0xffff, v18;
	v16 =	vor.u32 v9, v11  }
0x1db: {  	v23 =	vor.u32 v2, v26;
	v26 =	vor.u32 v5, v8;
	v11 =	vadd.s32 v7, v13;
	v2 =	vmovc v10;
	v27 =	vld [tilespmem:s28+$0x10]  }
0x1dc: {  	s0 =	sadd.s32 $0x3, s29;
	s29 =	smov.u32 s30;
	v8 =	vand.u32 $0x78, v19;
	v13 =	vbroadcast v15, $0x0;
	[tilespmem:v6+s14+$0x0] =	vst.idx.msk $0xffff, v14;
	v6 =	vor.u32 v3, v11;
	v3 =	vmovc v24  }
0x1dd: {  	v7 =	vand.u32 $0x78, v20;
	v9 =	vmov s0;
	v5 =	vmovc v12;
	s28 =	sadd.s32 $0x80, s28;
	v10 =	vmul.f32 $5.656854150e+00, v21  }
0x1de: {  	v11 =	vand.u32 $0x78, v9;
	v12 =	vadd.s32 v0, v13;
	v15 =	vld [tilespmem:s28+$0x20];
	v14 =	vmul.f32 $5.656854150e+00, v25  }
0x1df: {  	v9 =	vand.u32 $0x7, v9;
	v20 =	vld [tilespmem:s28+$0xFFFFFFC0];
	v17 =	vadd.s32 v4, v12;
	v18 =	vadd.s32 v11, v12;
	[tilespmem:v16+s14+$0x0] =	vst.idx.msk $0xffff, v10  }
0x1e0: {  	v10 =	vadd.s32 v8, v12;
	v12 =	vadd.s32 v7, v12;
	v24 =	vld [tilespmem:s28+$0xFFFFFFE0];
	v25 =	vor.u32 v9, v18  }
.Ltmp2:
0x1e1: {  	v18 =	vor.u32 v2, v17;
	v17 =	vor.u32 v5, v10;
	v16 =	vor.u32 v3, v12;
	v21 =	vld [tilespmem:s28+$0x0];
	(pc) =	sbr.rel @p0 .LBB2_7-.Ltmp2, $4  }
0x1e2: {  	v12 =	vmov s30;
	[tilespmem:v23+s14+$0x0] =	vst.idx.msk $0xffff, v14;
	v23 =	vmul.f32 $5.656854150e+00, v22;
	v14 =	vmul.f32 $5.656854150e+00, v27  }
0x1e3: {  	s0 =	sadd.s32 $0x1, s30;
	v10 =	vand.u32 $0x4, v12;
	v27 =	vmul.f32 $5.656854150e+00, v15  }
0x1e4: {  	v19 =	vmov s0;
	s0 =	sadd.s32 $0x2, s30;
	v15 =	vand.u32 $0x78, v12;
	v22 =	vmul.f32 $5.656854150e+00, v20;
	[tilespmem:v26+s14+$0x0] =	vst.idx.msk $0xffff, v23  }
0x1e5: {  	s31 =	sshrl.u32 s29, $0x4;
	s30 =	sadd.s32 $0x4, s30;
	v12 =	vand.u32 $0x5, v19;
	v20 =	vmov s0;
	v23 =	vmul.f32 $5.656854150e+00, v24;
	[tilespmem:v25+s14+$0x0] =	vst.idx.msk $0xffff, v27  }
0x1e6: {  	s0 =	sand.u32 $0x18, s31  }
0x1e7: {  	v24 =	vmov s0  }
0x1e8: {  	v24 =	vmul.u32 $0x88, v24;
	_ =	sdelay $0x1  }
0x1e9: {  	s31 =	sadd.s32 $0x3, s29;
	v24 =	vbroadcast v24, $0x0  }
0x1ea: {  	v25 =	vand.u32 $0x6, v20;
	s1 =	sadd.s32 $0x80, s28;
	v26 =	vmov s31  }
0x1eb: {  	v13 =	vadd.s32 v1, v13;
	v28 =	vld [tilespmem:s1+$0x20];
	v29 =	vand.u32 $0x78, v26;
	v27 =	vadd.s32 v0, v24  }
0x1ec: {  	v21 =	vmul.f32 $5.656854150e+00, v21;
	v30 =	vld [tilespmem:s1+$0xFFFFFFC0];
	v26 =	vand.u32 $0x7, v26;
	v31 =	vadd.s32 v29, v27  }
0x1ed: {  	[tilespmem:v18+s14+$0x0] =	vst.idx.msk $0xffff, v22;
	v63 =	vand.u32 $0x78, v19;
	v37 =	vld [tilespmem:s1+$0xFFFFFFE0];
	v36 =	vadd.s32 v15, v27;
	v31 =	vor.u32 v26, v31  }
0x1ee: {  	v38 =	vand.u32 $0x78, v20;
	[tilespmem:v6+s14+$0x0] =	vst.idx.msk $0xffff, v14;
	v40 =	vld [tilespmem:s1+$0x0];
	v39 =	vadd.s32 v63, v27;
	v19 =	vor.u32 v10, v36  }
0x1ef: {  	v32 =	vld [tilespmem:s28+$0x30];
	v4 =	vadd.s32 v4, v13;
	v27 =	vadd.s32 v38, v27;
	v20 =	vor.u32 v12, v39  }
0x1f0: {  	[tilespmem:v17+s14+$0x0] =	vst.idx.msk $0xffff, v23;
	v41 =	vld [tilespmem:s28+$0xFFFFFFD0];
	v11 =	vadd.s32 v11, v13;
	v43 =	vmul.f32 $5.656854150e+00, v28;
	v42 =	vor.u32 v25, v27  }
0x1f1: {  	v8 =	vadd.s32 v8, v13;
	[tilespmem:v16+s14+$0x0] =	vst.idx.msk $0xffff, v21;
	v44 =	vor.u32 v9, v11;
	v45 =	vld [tilespmem:s28+$0xFFFFFFF0];
	v46 =	vmul.f32 $5.656854150e+00, v30  }
0x1f2: {  	v7 =	vadd.s32 v7, v13;
	v2 =	vor.u32 v2, v4;
	v48 =	vld [tilespmem:s28+$0x10];
	v49 =	vmul.f32 $5.656854150e+00, v37;
	[tilespmem:v31+s14+$0x0] =	vst.idx.msk $0xffff, v43  }
0x1f3: {  	v47 =	vor.u32 v5, v8;
	v50 =	vadd.s32 v1, v24;
	v51 =	vmul.f32 $5.656854150e+00, v40;
	[tilespmem:v19+s14+$0x0] =	vst.idx.msk $0xffff, v46;
	v52 =	vld [tilespmem:s1+$0x30]  }
0x1f4: {  	v3 =	vor.u32 v3, v7;
	v53 =	vmul.f32 $5.656854150e+00, v32;
	v54 =	vadd.s32 v29, v50;
	[tilespmem:v20+s14+$0x0] =	vst.idx.msk $0xffff, v49;
	v19 =	vld [tilespmem:s1+$0xFFFFFFD0]  }
0x1f5: {  	v16 =	vmul.f32 $5.656854150e+00, v41;
	v55 =	vadd.s32 v15, v50;
	v8 =	vor.u32 v26, v54;
	[tilespmem:v42+s14+$0x0] =	vst.idx.msk $0xffff, v51;
	v20 =	vld [tilespmem:s1+$0xFFFFFFF0]  }
0x1f6: {  	[tilespmem:v44+s14+$0x0] =	vst.idx.msk $0xffff, v53;
	v56 =	vmul.f32 $5.656854150e+00, v45;
	v57 =	vadd.s32 v63, v50;
	v58 =	vor.u32 v10, v55;
	v59 =	vld [tilespmem:s1+$0x10]  }
0x1f7: {  	v61 =	vadd.s32 v38, v50;
	[tilespmem:v2+s14+$0x0] =	vst.idx.msk $0xffff, v16;
	v2 =	vmul.f32 $5.656854150e+00, v48;
	v60 =	vor.u32 v12, v57  }
0x1f8: {  	v62 =	vor.u32 v25, v61;
	[tilespmem:v47+s14+$0x0] =	vst.idx.msk $0xffff, v56;
	v63 =	vmul.f32 $5.656854150e+00, v52  }
0x1f9: {  	[tilespmem:v3+s14+$0x0] =	vst.idx.msk $0xffff, v2;
	v2 =	vmul.f32 $5.656854150e+00, v19  }
0x1fa: {  	v3 =	vmul.f32 $5.656854150e+00, v20;
	[tilespmem:v8+s14+$0x0] =	vst.idx.msk $0xffff, v63  }
0x1fb: {  	[tilespmem:v58+s14+$0x0] =	vst.idx.msk $0xffff, v2;
	v2 =	vmul.f32 $5.656854150e+00, v59  }
0x1fc: {  	s28 =	sor.u32 $0x200, s26;
	[tilespmem:v60+s14+$0x0] =	vst.idx.msk $0xffff, v3  }
0x1fd: {  	s0 =	sadd.s32 s2, s28;
	[tilespmem:v62+s14+$0x0] =	vst.idx.msk $0xffff, v2  }
0x1fe: {  	[hbm4b:s0+s3] =	stream.linear.scatter [tilespmem:s14], [sflag:$0x4], $0x80, $0x38;
	[tilespmem:$0x18E00] =	vst v63  }
0x1ff: {  	s13 =	simm.s32 $0x13988;
	s1 =	sadd.s32 $0x10, s0  }
0x200: {  	[hbm4b:s1+s3] =	stream.linear.scatter [tilespmem:s13], [sflag:$0x4], $0x80, $0x38;
	[tilespmem:$0x18E00] =	vst v63  }
0x201: {  	s29 =	simm.s32 $0x13A10;
	s13 =	sadd.s32 $0x20, s0  }
0x202: {  	[hbm4b:s13+s3] =	stream.linear.scatter [tilespmem:s29], [sflag:$0x4], $0x80, $0x38;
	[tilespmem:$0x18E00] =	vst v63  }
0x203: {  	s31 =	simm.s32 $0x13A98;
	s30 =	sadd.s32 $0x30, s0  }
0x204: {  	[hbm4b:s30+s3] =	stream.linear.scatter [tilespmem:s31], [sflag:$0x4], $0x80, $0x38;
	[tilespmem:$0x18E00] =	vst v63  }
0x205: {  	s13 =	sadd.s32 $0x40, s0;
	s29 =	simm.s32 $0x13B20  }
0x206: {  	[hbm4b:s13+s3] =	stream.linear.scatter [tilespmem:s29], [sflag:$0x4], $0x80, $0x38;
	[tilespmem:$0x18E00] =	vst v63  }
0x207: {  	s30 =	sadd.s32 $0x50, s0;
	s31 =	simm.s32 $0x13BA8  }
0x208: {  	[hbm4b:s30+s3] =	stream.linear.scatter [tilespmem:s31], [sflag:$0x4], $0x80, $0x38;
	[tilespmem:$0x18E00] =	vst v63  }
0x209: {  	s29 =	sadd.s32 $0x60, s0;
	s30 =	simm.s32 $0x13C30  }
0x20a: {  	[hbm4b:s29+s3] =	stream.linear.scatter [tilespmem:s30], [sflag:$0x4], $0x80, $0x38;
	[tilespmem:$0x18E00] =	vst v63  }
0x20b: {  	s0 =	sadd.s32 $0x70, s0;
	s31 =	simm.s32 $0x13CB8;
	s29 =	sor.u32 $0x280, s26  }
0x20c: {  	[hbm4b:s0+s3] =	stream.linear.scatter [tilespmem:s31], [sflag:$0x4], $0x80, $0x38;
	[tilespmem:$0x18E00] =	vst v63  }
0x20d: {  	s13 =	simm.s32 $0x13D40;
	s0 =	sadd.s32 s2, s29  }
0x20e: {  	[hbm4b:s0+s3] =	stream.linear.scatter [tilespmem:s13], [sflag:$0x4], $0x80, $0x38;
	[tilespmem:$0x18E00] =	vst v63  }
0x20f: {  	s31 =	simm.s32 $0x13DC8;
	s30 =	sadd.s32 $0x10, s0  }
0x210: {  	[hbm4b:s30+s3] =	stream.linear.scatter [tilespmem:s31], [sflag:$0x4], $0x80, $0x38;
	[tilespmem:$0x18E00] =	vst v63  }
0x211: {  	s30 =	sadd.s32 $0x20, s0;
	s31 =	simm.s32 $0x13E50  }
0x212: {  	[hbm4b:s30+s3] =	stream.linear.scatter [tilespmem:s31], [sflag:$0x4], $0x80, $0x38;
	[tilespmem:$0x18E00] =	vst v63  }
0x213: {  	s30 =	sadd.s32 $0x30, s0;
	s31 =	simm.s32 $0x13ED8  }
0x214: {  	[hbm4b:s30+s3] =	stream.linear.scatter [tilespmem:s31], [sflag:$0x4], $0x80, $0x38;
	[tilespmem:$0x18E00] =	vst v63  }
0x215: {  	s30 =	sadd.s32 $0x40, s0;
	s31 =	simm.s32 $0x13F60  }
0x216: {  	[hbm4b:s30+s3] =	stream.linear.scatter [tilespmem:s31], [sflag:$0x4], $0x80, $0x38;
	[tilespmem:$0x18E00] =	vst v63  }
0x217: {  	s30 =	sadd.s32 $0x50, s0;
	s31 =	simm.s32 $0x13FE8  }
0x218: {  	[hbm4b:s30+s3] =	stream.linear.scatter [tilespmem:s31], [sflag:$0x4], $0x80, $0x38;
	[tilespmem:$0x18E00] =	vst v63  }
0x219: {  	s30 =	sadd.s32 $0x60, s0;
	s31 =	simm.s32 $0x14070  }
0x21a: {  	[hbm4b:s30+s3] =	stream.linear.scatter [tilespmem:s31], [sflag:$0x4], $0x80, $0x38;
	[tilespmem:$0x18E00] =	vst v63  }
0x21b: {  	s0 =	sadd.s32 $0x70, s0;
	s30 =	simm.s32 $0x140F8  }
0x21c: {  	[hbm4b:s0+s3] =	stream.linear.scatter [tilespmem:s30], [sflag:$0x4], $0x80, $0x38;
	[tilespmem:$0x18E00] =	vst v63  }
0x21d: {  	s30 =	sor.u32 $0x300, s26  }
0x21e: {  	s31 =	simm.s32 $0x14180;
	s0 =	sadd.s32 s2, s30  }
0x21f: {  	[hbm4b:s0+s3] =	stream.linear.scatter [tilespmem:s31], [sflag:$0x4], $0x80, $0x38;
	[tilespmem:$0x18E00] =	vst v63  }
0x220: {  	s13 =	sadd.s32 $0x10, s0;
	s31 =	simm.s32 $0x14208  }
0x221: {  	[hbm4b:s13+s3] =	stream.linear.scatter [tilespmem:s31], [sflag:$0x4], $0x80, $0x38;
	[tilespmem:$0x18E00] =	vst v63  }
0x222: {  	s13 =	sadd.s32 $0x20, s0;
	s31 =	simm.s32 $0x14290  }
0x223: {  	[hbm4b:s13+s3] =	stream.linear.scatter [tilespmem:s31], [sflag:$0x4], $0x80, $0x38;
	[tilespmem:$0x18E00] =	vst v63  }
0x224: {  	s13 =	sadd.s32 $0x30, s0;
	s31 =	simm.s32 $0x14318  }
0x225: {  	[hbm4b:s13+s3] =	stream.linear.scatter [tilespmem:s31], [sflag:$0x4], $0x80, $0x38;
	[tilespmem:$0x18E00] =	vst v63  }
0x226: {  	s13 =	sadd.s32 $0x40, s0;
	s31 =	simm.s32 $0x143A0  }
0x227: {  	[hbm4b:s13+s3] =	stream.linear.scatter [tilespmem:s31], [sflag:$0x4], $0x80, $0x38;
	[tilespmem:$0x18E00] =	vst v63  }
0x228: {  	s13 =	sadd.s32 $0x50, s0;
	s31 =	simm.s32 $0x14428  }
0x229: {  	[hbm4b:s13+s3] =	stream.linear.scatter [tilespmem:s31], [sflag:$0x4], $0x80, $0x38;
	[tilespmem:$0x18E00] =	vst v63  }
0x22a: {  	s13 =	sadd.s32 $0x60, s0;
	s31 =	simm.s32 $0x144B0  }
0x22b: {  	[hbm4b:s13+s3] =	stream.linear.scatter [tilespmem:s31], [sflag:$0x4], $0x80, $0x38;
	[tilespmem:$0x18E00] =	vst v63  }
0x22c: {  	s26 =	sor.u32 $0x380, s26;
	s0 =	sadd.s32 $0x70, s0;
	s13 =	simm.s32 $0x14538  }
0x22d: {  	[hbm4b:s0+s3] =	stream.linear.scatter [tilespmem:s13], [sflag:$0x4], $0x80, $0x38;
	[tilespmem:$0x18E00] =	vst v63  }
0x22e: {  	s31 =	simm.s32 $0x145C0;
	s0 =	sadd.s32 s2, s26  }
0x22f: {  	[hbm4b:s0+s3] =	stream.linear.scatter [tilespmem:s31], [sflag:$0x4], $0x80, $0x38;
	[tilespmem:$0x18E00] =	vst v63  }
0x230: {  	s13 =	sadd.s32 $0x10, s0;
	s31 =	simm.s32 $0x14648  }
0x231: {  	[hbm4b:s13+s3] =	stream.linear.scatter [tilespmem:s31], [sflag:$0x4], $0x80, $0x38;
	[tilespmem:$0x18E00] =	vst v63  }
0x232: {  	s13 =	sadd.s32 $0x20, s0;
	s31 =	simm.s32 $0x146D0  }
0x233: {  	[hbm4b:s13+s3] =	stream.linear.scatter [tilespmem:s31], [sflag:$0x4], $0x80, $0x38;
	[tilespmem:$0x18E00] =	vst v63  }
0x234: {  	s13 =	sadd.s32 $0x30, s0;
	s31 =	simm.s32 $0x14758  }
0x235: {  	[hbm4b:s13+s3] =	stream.linear.scatter [tilespmem:s31], [sflag:$0x4], $0x80, $0x38;
	[tilespmem:$0x18E00] =	vst v63  }
0x236: {  	s13 =	sadd.s32 $0x40, s0;
	s31 =	simm.s32 $0x147E0  }
0x237: {  	[hbm4b:s13+s3] =	stream.linear.scatter [tilespmem:s31], [sflag:$0x4], $0x80, $0x38;
	[tilespmem:$0x18E00] =	vst v63  }
0x238: {  	s13 =	sadd.s32 $0x50, s0;
	s31 =	simm.s32 $0x14868  }
0x239: {  	[hbm4b:s13+s3] =	stream.linear.scatter [tilespmem:s31], [sflag:$0x4], $0x80, $0x38;
	[tilespmem:$0x18E00] =	vst v63  }
0x23a: {  	s13 =	sadd.s32 $0x60, s0;
	s31 =	simm.s32 $0x148F0  }
0x23b: {  	[hbm4b:s13+s3] =	stream.linear.scatter [tilespmem:s31], [sflag:$0x4], $0x80, $0x38;
	[tilespmem:$0x18E00] =	vst v63  }
0x23c: {  	s0 =	sadd.s32 $0x70, s0;
	s13 =	simm.s32 $0x14978  }
0x23d: {  	[hbm4b:s0+s3] =	stream.linear.scatter [tilespmem:s13], [sflag:$0x4], $0x80, $0x38;
	[tilespmem:$0x18E00] =	vst v63  }
0x23e: {  	s31 =	simm.s32 $0x14E40;
	s0 =	sadd.s32 s28, s7  }
0x23f: {  	[hbm4b:s0+s3] =	stream.linear.scatter [tilespmem:s31], [sflag:$0x4], $0x80, $0x38;
	[tilespmem:$0x18E00] =	vst v63  }
0x240: {  	s13 =	sadd.s32 $0x10, s0;
	s31 =	simm.s32 $0x14EC8  }
0x241: {  	[hbm4b:s13+s3] =	stream.linear.scatter [tilespmem:s31], [sflag:$0x4], $0x80, $0x38;
	[tilespmem:$0x18E00] =	vst v63  }
0x242: {  	s13 =	sadd.s32 $0x20, s0;
	s31 =	simm.s32 $0x14F50  }
0x243: {  	[hbm4b:s13+s3] =	stream.linear.scatter [tilespmem:s31], [sflag:$0x4], $0x80, $0x38;
	[tilespmem:$0x18E00] =	vst v63  }
0x244: {  	s13 =	sadd.s32 $0x30, s0;
	s31 =	simm.s32 $0x14FD8  }
0x245: {  	[hbm4b:s13+s3] =	stream.linear.scatter [tilespmem:s31], [sflag:$0x4], $0x80, $0x38;
	[tilespmem:$0x18E00] =	vst v63  }
0x246: {  	s13 =	sadd.s32 $0x40, s0;
	s31 =	simm.s32 $0x15060  }
0x247: {  	[hbm4b:s13+s3] =	stream.linear.scatter [tilespmem:s31], [sflag:$0x4], $0x80, $0x38;
	[tilespmem:$0x18E00] =	vst v63  }
0x248: {  	s13 =	sadd.s32 $0x50, s0;
	s31 =	simm.s32 $0x150E8  }
0x249: {  	[hbm4b:s13+s3] =	stream.linear.scatter [tilespmem:s31], [sflag:$0x4], $0x80, $0x38;
	[tilespmem:$0x18E00] =	vst v63  }
0x24a: {  	s13 =	sadd.s32 $0x60, s0;
	s31 =	simm.s32 $0x15170  }
0x24b: {  	[hbm4b:s13+s3] =	stream.linear.scatter [tilespmem:s31], [sflag:$0x4], $0x80, $0x38;
	[tilespmem:$0x18E00] =	vst v63  }
0x24c: {  	s0 =	sadd.s32 $0x70, s0;
	s13 =	simm.s32 $0x151F8  }
0x24d: {  	[hbm4b:s0+s3] =	stream.linear.scatter [tilespmem:s13], [sflag:$0x4], $0x80, $0x38;
	[tilespmem:$0x18E00] =	vst v63  }
0x24e: {  	s31 =	simm.s32 $0x15280;
	s0 =	sadd.s32 s29, s7  }
0x24f: {  	[hbm4b:s0+s3] =	stream.linear.scatter [tilespmem:s31], [sflag:$0x4], $0x80, $0x38;
	[tilespmem:$0x18E00] =	vst v63  }
0x250: {  	s13 =	sadd.s32 $0x10, s0;
	s31 =	simm.s32 $0x15308  }
0x251: {  	[hbm4b:s13+s3] =	stream.linear.scatter [tilespmem:s31], [sflag:$0x4], $0x80, $0x38;
	[tilespmem:$0x18E00] =	vst v63  }
0x252: {  	s13 =	sadd.s32 $0x20, s0;
	s31 =	simm.s32 $0x15390  }
0x253: {  	[hbm4b:s13+s3] =	stream.linear.scatter [tilespmem:s31], [sflag:$0x4], $0x80, $0x38;
	[tilespmem:$0x18E00] =	vst v63  }
0x254: {  	s13 =	sadd.s32 $0x30, s0;
	s31 =	simm.s32 $0x15418  }
0x255: {  	[hbm4b:s13+s3] =	stream.linear.scatter [tilespmem:s31], [sflag:$0x4], $0x80, $0x38;
	[tilespmem:$0x18E00] =	vst v63  }
0x256: {  	s13 =	sadd.s32 $0x40, s0;
	s31 =	simm.s32 $0x154A0  }
0x257: {  	[hbm4b:s13+s3] =	stream.linear.scatter [tilespmem:s31], [sflag:$0x4], $0x80, $0x38;
	[tilespmem:$0x18E00] =	vst v63  }
0x258: {  	s13 =	sadd.s32 $0x50, s0;
	s31 =	simm.s32 $0x15528  }
0x259: {  	[hbm4b:s13+s3] =	stream.linear.scatter [tilespmem:s31], [sflag:$0x4], $0x80, $0x38;
	[tilespmem:$0x18E00] =	vst v63  }
0x25a: {  	s13 =	sadd.s32 $0x60, s0;
	s31 =	simm.s32 $0x155B0  }
0x25b: {  	[hbm4b:s13+s3] =	stream.linear.scatter [tilespmem:s31], [sflag:$0x4], $0x80, $0x38;
	[tilespmem:$0x18E00] =	vst v63  }
0x25c: {  	s0 =	sadd.s32 $0x70, s0;
	s13 =	simm.s32 $0x15638  }
0x25d: {  	[hbm4b:s0+s3] =	stream.linear.scatter [tilespmem:s13], [sflag:$0x4], $0x80, $0x38;
	[tilespmem:$0x18E00] =	vst v63  }
0x25e: {  	s31 =	simm.s32 $0x156C0;
	s0 =	sadd.s32 s30, s7  }
0x25f: {  	[hbm4b:s0+s3] =	stream.linear.scatter [tilespmem:s31], [sflag:$0x4], $0x80, $0x38;
	[tilespmem:$0x18E00] =	vst v63  }
0x260: {  	s13 =	sadd.s32 $0x10, s0;
	s31 =	simm.s32 $0x15748  }
0x261: {  	[hbm4b:s13+s3] =	stream.linear.scatter [tilespmem:s31], [sflag:$0x4], $0x80, $0x38;
	[tilespmem:$0x18E00] =	vst v63  }
0x262: {  	s13 =	sadd.s32 $0x20, s0;
	s31 =	simm.s32 $0x157D0  }
0x263: {  	[hbm4b:s13+s3] =	stream.linear.scatter [tilespmem:s31], [sflag:$0x4], $0x80, $0x38;
	[tilespmem:$0x18E00] =	vst v63  }
0x264: {  	s13 =	sadd.s32 $0x30, s0;
	s31 =	simm.s32 $0x15858  }
0x265: {  	[hbm4b:s13+s3] =	stream.linear.scatter [tilespmem:s31], [sflag:$0x4], $0x80, $0x38;
	[tilespmem:$0x18E00] =	vst v63  }
0x266: {  	s13 =	sadd.s32 $0x40, s0;
	s31 =	simm.s32 $0x158E0  }
0x267: {  	[hbm4b:s13+s3] =	stream.linear.scatter [tilespmem:s31], [sflag:$0x4], $0x80, $0x38;
	[tilespmem:$0x18E00] =	vst v63  }
0x268: {  	s13 =	sadd.s32 $0x50, s0;
	s31 =	simm.s32 $0x15968  }
0x269: {  	[hbm4b:s13+s3] =	stream.linear.scatter [tilespmem:s31], [sflag:$0x4], $0x80, $0x38;
	[tilespmem:$0x18E00] =	vst v63  }
0x26a: {  	s13 =	sadd.s32 $0x60, s0;
	s31 =	simm.s32 $0x159F0  }
0x26b: {  	[hbm4b:s13+s3] =	stream.linear.scatter [tilespmem:s31], [sflag:$0x4], $0x80, $0x38;
	[tilespmem:$0x18E00] =	vst v63  }
0x26c: {  	s0 =	sadd.s32 $0x70, s0;
	s13 =	simm.s32 $0x15A78  }
0x26d: {  	[hbm4b:s0+s3] =	stream.linear.scatter [tilespmem:s13], [sflag:$0x4], $0x80, $0x38;
	[tilespmem:$0x18E00] =	vst v63  }
0x26e: {  	s31 =	simm.s32 $0x15B00;
	s0 =	sadd.s32 s26, s7  }
0x26f: {  	[hbm4b:s0+s3] =	stream.linear.scatter [tilespmem:s31], [sflag:$0x4], $0x80, $0x38;
	[tilespmem:$0x18E00] =	vst v63  }
0x270: {  	s13 =	sadd.s32 $0x10, s0;
	s31 =	simm.s32 $0x15B88  }
0x271: {  	[hbm4b:s13+s3] =	stream.linear.scatter [tilespmem:s31], [sflag:$0x4], $0x80, $0x38;
	[tilespmem:$0x18E00] =	vst v63  }
0x272: {  	s13 =	sadd.s32 $0x20, s0;
	s31 =	simm.s32 $0x15C10  }
0x273: {  	[hbm4b:s13+s3] =	stream.linear.scatter [tilespmem:s31], [sflag:$0x4], $0x80, $0x38;
	[tilespmem:$0x18E00] =	vst v63  }
0x274: {  	s13 =	sadd.s32 $0x30, s0;
	s31 =	simm.s32 $0x15C98  }
0x275: {  	[hbm4b:s13+s3] =	stream.linear.scatter [tilespmem:s31], [sflag:$0x4], $0x80, $0x38;
	[tilespmem:$0x18E00] =	vst v63  }
0x276: {  	s13 =	sadd.s32 $0x40, s0;
	s31 =	simm.s32 $0x15D20  }
0x277: {  	[hbm4b:s13+s3] =	stream.linear.scatter [tilespmem:s31], [sflag:$0x4], $0x80, $0x38;
	[tilespmem:$0x18E00] =	vst v63  }
0x278: {  	s13 =	sadd.s32 $0x50, s0;
	s31 =	simm.s32 $0x15DA8  }
0x279: {  	[hbm4b:s13+s3] =	stream.linear.scatter [tilespmem:s31], [sflag:$0x4], $0x80, $0x38;
	[tilespmem:$0x18E00] =	vst v63  }
0x27a: {  	s13 =	sadd.s32 $0x60, s0;
	s31 =	simm.s32 $0x15E30  }
0x27b: {  	[hbm4b:s13+s3] =	stream.linear.scatter [tilespmem:s31], [sflag:$0x4], $0x80, $0x38;
	[tilespmem:$0x18E00] =	vst v63  }
0x27c: {  	s0 =	sadd.s32 $0x70, s0;
	s13 =	simm.s32 $0x15EB8  }
0x27d: {  	[hbm4b:s0+s3] =	stream.linear.scatter [tilespmem:s13], [sflag:$0x4], $0x80, $0x38;
	[tilespmem:$0x18E00] =	vst v63  }
0x27e: {  	s31 =	simm.s32 $0x16380;
	s0 =	sadd.s32 s28, s8  }
0x27f: {  	[hbm4b:s0+s3] =	stream.linear.scatter [tilespmem:s31], [sflag:$0x4], $0x80, $0x38;
	[tilespmem:$0x18E00] =	vst v63  }
0x280: {  	s13 =	sadd.s32 $0x10, s0;
	s31 =	simm.s32 $0x16408  }
0x281: {  	[hbm4b:s13+s3] =	stream.linear.scatter [tilespmem:s31], [sflag:$0x4], $0x80, $0x38;
	[tilespmem:$0x18E00] =	vst v63  }
0x282: {  	s13 =	sadd.s32 $0x20, s0;
	s31 =	simm.s32 $0x16490  }
0x283: {  	[hbm4b:s13+s3] =	stream.linear.scatter [tilespmem:s31], [sflag:$0x4], $0x80, $0x38;
	[tilespmem:$0x18E00] =	vst v63  }
0x284: {  	s13 =	sadd.s32 $0x30, s0;
	s31 =	simm.s32 $0x16518  }
0x285: {  	[hbm4b:s13+s3] =	stream.linear.scatter [tilespmem:s31], [sflag:$0x4], $0x80, $0x38;
	[tilespmem:$0x18E00] =	vst v63  }
0x286: {  	s13 =	sadd.s32 $0x40, s0;
	s31 =	simm.s32 $0x165A0  }
0x287: {  	[hbm4b:s13+s3] =	stream.linear.scatter [tilespmem:s31], [sflag:$0x4], $0x80, $0x38;
	[tilespmem:$0x18E00] =	vst v63  }
0x288: {  	s13 =	sadd.s32 $0x50, s0;
	s31 =	simm.s32 $0x16628  }
0x289: {  	[hbm4b:s13+s3] =	stream.linear.scatter [tilespmem:s31], [sflag:$0x4], $0x80, $0x38;
	[tilespmem:$0x18E00] =	vst v63  }
0x28a: {  	s13 =	sadd.s32 $0x60, s0;
	s31 =	simm.s32 $0x166B0  }
0x28b: {  	[hbm4b:s13+s3] =	stream.linear.scatter [tilespmem:s31], [sflag:$0x4], $0x80, $0x38;
	[tilespmem:$0x18E00] =	vst v63  }
0x28c: {  	s0 =	sadd.s32 $0x70, s0;
	s13 =	simm.s32 $0x16738  }
0x28d: {  	[hbm4b:s0+s3] =	stream.linear.scatter [tilespmem:s13], [sflag:$0x4], $0x80, $0x38;
	[tilespmem:$0x18E00] =	vst v63  }
0x28e: {  	s31 =	simm.s32 $0x167C0;
	s0 =	sadd.s32 s29, s8  }
0x28f: {  	[hbm4b:s0+s3] =	stream.linear.scatter [tilespmem:s31], [sflag:$0x4], $0x80, $0x38;
	[tilespmem:$0x18E00] =	vst v63  }
0x290: {  	s13 =	sadd.s32 $0x10, s0;
	s31 =	simm.s32 $0x16848  }
0x291: {  	[hbm4b:s13+s3] =	stream.linear.scatter [tilespmem:s31], [sflag:$0x4], $0x80, $0x38;
	[tilespmem:$0x18E00] =	vst v63  }
0x292: {  	s13 =	sadd.s32 $0x20, s0;
	s31 =	simm.s32 $0x168D0  }
0x293: {  	[hbm4b:s13+s3] =	stream.linear.scatter [tilespmem:s31], [sflag:$0x4], $0x80, $0x38;
	[tilespmem:$0x18E00] =	vst v63  }
0x294: {  	s13 =	sadd.s32 $0x30, s0;
	s31 =	simm.s32 $0x16958  }
0x295: {  	[hbm4b:s13+s3] =	stream.linear.scatter [tilespmem:s31], [sflag:$0x4], $0x80, $0x38;
	[tilespmem:$0x18E00] =	vst v63  }
0x296: {  	s13 =	sadd.s32 $0x40, s0;
	s31 =	simm.s32 $0x169E0  }
0x297: {  	[hbm4b:s13+s3] =	stream.linear.scatter [tilespmem:s31], [sflag:$0x4], $0x80, $0x38;
	[tilespmem:$0x18E00] =	vst v63  }
0x298: {  	s13 =	sadd.s32 $0x50, s0;
	s31 =	simm.s32 $0x16A68  }
0x299: {  	[hbm4b:s13+s3] =	stream.linear.scatter [tilespmem:s31], [sflag:$0x4], $0x80, $0x38;
	[tilespmem:$0x18E00] =	vst v63  }
0x29a: {  	s13 =	sadd.s32 $0x60, s0;
	s31 =	simm.s32 $0x16AF0  }
0x29b: {  	[hbm4b:s13+s3] =	stream.linear.scatter [tilespmem:s31], [sflag:$0x4], $0x80, $0x38;
	[tilespmem:$0x18E00] =	vst v63  }
0x29c: {  	s0 =	sadd.s32 $0x70, s0;
	s13 =	simm.s32 $0x16B78  }
0x29d: {  	[hbm4b:s0+s3] =	stream.linear.scatter [tilespmem:s13], [sflag:$0x4], $0x80, $0x38;
	[tilespmem:$0x18E00] =	vst v63  }
0x29e: {  	s31 =	simm.s32 $0x16C00;
	s0 =	sadd.s32 s30, s8  }
0x29f: {  	[hbm4b:s0+s3] =	stream.linear.scatter [tilespmem:s31], [sflag:$0x4], $0x80, $0x38;
	[tilespmem:$0x18E00] =	vst v63  }
0x2a0: {  	s13 =	sadd.s32 $0x10, s0;
	s31 =	simm.s32 $0x16C88  }
0x2a1: {  	[hbm4b:s13+s3] =	stream.linear.scatter [tilespmem:s31], [sflag:$0x4], $0x80, $0x38;
	[tilespmem:$0x18E00] =	vst v63  }
0x2a2: {  	s13 =	sadd.s32 $0x20, s0;
	s31 =	simm.s32 $0x16D10  }
0x2a3: {  	[hbm4b:s13+s3] =	stream.linear.scatter [tilespmem:s31], [sflag:$0x4], $0x80, $0x38;
	[tilespmem:$0x18E00] =	vst v63  }
0x2a4: {  	s13 =	sadd.s32 $0x30, s0;
	s31 =	simm.s32 $0x16D98  }
0x2a5: {  	[hbm4b:s13+s3] =	stream.linear.scatter [tilespmem:s31], [sflag:$0x4], $0x80, $0x38;
	[tilespmem:$0x18E00] =	vst v63  }
0x2a6: {  	s13 =	sadd.s32 $0x40, s0;
	s31 =	simm.s32 $0x16E20  }
0x2a7: {  	[hbm4b:s13+s3] =	stream.linear.scatter [tilespmem:s31], [sflag:$0x4], $0x80, $0x38;
	[tilespmem:$0x18E00] =	vst v63  }
0x2a8: {  	s13 =	sadd.s32 $0x50, s0;
	s31 =	simm.s32 $0x16EA8  }
0x2a9: {  	[hbm4b:s13+s3] =	stream.linear.scatter [tilespmem:s31], [sflag:$0x4], $0x80, $0x38;
	[tilespmem:$0x18E00] =	vst v63  }
0x2aa: {  	s13 =	sadd.s32 $0x60, s0;
	s31 =	simm.s32 $0x16F30  }
0x2ab: {  	[hbm4b:s13+s3] =	stream.linear.scatter [tilespmem:s31], [sflag:$0x4], $0x80, $0x38;
	[tilespmem:$0x18E00] =	vst v63  }
0x2ac: {  	s0 =	sadd.s32 $0x70, s0;
	s13 =	simm.s32 $0x16FB8  }
0x2ad: {  	[hbm4b:s0+s3] =	stream.linear.scatter [tilespmem:s13], [sflag:$0x4], $0x80, $0x38;
	[tilespmem:$0x18E00] =	vst v63  }
0x2ae: {  	s31 =	simm.s32 $0x17040;
	s0 =	sadd.s32 s26, s8  }
0x2af: {  	[hbm4b:s0+s3] =	stream.linear.scatter [tilespmem:s31], [sflag:$0x4], $0x80, $0x38;
	[tilespmem:$0x18E00] =	vst v63  }
0x2b0: {  	s13 =	sadd.s32 $0x10, s0;
	s31 =	simm.s32 $0x170C8  }
0x2b1: {  	[hbm4b:s13+s3] =	stream.linear.scatter [tilespmem:s31], [sflag:$0x4], $0x80, $0x38;
	[tilespmem:$0x18E00] =	vst v63  }
0x2b2: {  	s13 =	sadd.s32 $0x20, s0;
	s31 =	simm.s32 $0x17150  }
0x2b3: {  	[hbm4b:s13+s3] =	stream.linear.scatter [tilespmem:s31], [sflag:$0x4], $0x80, $0x38;
	[tilespmem:$0x18E00] =	vst v63  }
0x2b4: {  	s13 =	sadd.s32 $0x30, s0;
	s31 =	simm.s32 $0x171D8  }
0x2b5: {  	[hbm4b:s13+s3] =	stream.linear.scatter [tilespmem:s31], [sflag:$0x4], $0x80, $0x38;
	[tilespmem:$0x18E00] =	vst v63  }
0x2b6: {  	s13 =	sadd.s32 $0x40, s0;
	s31 =	simm.s32 $0x17260  }
0x2b7: {  	[hbm4b:s13+s3] =	stream.linear.scatter [tilespmem:s31], [sflag:$0x4], $0x80, $0x38;
	[tilespmem:$0x18E00] =	vst v63  }
0x2b8: {  	s13 =	sadd.s32 $0x50, s0;
	s31 =	simm.s32 $0x172E8  }
0x2b9: {  	[hbm4b:s13+s3] =	stream.linear.scatter [tilespmem:s31], [sflag:$0x4], $0x80, $0x38;
	[tilespmem:$0x18E00] =	vst v63  }
0x2ba: {  	s13 =	sadd.s32 $0x60, s0;
	s31 =	simm.s32 $0x17370  }
0x2bb: {  	[hbm4b:s13+s3] =	stream.linear.scatter [tilespmem:s31], [sflag:$0x4], $0x80, $0x38;
	[tilespmem:$0x18E00] =	vst v63  }
0x2bc: {  	s0 =	sadd.s32 $0x70, s0;
	s31 =	simm.s32 $0x173F8  }
0x2bd: {  	[hbm4b:s0+s3] =	stream.linear.scatter [tilespmem:s31], [sflag:$0x4], $0x80, $0x38;
	[tilespmem:$0x18E00] =	vst v63  }
0x2be: {  	s13 =	simm.s32 $0x178C0;
	s0 =	sadd.s32 s28, s9  }
0x2bf: {  	[hbm4b:s0+s3] =	stream.linear.scatter [tilespmem:s13], [sflag:$0x4], $0x80, $0x38;
	[tilespmem:$0x18E00] =	vst v63  }
0x2c0: {  	s31 =	simm.s32 $0x17948;
	s28 =	sadd.s32 $0x10, s0  }
0x2c1: {  	[hbm4b:s28+s3] =	stream.linear.scatter [tilespmem:s31], [sflag:$0x4], $0x80, $0x38;
	[tilespmem:$0x18E00] =	vst v63  }
0x2c2: {  	s28 =	sadd.s32 $0x20, s0;
	s31 =	simm.s32 $0x179D0  }
0x2c3: {  	[hbm4b:s28+s3] =	stream.linear.scatter [tilespmem:s31], [sflag:$0x4], $0x80, $0x38;
	[tilespmem:$0x18E00] =	vst v63  }
0x2c4: {  	s28 =	sadd.s32 $0x30, s0;
	s31 =	simm.s32 $0x17A58  }
0x2c5: {  	[hbm4b:s28+s3] =	stream.linear.scatter [tilespmem:s31], [sflag:$0x4], $0x80, $0x38;
	[tilespmem:$0x18E00] =	vst v63  }
0x2c6: {  	s28 =	sadd.s32 $0x40, s0;
	s31 =	simm.s32 $0x17AE0  }
0x2c7: {  	[hbm4b:s28+s3] =	stream.linear.scatter [tilespmem:s31], [sflag:$0x4], $0x80, $0x38;
	[tilespmem:$0x18E00] =	vst v63  }
0x2c8: {  	s28 =	sadd.s32 $0x50, s0;
	s31 =	simm.s32 $0x17B68  }
0x2c9: {  	[hbm4b:s28+s3] =	stream.linear.scatter [tilespmem:s31], [sflag:$0x4], $0x80, $0x38;
	[tilespmem:$0x18E00] =	vst v63  }
0x2ca: {  	s28 =	sadd.s32 $0x60, s0;
	s31 =	simm.s32 $0x17BF0  }
0x2cb: {  	[hbm4b:s28+s3] =	stream.linear.scatter [tilespmem:s31], [sflag:$0x4], $0x80, $0x38;
	[tilespmem:$0x18E00] =	vst v63  }
0x2cc: {  	s13 =	simm.s32 $0x17C78;
	s0 =	sadd.s32 $0x70, s0  }
0x2cd: {  	[hbm4b:s0+s3] =	stream.linear.scatter [tilespmem:s13], [sflag:$0x4], $0x80, $0x38;
	[tilespmem:$0x18E00] =	vst v63  }
0x2ce: {  	s28 =	simm.s32 $0x17D00;
	s0 =	sadd.s32 s29, s9  }
0x2cf: {  	[hbm4b:s0+s3] =	stream.linear.scatter [tilespmem:s28], [sflag:$0x4], $0x80, $0x38;
	[tilespmem:$0x18E00] =	vst v63  }
0x2d0: {  	s31 =	simm.s32 $0x17D88;
	s29 =	sadd.s32 $0x10, s0  }
0x2d1: {  	[hbm4b:s29+s3] =	stream.linear.scatter [tilespmem:s31], [sflag:$0x4], $0x80, $0x38;
	[tilespmem:$0x18E00] =	vst v63  }
0x2d2: {  	s13 =	sadd.s32 $0x20, s0;
	s28 =	simm.s32 $0x17E10  }
0x2d3: {  	[hbm4b:s13+s3] =	stream.linear.scatter [tilespmem:s28], [sflag:$0x4], $0x80, $0x38;
	[tilespmem:$0x18E00] =	vst v63  }
0x2d4: {  	s29 =	sadd.s32 $0x30, s0;
	s31 =	simm.s32 $0x17E98  }
0x2d5: {  	[hbm4b:s29+s3] =	stream.linear.scatter [tilespmem:s31], [sflag:$0x4], $0x80, $0x38;
	[tilespmem:$0x18E00] =	vst v63  }
0x2d6: {  	s13 =	sadd.s32 $0x40, s0;
	s28 =	simm.s32 $0x17F20  }
0x2d7: {  	[hbm4b:s13+s3] =	stream.linear.scatter [tilespmem:s28], [sflag:$0x4], $0x80, $0x38;
	[tilespmem:$0x18E00] =	vst v63  }
0x2d8: {  	s29 =	sadd.s32 $0x50, s0;
	s31 =	simm.s32 $0x17FA8  }
0x2d9: {  	[hbm4b:s29+s3] =	stream.linear.scatter [tilespmem:s31], [sflag:$0x4], $0x80, $0x38;
	[tilespmem:$0x18E00] =	vst v63  }
0x2da: {  	s28 =	sadd.s32 $0x60, s0;
	s29 =	simm.s32 $0x18030  }
0x2db: {  	[hbm4b:s28+s3] =	stream.linear.scatter [tilespmem:s29], [sflag:$0x4], $0x80, $0x38;
	[tilespmem:$0x18E00] =	vst v63  }
0x2dc: {  	s0 =	sadd.s32 $0x70, s0;
	s31 =	simm.s32 $0x180B8  }
0x2dd: {  	[hbm4b:s0+s3] =	stream.linear.scatter [tilespmem:s31], [sflag:$0x4], $0x80, $0x38;
	[tilespmem:$0x18E00] =	vst v63  }
0x2de: {  	s13 =	simm.s32 $0x18140;
	s0 =	sadd.s32 s30, s9  }
0x2df: {  	[hbm4b:s0+s3] =	stream.linear.scatter [tilespmem:s13], [sflag:$0x4], $0x80, $0x38;
	[tilespmem:$0x18E00] =	vst v63  }
0x2e0: {  	s29 =	simm.s32 $0x181C8;
	s28 =	sadd.s32 $0x10, s0  }
0x2e1: {  	[hbm4b:s28+s3] =	stream.linear.scatter [tilespmem:s29], [sflag:$0x4], $0x80, $0x38;
	[tilespmem:$0x18E00] =	vst v63  }
0x2e2: {  	s31 =	simm.s32 $0x18250;
	s30 =	sadd.s32 $0x20, s0  }
0x2e3: {  	[hbm4b:s30+s3] =	stream.linear.scatter [tilespmem:s31], [sflag:$0x4], $0x80, $0x38;
	[tilespmem:$0x18E00] =	vst v63  }
0x2e4: {  	s28 =	sadd.s32 $0x30, s0;
	s29 =	simm.s32 $0x182D8  }
0x2e5: {  	[hbm4b:s28+s3] =	stream.linear.scatter [tilespmem:s29], [sflag:$0x4], $0x80, $0x38;
	[tilespmem:$0x18E00] =	vst v63  }
0x2e6: {  	s30 =	sadd.s32 $0x40, s0;
	s31 =	simm.s32 $0x18360  }
0x2e7: {  	[hbm4b:s30+s3] =	stream.linear.scatter [tilespmem:s31], [sflag:$0x4], $0x80, $0x38;
	[tilespmem:$0x18E00] =	vst v63  }
0x2e8: {  	s28 =	sadd.s32 $0x50, s0;
	s29 =	simm.s32 $0x183E8  }
0x2e9: {  	[hbm4b:s28+s3] =	stream.linear.scatter [tilespmem:s29], [sflag:$0x4], $0x80, $0x38;
	[tilespmem:$0x18E00] =	vst v63  }
0x2ea: {  	s30 =	sadd.s32 $0x60, s0;
	s31 =	simm.s32 $0x18470  }
0x2eb: {  	[hbm4b:s30+s3] =	stream.linear.scatter [tilespmem:s31], [sflag:$0x4], $0x80, $0x38;
	[tilespmem:$0x18E00] =	vst v63  }
0x2ec: {  	s0 =	sadd.s32 $0x70, s0  }
0x2ed: {  	[hbm4b:s0+s3] =	stream.linear.scatter [tilespmem:s5], [sflag:$0x4], $0x80, $0x38;
	[tilespmem:$0x18E00] =	vst v63  }
0x2ee: {  	s0 =	sadd.s32 s26, s9  }
0x2ef: {  	[hbm4b:s0+s3] =	stream.linear.scatter [tilespmem:s10], [sflag:$0x4], $0x80, $0x38;
	[tilespmem:$0x18E00] =	vst v63  }
0x2f0: {  	s13 =	sadd.s32 $0x10, s0  }
0x2f1: {  	[hbm4b:s13+s3] =	stream.linear.scatter [tilespmem:s17], [sflag:$0x4], $0x80, $0x38;
	[tilespmem:$0x18E00] =	vst v63  }
0x2f2: {  	s26 =	sadd.s32 $0x20, s0  }
0x2f3: {  	[hbm4b:s26+s3] =	stream.linear.scatter [tilespmem:s18], [sflag:$0x4], $0x80, $0x38;
	[tilespmem:$0x18E00] =	vst v63  }
0x2f4: {  	s28 =	sadd.s32 $0x30, s0  }
0x2f5: {  	[hbm4b:s28+s3] =	stream.linear.scatter [tilespmem:s19], [sflag:$0x4], $0x80, $0x38;
	[tilespmem:$0x18E00] =	vst v63  }
0x2f6: {  	s25 =	sadd.s32 $0x1, s25;
	s29 =	sadd.s32 $0x40, s0  }
0x2f7: {  	[hbm4b:s29+s3] =	stream.linear.scatter [tilespmem:s20], [sflag:$0x4], $0x80, $0x38;
	[tilespmem:$0x18E00] =	vst v63  }
0x2f8: {  	p0 =	sne.s32 s25, $0x19;
	s30 =	sadd.s32 $0x50, s0  }
0x2f9: {  	[hbm4b:s30+s3] =	stream.linear.scatter [tilespmem:s12], [sflag:$0x4], $0x80, $0x38;
	[tilespmem:$0x18E00] =	vst v63  }
.Ltmp3:
0x2fa: {  	_ = 	snop;
	(pc) =	sbr.rel @p0 .LBB2_2-.Ltmp3, $4  }
0x2fb: {  	s31 =	sadd.s32 $0x60, s0  }
0x2fc: {  	[hbm4b:s31+s3] =	stream.linear.scatter [tilespmem:s21], [sflag:$0x4], $0x80, $0x38;
	[tilespmem:$0x18E00] =	vst v63  }
0x2fd: {  	s0 =	sadd.s32 $0x70, s0  }
0x2fe: {  	[hbm4b:s0+s3] =	stream.linear.scatter [tilespmem:s22], [sflag:$0x4], $0x80, $0x38;
	[tilespmem:$0x18E00] =	vst v63  }
0x2ff: {  	_ =	swait.ge [sflag:s23], $0x400  }
0x300: {  	[sflag:s23] =	ssyncset.done $0x0  }
0x301: {  	[sflag:s23] =	ssyncadd.s32 $0xFFFFFC00  }
0x302: {  	_ =	swait.ge [sflag:s23], $0x400  }
0x303: {  	[sflag:s23] =	ssyncset.done $0x0  }
0x304: {  	[sflag:s23] =	ssyncadd.s32 $0xFFFFFC00  }
0x305: {  	_ =	swait.ge [sflag:s23], $0x400  }
0x306: {  	[sflag:s23] =	ssyncset.done $0x0  }
0x307: {  	[sflag:s23] =	ssyncadd.s32 $0xFFFFFC00  }
0x308: {  	_ =	swait.ge [sflag:s23], $0x400  }
0x309: {  	[sflag:s23] =	ssyncset.done $0x0  }
0x30a: {  	[sflag:s23] =	ssyncadd.s32 $0xFFFFFC00  }
0x30b: {  	_ =	swait.ge [sflag:s23], $0x400  }
0x30c: {  	[sflag:s23] =	ssyncset.done $0x0  }
0x30d: {  	[sflag:s23] =	ssyncadd.s32 $0xFFFFFC00  }
0x30e: {  	_ =	swait.ge [sflag:s23], $0x400  }
0x30f: {  	[sflag:s23] =	ssyncset.done $0x0  }
0x310: {  	[sflag:s23] =	ssyncadd.s32 $0xFFFFFC00  }
0x311: {  	_ =	swait.ge [sflag:s23], $0x400  }
0x312: {  	[sflag:s23] =	ssyncset.done $0x0  }
0x313: {  	[sflag:s23] =	ssyncadd.s32 $0xFFFFFC00  }
0x314: {  	_ =	swait.ge [sflag:s23], $0x400  }
0x315: {  	[sflag:s23] =	ssyncset.done $0x0  }
0x316: {  	[sflag:s23] =	ssyncadd.s32 $0xFFFFFC00  }
0x317: {  	_ =	swait.ge [sflag:s23], $0x400  }
0x318: {  	[sflag:s23] =	ssyncset.done $0x0  }
0x319: {  	[sflag:s23] =	ssyncadd.s32 $0xFFFFFC00  }
0x31a: {  	_ =	swait.ge [sflag:s23], $0x400  }
0x31b: {  	[sflag:s23] =	ssyncset.done $0x0  }
0x31c: {  	[sflag:s23] =	ssyncadd.s32 $0xFFFFFC00  }
0x31d: {  	_ =	swait.ge [sflag:s23], $0x400  }
0x31e: {  	[sflag:s23] =	ssyncset.done $0x0  }
0x31f: {  	[sflag:s23] =	ssyncadd.s32 $0xFFFFFC00  }
0x320: {  	_ =	swait.ge [sflag:s23], $0x400  }
0x321: {  	[sflag:s23] =	ssyncset.done $0x0  }
0x322: {  	[sflag:s23] =	ssyncadd.s32 $0xFFFFFC00  }
0x323: {  	_ =	swait.ge [sflag:s23], $0x400  }
0x324: {  	[sflag:s23] =	ssyncset.done $0x0  }
0x325: {  	[sflag:s23] =	ssyncadd.s32 $0xFFFFFC00  }
0x326: {  	_ =	swait.ge [sflag:s23], $0x400  }
0x327: {  	[sflag:s23] =	ssyncset.done $0x0  }
0x328: {  	[sflag:s23] =	ssyncadd.s32 $0xFFFFFC00  }
0x329: {  	_ =	swait.ge [sflag:s23], $0x400  }
0x32a: {  	[sflag:s23] =	ssyncset.done $0x0  }
0x32b: {  	[sflag:s23] =	ssyncadd.s32 $0xFFFFFC00  }
0x32c: {  	_ =	swait.ge [sflag:s23], $0x400  }
0x32d: {  	[sflag:s23] =	ssyncset.done $0x0  }
0x32e: {  	[sflag:s23] =	ssyncadd.s32 $0xFFFFFC00  }
0x32f: {  	_ =	swait.ge [sflag:s24], $0x400  }
0x330: {  	[sflag:s24] =	ssyncset.done $0x0  }
0x331: {  	[sflag:s24] =	ssyncadd.s32 $0xFFFFFC00  }
0x332: {  	_ =	swait.ge [sflag:s24], $0x400  }
0x333: {  	[sflag:s24] =	ssyncset.done $0x0  }
0x334: {  	[sflag:s24] =	ssyncadd.s32 $0xFFFFFC00  }
0x335: {  	_ =	swait.ge [sflag:s24], $0x400  }
0x336: {  	[sflag:s24] =	ssyncset.done $0x0  }
0x337: {  	[sflag:s24] =	ssyncadd.s32 $0xFFFFFC00  }
0x338: {  	_ =	swait.ge [sflag:s24], $0x400  }
0x339: {  	[sflag:s24] =	ssyncset.done $0x0  }
0x33a: {  	[sflag:s24] =	ssyncadd.s32 $0xFFFFFC00  }
0x33b: {  	_ =	swait.ge [sflag:s24], $0x400  }
0x33c: {  	[sflag:s24] =	ssyncset.done $0x0  }
0x33d: {  	[sflag:s24] =	ssyncadd.s32 $0xFFFFFC00  }
0x33e: {  	_ =	swait.ge [sflag:s24], $0x400  }
0x33f: {  	[sflag:s24] =	ssyncset.done $0x0  }
0x340: {  	[sflag:s24] =	ssyncadd.s32 $0xFFFFFC00  }
0x341: {  	_ =	swait.ge [sflag:s24], $0x400  }
0x342: {  	[sflag:s24] =	ssyncset.done $0x0  }
0x343: {  	[sflag:s24] =	ssyncadd.s32 $0xFFFFFC00  }
0x344: {  	_ =	swait.ge [sflag:s24], $0x400  }
0x345: {  	[sflag:s24] =	ssyncset.done $0x0  }
0x346: {  	[sflag:s24] =	ssyncadd.s32 $0xFFFFFC00  }
0x347: {  	_ =	swait.ge [sflag:s24], $0x400  }
0x348: {  	[sflag:s24] =	ssyncset.done $0x0  }
0x349: {  	[sflag:s24] =	ssyncadd.s32 $0xFFFFFC00  }
0x34a: {  	_ =	swait.ge [sflag:s24], $0x400  }
0x34b: {  	[sflag:s24] =	ssyncset.done $0x0  }
0x34c: {  	[sflag:s24] =	ssyncadd.s32 $0xFFFFFC00  }
0x34d: {  	_ =	swait.ge [sflag:s24], $0x400  }
0x34e: {  	[sflag:s24] =	ssyncset.done $0x0  }
0x34f: {  	[sflag:s24] =	ssyncadd.s32 $0xFFFFFC00  }
0x350: {  	_ =	swait.ge [sflag:s24], $0x400  }
0x351: {  	[sflag:s24] =	ssyncset.done $0x0  }
0x352: {  	[sflag:s24] =	ssyncadd.s32 $0xFFFFFC00  }
0x353: {  	_ =	swait.ge [sflag:s24], $0x400  }
0x354: {  	[sflag:s24] =	ssyncset.done $0x0  }
0x355: {  	[sflag:s24] =	ssyncadd.s32 $0xFFFFFC00  }
0x356: {  	_ =	swait.ge [sflag:s24], $0x400  }
0x357: {  	[sflag:s24] =	ssyncset.done $0x0  }
0x358: {  	[sflag:s24] =	ssyncadd.s32 $0xFFFFFC00  }
0x359: {  	_ =	swait.ge [sflag:s24], $0x400  }
0x35a: {  	[sflag:s24] =	ssyncset.done $0x0  }
0x35b: {  	[sflag:s24] =	ssyncadd.s32 $0xFFFFFC00  }
0x35c: {  	_ =	swait.ge [sflag:s24], $0x400  }
0x35d: {  	s1 =	rddreg [dreg:$0x5]  }
0x35e: {  	s0 =	rddreg [dreg:$0x4];
	s1 =	sadd.s32 $0x1, s1  }
0x35f: {  	p0 =	sne.s32 s1, s0  }
.Ltmp4:
0x360: {  	_ = 	snop;
	(pc) =	sbr.rel @p0 .LBB2_1-.Ltmp4, $3  }
0x361: {  	_ =	sdelay $0x1  }
0x362: {  	[sflag:s24] =	ssyncset.done $0x0  }
0x363: {  	[sflag:s24] =	ssyncadd.s32 $0xFFFFFC00  }
0x364: {  	_ =	sfence.sel $0x180000  }
0x365: {  	[bflag:$0x0] =	sbarrier.arrive $0xFFFF  }
0x366: {  	_ =	strace $0x9000004A  }
0x367: {  	s0 =	stileid.u32;
	[bflag:$0x2] =	sbarrier.arrive $0xFFFF  }
0x368: {  	p0 =	sne.s32 s0, $0x0;
	s0 =	rddreg [dreg:$0x2]  }
0x369: {  	s0 =	sadd.s32 @!p0 $0x100000, s0  }
0x36a: {  	[sflag:s0] =	ssyncadd.tile.s32 @!p0 $0x1;
	_ =	shalt  }
.Lfunc_end2:
_tile_overlayer_lowered:
.L_overlay_start_2:
0x36b: {  	(tag) =	ssettag $0x2  }
0x36c: {  	s0 =	rddreg [dreg:$0x0];
	s2 =	stileid.u32  }
0x36d: {  	s1 =	rddreg [dreg:$0x1];
	p0 =	sne.s32 s2, $0x0  }
0x36e: {  	s3 =	rddreg [dreg:$0x2];
	[bflag:$0x3] =	sbarrier.arrive $0xFFFF;
	s2 =	simm.s32 @!p0 $0x1C05  }
0x36f: {  	[timem:s3], [sflag:s2] =	dma.local @!p0 [hbm:s0], s1  }
0x370: {  	s0 =	simm.s32 @!p0 $0x5  }
0x371: {  	_ =	swait.ge @!p0 [sflag:s0], s1  }
0x372: {  	s1 =	ssub.s32 @!p0 $0x0, s1;
	[sflag:s0] =	ssyncset.done @!p0 $0x0  }
0x373: {  	[sflag:s0] =	ssyncadd.s32 @!p0 s1  }
0x374: {  	[bflag:$0x3] =	sbarrier.arrive $0xFFFF  }
0x375: {  	_ =	shalt  }

</sc_bundles>
